<compile_context>
chip_gen: v7x
topology: tpu7x:2x2x1
jax: 0.10.2.dev20260603
libtpu: 0.0.44.dev20260713+nightly
codegen_flags: <defaults>
</compile_context>

<pallas_src>
import functools

import jax
import jax.numpy as jnp
from jax import lax
from jax.experimental import pallas as pl
from jax.experimental.pallas import tpu as pltpu
from jax.experimental.pallas import tpu_sc as plsc

N = 10000
E = 320000
H = 128
G = 64
NPAD = 10240
NW = 32
CH = 128
NCHUNK = 80
EPAD = NW * CH * NCHUNK
NACC = NPAD
ZPS = NACC // 16
RPT = NPAD // NW

_MESH = plsc.VectorSubcoreMesh(core_axis_name="c", subcore_axis_name="s")



def _sc_deg_body(dstP, zrows16, ones16r, degP, dst_v, ones_v, acc, semd):
    c = lax.axis_index("c")
    s = lax.axis_index("s")
    w = c * 16 + s
    pltpu.sync_copy(zrows16, acc.at[pl.ds(s * ZPS, ZPS)])
    pltpu.sync_copy(ones16r, ones_v)
    plsc.subcore_barrier()
    pltpu.sync_copy(dstP.at[w], dst_v)

    def sb(j, _):
        pltpu.sync_copy(ones_v, acc.at[dst_v.at[j]], add=True)
        return 0

    lax.fori_loop(0, NCHUNK, sb, 0)
    plsc.subcore_barrier()
    for t in range(ZPS // CH):
        pltpu.sync_copy(acc.at[pl.ds(s * ZPS + t * CH, CH)],
                        degP.at[c].at[pl.ds(s * ZPS + t * CH, CH)])


def _sc_deg(dstP, zrows16, ones16r):
    return pl.kernel(
        _sc_deg_body,
        out_type=jax.ShapeDtypeStruct((2, NPAD, 16), jnp.float32),
        mesh=_MESH,
        scratch_types=[
            pltpu.VMEM((NCHUNK, CH), jnp.int32),
            pltpu.VMEM((CH, 16), jnp.float32),
            pltpu.VMEM_SHARED((NACC, 16), jnp.float32),
            pltpu.SemaphoreType.DMA,
        ],
    )(dstP, zrows16, ones16r)


def _sc_msg_body(yP, srcP, dstP, zrows, SP, dst_v, sidx0, sidx1, gbuf0,
                 gbuf1, acc, semg0, semg1, semi0, semi1, sems0, sems1):
    c = lax.axis_index("c")
    s = lax.axis_index("s")
    w = c * 16 + s
    pltpu.sync_copy(zrows, acc.at[pl.ds(s * ZPS, ZPS)])
    plsc.subcore_barrier()
    pltpu.sync_copy(dstP.at[w], dst_v)
    pltpu.sync_copy(srcP.at[w].at[0], sidx0)
    pltpu.async_copy(yP.at[sidx0], gbuf0, semg0)
    pltpu.async_copy(srcP.at[w].at[1], sidx1, semi1)

    def body(i, _):
        j0 = 2 * i
        j1 = j0 + 1
        more = i < NCHUNK // 2 - 1
        pltpu.make_async_copy(yP.at[sidx0], gbuf0, semg0).wait()
        pltpu.make_async_copy(srcP.at[w].at[0], sidx1, semi1).wait()
        pltpu.async_copy(yP.at[sidx1], gbuf1, semg1)

        @pl.when(more)
        def _():
            pltpu.async_copy(srcP.at[w].at[j0 + 2], sidx0, semi0)

        pltpu.sync_copy(gbuf0, acc.at[dst_v.at[j0]], add=True)
        pltpu.make_async_copy(yP.at[sidx1], gbuf1, semg1).wait()

        @pl.when(more)
        def _():
            pltpu.make_async_copy(srcP.at[w].at[0], sidx0, semi0).wait()
            pltpu.async_copy(yP.at[sidx0], gbuf0, semg0)
            pltpu.async_copy(srcP.at[w].at[j1 + 2], sidx1, semi1)

        pltpu.sync_copy(gbuf1, acc.at[dst_v.at[j1]], add=True)
        return 0

    lax.fori_loop(0, NCHUNK // 2, body, 0)
    plsc.subcore_barrier()
    for t in range(ZPS // CH):
        pltpu.sync_copy(acc.at[pl.ds(s * ZPS + t * CH, CH)],
                        SP.at[c].at[pl.ds(s * ZPS + t * CH, CH)])


def _sc_msg(yP, srcP, dstP, zrows):
    return pl.kernel(
        _sc_msg_body,
        out_type=jax.ShapeDtypeStruct((2, NPAD, H), jnp.float32),
        mesh=_MESH,
        scratch_types=[
            pltpu.VMEM((NCHUNK, CH), jnp.int32),
            pltpu.VMEM((CH,), jnp.int32),
            pltpu.VMEM((CH,), jnp.int32),
            pltpu.VMEM((CH, H), jnp.float32),
            pltpu.VMEM((CH, H), jnp.float32),
            pltpu.VMEM_SHARED((NACC, H), jnp.float32),
            pltpu.SemaphoreType.DMA,
            pltpu.SemaphoreType.DMA,
            pltpu.SemaphoreType.DMA,
            pltpu.SemaphoreType.DMA,
            pltpu.SemaphoreType.DMA,
            pltpu.SemaphoreType.DMA,
        ],
    )(yP, srcP, dstP, zrows)


def _sc_pool_body(hflat, batchP, mxP, smP, cntP, hbuf, bbuf, mxl, sml, cnl):
    c = lax.axis_index("c")
    s = lax.axis_index("s")
    w = c * 16 + s
    zeros16 = jnp.zeros((16,), jnp.float32)
    ninf16 = jnp.full((16,), -jnp.inf, jnp.float32)
    ones16 = jnp.ones((16,), jnp.float32)

    def init_mx(i, _):
        mxl[pl.ds(i * 16, 16)] = ninf16
        sml[pl.ds(i * 16, 16)] = zeros16
        return 0

    lax.fori_loop(0, (G + 1) * H // 16, init_mx, 0)

    def init_cn(i, _):
        cnl[pl.ds(i * 16, 16)] = zeros16
        return 0

    lax.fori_loop(0, G + 1, init_cn, 0)

    pltpu.sync_copy(hflat.at[pl.ds(w * RPT * H, RPT * H)], hbuf)
    pltpu.sync_copy(batchP.at[pl.ds(w * RPT, RPT)], bbuf.at[pl.ds(0, RPT)])

    def row(r, _):
        b = bbuf[pl.ds(r, 16)][0]
        hb = r * H
        mb = b * H
        for k in range(H // 16):
            hv = hbuf[pl.ds(hb + k * 16, 16)]
            mv = mxl[pl.ds(mb + k * 16, 16)]
            mxl[pl.ds(mb + k * 16, 16)] = jnp.maximum(mv, hv)
            sv = sml[pl.ds(mb + k * 16, 16)]
            sml[pl.ds(mb + k * 16, 16)] = sv + hv
        cb = b * 16
        cnl[pl.ds(cb, 16)] = cnl[pl.ds(cb, 16)] + ones16
        return 0

    lax.fori_loop(0, RPT, row, 0)
    plsc.subcore_barrier()
    pltpu.sync_copy(mxl.at[pl.ds(0, G * H)], mxP.at[w])
    pltpu.sync_copy(sml.at[pl.ds(0, G * H)], smP.at[w])
    pltpu.sync_copy(cnl.at[pl.ds(0, G * 16)], cntP.at[w])


def _sc_pool(hflat, batchP):
    return pl.kernel(
        _sc_pool_body,
        out_type=(
            jax.ShapeDtypeStruct((NW, G * H), jnp.float32),
            jax.ShapeDtypeStruct((NW, G * H), jnp.float32),
            jax.ShapeDtypeStruct((NW, G * 16), jnp.float32),
        ),
        mesh=_MESH,
        scratch_types=[
            pltpu.VMEM((RPT * H,), jnp.float32),
            pltpu.VMEM((RPT + 16,), jnp.int32),
            pltpu.VMEM(((G + 1) * H,), jnp.float32),
            pltpu.VMEM(((G + 1) * H,), jnp.float32),
            pltpu.VMEM(((G + 1) * 16,), jnp.float32),
        ],
    )(hflat, batchP)



BR = 512
_NBLK = NPAD // BR


def _row_mask(i):
    ridx = i * BR + lax.broadcasted_iota(jnp.int32, (BR, 1), 0)
    return ridx < N


def _dinv_blk(deg_ref):
    deg = deg_ref[0] + deg_ref[1]
    return lax.rsqrt(deg[:, 0:1] + 1.0)


def _tc_y0_body(x_ref, w_ref, deg_ref, y_ref):
    i = pl.program_id(0)
    dinv = _dinv_blk(deg_ref)
    xw = jnp.dot(x_ref[...], w_ref[...], preferred_element_type=jnp.float32,
                 precision=lax.Precision.DEFAULT)
    y_ref[...] = jnp.where(_row_mask(i), xw * dinv, 0.0)


def _tc_y0(xP, W0, degP):
    return pl.pallas_call(
        _tc_y0_body,
        grid=(_NBLK,),
        in_specs=[
            pl.BlockSpec((BR, H), lambda i: (i, 0)),
            pl.BlockSpec((H, H), lambda i: (0, 0)),
            pl.BlockSpec((2, BR, 16), lambda i: (0, i, 0)),
        ],
        out_specs=pl.BlockSpec((BR, H), lambda i: (i, 0)),
        out_shape=jax.ShapeDtypeStruct((NPAD, H), jnp.float32),
    )(xP, W0, degP)


def _ln_leaky(S_ref, y_ref, deg_ref, b_ref, g_ref, be_ref):
    dinv = _dinv_blk(deg_ref)
    S = S_ref[0] + S_ref[1]
    conv = dinv * (S + y_ref[...]) + b_ref[...]
    mu = jnp.mean(conv, axis=-1, keepdims=True)
    var = jnp.mean((conv - mu) ** 2, axis=-1, keepdims=True)
    a = (conv - mu) * lax.rsqrt(var + 1e-5) * g_ref[...] + be_ref[...]
    return jnp.where(a > 0, a, 0.1 * a), dinv


def _tc_mid_body(S_ref, y_ref, deg_ref, b_ref, g_ref, be_ref, wn_ref, yo_ref):
    i = pl.program_id(0)
    h, dinv = _ln_leaky(S_ref, y_ref, deg_ref, b_ref, g_ref, be_ref)
    yn = jnp.dot(h, wn_ref[...], preferred_element_type=jnp.float32,
                 precision=lax.Precision.DEFAULT) * dinv
    yo_ref[...] = jnp.where(_row_mask(i), yn, 0.0)


def _tc_mid(SP, y, degP, b, g, be, Wn):
    return pl.pallas_call(
        _tc_mid_body,
        grid=(_NBLK,),
        in_specs=[
            pl.BlockSpec((2, BR, H), lambda i: (0, i, 0)),
            pl.BlockSpec((BR, H), lambda i: (i, 0)),
            pl.BlockSpec((2, BR, 16), lambda i: (0, i, 0)),
            pl.BlockSpec((1, H), lambda i: (0, 0)),
            pl.BlockSpec((1, H), lambda i: (0, 0)),
            pl.BlockSpec((1, H), lambda i: (0, 0)),
            pl.BlockSpec((H, H), lambda i: (0, 0)),
        ],
        out_specs=pl.BlockSpec((BR, H), lambda i: (i, 0)),
        out_shape=jax.ShapeDtypeStruct((NPAD, H), jnp.float32),
    )(SP, y, degP, b, g, be, Wn)


def _tc_last_body(S_ref, y_ref, deg_ref, b_ref, g_ref, be_ref, h_ref):
    i = pl.program_id(0)
    h, _ = _ln_leaky(S_ref, y_ref, deg_ref, b_ref, g_ref, be_ref)
    h_ref[...] = jnp.where(_row_mask(i), h, 0.0)


def _tc_last(SP, y, degP, b, g, be):
    return pl.pallas_call(
        _tc_last_body,
        grid=(_NBLK,),
        in_specs=[
            pl.BlockSpec((2, BR, H), lambda i: (0, i, 0)),
            pl.BlockSpec((BR, H), lambda i: (i, 0)),
            pl.BlockSpec((2, BR, 16), lambda i: (0, i, 0)),
            pl.BlockSpec((1, H), lambda i: (0, 0)),
            pl.BlockSpec((1, H), lambda i: (0, 0)),
            pl.BlockSpec((1, H), lambda i: (0, 0)),
        ],
        out_specs=pl.BlockSpec((BR, H), lambda i: (i, 0)),
        out_shape=jax.ShapeDtypeStruct((NPAD, H), jnp.float32),
    )(SP, y, degP, b, g, be)


def _tc_final_body(mx_ref, sm_ref, cn_ref, wl1_ref, wl2_ref, bl_ref, o_ref):
    mx = jnp.max(mx_ref[...], axis=0)
    sm = jnp.sum(sm_ref[...], axis=0)
    cnt = jnp.sum(cn_ref[...], axis=0)
    mean = sm / jnp.maximum(cnt[:, 0:1], 1.0)
    o_ref[...] = (jnp.dot(mx, wl1_ref[...], preferred_element_type=jnp.float32,
                          precision=lax.Precision.DEFAULT)
                  + jnp.dot(mean, wl2_ref[...],
                            preferred_element_type=jnp.float32,
                            precision=lax.Precision.DEFAULT)
                  + bl_ref[...])


def _tc_final(mxP, smP, cntP, Wl1, Wl2, bl):
    return pl.pallas_call(
        _tc_final_body,
        grid=(1,),
        in_specs=[
            pl.BlockSpec((NW, G, H), lambda i: (0, 0, 0)),
            pl.BlockSpec((NW, G, H), lambda i: (0, 0, 0)),
            pl.BlockSpec((NW, G, 16), lambda i: (0, 0, 0)),
            pl.BlockSpec((H, H), lambda i: (0, 0)),
            pl.BlockSpec((H, H), lambda i: (0, 0)),
            pl.BlockSpec((1, H), lambda i: (0, 0)),
        ],
        out_specs=pl.BlockSpec((G, H), lambda i: (0, 0)),
        out_shape=jax.ShapeDtypeStruct((G, H), jnp.float32),
    )(mxP, smP, cntP, Wl1, Wl2, bl)



def kernel(x, edge_index, edge_attr, batch, W0, b0, W1, b1, W2, b2,
           g0, be0, g1, be1, g2, be2, Wl, bl):
    src = edge_index[0].astype(jnp.int32)
    dst = edge_index[1].astype(jnp.int32)
    pad = N + (jnp.arange(EPAD - E, dtype=jnp.int32) % 64)
    srcP = jnp.concatenate([src, pad]).reshape(NW, NCHUNK, CH)
    dstP = jnp.concatenate([dst, pad]).reshape(NW, NCHUNK, CH)
    batchP = jnp.concatenate(
        [batch.astype(jnp.int32), jnp.full((NPAD - N,), G, jnp.int32)])

    xP = jnp.concatenate([x, jnp.zeros((NPAD - N, H), jnp.float32)])
    zrows = jnp.zeros((ZPS, H), jnp.float32)
    zrows16 = jnp.zeros((ZPS, 16), jnp.float32)
    ones16r = jnp.ones((CH, 16), jnp.float32)
    degP = _sc_deg(dstP, zrows16, ones16r)
    y = _tc_y0(xP, W0, degP)
    S = _sc_msg(y, srcP, dstP, zrows)
    y = _tc_mid(S, y, degP, b0.reshape(1, H), g0.reshape(1, H),
                be0.reshape(1, H), W1)
    S = _sc_msg(y, srcP, dstP, zrows)
    y = _tc_mid(S, y, degP, b1.reshape(1, H), g1.reshape(1, H),
                be1.reshape(1, H), W2)
    S = _sc_msg(y, srcP, dstP, zrows)
    h3 = _tc_last(S, y, degP, b2.reshape(1, H), g2.reshape(1, H),
                  be2.reshape(1, H))
    mxP, smP, cntP = _sc_pool(h3.reshape(-1), batchP)
    out = _tc_final(mxP.reshape(NW, G, H), smP.reshape(NW, G, H),
                    cntP.reshape(NW, G, 16), Wl[:H], Wl[H:],
                    bl.reshape(1, H))
    return out

# --- scband reference (transcript-rebuilt; emitter-appended) ---
"""Pipeline reference for scband-gcn-graph-34497177322038 (READ-ONLY COPY).

The authoritative reference and input builder live on the scoring server;
editing this copy changes nothing except your own understanding.
"""

import jax, jax.numpy as jnp
import numpy as np

N = 10000
E = 320000
D = 128
H = 128
EMB = 128
G = 64


def setup_inputs(seed: int = 0) -> dict:
    key = jax.random.key(seed)
    ks = jax.random.split(key, 20)
    inp = {}
    inp['x'] = jax.random.normal(ks[0], (N, D), dtype=jnp.float32)
    inp['edge_index'] = jax.random.randint(ks[1], (2, E), 0, N, dtype=jnp.int64)
    inp['edge_attr'] = jax.random.normal(ks[2], (E, 4), dtype=jnp.float32)
    inp['batch'] = jnp.sort(jax.random.randint(ks[3], (N,), 0, G, dtype=jnp.int64))
    # GCN layer weights
    inp['W0'] = jax.random.normal(ks[4], (D, H), dtype=jnp.float32) * 0.05
    inp['b0'] = jnp.zeros((H,), dtype=jnp.float32)
    inp['W1'] = jax.random.normal(ks[5], (H, H), dtype=jnp.float32) * 0.05
    inp['b1'] = jnp.zeros((H,), dtype=jnp.float32)
    inp['W2'] = jax.random.normal(ks[6], (H, H), dtype=jnp.float32) * 0.05
    inp['b2'] = jnp.zeros((H,), dtype=jnp.float32)
    # LayerNorm params
    inp['g0'] = jnp.ones((H,), dtype=jnp.float32)
    inp['be0'] = jnp.zeros((H,), dtype=jnp.float32)
    inp['g1'] = jnp.ones((H,), dtype=jnp.float32)
    inp['be1'] = jnp.zeros((H,), dtype=jnp.float32)
    inp['g2'] = jnp.ones((H,), dtype=jnp.float32)
    inp['be2'] = jnp.zeros((H,), dtype=jnp.float32)
    # final linear
    inp['Wl'] = jax.random.normal(ks[7], (2 * H, EMB), dtype=jnp.float32) * 0.05
    inp['bl'] = jnp.zeros((EMB,), dtype=jnp.float32)
    return inp


def gcn_conv(x, edge_index, W, b):
    n = x.shape[0]
    loop = jnp.arange(n, dtype=edge_index.dtype)
    src = jnp.concatenate([edge_index[0], loop])
    dst = jnp.concatenate([edge_index[1], loop])
    xw = x @ W
    deg = jnp.zeros((n,), dtype=xw.dtype).at[dst].add(1.0)
    dinv = jnp.where(deg > 0, jax.lax.rsqrt(deg), 0.0)
    norm = dinv[src] * dinv[dst]
    msg = xw[src] * norm[:, None]
    out = jnp.zeros_like(xw).at[dst].add(msg)
    return out + b


def layer_norm(x, g, b, eps=1e-5):
    mu = jnp.mean(x, axis=-1, keepdims=True)
    var = jnp.mean((x - mu) ** 2, axis=-1, keepdims=True)
    return (x - mu) * jax.lax.rsqrt(var + eps) * g + b


def reference(x, edge_index, edge_attr, batch, W0, b0, W1, b1, W2, b2, g0, be0, g1, be1, g2, be2, Wl, bl):
    out = x
    for (W, b, g, be) in ((W0, b0, g0, be0), (W1, b1, g1, be1), (W2, b2, g2, be2)):
        out = gcn_conv(out, edge_index, W, b)
        out = layer_norm(out, g, be)
        out = jnp.where(out > 0, out, 0.1 * out)
    seg = batch.astype(jnp.int32)
    mx = jax.ops.segment_max(out, seg, num_segments=G)
    sm = jax.ops.segment_sum(out, seg, num_segments=G)
    cnt = jax.ops.segment_sum(jnp.ones((out.shape[0],), dtype=out.dtype), seg, num_segments=G)
    mean = sm / jnp.maximum(cnt, 1.0)[:, None]
    pooled = jnp.concatenate([mx, mean], axis=1)
    return pooled @ Wl + bl

if __name__ == "__main__":
    import jax
    _d = setup_inputs()
    print(jax.jit(kernel)(*tuple(_d.values())))

</pallas_src>

<mosaic_0001>
#map = affine_map<(d0, d1) -> (0, 0)>
#map1 = affine_map<(d0, d1) -> (0, 0, 0)>
module attributes {stable_mosaic.version = 14 : i64} {
  func.func @_sc_msg_body(%arg0: i32, %arg1: i32, %arg2: memref<10240x128xf32, #tpu.memory_space<hbm>>, %arg3: memref<32x80x128xi32, #tpu.memory_space<hbm>>, %arg4: memref<32x80x128xi32, #tpu.memory_space<hbm>>, %arg5: memref<640x128xf32, #tpu.memory_space<hbm>>, %arg6: memref<2x10240x128xf32, #tpu.memory_space<hbm>>, %arg7: memref<80x128xi32, #tpu.memory_space<vmem>>, %arg8: memref<128xi32, #tpu.memory_space<vmem>>, %arg9: memref<128xi32, #tpu.memory_space<vmem>>, %arg10: memref<128x128xf32, #tpu.memory_space<vmem>>, %arg11: memref<128x128xf32, #tpu.memory_space<vmem>>, %arg12: memref<10240x128xf32, #tpu.memory_space<vmem_shared>>, %arg13: memref<!tpu.dma_semaphore, #tpu.memory_space<semaphore_mem>>, %arg14: memref<!tpu.dma_semaphore, #tpu.memory_space<semaphore_mem>>, %arg15: memref<!tpu.dma_semaphore, #tpu.memory_space<semaphore_mem>>, %arg16: memref<!tpu.dma_semaphore, #tpu.memory_space<semaphore_mem>>, %arg17: memref<!tpu.dma_semaphore, #tpu.memory_space<semaphore_mem>>, %arg18: memref<!tpu.dma_semaphore, #tpu.memory_space<semaphore_mem>>) attributes {dimension_semantics = [#tpu.dimension_semantics<core_parallel>, #tpu.dimension_semantics<subcore_parallel>], iteration_bounds = array<i64: 2, 16>, scalar_prefetch = 0 : i64, scratch_operands = 12 : i64, tpu.core_type = #tpu.core_type<sc_vector_subcore>, window_params = [{transform_indices = #map}, {transform_indices = #map1}, {transform_indices = #map1}, {transform_indices = #map}, {transform_indices = #map1}]} {
    %mul3A = arith.constant 16 : i32
    %mul3A_0 = arith.muli %arg0, %mul3A : i32
    %add3A = arith.addi %mul3A_0, %arg1 : i32
    %mul3A_1 = arith.constant 640 : i32
    %mul3A_2 = arith.muli %arg1, %mul3A_1 : i32
    "tpu.region"() ({
      %run_scoped3A_67 = tpu.sem_alloc : memref<!tpu.dma_semaphore, #tpu.memory_space<semaphore_mem>>
      %dma_start3A_68 = arith.constant 0 : i32
      %dma_start3A_69 = tpu.memref_slice %arg12[%mul3A_2, %dma_start3A_68] : memref<10240x128xf32, #tpu.memory_space<vmem_shared>> -> memref<640x128xf32, #tpu.memory_space<vmem_shared>>
      tpu.enqueue_dma source(%arg5 : memref<640x128xf32, #tpu.memory_space<hbm>>) target(%dma_start3A_69 : memref<640x128xf32, #tpu.memory_space<vmem_shared>>) target_semaphore(%run_scoped3A_67 : memref<!tpu.dma_semaphore, #tpu.memory_space<semaphore_mem>>)
      %dma_wait3A = arith.constant 0 : i32
      %dma_wait3A_70 = tpu.memref_slice %arg12[%mul3A_2, %dma_wait3A] : memref<10240x128xf32, #tpu.memory_space<vmem_shared>> -> memref<640x128xf32, #tpu.memory_space<vmem_shared>>
      tpu.wait_dma2 semaphore(%run_scoped3A_67 : memref<!tpu.dma_semaphore, #tpu.memory_space<semaphore_mem>>) src(%arg5 : memref<640x128xf32, #tpu.memory_space<hbm>>) dst(%dma_wait3A_70 : memref<640x128xf32, #tpu.memory_space<vmem_shared>>)
      tpu.yield
    }) : () -> ()
    %barrier3A = arith.constant 0 : index
    tpu.barrier barrier_id(%barrier3A)
    "tpu.region"() ({
      %run_scoped3A_67 = tpu.sem_alloc : memref<!tpu.dma_semaphore, #tpu.memory_space<semaphore_mem>>
      %dma_start3A_68 = arith.constant 0 : i32
      %dma_start3A_69 = arith.constant 0 : i32
      %dma_start3A_70 = tpu.memref_slice %arg4[%add3A, %dma_start3A_68, %dma_start3A_69] : memref<32x80x128xi32, #tpu.memory_space<hbm>> -> memref<1x80x128xi32, #tpu.memory_space<hbm>>
      %dma_start3A_71 = tpu.memref_squeeze %dma_start3A_70 : memref<1x80x128xi32, #tpu.memory_space<hbm>> -> memref<80x128xi32, #tpu.memory_space<hbm>>
      %dma_start3A_72 = arith.constant 0 : i32
      %dma_start3A_73 = arith.constant 0 : i32
      %dma_start3A_74 = tpu.memref_slice %arg4[%add3A, %dma_start3A_72, %dma_start3A_73] : memref<32x80x128xi32, #tpu.memory_space<hbm>> -> memref<1x80x128xi32, #tpu.memory_space<hbm>>
      %dma_start3A_75 = tpu.memref_squeeze %dma_start3A_74 : memref<1x80x128xi32, #tpu.memory_space<hbm>> -> memref<80x128xi32, #tpu.memory_space<hbm>>
      tpu.enqueue_dma source(%dma_start3A_75 : memref<80x128xi32, #tpu.memory_space<hbm>>) target(%arg7 : memref<80x128xi32, #tpu.memory_space<vmem>>) target_semaphore(%run_scoped3A_67 : memref<!tpu.dma_semaphore, #tpu.memory_space<semaphore_mem>>)
      %dma_wait3A = arith.constant 0 : i32
      %dma_wait3A_76 = arith.constant 0 : i32
      %dma_wait3A_77 = tpu.memref_slice %arg4[%add3A, %dma_wait3A, %dma_wait3A_76] : memref<32x80x128xi32, #tpu.memory_space<hbm>> -> memref<1x80x128xi32, #tpu.memory_space<hbm>>
      %dma_wait3A_78 = tpu.memref_squeeze %dma_wait3A_77 : memref<1x80x128xi32, #tpu.memory_space<hbm>> -> memref<80x128xi32, #tpu.memory_space<hbm>>
      %dma_wait3A_79 = arith.constant 0 : i32
      %dma_wait3A_80 = arith.constant 0 : i32
      %dma_wait3A_81 = tpu.memref_slice %arg4[%add3A, %dma_wait3A_79, %dma_wait3A_80] : memref<32x80x128xi32, #tpu.memory_space<hbm>> -> memref<1x80x128xi32, #tpu.memory_space<hbm>>
      %dma_wait3A_82 = tpu.memref_squeeze %dma_wait3A_81 : memref<1x80x128xi32, #tpu.memory_space<hbm>> -> memref<80x128xi32, #tpu.memory_space<hbm>>
      tpu.wait_dma2 semaphore(%run_scoped3A_67 : memref<!tpu.dma_semaphore, #tpu.memory_space<semaphore_mem>>) src(%dma_wait3A_82 : memref<80x128xi32, #tpu.memory_space<hbm>>) dst(%arg7 : memref<80x128xi32, #tpu.memory_space<vmem>>)
      tpu.yield
    }) : () -> ()
    %run_scoped3A = arith.constant 0 : i32
    "tpu.region"() ({
      %run_scoped3A_67 = tpu.sem_alloc : memref<!tpu.dma_semaphore, #tpu.memory_space<semaphore_mem>>
      %dma_start3A_68 = arith.constant 0 : i32
      %dma_start3A_69 = arith.constant 0 : i32
      %dma_start3A_70 = tpu.memref_slice %arg3[%add3A, %dma_start3A_68, %dma_start3A_69] : memref<32x80x128xi32, #tpu.memory_space<hbm>> -> memref<1x80x128xi32, #tpu.memory_space<hbm>>
      %dma_start3A_71 = tpu.memref_squeeze %dma_start3A_70 : memref<1x80x128xi32, #tpu.memory_space<hbm>> -> memref<80x128xi32, #tpu.memory_space<hbm>>
      %dma_start3A_72 = arith.constant 0 : i32
      %dma_start3A_73 = tpu.memref_slice %dma_start3A_71[%run_scoped3A, %dma_start3A_72] : memref<80x128xi32, #tpu.memory_space<hbm>> -> memref<1x128xi32, #tpu.memory_space<hbm>>
      %dma_start3A_74 = tpu.memref_squeeze %dma_start3A_73 : memref<1x128xi32, #tpu.memory_space<hbm>> -> memref<128xi32, #tpu.memory_space<hbm>>
      %dma_start3A_75 = arith.constant 0 : i32
      %dma_start3A_76 = arith.constant 0 : i32
      %dma_start3A_77 = tpu.memref_slice %arg3[%add3A, %dma_start3A_75, %dma_start3A_76] : memref<32x80x128xi32, #tpu.memory_space<hbm>> -> memref<1x80x128xi32, #tpu.memory_space<hbm>>
      %dma_start3A_78 = tpu.memref_squeeze %dma_start3A_77 : memref<1x80x128xi32, #tpu.memory_space<hbm>> -> memref<80x128xi32, #tpu.memory_space<hbm>>
      %dma_start3A_79 = arith.constant 0 : i32
      %dma_start3A_80 = tpu.memref_slice %dma_start3A_78[%run_scoped3A, %dma_start3A_79] : memref<80x128xi32, #tpu.memory_space<hbm>> -> memref<1x128xi32, #tpu.memory_space<hbm>>
      %dma_start3A_81 = tpu.memref_squeeze %dma_start3A_80 : memref<1x128xi32, #tpu.memory_space<hbm>> -> memref<128xi32, #tpu.memory_space<hbm>>
      tpu.enqueue_dma source(%dma_start3A_81 : memref<128xi32, #tpu.memory_space<hbm>>) target(%arg8 : memref<128xi32, #tpu.memory_space<vmem>>) target_semaphore(%run_scoped3A_67 : memref<!tpu.dma_semaphore, #tpu.memory_space<semaphore_mem>>)
      %dma_wait3A = arith.constant 0 : i32
      %dma_wait3A_82 = arith.constant 0 : i32
      %dma_wait3A_83 = tpu.memref_slice %arg3[%add3A, %dma_wait3A, %dma_wait3A_82] : memref<32x80x128xi32, #tpu.memory_space<hbm>> -> memref<1x80x128xi32, #tpu.memory_space<hbm>>
      %dma_wait3A_84 = tpu.memref_squeeze %dma_wait3A_83 : memref<1x80x128xi32, #tpu.memory_space<hbm>> -> memref<80x128xi32, #tpu.memory_space<hbm>>
      %dma_wait3A_85 = arith.constant 0 : i32
      %dma_wait3A_86 = tpu.memref_slice %dma_wait3A_84[%run_scoped3A, %dma_wait3A_85] : memref<80x128xi32, #tpu.memory_space<hbm>> -> memref<1x128xi32, #tpu.memory_space<hbm>>
      %dma_wait3A_87 = tpu.memref_squeeze %dma_wait3A_86 : memref<1x128xi32, #tpu.memory_space<hbm>> -> memref<128xi32, #tpu.memory_space<hbm>>
      %dma_wait3A_88 = arith.constant 0 : i32
      %dma_wait3A_89 = arith.constant 0 : i32
      %dma_wait3A_90 = tpu.memref_slice %arg3[%add3A, %dma_wait3A_88, %dma_wait3A_89] : memref<32x80x128xi32, #tpu.memory_space<hbm>> -> memref<1x80x128xi32, #tpu.memory_space<hbm>>
      %dma_wait3A_91 = tpu.memref_squeeze %dma_wait3A_90 : memref<1x80x128xi32, #tpu.memory_space<hbm>> -> memref<80x128xi32, #tpu.memory_space<hbm>>
      %dma_wait3A_92 = arith.constant 0 : i32
      %dma_wait3A_93 = tpu.memref_slice %dma_wait3A_91[%run_scoped3A, %dma_wait3A_92] : memref<80x128xi32, #tpu.memory_space<hbm>> -> memref<1x128xi32, #tpu.memory_space<hbm>>
      %dma_wait3A_94 = tpu.memref_squeeze %dma_wait3A_93 : memref<1x128xi32, #tpu.memory_space<hbm>> -> memref<128xi32, #tpu.memory_space<hbm>>
      tpu.wait_dma2 semaphore(%run_scoped3A_67 : memref<!tpu.dma_semaphore, #tpu.memory_space<semaphore_mem>>) src(%dma_wait3A_94 : memref<128xi32, #tpu.memory_space<hbm>>) dst(%arg8 : memref<128xi32, #tpu.memory_space<vmem>>)
      tpu.yield
    }) : () -> ()
    %dma_start3A = arith.constant 0 : i32
    %dma_start3A_3 = arith.constant 0 : i32
    %dma_start3A_4 = tpu.memref_slice %arg2[%dma_start3A, %dma_start3A_3] : memref<10240x128xf32, #tpu.memory_space<hbm>> -> memref<10240x128xf32, #tpu.memory_space<hbm>>
    tpu.enqueue_indirect_dma source(%dma_start3A_4 : memref<10240x128xf32, #tpu.memory_space<hbm>>) target(%arg10 : memref<128x128xf32, #tpu.memory_space<vmem>>) offsets(%arg8 : memref<128xi32, #tpu.memory_space<vmem>>) semaphore(%arg13 : memref<!tpu.dma_semaphore, #tpu.memory_space<semaphore_mem>>)
    %dma_start3A_5 = arith.constant 1 : i32
    %dma_start3A_6 = arith.constant 0 : i32
    %dma_start3A_7 = arith.constant 0 : i32
    %dma_start3A_8 = tpu.memref_slice %arg3[%add3A, %dma_start3A_6, %dma_start3A_7] : memref<32x80x128xi32, #tpu.memory_space<hbm>> -> memref<1x80x128xi32, #tpu.memory_space<hbm>>
    %dma_start3A_9 = tpu.memref_squeeze %dma_start3A_8 : memref<1x80x128xi32, #tpu.memory_space<hbm>> -> memref<80x128xi32, #tpu.memory_space<hbm>>
    %dma_start3A_10 = arith.constant 0 : i32
    %dma_start3A_11 = tpu.memref_slice %dma_start3A_9[%dma_start3A_5, %dma_start3A_10] : memref<80x128xi32, #tpu.memory_space<hbm>> -> memref<1x128xi32, #tpu.memory_space<hbm>>
    %dma_start3A_12 = tpu.memref_squeeze %dma_start3A_11 : memref<1x128xi32, #tpu.memory_space<hbm>> -> memref<128xi32, #tpu.memory_space<hbm>>
    %dma_start3A_13 = arith.constant 0 : i32
    %dma_start3A_14 = arith.constant 0 : i32
    %dma_start3A_15 = tpu.memref_slice %arg3[%add3A, %dma_start3A_13, %dma_start3A_14] : memref<32x80x128xi32, #tpu.memory_space<hbm>> -> memref<1x80x128xi32, #tpu.memory_space<hbm>>
    %dma_start3A_16 = tpu.memref_squeeze %dma_start3A_15 : memref<1x80x128xi32, #tpu.memory_space<hbm>> -> memref<80x128xi32, #tpu.memory_space<hbm>>
    %dma_start3A_17 = arith.constant 0 : i32
    %dma_start3A_18 = tpu.memref_slice %dma_start3A_16[%dma_start3A_5, %dma_start3A_17] : memref<80x128xi32, #tpu.memory_space<hbm>> -> memref<1x128xi32, #tpu.memory_space<hbm>>
    %dma_start3A_19 = tpu.memref_squeeze %dma_start3A_18 : memref<1x128xi32, #tpu.memory_space<hbm>> -> memref<128xi32, #tpu.memory_space<hbm>>
    tpu.enqueue_dma source(%dma_start3A_19 : memref<128xi32, #tpu.memory_space<hbm>>) target(%arg9 : memref<128xi32, #tpu.memory_space<vmem>>) target_semaphore(%arg16 : memref<!tpu.dma_semaphore, #tpu.memory_space<semaphore_mem>>)
    %scan3A = arith.constant 0 : i32
    %scan3A_20 = arith.constant 0 : i32
    %scan3A_21 = arith.constant 40 : i32
    %scan3A_22 = arith.addi %scan3A_20, %scan3A_21 : i32
    %scan3A_23 = arith.constant 1 : i32
    %scan3A_24 = scf.for %scan3A_67 = %scan3A_20 to %scan3A_22 step %scan3A_23 iter_args(%scan3A_68 = %scan3A) -> (i32)  : i32 {
      %mul3A_69 = arith.constant 2 : i32
      %mul3A_70 = arith.muli %mul3A_69, %scan3A_67 : i32
      %add3A_71 = arith.constant 1 : i32
      %add3A_72 = arith.addi %mul3A_70, %add3A_71 : i32
      %lt3A = arith.constant 39 : i32
      %lt3A_73 = arith.cmpi slt, %scan3A_67, %lt3A : i32
      %dma_wait3A = arith.constant 0 : i32
      %dma_wait3A_74 = arith.constant 0 : i32
      %dma_wait3A_75 = tpu.memref_slice %arg2[%dma_wait3A, %dma_wait3A_74] : memref<10240x128xf32, #tpu.memory_space<hbm>> -> memref<10240x128xf32, #tpu.memory_space<hbm>>
      tpu.wait_indirect_dma semaphore(%arg13 : memref<!tpu.dma_semaphore, #tpu.memory_space<semaphore_mem>>) src(%dma_wait3A_75 : memref<10240x128xf32, #tpu.memory_space<hbm>>) dst(%arg10 : memref<128x128xf32, #tpu.memory_space<vmem>>)
      %dma_wait3A_76 = arith.constant 0 : i32
      %dma_wait3A_77 = arith.constant 0 : i32
      %dma_wait3A_78 = arith.constant 0 : i32
      %dma_wait3A_79 = tpu.memref_slice %arg3[%add3A, %dma_wait3A_77, %dma_wait3A_78] : memref<32x80x128xi32, #tpu.memory_space<hbm>> -> memref<1x80x128xi32, #tpu.memory_space<hbm>>
      %dma_wait3A_80 = tpu.memref_squeeze %dma_wait3A_79 : memref<1x80x128xi32, #tpu.memory_space<hbm>> -> memref<80x128xi32, #tpu.memory_space<hbm>>
      %dma_wait3A_81 = arith.constant 0 : i32
      %dma_wait3A_82 = tpu.memref_slice %dma_wait3A_80[%dma_wait3A_76, %dma_wait3A_81] : memref<80x128xi32, #tpu.memory_space<hbm>> -> memref<1x128xi32, #tpu.memory_space<hbm>>
      %dma_wait3A_83 = tpu.memref_squeeze %dma_wait3A_82 : memref<1x128xi32, #tpu.memory_space<hbm>> -> memref<128xi32, #tpu.memory_space<hbm>>
      %dma_wait3A_84 = arith.constant 0 : i32
      %dma_wait3A_85 = arith.constant 0 : i32
      %dma_wait3A_86 = tpu.memref_slice %arg3[%add3A, %dma_wait3A_84, %dma_wait3A_85] : memref<32x80x128xi32, #tpu.memory_space<hbm>> -> memref<1x80x128xi32, #tpu.memory_space<hbm>>
      %dma_wait3A_87 = tpu.memref_squeeze %dma_wait3A_86 : memref<1x80x128xi32, #tpu.memory_space<hbm>> -> memref<80x128xi32, #tpu.memory_space<hbm>>
      %dma_wait3A_88 = arith.constant 0 : i32
      %dma_wait3A_89 = tpu.memref_slice %dma_wait3A_87[%dma_wait3A_76, %dma_wait3A_88] : memref<80x128xi32, #tpu.memory_space<hbm>> -> memref<1x128xi32, #tpu.memory_space<hbm>>
      %dma_wait3A_90 = tpu.memref_squeeze %dma_wait3A_89 : memref<1x128xi32, #tpu.memory_space<hbm>> -> memref<128xi32, #tpu.memory_space<hbm>>
      tpu.wait_dma2 semaphore(%arg16 : memref<!tpu.dma_semaphore, #tpu.memory_space<semaphore_mem>>) src(%dma_wait3A_90 : memref<128xi32, #tpu.memory_space<hbm>>) dst(%arg9 : memref<128xi32, #tpu.memory_space<vmem>>)
      %dma_start3A_91 = arith.constant 0 : i32
      %dma_start3A_92 = arith.constant 0 : i32
      %dma_start3A_93 = tpu.memref_slice %arg2[%dma_start3A_91, %dma_start3A_92] : memref<10240x128xf32, #tpu.memory_space<hbm>> -> memref<10240x128xf32, #tpu.memory_space<hbm>>
      tpu.enqueue_indirect_dma source(%dma_start3A_93 : memref<10240x128xf32, #tpu.memory_space<hbm>>) target(%arg11 : memref<128x128xf32, #tpu.memory_space<vmem>>) offsets(%arg9 : memref<128xi32, #tpu.memory_space<vmem>>) semaphore(%arg14 : memref<!tpu.dma_semaphore, #tpu.memory_space<semaphore_mem>>)
      %convert_element_type3A = arith.extui %lt3A_73 : i1 to i32
      %cond3A = arith.constant 0 : i32
      %cond3A_94 = arith.cmpi ne, %convert_element_type3A, %cond3A : i32
      scf.if %cond3A_94 {
        %add3A_102 = arith.constant 2 : i32
        %add3A_103 = arith.addi %mul3A_70, %add3A_102 : i32
        %dma_start3A_104 = arith.constant 0 : i32
        %dma_start3A_105 = arith.constant 0 : i32
        %dma_start3A_106 = tpu.memref_slice %arg3[%add3A, %dma_start3A_104, %dma_start3A_105] : memref<32x80x128xi32, #tpu.memory_space<hbm>> -> memref<1x80x128xi32, #tpu.memory_space<hbm>>
        %dma_start3A_107 = tpu.memref_squeeze %dma_start3A_106 : memref<1x80x128xi32, #tpu.memory_space<hbm>> -> memref<80x128xi32, #tpu.memory_space<hbm>>
        %dma_start3A_108 = arith.constant 0 : i32
        %dma_start3A_109 = tpu.memref_slice %dma_start3A_107[%add3A_103, %dma_start3A_108] : memref<80x128xi32, #tpu.memory_space<hbm>> -> memref<1x128xi32, #tpu.memory_space<hbm>>
        %dma_start3A_110 = tpu.memref_squeeze %dma_start3A_109 : memref<1x128xi32, #tpu.memory_space<hbm>> -> memref<128xi32, #tpu.memory_space<hbm>>
        %dma_start3A_111 = arith.constant 0 : i32
        %dma_start3A_112 = arith.constant 0 : i32
        %dma_start3A_113 = tpu.memref_slice %arg3[%add3A, %dma_start3A_111, %dma_start3A_112] : memref<32x80x128xi32, #tpu.memory_space<hbm>> -> memref<1x80x128xi32, #tpu.memory_space<hbm>>
        %dma_start3A_114 = tpu.memref_squeeze %dma_start3A_113 : memref<1x80x128xi32, #tpu.memory_space<hbm>> -> memref<80x128xi32, #tpu.memory_space<hbm>>
        %dma_start3A_115 = arith.constant 0 : i32
        %dma_start3A_116 = tpu.memref_slice %dma_start3A_114[%add3A_103, %dma_start3A_115] : memref<80x128xi32, #tpu.memory_space<hbm>> -> memref<1x128xi32, #tpu.memory_space<hbm>>
        %dma_start3A_117 = tpu.memref_squeeze %dma_start3A_116 : memref<1x128xi32, #tpu.memory_space<hbm>> -> memref<128xi32, #tpu.memory_space<hbm>>
        tpu.enqueue_dma source(%dma_start3A_117 : memref<128xi32, #tpu.memory_space<hbm>>) target(%arg8 : memref<128xi32, #tpu.memory_space<vmem>>) target_semaphore(%arg15 : memref<!tpu.dma_semaphore, #tpu.memory_space<semaphore_mem>>)
      } else {
      }
      "tpu.region"() ({
        %run_scoped3A_102 = tpu.sem_alloc : memref<!tpu.dma_semaphore, #tpu.memory_space<semaphore_mem>>
        %dma_start3A_103 = arith.constant 0 : i32
        %dma_start3A_104 = tpu.memref_slice %arg7[%mul3A_70, %dma_start3A_103] : memref<80x128xi32, #tpu.memory_space<vmem>> -> memref<1x128xi32, #tpu.memory_space<vmem>>
        %dma_start3A_105 = tpu.memref_squeeze %dma_start3A_104 : memref<1x128xi32, #tpu.memory_space<vmem>> -> memref<128xi32, #tpu.memory_space<vmem>>
        %dma_start3A_106 = arith.constant 0 : i32
        %dma_start3A_107 = arith.constant 0 : i32
        %dma_start3A_108 = tpu.memref_slice %arg12[%dma_start3A_106, %dma_start3A_107] : memref<10240x128xf32, #tpu.memory_space<vmem_shared>> -> memref<10240x128xf32, #tpu.memory_space<vmem_shared>>
        tpu.enqueue_indirect_dma source(%arg10 : memref<128x128xf32, #tpu.memory_space<vmem>>) target(%dma_start3A_108 : memref<10240x128xf32, #tpu.memory_space<vmem_shared>>) offsets(%dma_start3A_105 : memref<128xi32, #tpu.memory_space<vmem>>) semaphore(%run_scoped3A_102 : memref<!tpu.dma_semaphore, #tpu.memory_space<semaphore_mem>>) {add = true}
        %dma_wait3A_109 = arith.constant 0 : i32
        %dma_wait3A_110 = tpu.memref_slice %arg7[%mul3A_70, %dma_wait3A_109] : memref<80x128xi32, #tpu.memory_space<vmem>> -> memref<1x128xi32, #tpu.memory_space<vmem>>
        %dma_wait3A_111 = tpu.memref_squeeze %dma_wait3A_110 : memref<1x128xi32, #tpu.memory_space<vmem>> -> memref<128xi32, #tpu.memory_space<vmem>>
        %dma_wait3A_112 = arith.constant 0 : i32
        %dma_wait3A_113 = arith.constant 0 : i32
        %dma_wait3A_114 = tpu.memref_slice %arg12[%dma_wait3A_112, %dma_wait3A_113] : memref<10240x128xf32, #tpu.memory_space<vmem_shared>> -> memref<10240x128xf32, #tpu.memory_space<vmem_shared>>
        tpu.wait_indirect_dma semaphore(%run_scoped3A_102 : memref<!tpu.dma_semaphore, #tpu.memory_space<semaphore_mem>>) src(%arg10 : memref<128x128xf32, #tpu.memory_space<vmem>>) dst(%dma_wait3A_114 : memref<10240x128xf32, #tpu.memory_space<vmem_shared>>)
        tpu.yield
      }) : () -> ()
      %dma_wait3A_95 = arith.constant 0 : i32
      %dma_wait3A_96 = arith.constant 0 : i32
      %dma_wait3A_97 = tpu.memref_slice %arg2[%dma_wait3A_95, %dma_wait3A_96] : memref<10240x128xf32, #tpu.memory_space<hbm>> -> memref<10240x128xf32, #tpu.memory_space<hbm>>
      tpu.wait_indirect_dma semaphore(%arg14 : memref<!tpu.dma_semaphore, #tpu.memory_space<semaphore_mem>>) src(%dma_wait3A_97 : memref<10240x128xf32, #tpu.memory_space<hbm>>) dst(%arg11 : memref<128x128xf32, #tpu.memory_space<vmem>>)
      %convert_element_type3A_98 = arith.extui %lt3A_73 : i1 to i32
      %cond3A_99 = arith.constant 0 : i32
      %cond3A_100 = arith.cmpi ne, %convert_element_type3A_98, %cond3A_99 : i32
      scf.if %cond3A_100 {
        %dma_wait3A_102 = arith.constant 0 : i32
        %dma_wait3A_103 = arith.constant 0 : i32
        %dma_wait3A_104 = arith.constant 0 : i32
        %dma_wait3A_105 = tpu.memref_slice %arg3[%add3A, %dma_wait3A_103, %dma_wait3A_104] : memref<32x80x128xi32, #tpu.memory_space<hbm>> -> memref<1x80x128xi32, #tpu.memory_space<hbm>>
        %dma_wait3A_106 = tpu.memref_squeeze %dma_wait3A_105 : memref<1x80x128xi32, #tpu.memory_space<hbm>> -> memref<80x128xi32, #tpu.memory_space<hbm>>
        %dma_wait3A_107 = arith.constant 0 : i32
        %dma_wait3A_108 = tpu.memref_slice %dma_wait3A_106[%dma_wait3A_102, %dma_wait3A_107] : memref<80x128xi32, #tpu.memory_space<hbm>> -> memref<1x128xi32, #tpu.memory_space<hbm>>
        %dma_wait3A_109 = tpu.memref_squeeze %dma_wait3A_108 : memref<1x128xi32, #tpu.memory_space<hbm>> -> memref<128xi32, #tpu.memory_space<hbm>>
        %dma_wait3A_110 = arith.constant 0 : i32
        %dma_wait3A_111 = arith.constant 0 : i32
        %dma_wait3A_112 = tpu.memref_slice %arg3[%add3A, %dma_wait3A_110, %dma_wait3A_111] : memref<32x80x128xi32, #tpu.memory_space<hbm>> -> memref<1x80x128xi32, #tpu.memory_space<hbm>>
        %dma_wait3A_113 = tpu.memref_squeeze %dma_wait3A_112 : memref<1x80x128xi32, #tpu.memory_space<hbm>> -> memref<80x128xi32, #tpu.memory_space<hbm>>
        %dma_wait3A_114 = arith.constant 0 : i32
        %dma_wait3A_115 = tpu.memref_slice %dma_wait3A_113[%dma_wait3A_102, %dma_wait3A_114] : memref<80x128xi32, #tpu.memory_space<hbm>> -> memref<1x128xi32, #tpu.memory_space<hbm>>
        %dma_wait3A_116 = tpu.memref_squeeze %dma_wait3A_115 : memref<1x128xi32, #tpu.memory_space<hbm>> -> memref<128xi32, #tpu.memory_space<hbm>>
        tpu.wait_dma2 semaphore(%arg15 : memref<!tpu.dma_semaphore, #tpu.memory_space<semaphore_mem>>) src(%dma_wait3A_116 : memref<128xi32, #tpu.memory_space<hbm>>) dst(%arg8 : memref<128xi32, #tpu.memory_space<vmem>>)
        %dma_start3A_117 = arith.constant 0 : i32
        %dma_start3A_118 = arith.constant 0 : i32
        %dma_start3A_119 = tpu.memref_slice %arg2[%dma_start3A_117, %dma_start3A_118] : memref<10240x128xf32, #tpu.memory_space<hbm>> -> memref<10240x128xf32, #tpu.memory_space<hbm>>
        tpu.enqueue_indirect_dma source(%dma_start3A_119 : memref<10240x128xf32, #tpu.memory_space<hbm>>) target(%arg10 : memref<128x128xf32, #tpu.memory_space<vmem>>) offsets(%arg8 : memref<128xi32, #tpu.memory_space<vmem>>) semaphore(%arg13 : memref<!tpu.dma_semaphore, #tpu.memory_space<semaphore_mem>>)
        %add3A_120 = arith.constant 2 : i32
        %add3A_121 = arith.addi %add3A_72, %add3A_120 : i32
        %dma_start3A_122 = arith.constant 0 : i32
        %dma_start3A_123 = arith.constant 0 : i32
        %dma_start3A_124 = tpu.memref_slice %arg3[%add3A, %dma_start3A_122, %dma_start3A_123] : memref<32x80x128xi32, #tpu.memory_space<hbm>> -> memref<1x80x128xi32, #tpu.memory_space<hbm>>
        %dma_start3A_125 = tpu.memref_squeeze %dma_start3A_124 : memref<1x80x128xi32, #tpu.memory_space<hbm>> -> memref<80x128xi32, #tpu.memory_space<hbm>>
        %dma_start3A_126 = arith.constant 0 : i32
        %dma_start3A_127 = tpu.memref_slice %dma_start3A_125[%add3A_121, %dma_start3A_126] : memref<80x128xi32, #tpu.memory_space<hbm>> -> memref<1x128xi32, #tpu.memory_space<hbm>>
        %dma_start3A_128 = tpu.memref_squeeze %dma_start3A_127 : memref<1x128xi32, #tpu.memory_space<hbm>> -> memref<128xi32, #tpu.memory_space<hbm>>
        %dma_start3A_129 = arith.constant 0 : i32
        %dma_start3A_130 = arith.constant 0 : i32
        %dma_start3A_131 = tpu.memref_slice %arg3[%add3A, %dma_start3A_129, %dma_start3A_130] : memref<32x80x128xi32, #tpu.memory_space<hbm>> -> memref<1x80x128xi32, #tpu.memory_space<hbm>>
        %dma_start3A_132 = tpu.memref_squeeze %dma_start3A_131 : memref<1x80x128xi32, #tpu.memory_space<hbm>> -> memref<80x128xi32, #tpu.memory_space<hbm>>
        %dma_start3A_133 = arith.constant 0 : i32
        %dma_start3A_134 = tpu.memref_slice %dma_start3A_132[%add3A_121, %dma_start3A_133] : memref<80x128xi32, #tpu.memory_space<hbm>> -> memref<1x128xi32, #tpu.memory_space<hbm>>
        %dma_start3A_135 = tpu.memref_squeeze %dma_start3A_134 : memref<1x128xi32, #tpu.memory_space<hbm>> -> memref<128xi32, #tpu.memory_space<hbm>>
        tpu.enqueue_dma source(%dma_start3A_135 : memref<128xi32, #tpu.memory_space<hbm>>) target(%arg9 : memref<128xi32, #tpu.memory_space<vmem>>) target_semaphore(%arg16 : memref<!tpu.dma_semaphore, #tpu.memory_space<semaphore_mem>>)
      } else {
      }
      "tpu.region"() ({
        %run_scoped3A_102 = tpu.sem_alloc : memref<!tpu.dma_semaphore, #tpu.memory_space<semaphore_mem>>
        %dma_start3A_103 = arith.constant 0 : i32
        %dma_start3A_104 = tpu.memref_slice %arg7[%add3A_72, %dma_start3A_103] : memref<80x128xi32, #tpu.memory_space<vmem>> -> memref<1x128xi32, #tpu.memory_space<vmem>>
        %dma_start3A_105 = tpu.memref_squeeze %dma_start3A_104 : memref<1x128xi32, #tpu.memory_space<vmem>> -> memref<128xi32, #tpu.memory_space<vmem>>
        %dma_start3A_106 = arith.constant 0 : i32
        %dma_start3A_107 = arith.constant 0 : i32
        %dma_start3A_108 = tpu.memref_slice %arg12[%dma_start3A_106, %dma_start3A_107] : memref<10240x128xf32, #tpu.memory_space<vmem_shared>> -> memref<10240x128xf32, #tpu.memory_space<vmem_shared>>
        tpu.enqueue_indirect_dma source(%arg11 : memref<128x128xf32, #tpu.memory_space<vmem>>) target(%dma_start3A_108 : memref<10240x128xf32, #tpu.memory_space<vmem_shared>>) offsets(%dma_start3A_105 : memref<128xi32, #tpu.memory_space<vmem>>) semaphore(%run_scoped3A_102 : memref<!tpu.dma_semaphore, #tpu.memory_space<semaphore_mem>>) {add = true}
        %dma_wait3A_109 = arith.constant 0 : i32
        %dma_wait3A_110 = tpu.memref_slice %arg7[%add3A_72, %dma_wait3A_109] : memref<80x128xi32, #tpu.memory_space<vmem>> -> memref<1x128xi32, #tpu.memory_space<vmem>>
        %dma_wait3A_111 = tpu.memref_squeeze %dma_wait3A_110 : memref<1x128xi32, #tpu.memory_space<vmem>> -> memref<128xi32, #tpu.memory_space<vmem>>
        %dma_wait3A_112 = arith.constant 0 : i32
        %dma_wait3A_113 = arith.constant 0 : i32
        %dma_wait3A_114 = tpu.memref_slice %arg12[%dma_wait3A_112, %dma_wait3A_113] : memref<10240x128xf32, #tpu.memory_space<vmem_shared>> -> memref<10240x128xf32, #tpu.memory_space<vmem_shared>>
        tpu.wait_indirect_dma semaphore(%run_scoped3A_102 : memref<!tpu.dma_semaphore, #tpu.memory_space<semaphore_mem>>) src(%arg11 : memref<128x128xf32, #tpu.memory_space<vmem>>) dst(%dma_wait3A_114 : memref<10240x128xf32, #tpu.memory_space<vmem_shared>>)
        tpu.yield
      }) : () -> ()
      %scan3A_101 = arith.constant 0 : i32
      scf.yield %scan3A_101 : i32
    }
    %scan3A_25 = arith.constant 40 : i32
    %barrier3A_26 = arith.constant 0 : index
    tpu.barrier barrier_id(%barrier3A_26)
    %mul3A_27 = arith.constant 640 : i32
    %mul3A_28 = arith.muli %arg1, %mul3A_27 : i32
    %add3A_29 = arith.constant 0 : i32
    %add3A_30 = arith.addi %mul3A_28, %add3A_29 : i32
    %mul3A_31 = arith.constant 640 : i32
    %mul3A_32 = arith.muli %arg1, %mul3A_31 : i32
    %add3A_33 = arith.constant 0 : i32
    %add3A_34 = arith.addi %mul3A_32, %add3A_33 : i32
    "tpu.region"() ({
      %run_scoped3A_67 = tpu.sem_alloc : memref<!tpu.dma_semaphore, #tpu.memory_space<semaphore_mem>>
      %dma_start3A_68 = arith.constant 0 : i32
      %dma_start3A_69 = arith.constant 0 : i32
      %dma_start3A_70 = tpu.memref_slice %arg6[%arg0, %dma_start3A_68, %dma_start3A_69] : memref<2x10240x128xf32, #tpu.memory_space<hbm>> -> memref<1x10240x128xf32, #tpu.memory_space<hbm>>
      %dma_start3A_71 = tpu.memref_squeeze %dma_start3A_70 : memref<1x10240x128xf32, #tpu.memory_space<hbm>> -> memref<10240x128xf32, #tpu.memory_space<hbm>>
      %dma_start3A_72 = arith.constant 0 : i32
      %dma_start3A_73 = tpu.memref_slice %dma_start3A_71[%add3A_34, %dma_start3A_72] : memref<10240x128xf32, #tpu.memory_space<hbm>> -> memref<128x128xf32, #tpu.memory_space<hbm>>
      %dma_start3A_74 = arith.constant 0 : i32
      %dma_start3A_75 = tpu.memref_slice %arg12[%add3A_30, %dma_start3A_74] : memref<10240x128xf32, #tpu.memory_space<vmem_shared>> -> memref<128x128xf32, #tpu.memory_space<vmem_shared>>
      tpu.enqueue_dma source(%dma_start3A_75 : memref<128x128xf32, #tpu.memory_space<vmem_shared>>) target(%dma_start3A_73 : memref<128x128xf32, #tpu.memory_space<hbm>>) target_semaphore(%run_scoped3A_67 : memref<!tpu.dma_semaphore, #tpu.memory_space<semaphore_mem>>)
      %dma_wait3A = arith.constant 0 : i32
      %dma_wait3A_76 = arith.constant 0 : i32
      %dma_wait3A_77 = tpu.memref_slice %arg6[%arg0, %dma_wait3A, %dma_wait3A_76] : memref<2x10240x128xf32, #tpu.memory_space<hbm>> -> memref<1x10240x128xf32, #tpu.memory_space<hbm>>
      %dma_wait3A_78 = tpu.memref_squeeze %dma_wait3A_77 : memref<1x10240x128xf32, #tpu.memory_space<hbm>> -> memref<10240x128xf32, #tpu.memory_space<hbm>>
      %dma_wait3A_79 = arith.constant 0 : i32
      %dma_wait3A_80 = tpu.memref_slice %dma_wait3A_78[%add3A_34, %dma_wait3A_79] : memref<10240x128xf32, #tpu.memory_space<hbm>> -> memref<128x128xf32, #tpu.memory_space<hbm>>
      %dma_wait3A_81 = arith.constant 0 : i32
      %dma_wait3A_82 = tpu.memref_slice %arg12[%add3A_30, %dma_wait3A_81] : memref<10240x128xf32, #tpu.memory_space<vmem_shared>> -> memref<128x128xf32, #tpu.memory_space<vmem_shared>>
      tpu.wait_dma2 semaphore(%run_scoped3A_67 : memref<!tpu.dma_semaphore, #tpu.memory_space<semaphore_mem>>) src(%dma_wait3A_82 : memref<128x128xf32, #tpu.memory_space<vmem_shared>>) dst(%dma_wait3A_80 : memref<128x128xf32, #tpu.memory_space<hbm>>)
      tpu.yield
    }) : () -> ()
    %mul3A_35 = arith.constant 640 : i32
    %mul3A_36 = arith.muli %arg1, %mul3A_35 : i32
    %add3A_37 = arith.constant 128 : i32
    %add3A_38 = arith.addi %mul3A_36, %add3A_37 : i32
    %mul3A_39 = arith.constant 640 : i32
    %mul3A_40 = arith.muli %arg1, %mul3A_39 : i32
    %add3A_41 = arith.constant 128 : i32
    %add3A_42 = arith.addi %mul3A_40, %add3A_41 : i32
    "tpu.region"() ({
      %run_scoped3A_67 = tpu.sem_alloc : memref<!tpu.dma_semaphore, #tpu.memory_space<semaphore_mem>>
      %dma_start3A_68 = arith.constant 0 : i32
      %dma_start3A_69 = arith.constant 0 : i32
      %dma_start3A_70 = tpu.memref_slice %arg6[%arg0, %dma_start3A_68, %dma_start3A_69] : memref<2x10240x128xf32, #tpu.memory_space<hbm>> -> memref<1x10240x128xf32, #tpu.memory_space<hbm>>
      %dma_start3A_71 = tpu.memref_squeeze %dma_start3A_70 : memref<1x10240x128xf32, #tpu.memory_space<hbm>> -> memref<10240x128xf32, #tpu.memory_space<hbm>>
      %dma_start3A_72 = arith.constant 0 : i32
      %dma_start3A_73 = tpu.memref_slice %dma_start3A_71[%add3A_42, %dma_start3A_72] : memref<10240x128xf32, #tpu.memory_space<hbm>> -> memref<128x128xf32, #tpu.memory_space<hbm>>
      %dma_start3A_74 = arith.constant 0 : i32
      %dma_start3A_75 = tpu.memref_slice %arg12[%add3A_38, %dma_start3A_74] : memref<10240x128xf32, #tpu.memory_space<vmem_shared>> -> memref<128x128xf32, #tpu.memory_space<vmem_shared>>
      tpu.enqueue_dma source(%dma_start3A_75 : memref<128x128xf32, #tpu.memory_space<vmem_shared>>) target(%dma_start3A_73 : memref<128x128xf32, #tpu.memory_space<hbm>>) target_semaphore(%run_scoped3A_67 : memref<!tpu.dma_semaphore, #tpu.memory_space<semaphore_mem>>)
      %dma_wait3A = arith.constant 0 : i32
      %dma_wait3A_76 = arith.constant 0 : i32
      %dma_wait3A_77 = tpu.memref_slice %arg6[%arg0, %dma_wait3A, %dma_wait3A_76] : memref<2x10240x128xf32, #tpu.memory_space<hbm>> -> memref<1x10240x128xf32, #tpu.memory_space<hbm>>
      %dma_wait3A_78 = tpu.memref_squeeze %dma_wait3A_77 : memref<1x10240x128xf32, #tpu.memory_space<hbm>> -> memref<10240x128xf32, #tpu.memory_space<hbm>>
      %dma_wait3A_79 = arith.constant 0 : i32
      %dma_wait3A_80 = tpu.memref_slice %dma_wait3A_78[%add3A_42, %dma_wait3A_79] : memref<10240x128xf32, #tpu.memory_space<hbm>> -> memref<128x128xf32, #tpu.memory_space<hbm>>
      %dma_wait3A_81 = arith.constant 0 : i32
      %dma_wait3A_82 = tpu.memref_slice %arg12[%add3A_38, %dma_wait3A_81] : memref<10240x128xf32, #tpu.memory_space<vmem_shared>> -> memref<128x128xf32, #tpu.memory_space<vmem_shared>>
      tpu.wait_dma2 semaphore(%run_scoped3A_67 : memref<!tpu.dma_semaphore, #tpu.memory_space<semaphore_mem>>) src(%dma_wait3A_82 : memref<128x128xf32, #tpu.memory_space<vmem_shared>>) dst(%dma_wait3A_80 : memref<128x128xf32, #tpu.memory_space<hbm>>)
      tpu.yield
    }) : () -> ()
    %mul3A_43 = arith.constant 640 : i32
    %mul3A_44 = arith.muli %arg1, %mul3A_43 : i32
    %add3A_45 = arith.constant 256 : i32
    %add3A_46 = arith.addi %mul3A_44, %add3A_45 : i32
    %mul3A_47 = arith.constant 640 : i32
    %mul3A_48 = arith.muli %arg1, %mul3A_47 : i32
    %add3A_49 = arith.constant 256 : i32
    %add3A_50 = arith.addi %mul3A_48, %add3A_49 : i32
    "tpu.region"() ({
      %run_scoped3A_67 = tpu.sem_alloc : memref<!tpu.dma_semaphore, #tpu.memory_space<semaphore_mem>>
      %dma_start3A_68 = arith.constant 0 : i32
      %dma_start3A_69 = arith.constant 0 : i32
      %dma_start3A_70 = tpu.memref_slice %arg6[%arg0, %dma_start3A_68, %dma_start3A_69] : memref<2x10240x128xf32, #tpu.memory_space<hbm>> -> memref<1x10240x128xf32, #tpu.memory_space<hbm>>
      %dma_start3A_71 = tpu.memref_squeeze %dma_start3A_70 : memref<1x10240x128xf32, #tpu.memory_space<hbm>> -> memref<10240x128xf32, #tpu.memory_space<hbm>>
      %dma_start3A_72 = arith.constant 0 : i32
      %dma_start3A_73 = tpu.memref_slice %dma_start3A_71[%add3A_50, %dma_start3A_72] : memref<10240x128xf32, #tpu.memory_space<hbm>> -> memref<128x128xf32, #tpu.memory_space<hbm>>
      %dma_start3A_74 = arith.constant 0 : i32
      %dma_start3A_75 = tpu.memref_slice %arg12[%add3A_46, %dma_start3A_74] : memref<10240x128xf32, #tpu.memory_space<vmem_shared>> -> memref<128x128xf32, #tpu.memory_space<vmem_shared>>
      tpu.enqueue_dma source(%dma_start3A_75 : memref<128x128xf32, #tpu.memory_space<vmem_shared>>) target(%dma_start3A_73 : memref<128x128xf32, #tpu.memory_space<hbm>>) target_semaphore(%run_scoped3A_67 : memref<!tpu.dma_semaphore, #tpu.memory_space<semaphore_mem>>)
      %dma_wait3A = arith.constant 0 : i32
      %dma_wait3A_76 = arith.constant 0 : i32
      %dma_wait3A_77 = tpu.memref_slice %arg6[%arg0, %dma_wait3A, %dma_wait3A_76] : memref<2x10240x128xf32, #tpu.memory_space<hbm>> -> memref<1x10240x128xf32, #tpu.memory_space<hbm>>
      %dma_wait3A_78 = tpu.memref_squeeze %dma_wait3A_77 : memref<1x10240x128xf32, #tpu.memory_space<hbm>> -> memref<10240x128xf32, #tpu.memory_space<hbm>>
      %dma_wait3A_79 = arith.constant 0 : i32
      %dma_wait3A_80 = tpu.memref_slice %dma_wait3A_78[%add3A_50, %dma_wait3A_79] : memref<10240x128xf32, #tpu.memory_space<hbm>> -> memref<128x128xf32, #tpu.memory_space<hbm>>
      %dma_wait3A_81 = arith.constant 0 : i32
      %dma_wait3A_82 = tpu.memref_slice %arg12[%add3A_46, %dma_wait3A_81] : memref<10240x128xf32, #tpu.memory_space<vmem_shared>> -> memref<128x128xf32, #tpu.memory_space<vmem_shared>>
      tpu.wait_dma2 semaphore(%run_scoped3A_67 : memref<!tpu.dma_semaphore, #tpu.memory_space<semaphore_mem>>) src(%dma_wait3A_82 : memref<128x128xf32, #tpu.memory_space<vmem_shared>>) dst(%dma_wait3A_80 : memref<128x128xf32, #tpu.memory_space<hbm>>)
      tpu.yield
    }) : () -> ()
    %mul3A_51 = arith.constant 640 : i32
    %mul3A_52 = arith.muli %arg1, %mul3A_51 : i32
    %add3A_53 = arith.constant 384 : i32
    %add3A_54 = arith.addi %mul3A_52, %add3A_53 : i32
    %mul3A_55 = arith.constant 640 : i32
    %mul3A_56 = arith.muli %arg1, %mul3A_55 : i32
    %add3A_57 = arith.constant 384 : i32
    %add3A_58 = arith.addi %mul3A_56, %add3A_57 : i32
    "tpu.region"() ({
      %run_scoped3A_67 = tpu.sem_alloc : memref<!tpu.dma_semaphore, #tpu.memory_space<semaphore_mem>>
      %dma_start3A_68 = arith.constant 0 : i32
      %dma_start3A_69 = arith.constant 0 : i32
      %dma_start3A_70 = tpu.memref_slice %arg6[%arg0, %dma_start3A_68, %dma_start3A_69] : memref<2x10240x128xf32, #tpu.memory_space<hbm>> -> memref<1x10240x128xf32, #tpu.memory_space<hbm>>
      %dma_start3A_71 = tpu.memref_squeeze %dma_start3A_70 : memref<1x10240x128xf32, #tpu.memory_space<hbm>> -> memref<10240x128xf32, #tpu.memory_space<hbm>>
      %dma_start3A_72 = arith.constant 0 : i32
      %dma_start3A_73 = tpu.memref_slice %dma_start3A_71[%add3A_58, %dma_start3A_72] : memref<10240x128xf32, #tpu.memory_space<hbm>> -> memref<128x128xf32, #tpu.memory_space<hbm>>
      %dma_start3A_74 = arith.constant 0 : i32
      %dma_start3A_75 = tpu.memref_slice %arg12[%add3A_54, %dma_start3A_74] : memref<10240x128xf32, #tpu.memory_space<vmem_shared>> -> memref<128x128xf32, #tpu.memory_space<vmem_shared>>
      tpu.enqueue_dma source(%dma_start3A_75 : memref<128x128xf32, #tpu.memory_space<vmem_shared>>) target(%dma_start3A_73 : memref<128x128xf32, #tpu.memory_space<hbm>>) target_semaphore(%run_scoped3A_67 : memref<!tpu.dma_semaphore, #tpu.memory_space<semaphore_mem>>)
      %dma_wait3A = arith.constant 0 : i32
      %dma_wait3A_76 = arith.constant 0 : i32
      %dma_wait3A_77 = tpu.memref_slice %arg6[%arg0, %dma_wait3A, %dma_wait3A_76] : memref<2x10240x128xf32, #tpu.memory_space<hbm>> -> memref<1x10240x128xf32, #tpu.memory_space<hbm>>
      %dma_wait3A_78 = tpu.memref_squeeze %dma_wait3A_77 : memref<1x10240x128xf32, #tpu.memory_space<hbm>> -> memref<10240x128xf32, #tpu.memory_space<hbm>>
      %dma_wait3A_79 = arith.constant 0 : i32
      %dma_wait3A_80 = tpu.memref_slice %dma_wait3A_78[%add3A_58, %dma_wait3A_79] : memref<10240x128xf32, #tpu.memory_space<hbm>> -> memref<128x128xf32, #tpu.memory_space<hbm>>
      %dma_wait3A_81 = arith.constant 0 : i32
      %dma_wait3A_82 = tpu.memref_slice %arg12[%add3A_54, %dma_wait3A_81] : memref<10240x128xf32, #tpu.memory_space<vmem_shared>> -> memref<128x128xf32, #tpu.memory_space<vmem_shared>>
      tpu.wait_dma2 semaphore(%run_scoped3A_67 : memref<!tpu.dma_semaphore, #tpu.memory_space<semaphore_mem>>) src(%dma_wait3A_82 : memref<128x128xf32, #tpu.memory_space<vmem_shared>>) dst(%dma_wait3A_80 : memref<128x128xf32, #tpu.memory_space<hbm>>)
      tpu.yield
    }) : () -> ()
    %mul3A_59 = arith.constant 640 : i32
    %mul3A_60 = arith.muli %arg1, %mul3A_59 : i32
    %add3A_61 = arith.constant 512 : i32
    %add3A_62 = arith.addi %mul3A_60, %add3A_61 : i32
    %mul3A_63 = arith.constant 640 : i32
    %mul3A_64 = arith.muli %arg1, %mul3A_63 : i32
    %add3A_65 = arith.constant 512 : i32
    %add3A_66 = arith.addi %mul3A_64, %add3A_65 : i32
    "tpu.region"() ({
      %run_scoped3A_67 = tpu.sem_alloc : memref<!tpu.dma_semaphore, #tpu.memory_space<semaphore_mem>>
      %dma_start3A_68 = arith.constant 0 : i32
      %dma_start3A_69 = arith.constant 0 : i32
      %dma_start3A_70 = tpu.memref_slice %arg6[%arg0, %dma_start3A_68, %dma_start3A_69] : memref<2x10240x128xf32, #tpu.memory_space<hbm>> -> memref<1x10240x128xf32, #tpu.memory_space<hbm>>
      %dma_start3A_71 = tpu.memref_squeeze %dma_start3A_70 : memref<1x10240x128xf32, #tpu.memory_space<hbm>> -> memref<10240x128xf32, #tpu.memory_space<hbm>>
      %dma_start3A_72 = arith.constant 0 : i32
      %dma_start3A_73 = tpu.memref_slice %dma_start3A_71[%add3A_66, %dma_start3A_72] : memref<10240x128xf32, #tpu.memory_space<hbm>> -> memref<128x128xf32, #tpu.memory_space<hbm>>
      %dma_start3A_74 = arith.constant 0 : i32
      %dma_start3A_75 = tpu.memref_slice %arg12[%add3A_62, %dma_start3A_74] : memref<10240x128xf32, #tpu.memory_space<vmem_shared>> -> memref<128x128xf32, #tpu.memory_space<vmem_shared>>
      tpu.enqueue_dma source(%dma_start3A_75 : memref<128x128xf32, #tpu.memory_space<vmem_shared>>) target(%dma_start3A_73 : memref<128x128xf32, #tpu.memory_space<hbm>>) target_semaphore(%run_scoped3A_67 : memref<!tpu.dma_semaphore, #tpu.memory_space<semaphore_mem>>)
      %dma_wait3A = arith.constant 0 : i32
      %dma_wait3A_76 = arith.constant 0 : i32
      %dma_wait3A_77 = tpu.memref_slice %arg6[%arg0, %dma_wait3A, %dma_wait3A_76] : memref<2x10240x128xf32, #tpu.memory_space<hbm>> -> memref<1x10240x128xf32, #tpu.memory_space<hbm>>
      %dma_wait3A_78 = tpu.memref_squeeze %dma_wait3A_77 : memref<1x10240x128xf32, #tpu.memory_space<hbm>> -> memref<10240x128xf32, #tpu.memory_space<hbm>>
      %dma_wait3A_79 = arith.constant 0 : i32
      %dma_wait3A_80 = tpu.memref_slice %dma_wait3A_78[%add3A_66, %dma_wait3A_79] : memref<10240x128xf32, #tpu.memory_space<hbm>> -> memref<128x128xf32, #tpu.memory_space<hbm>>
      %dma_wait3A_81 = arith.constant 0 : i32
      %dma_wait3A_82 = tpu.memref_slice %arg12[%add3A_62, %dma_wait3A_81] : memref<10240x128xf32, #tpu.memory_space<vmem_shared>> -> memref<128x128xf32, #tpu.memory_space<vmem_shared>>
      tpu.wait_dma2 semaphore(%run_scoped3A_67 : memref<!tpu.dma_semaphore, #tpu.memory_space<semaphore_mem>>) src(%dma_wait3A_82 : memref<128x128xf32, #tpu.memory_space<vmem_shared>>) dst(%dma_wait3A_80 : memref<128x128xf32, #tpu.memory_space<hbm>>)
      tpu.yield
    }) : () -> ()
    return
  }
}

#map = affine_map<(d0, d1) -> (0, 0, 0)>
#map1 = affine_map<(d0, d1) -> (0, 0)>
module attributes {stable_mosaic.version = 14 : i64} {
  func.func @_sc_deg_body(%arg0: i32, %arg1: i32, %arg2: memref<32x80x128xi32, #tpu.memory_space<hbm>>, %arg3: memref<640x16xf32, #tpu.memory_space<hbm>>, %arg4: memref<128x16xf32, #tpu.memory_space<hbm>>, %arg5: memref<2x10240x16xf32, #tpu.memory_space<hbm>>, %arg6: memref<80x128xi32, #tpu.memory_space<vmem>>, %arg7: memref<128x16xf32, #tpu.memory_space<vmem>>, %arg8: memref<10240x16xf32, #tpu.memory_space<vmem_shared>>, %arg9: memref<!tpu.dma_semaphore, #tpu.memory_space<semaphore_mem>>) attributes {dimension_semantics = [#tpu.dimension_semantics<core_parallel>, #tpu.dimension_semantics<subcore_parallel>], iteration_bounds = array<i64: 2, 16>, scalar_prefetch = 0 : i64, scratch_operands = 4 : i64, tpu.core_type = #tpu.core_type<sc_vector_subcore>, window_params = [{transform_indices = #map}, {transform_indices = #map1}, {transform_indices = #map1}, {transform_indices = #map}]} {
    %mul3A = arith.constant 16 : i32
    %mul3A_0 = arith.muli %arg0, %mul3A : i32
    %add3A = arith.addi %mul3A_0, %arg1 : i32
    %mul3A_1 = arith.constant 640 : i32
    %mul3A_2 = arith.muli %arg1, %mul3A_1 : i32
    "tpu.region"() ({
      %run_scoped3A = tpu.sem_alloc : memref<!tpu.dma_semaphore, #tpu.memory_space<semaphore_mem>>
      %dma_start3A = arith.constant 0 : i32
      %dma_start3A_50 = tpu.memref_slice %arg8[%mul3A_2, %dma_start3A] : memref<10240x16xf32, #tpu.memory_space<vmem_shared>> -> memref<640x16xf32, #tpu.memory_space<vmem_shared>>
      tpu.enqueue_dma source(%arg3 : memref<640x16xf32, #tpu.memory_space<hbm>>) target(%dma_start3A_50 : memref<640x16xf32, #tpu.memory_space<vmem_shared>>) target_semaphore(%run_scoped3A : memref<!tpu.dma_semaphore, #tpu.memory_space<semaphore_mem>>)
      %dma_wait3A = arith.constant 0 : i32
      %dma_wait3A_51 = tpu.memref_slice %arg8[%mul3A_2, %dma_wait3A] : memref<10240x16xf32, #tpu.memory_space<vmem_shared>> -> memref<640x16xf32, #tpu.memory_space<vmem_shared>>
      tpu.wait_dma2 semaphore(%run_scoped3A : memref<!tpu.dma_semaphore, #tpu.memory_space<semaphore_mem>>) src(%arg3 : memref<640x16xf32, #tpu.memory_space<hbm>>) dst(%dma_wait3A_51 : memref<640x16xf32, #tpu.memory_space<vmem_shared>>)
      tpu.yield
    }) : () -> ()
    "tpu.region"() ({
      %run_scoped3A = tpu.sem_alloc : memref<!tpu.dma_semaphore, #tpu.memory_space<semaphore_mem>>
      tpu.enqueue_dma source(%arg4 : memref<128x16xf32, #tpu.memory_space<hbm>>) target(%arg7 : memref<128x16xf32, #tpu.memory_space<vmem>>) target_semaphore(%run_scoped3A : memref<!tpu.dma_semaphore, #tpu.memory_space<semaphore_mem>>)
      tpu.wait_dma2 semaphore(%run_scoped3A : memref<!tpu.dma_semaphore, #tpu.memory_space<semaphore_mem>>) src(%arg4 : memref<128x16xf32, #tpu.memory_space<hbm>>) dst(%arg7 : memref<128x16xf32, #tpu.memory_space<vmem>>)
      tpu.yield
    }) : () -> ()
    %barrier3A = arith.constant 0 : index
    tpu.barrier barrier_id(%barrier3A)
    "tpu.region"() ({
      %run_scoped3A = tpu.sem_alloc : memref<!tpu.dma_semaphore, #tpu.memory_space<semaphore_mem>>
      %dma_start3A = arith.constant 0 : i32
      %dma_start3A_50 = arith.constant 0 : i32
      %dma_start3A_51 = tpu.memref_slice %arg2[%add3A, %dma_start3A, %dma_start3A_50] : memref<32x80x128xi32, #tpu.memory_space<hbm>> -> memref<1x80x128xi32, #tpu.memory_space<hbm>>
      %dma_start3A_52 = tpu.memref_squeeze %dma_start3A_51 : memref<1x80x128xi32, #tpu.memory_space<hbm>> -> memref<80x128xi32, #tpu.memory_space<hbm>>
      %dma_start3A_53 = arith.constant 0 : i32
      %dma_start3A_54 = arith.constant 0 : i32
      %dma_start3A_55 = tpu.memref_slice %arg2[%add3A, %dma_start3A_53, %dma_start3A_54] : memref<32x80x128xi32, #tpu.memory_space<hbm>> -> memref<1x80x128xi32, #tpu.memory_space<hbm>>
      %dma_start3A_56 = tpu.memref_squeeze %dma_start3A_55 : memref<1x80x128xi32, #tpu.memory_space<hbm>> -> memref<80x128xi32, #tpu.memory_space<hbm>>
      tpu.enqueue_dma source(%dma_start3A_56 : memref<80x128xi32, #tpu.memory_space<hbm>>) target(%arg6 : memref<80x128xi32, #tpu.memory_space<vmem>>) target_semaphore(%run_scoped3A : memref<!tpu.dma_semaphore, #tpu.memory_space<semaphore_mem>>)
      %dma_wait3A = arith.constant 0 : i32
      %dma_wait3A_57 = arith.constant 0 : i32
      %dma_wait3A_58 = tpu.memref_slice %arg2[%add3A, %dma_wait3A, %dma_wait3A_57] : memref<32x80x128xi32, #tpu.memory_space<hbm>> -> memref<1x80x128xi32, #tpu.memory_space<hbm>>
      %dma_wait3A_59 = tpu.memref_squeeze %dma_wait3A_58 : memref<1x80x128xi32, #tpu.memory_space<hbm>> -> memref<80x128xi32, #tpu.memory_space<hbm>>
      %dma_wait3A_60 = arith.constant 0 : i32
      %dma_wait3A_61 = arith.constant 0 : i32
      %dma_wait3A_62 = tpu.memref_slice %arg2[%add3A, %dma_wait3A_60, %dma_wait3A_61] : memref<32x80x128xi32, #tpu.memory_space<hbm>> -> memref<1x80x128xi32, #tpu.memory_space<hbm>>
      %dma_wait3A_63 = tpu.memref_squeeze %dma_wait3A_62 : memref<1x80x128xi32, #tpu.memory_space<hbm>> -> memref<80x128xi32, #tpu.memory_space<hbm>>
      tpu.wait_dma2 semaphore(%run_scoped3A : memref<!tpu.dma_semaphore, #tpu.memory_space<semaphore_mem>>) src(%dma_wait3A_63 : memref<80x128xi32, #tpu.memory_space<hbm>>) dst(%arg6 : memref<80x128xi32, #tpu.memory_space<vmem>>)
      tpu.yield
    }) : () -> ()
    %scan3A = arith.constant 0 : i32
    %scan3A_3 = arith.constant 0 : i32
    %scan3A_4 = arith.constant 80 : i32
    %scan3A_5 = arith.addi %scan3A_3, %scan3A_4 : i32
    %scan3A_6 = arith.constant 1 : i32
    %scan3A_7 = scf.for %scan3A_50 = %scan3A_3 to %scan3A_5 step %scan3A_6 iter_args(%scan3A_51 = %scan3A) -> (i32)  : i32 {
      "tpu.region"() ({
        %run_scoped3A = tpu.sem_alloc : memref<!tpu.dma_semaphore, #tpu.memory_space<semaphore_mem>>
        %dma_start3A = arith.constant 0 : i32
        %dma_start3A_53 = tpu.memref_slice %arg6[%scan3A_50, %dma_start3A] : memref<80x128xi32, #tpu.memory_space<vmem>> -> memref<1x128xi32, #tpu.memory_space<vmem>>
        %dma_start3A_54 = tpu.memref_squeeze %dma_start3A_53 : memref<1x128xi32, #tpu.memory_space<vmem>> -> memref<128xi32, #tpu.memory_space<vmem>>
        %dma_start3A_55 = arith.constant 0 : i32
        %dma_start3A_56 = arith.constant 0 : i32
        %dma_start3A_57 = tpu.memref_slice %arg8[%dma_start3A_55, %dma_start3A_56] : memref<10240x16xf32, #tpu.memory_space<vmem_shared>> -> memref<10240x16xf32, #tpu.memory_space<vmem_shared>>
        tpu.enqueue_indirect_dma source(%arg7 : memref<128x16xf32, #tpu.memory_space<vmem>>) target(%dma_start3A_57 : memref<10240x16xf32, #tpu.memory_space<vmem_shared>>) offsets(%dma_start3A_54 : memref<128xi32, #tpu.memory_space<vmem>>) semaphore(%run_scoped3A : memref<!tpu.dma_semaphore, #tpu.memory_space<semaphore_mem>>) {add = true}
        %dma_wait3A = arith.constant 0 : i32
        %dma_wait3A_58 = tpu.memref_slice %arg6[%scan3A_50, %dma_wait3A] : memref<80x128xi32, #tpu.memory_space<vmem>> -> memref<1x128xi32, #tpu.memory_space<vmem>>
        %dma_wait3A_59 = tpu.memref_squeeze %dma_wait3A_58 : memref<1x128xi32, #tpu.memory_space<vmem>> -> memref<128xi32, #tpu.memory_space<vmem>>
        %dma_wait3A_60 = arith.constant 0 : i32
        %dma_wait3A_61 = arith.constant 0 : i32
        %dma_wait3A_62 = tpu.memref_slice %arg8[%dma_wait3A_60, %dma_wait3A_61] : memref<10240x16xf32, #tpu.memory_space<vmem_shared>> -> memref<10240x16xf32, #tpu.memory_space<vmem_shared>>
        tpu.wait_indirect_dma semaphore(%run_scoped3A : memref<!tpu.dma_semaphore, #tpu.memory_space<semaphore_mem>>) src(%arg7 : memref<128x16xf32, #tpu.memory_space<vmem>>) dst(%dma_wait3A_62 : memref<10240x16xf32, #tpu.memory_space<vmem_shared>>)
        tpu.yield
      }) : () -> ()
      %scan3A_52 = arith.constant 0 : i32
      scf.yield %scan3A_52 : i32
    }
    %scan3A_8 = arith.constant 80 : i32
    %barrier3A_9 = arith.constant 0 : index
    tpu.barrier barrier_id(%barrier3A_9)
    %mul3A_10 = arith.constant 640 : i32
    %mul3A_11 = arith.muli %arg1, %mul3A_10 : i32
    %add3A_12 = arith.constant 0 : i32
    %add3A_13 = arith.addi %mul3A_11, %add3A_12 : i32
    %mul3A_14 = arith.constant 640 : i32
    %mul3A_15 = arith.muli %arg1, %mul3A_14 : i32
    %add3A_16 = arith.constant 0 : i32
    %add3A_17 = arith.addi %mul3A_15, %add3A_16 : i32
    "tpu.region"() ({
      %run_scoped3A = tpu.sem_alloc : memref<!tpu.dma_semaphore, #tpu.memory_space<semaphore_mem>>
      %dma_start3A = arith.constant 0 : i32
      %dma_start3A_50 = arith.constant 0 : i32
      %dma_start3A_51 = tpu.memref_slice %arg5[%arg0, %dma_start3A, %dma_start3A_50] : memref<2x10240x16xf32, #tpu.memory_space<hbm>> -> memref<1x10240x16xf32, #tpu.memory_space<hbm>>
      %dma_start3A_52 = tpu.memref_squeeze %dma_start3A_51 : memref<1x10240x16xf32, #tpu.memory_space<hbm>> -> memref<10240x16xf32, #tpu.memory_space<hbm>>
      %dma_start3A_53 = arith.constant 0 : i32
      %dma_start3A_54 = tpu.memref_slice %dma_start3A_52[%add3A_17, %dma_start3A_53] : memref<10240x16xf32, #tpu.memory_space<hbm>> -> memref<128x16xf32, #tpu.memory_space<hbm>>
      %dma_start3A_55 = arith.constant 0 : i32
      %dma_start3A_56 = tpu.memref_slice %arg8[%add3A_13, %dma_start3A_55] : memref<10240x16xf32, #tpu.memory_space<vmem_shared>> -> memref<128x16xf32, #tpu.memory_space<vmem_shared>>
      tpu.enqueue_dma source(%dma_start3A_56 : memref<128x16xf32, #tpu.memory_space<vmem_shared>>) target(%dma_start3A_54 : memref<128x16xf32, #tpu.memory_space<hbm>>) target_semaphore(%run_scoped3A : memref<!tpu.dma_semaphore, #tpu.memory_space<semaphore_mem>>)
      %dma_wait3A = arith.constant 0 : i32
      %dma_wait3A_57 = arith.constant 0 : i32
      %dma_wait3A_58 = tpu.memref_slice %arg5[%arg0, %dma_wait3A, %dma_wait3A_57] : memref<2x10240x16xf32, #tpu.memory_space<hbm>> -> memref<1x10240x16xf32, #tpu.memory_space<hbm>>
      %dma_wait3A_59 = tpu.memref_squeeze %dma_wait3A_58 : memref<1x10240x16xf32, #tpu.memory_space<hbm>> -> memref<10240x16xf32, #tpu.memory_space<hbm>>
      %dma_wait3A_60 = arith.constant 0 : i32
      %dma_wait3A_61 = tpu.memref_slice %dma_wait3A_59[%add3A_17, %dma_wait3A_60] : memref<10240x16xf32, #tpu.memory_space<hbm>> -> memref<128x16xf32, #tpu.memory_space<hbm>>
      %dma_wait3A_62 = arith.constant 0 : i32
      %dma_wait3A_63 = tpu.memref_slice %arg8[%add3A_13, %dma_wait3A_62] : memref<10240x16xf32, #tpu.memory_space<vmem_shared>> -> memref<128x16xf32, #tpu.memory_space<vmem_shared>>
      tpu.wait_dma2 semaphore(%run_scoped3A : memref<!tpu.dma_semaphore, #tpu.memory_space<semaphore_mem>>) src(%dma_wait3A_63 : memref<128x16xf32, #tpu.memory_space<vmem_shared>>) dst(%dma_wait3A_61 : memref<128x16xf32, #tpu.memory_space<hbm>>)
      tpu.yield
    }) : () -> ()
    %mul3A_18 = arith.constant 640 : i32
    %mul3A_19 = arith.muli %arg1, %mul3A_18 : i32
    %add3A_20 = arith.constant 128 : i32
    %add3A_21 = arith.addi %mul3A_19, %add3A_20 : i32
    %mul3A_22 = arith.constant 640 : i32
    %mul3A_23 = arith.muli %arg1, %mul3A_22 : i32
    %add3A_24 = arith.constant 128 : i32
    %add3A_25 = arith.addi %mul3A_23, %add3A_24 : i32
    "tpu.region"() ({
      %run_scoped3A = tpu.sem_alloc : memref<!tpu.dma_semaphore, #tpu.memory_space<semaphore_mem>>
      %dma_start3A = arith.constant 0 : i32
      %dma_start3A_50 = arith.constant 0 : i32
      %dma_start3A_51 = tpu.memref_slice %arg5[%arg0, %dma_start3A, %dma_start3A_50] : memref<2x10240x16xf32, #tpu.memory_space<hbm>> -> memref<1x10240x16xf32, #tpu.memory_space<hbm>>
      %dma_start3A_52 = tpu.memref_squeeze %dma_start3A_51 : memref<1x10240x16xf32, #tpu.memory_space<hbm>> -> memref<10240x16xf32, #tpu.memory_space<hbm>>
      %dma_start3A_53 = arith.constant 0 : i32
      %dma_start3A_54 = tpu.memref_slice %dma_start3A_52[%add3A_25, %dma_start3A_53] : memref<10240x16xf32, #tpu.memory_space<hbm>> -> memref<128x16xf32, #tpu.memory_space<hbm>>
      %dma_start3A_55 = arith.constant 0 : i32
      %dma_start3A_56 = tpu.memref_slice %arg8[%add3A_21, %dma_start3A_55] : memref<10240x16xf32, #tpu.memory_space<vmem_shared>> -> memref<128x16xf32, #tpu.memory_space<vmem_shared>>
      tpu.enqueue_dma source(%dma_start3A_56 : memref<128x16xf32, #tpu.memory_space<vmem_shared>>) target(%dma_start3A_54 : memref<128x16xf32, #tpu.memory_space<hbm>>) target_semaphore(%run_scoped3A : memref<!tpu.dma_semaphore, #tpu.memory_space<semaphore_mem>>)
      %dma_wait3A = arith.constant 0 : i32
      %dma_wait3A_57 = arith.constant 0 : i32
      %dma_wait3A_58 = tpu.memref_slice %arg5[%arg0, %dma_wait3A, %dma_wait3A_57] : memref<2x10240x16xf32, #tpu.memory_space<hbm>> -> memref<1x10240x16xf32, #tpu.memory_space<hbm>>
      %dma_wait3A_59 = tpu.memref_squeeze %dma_wait3A_58 : memref<1x10240x16xf32, #tpu.memory_space<hbm>> -> memref<10240x16xf32, #tpu.memory_space<hbm>>
      %dma_wait3A_60 = arith.constant 0 : i32
      %dma_wait3A_61 = tpu.memref_slice %dma_wait3A_59[%add3A_25, %dma_wait3A_60] : memref<10240x16xf32, #tpu.memory_space<hbm>> -> memref<128x16xf32, #tpu.memory_space<hbm>>
      %dma_wait3A_62 = arith.constant 0 : i32
      %dma_wait3A_63 = tpu.memref_slice %arg8[%add3A_21, %dma_wait3A_62] : memref<10240x16xf32, #tpu.memory_space<vmem_shared>> -> memref<128x16xf32, #tpu.memory_space<vmem_shared>>
      tpu.wait_dma2 semaphore(%run_scoped3A : memref<!tpu.dma_semaphore, #tpu.memory_space<semaphore_mem>>) src(%dma_wait3A_63 : memref<128x16xf32, #tpu.memory_space<vmem_shared>>) dst(%dma_wait3A_61 : memref<128x16xf32, #tpu.memory_space<hbm>>)
      tpu.yield
    }) : () -> ()
    %mul3A_26 = arith.constant 640 : i32
    %mul3A_27 = arith.muli %arg1, %mul3A_26 : i32
    %add3A_28 = arith.constant 256 : i32
    %add3A_29 = arith.addi %mul3A_27, %add3A_28 : i32
    %mul3A_30 = arith.constant 640 : i32
    %mul3A_31 = arith.muli %arg1, %mul3A_30 : i32
    %add3A_32 = arith.constant 256 : i32
    %add3A_33 = arith.addi %mul3A_31, %add3A_32 : i32
    "tpu.region"() ({
      %run_scoped3A = tpu.sem_alloc : memref<!tpu.dma_semaphore, #tpu.memory_space<semaphore_mem>>
      %dma_start3A = arith.constant 0 : i32
      %dma_start3A_50 = arith.constant 0 : i32
      %dma_start3A_51 = tpu.memref_slice %arg5[%arg0, %dma_start3A, %dma_start3A_50] : memref<2x10240x16xf32, #tpu.memory_space<hbm>> -> memref<1x10240x16xf32, #tpu.memory_space<hbm>>
      %dma_start3A_52 = tpu.memref_squeeze %dma_start3A_51 : memref<1x10240x16xf32, #tpu.memory_space<hbm>> -> memref<10240x16xf32, #tpu.memory_space<hbm>>
      %dma_start3A_53 = arith.constant 0 : i32
      %dma_start3A_54 = tpu.memref_slice %dma_start3A_52[%add3A_33, %dma_start3A_53] : memref<10240x16xf32, #tpu.memory_space<hbm>> -> memref<128x16xf32, #tpu.memory_space<hbm>>
      %dma_start3A_55 = arith.constant 0 : i32
      %dma_start3A_56 = tpu.memref_slice %arg8[%add3A_29, %dma_start3A_55] : memref<10240x16xf32, #tpu.memory_space<vmem_shared>> -> memref<128x16xf32, #tpu.memory_space<vmem_shared>>
      tpu.enqueue_dma source(%dma_start3A_56 : memref<128x16xf32, #tpu.memory_space<vmem_shared>>) target(%dma_start3A_54 : memref<128x16xf32, #tpu.memory_space<hbm>>) target_semaphore(%run_scoped3A : memref<!tpu.dma_semaphore, #tpu.memory_space<semaphore_mem>>)
      %dma_wait3A = arith.constant 0 : i32
      %dma_wait3A_57 = arith.constant 0 : i32
      %dma_wait3A_58 = tpu.memref_slice %arg5[%arg0, %dma_wait3A, %dma_wait3A_57] : memref<2x10240x16xf32, #tpu.memory_space<hbm>> -> memref<1x10240x16xf32, #tpu.memory_space<hbm>>
      %dma_wait3A_59 = tpu.memref_squeeze %dma_wait3A_58 : memref<1x10240x16xf32, #tpu.memory_space<hbm>> -> memref<10240x16xf32, #tpu.memory_space<hbm>>
      %dma_wait3A_60 = arith.constant 0 : i32
      %dma_wait3A_61 = tpu.memref_slice %dma_wait3A_59[%add3A_33, %dma_wait3A_60] : memref<10240x16xf32, #tpu.memory_space<hbm>> -> memref<128x16xf32, #tpu.memory_space<hbm>>
      %dma_wait3A_62 = arith.constant 0 : i32
      %dma_wait3A_63 = tpu.memref_slice %arg8[%add3A_29, %dma_wait3A_62] : memref<10240x16xf32, #tpu.memory_space<vmem_shared>> -> memref<128x16xf32, #tpu.memory_space<vmem_shared>>
      tpu.wait_dma2 semaphore(%run_scoped3A : memref<!tpu.dma_semaphore, #tpu.memory_space<semaphore_mem>>) src(%dma_wait3A_63 : memref<128x16xf32, #tpu.memory_space<vmem_shared>>) dst(%dma_wait3A_61 : memref<128x16xf32, #tpu.memory_space<hbm>>)
      tpu.yield
    }) : () -> ()
    %mul3A_34 = arith.constant 640 : i32
    %mul3A_35 = arith.muli %arg1, %mul3A_34 : i32
    %add3A_36 = arith.constant 384 : i32
    %add3A_37 = arith.addi %mul3A_35, %add3A_36 : i32
    %mul3A_38 = arith.constant 640 : i32
    %mul3A_39 = arith.muli %arg1, %mul3A_38 : i32
    %add3A_40 = arith.constant 384 : i32
    %add3A_41 = arith.addi %mul3A_39, %add3A_40 : i32
    "tpu.region"() ({
      %run_scoped3A = tpu.sem_alloc : memref<!tpu.dma_semaphore, #tpu.memory_space<semaphore_mem>>
      %dma_start3A = arith.constant 0 : i32
      %dma_start3A_50 = arith.constant 0 : i32
      %dma_start3A_51 = tpu.memref_slice %arg5[%arg0, %dma_start3A, %dma_start3A_50] : memref<2x10240x16xf32, #tpu.memory_space<hbm>> -> memref<1x10240x16xf32, #tpu.memory_space<hbm>>
      %dma_start3A_52 = tpu.memref_squeeze %dma_start3A_51 : memref<1x10240x16xf32, #tpu.memory_space<hbm>> -> memref<10240x16xf32, #tpu.memory_space<hbm>>
      %dma_start3A_53 = arith.constant 0 : i32
      %dma_start3A_54 = tpu.memref_slice %dma_start3A_52[%add3A_41, %dma_start3A_53] : memref<10240x16xf32, #tpu.memory_space<hbm>> -> memref<128x16xf32, #tpu.memory_space<hbm>>
      %dma_start3A_55 = arith.constant 0 : i32
      %dma_start3A_56 = tpu.memref_slice %arg8[%add3A_37, %dma_start3A_55] : memref<10240x16xf32, #tpu.memory_space<vmem_shared>> -> memref<128x16xf32, #tpu.memory_space<vmem_shared>>
      tpu.enqueue_dma source(%dma_start3A_56 : memref<128x16xf32, #tpu.memory_space<vmem_shared>>) target(%dma_start3A_54 : memref<128x16xf32, #tpu.memory_space<hbm>>) target_semaphore(%run_scoped3A : memref<!tpu.dma_semaphore, #tpu.memory_space<semaphore_mem>>)
      %dma_wait3A = arith.constant 0 : i32
      %dma_wait3A_57 = arith.constant 0 : i32
      %dma_wait3A_58 = tpu.memref_slice %arg5[%arg0, %dma_wait3A, %dma_wait3A_57] : memref<2x10240x16xf32, #tpu.memory_space<hbm>> -> memref<1x10240x16xf32, #tpu.memory_space<hbm>>
      %dma_wait3A_59 = tpu.memref_squeeze %dma_wait3A_58 : memref<1x10240x16xf32, #tpu.memory_space<hbm>> -> memref<10240x16xf32, #tpu.memory_space<hbm>>
      %dma_wait3A_60 = arith.constant 0 : i32
      %dma_wait3A_61 = tpu.memref_slice %dma_wait3A_59[%add3A_41, %dma_wait3A_60] : memref<10240x16xf32, #tpu.memory_space<hbm>> -> memref<128x16xf32, #tpu.memory_space<hbm>>
      %dma_wait3A_62 = arith.constant 0 : i32
      %dma_wait3A_63 = tpu.memref_slice %arg8[%add3A_37, %dma_wait3A_62] : memref<10240x16xf32, #tpu.memory_space<vmem_shared>> -> memref<128x16xf32, #tpu.memory_space<vmem_shared>>
      tpu.wait_dma2 semaphore(%run_scoped3A : memref<!tpu.dma_semaphore, #tpu.memory_space<semaphore_mem>>) src(%dma_wait3A_63 : memref<128x16xf32, #tpu.memory_space<vmem_shared>>) dst(%dma_wait3A_61 : memref<128x16xf32, #tpu.memory_space<hbm>>)
      tpu.yield
    }) : () -> ()
    %mul3A_42 = arith.constant 640 : i32
    %mul3A_43 = arith.muli %arg1, %mul3A_42 : i32
    %add3A_44 = arith.constant 512 : i32
    %add3A_45 = arith.addi %mul3A_43, %add3A_44 : i32
    %mul3A_46 = arith.constant 640 : i32
    %mul3A_47 = arith.muli %arg1, %mul3A_46 : i32
    %add3A_48 = arith.constant 512 : i32
    %add3A_49 = arith.addi %mul3A_47, %add3A_48 : i32
    "tpu.region"() ({
      %run_scoped3A = tpu.sem_alloc : memref<!tpu.dma_semaphore, #tpu.memory_space<semaphore_mem>>
      %dma_start3A = arith.constant 0 : i32
      %dma_start3A_50 = arith.constant 0 : i32
      %dma_start3A_51 = tpu.memref_slice %arg5[%arg0, %dma_start3A, %dma_start3A_50] : memref<2x10240x16xf32, #tpu.memory_space<hbm>> -> memref<1x10240x16xf32, #tpu.memory_space<hbm>>
      %dma_start3A_52 = tpu.memref_squeeze %dma_start3A_51 : memref<1x10240x16xf32, #tpu.memory_space<hbm>> -> memref<10240x16xf32, #tpu.memory_space<hbm>>
      %dma_start3A_53 = arith.constant 0 : i32
      %dma_start3A_54 = tpu.memref_slice %dma_start3A_52[%add3A_49, %dma_start3A_53] : memref<10240x16xf32, #tpu.memory_space<hbm>> -> memref<128x16xf32, #tpu.memory_space<hbm>>
      %dma_start3A_55 = arith.constant 0 : i32
      %dma_start3A_56 = tpu.memref_slice %arg8[%add3A_45, %dma_start3A_55] : memref<10240x16xf32, #tpu.memory_space<vmem_shared>> -> memref<128x16xf32, #tpu.memory_space<vmem_shared>>
      tpu.enqueue_dma source(%dma_start3A_56 : memref<128x16xf32, #tpu.memory_space<vmem_shared>>) target(%dma_start3A_54 : memref<128x16xf32, #tpu.memory_space<hbm>>) target_semaphore(%run_scoped3A : memref<!tpu.dma_semaphore, #tpu.memory_space<semaphore_mem>>)
      %dma_wait3A = arith.constant 0 : i32
      %dma_wait3A_57 = arith.constant 0 : i32
      %dma_wait3A_58 = tpu.memref_slice %arg5[%arg0, %dma_wait3A, %dma_wait3A_57] : memref<2x10240x16xf32, #tpu.memory_space<hbm>> -> memref<1x10240x16xf32, #tpu.memory_space<hbm>>
      %dma_wait3A_59 = tpu.memref_squeeze %dma_wait3A_58 : memref<1x10240x16xf32, #tpu.memory_space<hbm>> -> memref<10240x16xf32, #tpu.memory_space<hbm>>
      %dma_wait3A_60 = arith.constant 0 : i32
      %dma_wait3A_61 = tpu.memref_slice %dma_wait3A_59[%add3A_49, %dma_wait3A_60] : memref<10240x16xf32, #tpu.memory_space<hbm>> -> memref<128x16xf32, #tpu.memory_space<hbm>>
      %dma_wait3A_62 = arith.constant 0 : i32
      %dma_wait3A_63 = tpu.memref_slice %arg8[%add3A_45, %dma_wait3A_62] : memref<10240x16xf32, #tpu.memory_space<vmem_shared>> -> memref<128x16xf32, #tpu.memory_space<vmem_shared>>
      tpu.wait_dma2 semaphore(%run_scoped3A : memref<!tpu.dma_semaphore, #tpu.memory_space<semaphore_mem>>) src(%dma_wait3A_63 : memref<128x16xf32, #tpu.memory_space<vmem_shared>>) dst(%dma_wait3A_61 : memref<128x16xf32, #tpu.memory_space<hbm>>)
      tpu.yield
    }) : () -> ()
    return
  }
}

#map = affine_map<(d0, d1) -> (0, 0)>
#map1 = affine_map<(d0, d1) -> (0, 0, 0)>
module attributes {stable_mosaic.version = 14 : i64} {
  func.func @_sc_msg_body(%arg0: i32, %arg1: i32, %arg2: memref<10240x128xf32, #tpu.memory_space<hbm>>, %arg3: memref<32x80x128xi32, #tpu.memory_space<hbm>>, %arg4: memref<32x80x128xi32, #tpu.memory_space<hbm>>, %arg5: memref<640x128xf32, #tpu.memory_space<hbm>>, %arg6: memref<2x10240x128xf32, #tpu.memory_space<hbm>>, %arg7: memref<80x128xi32, #tpu.memory_space<vmem>>, %arg8: memref<128xi32, #tpu.memory_space<vmem>>, %arg9: memref<128xi32, #tpu.memory_space<vmem>>, %arg10: memref<128x128xf32, #tpu.memory_space<vmem>>, %arg11: memref<128x128xf32, #tpu.memory_space<vmem>>, %arg12: memref<10240x128xf32, #tpu.memory_space<vmem_shared>>, %arg13: memref<!tpu.dma_semaphore, #tpu.memory_space<semaphore_mem>>, %arg14: memref<!tpu.dma_semaphore, #tpu.memory_space<semaphore_mem>>, %arg15: memref<!tpu.dma_semaphore, #tpu.memory_space<semaphore_mem>>, %arg16: memref<!tpu.dma_semaphore, #tpu.memory_space<semaphore_mem>>, %arg17: memref<!tpu.dma_semaphore, #tpu.memory_space<semaphore_mem>>, %arg18: memref<!tpu.dma_semaphore, #tpu.memory_space<semaphore_mem>>) attributes {dimension_semantics = [#tpu.dimension_semantics<core_parallel>, #tpu.dimension_semantics<subcore_parallel>], iteration_bounds = array<i64: 2, 16>, scalar_prefetch = 0 : i64, scratch_operands = 12 : i64, tpu.core_type = #tpu.core_type<sc_vector_subcore>, window_params = [{transform_indices = #map}, {transform_indices = #map1}, {transform_indices = #map1}, {transform_indices = #map}, {transform_indices = #map1}]} {
    %mul3A = arith.constant 16 : i32
    %mul3A_0 = arith.muli %arg0, %mul3A : i32
    %add3A = arith.addi %mul3A_0, %arg1 : i32
    %mul3A_1 = arith.constant 640 : i32
    %mul3A_2 = arith.muli %arg1, %mul3A_1 : i32
    "tpu.region"() ({
      %run_scoped3A_67 = tpu.sem_alloc : memref<!tpu.dma_semaphore, #tpu.memory_space<semaphore_mem>>
      %dma_start3A_68 = arith.constant 0 : i32
      %dma_start3A_69 = tpu.memref_slice %arg12[%mul3A_2, %dma_start3A_68] : memref<10240x128xf32, #tpu.memory_space<vmem_shared>> -> memref<640x128xf32, #tpu.memory_space<vmem_shared>>
      tpu.enqueue_dma source(%arg5 : memref<640x128xf32, #tpu.memory_space<hbm>>) target(%dma_start3A_69 : memref<640x128xf32, #tpu.memory_space<vmem_shared>>) target_semaphore(%run_scoped3A_67 : memref<!tpu.dma_semaphore, #tpu.memory_space<semaphore_mem>>)
      %dma_wait3A = arith.constant 0 : i32
      %dma_wait3A_70 = tpu.memref_slice %arg12[%mul3A_2, %dma_wait3A] : memref<10240x128xf32, #tpu.memory_space<vmem_shared>> -> memref<640x128xf32, #tpu.memory_space<vmem_shared>>
      tpu.wait_dma2 semaphore(%run_scoped3A_67 : memref<!tpu.dma_semaphore, #tpu.memory_space<semaphore_mem>>) src(%arg5 : memref<640x128xf32, #tpu.memory_space<hbm>>) dst(%dma_wait3A_70 : memref<640x128xf32, #tpu.memory_space<vmem_shared>>)
      tpu.yield
    }) : () -> ()
    %barrier3A = arith.constant 0 : index
    tpu.barrier barrier_id(%barrier3A)
    "tpu.region"() ({
      %run_scoped3A_67 = tpu.sem_alloc : memref<!tpu.dma_semaphore, #tpu.memory_space<semaphore_mem>>
      %dma_start3A_68 = arith.constant 0 : i32
      %dma_start3A_69 = arith.constant 0 : i32
      %dma_start3A_70 = tpu.memref_slice %arg4[%add3A, %dma_start3A_68, %dma_start3A_69] : memref<32x80x128xi32, #tpu.memory_space<hbm>> -> memref<1x80x128xi32, #tpu.memory_space<hbm>>
      %dma_start3A_71 = tpu.memref_squeeze %dma_start3A_70 : memref<1x80x128xi32, #tpu.memory_space<hbm>> -> memref<80x128xi32, #tpu.memory_space<hbm>>
      %dma_start3A_72 = arith.constant 0 : i32
      %dma_start3A_73 = arith.constant 0 : i32
      %dma_start3A_74 = tpu.memref_slice %arg4[%add3A, %dma_start3A_72, %dma_start3A_73] : memref<32x80x128xi32, #tpu.memory_space<hbm>> -> memref<1x80x128xi32, #tpu.memory_space<hbm>>
      %dma_start3A_75 = tpu.memref_squeeze %dma_start3A_74 : memref<1x80x128xi32, #tpu.memory_space<hbm>> -> memref<80x128xi32, #tpu.memory_space<hbm>>
      tpu.enqueue_dma source(%dma_start3A_75 : memref<80x128xi32, #tpu.memory_space<hbm>>) target(%arg7 : memref<80x128xi32, #tpu.memory_space<vmem>>) target_semaphore(%run_scoped3A_67 : memref<!tpu.dma_semaphore, #tpu.memory_space<semaphore_mem>>)
      %dma_wait3A = arith.constant 0 : i32
      %dma_wait3A_76 = arith.constant 0 : i32
      %dma_wait3A_77 = tpu.memref_slice %arg4[%add3A, %dma_wait3A, %dma_wait3A_76] : memref<32x80x128xi32, #tpu.memory_space<hbm>> -> memref<1x80x128xi32, #tpu.memory_space<hbm>>
      %dma_wait3A_78 = tpu.memref_squeeze %dma_wait3A_77 : memref<1x80x128xi32, #tpu.memory_space<hbm>> -> memref<80x128xi32, #tpu.memory_space<hbm>>
      %dma_wait3A_79 = arith.constant 0 : i32
      %dma_wait3A_80 = arith.constant 0 : i32
      %dma_wait3A_81 = tpu.memref_slice %arg4[%add3A, %dma_wait3A_79, %dma_wait3A_80] : memref<32x80x128xi32, #tpu.memory_space<hbm>> -> memref<1x80x128xi32, #tpu.memory_space<hbm>>
      %dma_wait3A_82 = tpu.memref_squeeze %dma_wait3A_81 : memref<1x80x128xi32, #tpu.memory_space<hbm>> -> memref<80x128xi32, #tpu.memory_space<hbm>>
      tpu.wait_dma2 semaphore(%run_scoped3A_67 : memref<!tpu.dma_semaphore, #tpu.memory_space<semaphore_mem>>) src(%dma_wait3A_82 : memref<80x128xi32, #tpu.memory_space<hbm>>) dst(%arg7 : memref<80x128xi32, #tpu.memory_space<vmem>>)
      tpu.yield
    }) : () -> ()
    %run_scoped3A = arith.constant 0 : i32
    "tpu.region"() ({
      %run_scoped3A_67 = tpu.sem_alloc : memref<!tpu.dma_semaphore, #tpu.memory_space<semaphore_mem>>
      %dma_start3A_68 = arith.constant 0 : i32
      %dma_start3A_69 = arith.constant 0 : i32
      %dma_start3A_70 = tpu.memref_slice %arg3[%add3A, %dma_start3A_68, %dma_start3A_69] : memref<32x80x128xi32, #tpu.memory_space<hbm>> -> memref<1x80x128xi32, #tpu.memory_space<hbm>>
      %dma_start3A_71 = tpu.memref_squeeze %dma_start3A_70 : memref<1x80x128xi32, #tpu.memory_space<hbm>> -> memref<80x128xi32, #tpu.memory_space<hbm>>
      %dma_start3A_72 = arith.constant 0 : i32
      %dma_start3A_73 = tpu.memref_slice %dma_start3A_71[%run_scoped3A, %dma_start3A_72] : memref<80x128xi32, #tpu.memory_space<hbm>> -> memref<1x128xi32, #tpu.memory_space<hbm>>
      %dma_start3A_74 = tpu.memref_squeeze %dma_start3A_73 : memref<1x128xi32, #tpu.memory_space<hbm>> -> memref<128xi32, #tpu.memory_space<hbm>>
      %dma_start3A_75 = arith.constant 0 : i32
      %dma_start3A_76 = arith.constant 0 : i32
      %dma_start3A_77 = tpu.memref_slice %arg3[%add3A, %dma_start3A_75, %dma_start3A_76] : memref<32x80x128xi32, #tpu.memory_space<hbm>> -> memref<1x80x128xi32, #tpu.memory_space<hbm>>
      %dma_start3A_78 = tpu.memref_squeeze %dma_start3A_77 : memref<1x80x128xi32, #tpu.memory_space<hbm>> -> memref<80x128xi32, #tpu.memory_space<hbm>>
      %dma_start3A_79 = arith.constant 0 : i32
      %dma_start3A_80 = tpu.memref_slice %dma_start3A_78[%run_scoped3A, %dma_start3A_79] : memref<80x128xi32, #tpu.memory_space<hbm>> -> memref<1x128xi32, #tpu.memory_space<hbm>>
      %dma_start3A_81 = tpu.memref_squeeze %dma_start3A_80 : memref<1x128xi32, #tpu.memory_space<hbm>> -> memref<128xi32, #tpu.memory_space<hbm>>
      tpu.enqueue_dma source(%dma_start3A_81 : memref<128xi32, #tpu.memory_space<hbm>>) target(%arg8 : memref<128xi32, #tpu.memory_space<vmem>>) target_semaphore(%run_scoped3A_67 : memref<!tpu.dma_semaphore, #tpu.memory_space<semaphore_mem>>)
      %dma_wait3A = arith.constant 0 : i32
      %dma_wait3A_82 = arith.constant 0 : i32
      %dma_wait3A_83 = tpu.memref_slice %arg3[%add3A, %dma_wait3A, %dma_wait3A_82] : memref<32x80x128xi32, #tpu.memory_space<hbm>> -> memref<1x80x128xi32, #tpu.memory_space<hbm>>
      %dma_wait3A_84 = tpu.memref_squeeze %dma_wait3A_83 : memref<1x80x128xi32, #tpu.memory_space<hbm>> -> memref<80x128xi32, #tpu.memory_space<hbm>>
      %dma_wait3A_85 = arith.constant 0 : i32
      %dma_wait3A_86 = tpu.memref_slice %dma_wait3A_84[%run_scoped3A, %dma_wait3A_85] : memref<80x128xi32, #tpu.memory_space<hbm>> -> memref<1x128xi32, #tpu.memory_space<hbm>>
      %dma_wait3A_87 = tpu.memref_squeeze %dma_wait3A_86 : memref<1x128xi32, #tpu.memory_space<hbm>> -> memref<128xi32, #tpu.memory_space<hbm>>
      %dma_wait3A_88 = arith.constant 0 : i32
      %dma_wait3A_89 = arith.constant 0 : i32
      %dma_wait3A_90 = tpu.memref_slice %arg3[%add3A, %dma_wait3A_88, %dma_wait3A_89] : memref<32x80x128xi32, #tpu.memory_space<hbm>> -> memref<1x80x128xi32, #tpu.memory_space<hbm>>
      %dma_wait3A_91 = tpu.memref_squeeze %dma_wait3A_90 : memref<1x80x128xi32, #tpu.memory_space<hbm>> -> memref<80x128xi32, #tpu.memory_space<hbm>>
      %dma_wait3A_92 = arith.constant 0 : i32
      %dma_wait3A_93 = tpu.memref_slice %dma_wait3A_91[%run_scoped3A, %dma_wait3A_92] : memref<80x128xi32, #tpu.memory_space<hbm>> -> memref<1x128xi32, #tpu.memory_space<hbm>>
      %dma_wait3A_94 = tpu.memref_squeeze %dma_wait3A_93 : memref<1x128xi32, #tpu.memory_space<hbm>> -> memref<128xi32, #tpu.memory_space<hbm>>
      tpu.wait_dma2 semaphore(%run_scoped3A_67 : memref<!tpu.dma_semaphore, #tpu.memory_space<semaphore_mem>>) src(%dma_wait3A_94 : memref<128xi32, #tpu.memory_space<hbm>>) dst(%arg8 : memref<128xi32, #tpu.memory_space<vmem>>)
      tpu.yield
    }) : () -> ()
    %dma_start3A = arith.constant 0 : i32
    %dma_start3A_3 = arith.constant 0 : i32
    %dma_start3A_4 = tpu.memref_slice %arg2[%dma_start3A, %dma_start3A_3] : memref<10240x128xf32, #tpu.memory_space<hbm>> -> memref<10240x128xf32, #tpu.memory_space<hbm>>
    tpu.enqueue_indirect_dma source(%dma_start3A_4 : memref<10240x128xf32, #tpu.memory_space<hbm>>) target(%arg10 : memref<128x128xf32, #tpu.memory_space<vmem>>) offsets(%arg8 : memref<128xi32, #tpu.memory_space<vmem>>) semaphore(%arg13 : memref<!tpu.dma_semaphore, #tpu.memory_space<semaphore_mem>>)
    %dma_start3A_5 = arith.constant 1 : i32
    %dma_start3A_6 = arith.constant 0 : i32
    %dma_start3A_7 = arith.constant 0 : i32
    %dma_start3A_8 = tpu.memref_slice %arg3[%add3A, %dma_start3A_6, %dma_start3A_7] : memref<32x80x128xi32, #tpu.memory_space<hbm>> -> memref<1x80x128xi32, #tpu.memory_space<hbm>>
    %dma_start3A_9 = tpu.memref_squeeze %dma_start3A_8 : memref<1x80x128xi32, #tpu.memory_space<hbm>> -> memref<80x128xi32, #tpu.memory_space<hbm>>
    %dma_start3A_10 = arith.constant 0 : i32
    %dma_start3A_11 = tpu.memref_slice %dma_start3A_9[%dma_start3A_5, %dma_start3A_10] : memref<80x128xi32, #tpu.memory_space<hbm>> -> memref<1x128xi32, #tpu.memory_space<hbm>>
    %dma_start3A_12 = tpu.memref_squeeze %dma_start3A_11 : memref<1x128xi32, #tpu.memory_space<hbm>> -> memref<128xi32, #tpu.memory_space<hbm>>
    %dma_start3A_13 = arith.constant 0 : i32
    %dma_start3A_14 = arith.constant 0 : i32
    %dma_start3A_15 = tpu.memref_slice %arg3[%add3A, %dma_start3A_13, %dma_start3A_14] : memref<32x80x128xi32, #tpu.memory_space<hbm>> -> memref<1x80x128xi32, #tpu.memory_space<hbm>>
    %dma_start3A_16 = tpu.memref_squeeze %dma_start3A_15 : memref<1x80x128xi32, #tpu.memory_space<hbm>> -> memref<80x128xi32, #tpu.memory_space<hbm>>
    %dma_start3A_17 = arith.constant 0 : i32
    %dma_start3A_18 = tpu.memref_slice %dma_start3A_16[%dma_start3A_5, %dma_start3A_17] : memref<80x128xi32, #tpu.memory_space<hbm>> -> memref<1x128xi32, #tpu.memory_space<hbm>>
    %dma_start3A_19 = tpu.memref_squeeze %dma_start3A_18 : memref<1x128xi32, #tpu.memory_space<hbm>> -> memref<128xi32, #tpu.memory_space<hbm>>
    tpu.enqueue_dma source(%dma_start3A_19 : memref<128xi32, #tpu.memory_space<hbm>>) target(%arg9 : memref<128xi32, #tpu.memory_space<vmem>>) target_semaphore(%arg16 : memref<!tpu.dma_semaphore, #tpu.memory_space<semaphore_mem>>)
    %scan3A = arith.constant 0 : i32
    %scan3A_20 = arith.constant 0 : i32
    %scan3A_21 = arith.constant 40 : i32
    %scan3A_22 = arith.addi %scan3A_20, %scan3A_21 : i32
    %scan3A_23 = arith.constant 1 : i32
    %scan3A_24 = scf.for %scan3A_67 = %scan3A_20 to %scan3A_22 step %scan3A_23 iter_args(%scan3A_68 = %scan3A) -> (i32)  : i32 {
      %mul3A_69 = arith.constant 2 : i32
      %mul3A_70 = arith.muli %mul3A_69, %scan3A_67 : i32
      %add3A_71 = arith.constant 1 : i32
      %add3A_72 = arith.addi %mul3A_70, %add3A_71 : i32
      %lt3A = arith.constant 39 : i32
      %lt3A_73 = arith.cmpi slt, %scan3A_67, %lt3A : i32
      %dma_wait3A = arith.constant 0 : i32
      %dma_wait3A_74 = arith.constant 0 : i32
      %dma_wait3A_75 = tpu.memref_slice %arg2[%dma_wait3A, %dma_wait3A_74] : memref<10240x128xf32, #tpu.memory_space<hbm>> -> memref<10240x128xf32, #tpu.memory_space<hbm>>
      tpu.wait_indirect_dma semaphore(%arg13 : memref<!tpu.dma_semaphore, #tpu.memory_space<semaphore_mem>>) src(%dma_wait3A_75 : memref<10240x128xf32, #tpu.memory_space<hbm>>) dst(%arg10 : memref<128x128xf32, #tpu.memory_space<vmem>>)
      %dma_wait3A_76 = arith.constant 0 : i32
      %dma_wait3A_77 = arith.constant 0 : i32
      %dma_wait3A_78 = arith.constant 0 : i32
      %dma_wait3A_79 = tpu.memref_slice %arg3[%add3A, %dma_wait3A_77, %dma_wait3A_78] : memref<32x80x128xi32, #tpu.memory_space<hbm>> -> memref<1x80x128xi32, #tpu.memory_space<hbm>>
      %dma_wait3A_80 = tpu.memref_squeeze %dma_wait3A_79 : memref<1x80x128xi32, #tpu.memory_space<hbm>> -> memref<80x128xi32, #tpu.memory_space<hbm>>
      %dma_wait3A_81 = arith.constant 0 : i32
      %dma_wait3A_82 = tpu.memref_slice %dma_wait3A_80[%dma_wait3A_76, %dma_wait3A_81] : memref<80x128xi32, #tpu.memory_space<hbm>> -> memref<1x128xi32, #tpu.memory_space<hbm>>
      %dma_wait3A_83 = tpu.memref_squeeze %dma_wait3A_82 : memref<1x128xi32, #tpu.memory_space<hbm>> -> memref<128xi32, #tpu.memory_space<hbm>>
      %dma_wait3A_84 = arith.constant 0 : i32
      %dma_wait3A_85 = arith.constant 0 : i32
      %dma_wait3A_86 = tpu.memref_slice %arg3[%add3A, %dma_wait3A_84, %dma_wait3A_85] : memref<32x80x128xi32, #tpu.memory_space<hbm>> -> memref<1x80x128xi32, #tpu.memory_space<hbm>>
      %dma_wait3A_87 = tpu.memref_squeeze %dma_wait3A_86 : memref<1x80x128xi32, #tpu.memory_space<hbm>> -> memref<80x128xi32, #tpu.memory_space<hbm>>
      %dma_wait3A_88 = arith.constant 0 : i32
      %dma_wait3A_89 = tpu.memref_slice %dma_wait3A_87[%dma_wait3A_76, %dma_wait3A_88] : memref<80x128xi32, #tpu.memory_space<hbm>> -> memref<1x128xi32, #tpu.memory_space<hbm>>
      %dma_wait3A_90 = tpu.memref_squeeze %dma_wait3A_89 : memref<1x128xi32, #tpu.memory_space<hbm>> -> memref<128xi32, #tpu.memory_space<hbm>>
      tpu.wait_dma2 semaphore(%arg16 : memref<!tpu.dma_semaphore, #tpu.memory_space<semaphore_mem>>) src(%dma_wait3A_90 : memref<128xi32, #tpu.memory_space<hbm>>) dst(%arg9 : memref<128xi32, #tpu.memory_space<vmem>>)
      %dma_start3A_91 = arith.constant 0 : i32
      %dma_start3A_92 = arith.constant 0 : i32
      %dma_start3A_93 = tpu.memref_slice %arg2[%dma_start3A_91, %dma_start3A_92] : memref<10240x128xf32, #tpu.memory_space<hbm>> -> memref<10240x128xf32, #tpu.memory_space<hbm>>
      tpu.enqueue_indirect_dma source(%dma_start3A_93 : memref<10240x128xf32, #tpu.memory_space<hbm>>) target(%arg11 : memref<128x128xf32, #tpu.memory_space<vmem>>) offsets(%arg9 : memref<128xi32, #tpu.memory_space<vmem>>) semaphore(%arg14 : memref<!tpu.dma_semaphore, #tpu.memory_space<semaphore_mem>>)
      %convert_element_type3A = arith.extui %lt3A_73 : i1 to i32
      %cond3A = arith.constant 0 : i32
      %cond3A_94 = arith.cmpi ne, %convert_element_type3A, %cond3A : i32
      scf.if %cond3A_94 {
        %add3A_102 = arith.constant 2 : i32
        %add3A_103 = arith.addi %mul3A_70, %add3A_102 : i32
        %dma_start3A_104 = arith.constant 0 : i32
        %dma_start3A_105 = arith.constant 0 : i32
        %dma_start3A_106 = tpu.memref_slice %arg3[%add3A, %dma_start3A_104, %dma_start3A_105] : memref<32x80x128xi32, #tpu.memory_space<hbm>> -> memref<1x80x128xi32, #tpu.memory_space<hbm>>
        %dma_start3A_107 = tpu.memref_squeeze %dma_start3A_106 : memref<1x80x128xi32, #tpu.memory_space<hbm>> -> memref<80x128xi32, #tpu.memory_space<hbm>>
        %dma_start3A_108 = arith.constant 0 : i32
        %dma_start3A_109 = tpu.memref_slice %dma_start3A_107[%add3A_103, %dma_start3A_108] : memref<80x128xi32, #tpu.memory_space<hbm>> -> memref<1x128xi32, #tpu.memory_space<hbm>>
        %dma_start3A_110 = tpu.memref_squeeze %dma_start3A_109 : memref<1x128xi32, #tpu.memory_space<hbm>> -> memref<128xi32, #tpu.memory_space<hbm>>
        %dma_start3A_111 = arith.constant 0 : i32
        %dma_start3A_112 = arith.constant 0 : i32
        %dma_start3A_113 = tpu.memref_slice %arg3[%add3A, %dma_start3A_111, %dma_start3A_112] : memref<32x80x128xi32, #tpu.memory_space<hbm>> -> memref<1x80x128xi32, #tpu.memory_space<hbm>>
        %dma_start3A_114 = tpu.memref_squeeze %dma_start3A_113 : memref<1x80x128xi32, #tpu.memory_space<hbm>> -> memref<80x128xi32, #tpu.memory_space<hbm>>
        %dma_start3A_115 = arith.constant 0 : i32
        %dma_start3A_116 = tpu.memref_slice %dma_start3A_114[%add3A_103, %dma_start3A_115] : memref<80x128xi32, #tpu.memory_space<hbm>> -> memref<1x128xi32, #tpu.memory_space<hbm>>
        %dma_start3A_117 = tpu.memref_squeeze %dma_start3A_116 : memref<1x128xi32, #tpu.memory_space<hbm>> -> memref<128xi32, #tpu.memory_space<hbm>>
        tpu.enqueue_dma source(%dma_start3A_117 : memref<128xi32, #tpu.memory_space<hbm>>) target(%arg8 : memref<128xi32, #tpu.memory_space<vmem>>) target_semaphore(%arg15 : memref<!tpu.dma_semaphore, #tpu.memory_space<semaphore_mem>>)
      } else {
      }
      "tpu.region"() ({
        %run_scoped3A_102 = tpu.sem_alloc : memref<!tpu.dma_semaphore, #tpu.memory_space<semaphore_mem>>
        %dma_start3A_103 = arith.constant 0 : i32
        %dma_start3A_104 = tpu.memref_slice %arg7[%mul3A_70, %dma_start3A_103] : memref<80x128xi32, #tpu.memory_space<vmem>> -> memref<1x128xi32, #tpu.memory_space<vmem>>
        %dma_start3A_105 = tpu.memref_squeeze %dma_start3A_104 : memref<1x128xi32, #tpu.memory_space<vmem>> -> memref<128xi32, #tpu.memory_space<vmem>>
        %dma_start3A_106 = arith.constant 0 : i32
        %dma_start3A_107 = arith.constant 0 : i32
        %dma_start3A_108 = tpu.memref_slice %arg12[%dma_start3A_106, %dma_start3A_107] : memref<10240x128xf32, #tpu.memory_space<vmem_shared>> -> memref<10240x128xf32, #tpu.memory_space<vmem_shared>>
        tpu.enqueue_indirect_dma source(%arg10 : memref<128x128xf32, #tpu.memory_space<vmem>>) target(%dma_start3A_108 : memref<10240x128xf32, #tpu.memory_space<vmem_shared>>) offsets(%dma_start3A_105 : memref<128xi32, #tpu.memory_space<vmem>>) semaphore(%run_scoped3A_102 : memref<!tpu.dma_semaphore, #tpu.memory_space<semaphore_mem>>) {add = true}
        %dma_wait3A_109 = arith.constant 0 : i32
        %dma_wait3A_110 = tpu.memref_slice %arg7[%mul3A_70, %dma_wait3A_109] : memref<80x128xi32, #tpu.memory_space<vmem>> -> memref<1x128xi32, #tpu.memory_space<vmem>>
        %dma_wait3A_111 = tpu.memref_squeeze %dma_wait3A_110 : memref<1x128xi32, #tpu.memory_space<vmem>> -> memref<128xi32, #tpu.memory_space<vmem>>
        %dma_wait3A_112 = arith.constant 0 : i32
        %dma_wait3A_113 = arith.constant 0 : i32
        %dma_wait3A_114 = tpu.memref_slice %arg12[%dma_wait3A_112, %dma_wait3A_113] : memref<10240x128xf32, #tpu.memory_space<vmem_shared>> -> memref<10240x128xf32, #tpu.memory_space<vmem_shared>>
        tpu.wait_indirect_dma semaphore(%run_scoped3A_102 : memref<!tpu.dma_semaphore, #tpu.memory_space<semaphore_mem>>) src(%arg10 : memref<128x128xf32, #tpu.memory_space<vmem>>) dst(%dma_wait3A_114 : memref<10240x128xf32, #tpu.memory_space<vmem_shared>>)
        tpu.yield
      }) : () -> ()
      %dma_wait3A_95 = arith.constant 0 : i32
      %dma_wait3A_96 = arith.constant 0 : i32
      %dma_wait3A_97 = tpu.memref_slice %arg2[%dma_wait3A_95, %dma_wait3A_96] : memref<10240x128xf32, #tpu.memory_space<hbm>> -> memref<10240x128xf32, #tpu.memory_space<hbm>>
      tpu.wait_indirect_dma semaphore(%arg14 : memref<!tpu.dma_semaphore, #tpu.memory_space<semaphore_mem>>) src(%dma_wait3A_97 : memref<10240x128xf32, #tpu.memory_space<hbm>>) dst(%arg11 : memref<128x128xf32, #tpu.memory_space<vmem>>)
      %convert_element_type3A_98 = arith.extui %lt3A_73 : i1 to i32
      %cond3A_99 = arith.constant 0 : i32
      %cond3A_100 = arith.cmpi ne, %convert_element_type3A_98, %cond3A_99 : i32
      scf.if %cond3A_100 {
        %dma_wait3A_102 = arith.constant 0 : i32
        %dma_wait3A_103 = arith.constant 0 : i32
        %dma_wait3A_104 = arith.constant 0 : i32
        %dma_wait3A_105 = tpu.memref_slice %arg3[%add3A, %dma_wait3A_103, %dma_wait3A_104] : memref<32x80x128xi32, #tpu.memory_space<hbm>> -> memref<1x80x128xi32, #tpu.memory_space<hbm>>
        %dma_wait3A_106 = tpu.memref_squeeze %dma_wait3A_105 : memref<1x80x128xi32, #tpu.memory_space<hbm>> -> memref<80x128xi32, #tpu.memory_space<hbm>>
        %dma_wait3A_107 = arith.constant 0 : i32
        %dma_wait3A_108 = tpu.memref_slice %dma_wait3A_106[%dma_wait3A_102, %dma_wait3A_107] : memref<80x128xi32, #tpu.memory_space<hbm>> -> memref<1x128xi32, #tpu.memory_space<hbm>>
        %dma_wait3A_109 = tpu.memref_squeeze %dma_wait3A_108 : memref<1x128xi32, #tpu.memory_space<hbm>> -> memref<128xi32, #tpu.memory_space<hbm>>
        %dma_wait3A_110 = arith.constant 0 : i32
        %dma_wait3A_111 = arith.constant 0 : i32
        %dma_wait3A_112 = tpu.memref_slice %arg3[%add3A, %dma_wait3A_110, %dma_wait3A_111] : memref<32x80x128xi32, #tpu.memory_space<hbm>> -> memref<1x80x128xi32, #tpu.memory_space<hbm>>
        %dma_wait3A_113 = tpu.memref_squeeze %dma_wait3A_112 : memref<1x80x128xi32, #tpu.memory_space<hbm>> -> memref<80x128xi32, #tpu.memory_space<hbm>>
        %dma_wait3A_114 = arith.constant 0 : i32
        %dma_wait3A_115 = tpu.memref_slice %dma_wait3A_113[%dma_wait3A_102, %dma_wait3A_114] : memref<80x128xi32, #tpu.memory_space<hbm>> -> memref<1x128xi32, #tpu.memory_space<hbm>>
        %dma_wait3A_116 = tpu.memref_squeeze %dma_wait3A_115 : memref<1x128xi32, #tpu.memory_space<hbm>> -> memref<128xi32, #tpu.memory_space<hbm>>
        tpu.wait_dma2 semaphore(%arg15 : memref<!tpu.dma_semaphore, #tpu.memory_space<semaphore_mem>>) src(%dma_wait3A_116 : memref<128xi32, #tpu.memory_space<hbm>>) dst(%arg8 : memref<128xi32, #tpu.memory_space<vmem>>)
        %dma_start3A_117 = arith.constant 0 : i32
        %dma_start3A_118 = arith.constant 0 : i32
        %dma_start3A_119 = tpu.memref_slice %arg2[%dma_start3A_117, %dma_start3A_118] : memref<10240x128xf32, #tpu.memory_space<hbm>> -> memref<10240x128xf32, #tpu.memory_space<hbm>>
        tpu.enqueue_indirect_dma source(%dma_start3A_119 : memref<10240x128xf32, #tpu.memory_space<hbm>>) target(%arg10 : memref<128x128xf32, #tpu.memory_space<vmem>>) offsets(%arg8 : memref<128xi32, #tpu.memory_space<vmem>>) semaphore(%arg13 : memref<!tpu.dma_semaphore, #tpu.memory_space<semaphore_mem>>)
        %add3A_120 = arith.constant 2 : i32
        %add3A_121 = arith.addi %add3A_72, %add3A_120 : i32
        %dma_start3A_122 = arith.constant 0 : i32
        %dma_start3A_123 = arith.constant 0 : i32
        %dma_start3A_124 = tpu.memref_slice %arg3[%add3A, %dma_start3A_122, %dma_start3A_123] : memref<32x80x128xi32, #tpu.memory_space<hbm>> -> memref<1x80x128xi32, #tpu.memory_space<hbm>>
        %dma_start3A_125 = tpu.memref_squeeze %dma_start3A_124 : memref<1x80x128xi32, #tpu.memory_space<hbm>> -> memref<80x128xi32, #tpu.memory_space<hbm>>
        %dma_start3A_126 = arith.constant 0 : i32
        %dma_start3A_127 = tpu.memref_slice %dma_start3A_125[%add3A_121, %dma_start3A_126] : memref<80x128xi32, #tpu.memory_space<hbm>> -> memref<1x128xi32, #tpu.memory_space<hbm>>
        %dma_start3A_128 = tpu.memref_squeeze %dma_start3A_127 : memref<1x128xi32, #tpu.memory_space<hbm>> -> memref<128xi32, #tpu.memory_space<hbm>>
        %dma_start3A_129 = arith.constant 0 : i32
        %dma_start3A_130 = arith.constant 0 : i32
        %dma_start3A_131 = tpu.memref_slice %arg3[%add3A, %dma_start3A_129, %dma_start3A_130] : memref<32x80x128xi32, #tpu.memory_space<hbm>> -> memref<1x80x128xi32, #tpu.memory_space<hbm>>
        %dma_start3A_132 = tpu.memref_squeeze %dma_start3A_131 : memref<1x80x128xi32, #tpu.memory_space<hbm>> -> memref<80x128xi32, #tpu.memory_space<hbm>>
        %dma_start3A_133 = arith.constant 0 : i32
        %dma_start3A_134 = tpu.memref_slice %dma_start3A_132[%add3A_121, %dma_start3A_133] : memref<80x128xi32, #tpu.memory_space<hbm>> -> memref<1x128xi32, #tpu.memory_space<hbm>>
        %dma_start3A_135 = tpu.memref_squeeze %dma_start3A_134 : memref<1x128xi32, #tpu.memory_space<hbm>> -> memref<128xi32, #tpu.memory_space<hbm>>
        tpu.enqueue_dma source(%dma_start3A_135 : memref<128xi32, #tpu.memory_space<hbm>>) target(%arg9 : memref<128xi32, #tpu.memory_space<vmem>>) target_semaphore(%arg16 : memref<!tpu.dma_semaphore, #tpu.memory_space<semaphore_mem>>)
      } else {
      }
      "tpu.region"() ({
        %run_scoped3A_102 = tpu.sem_alloc : memref<!tpu.dma_semaphore, #tpu.memory_space<semaphore_mem>>
        %dma_start3A_103 = arith.constant 0 : i32
        %dma_start3A_104 = tpu.memref_slice %arg7[%add3A_72, %dma_start3A_103] : memref<80x128xi32, #tpu.memory_space<vmem>> -> memref<1x128xi32, #tpu.memory_space<vmem>>
        %dma_start3A_105 = tpu.memref_squeeze %dma_start3A_104 : memref<1x128xi32, #tpu.memory_space<vmem>> -> memref<128xi32, #tpu.memory_space<vmem>>
        %dma_start3A_106 = arith.constant 0 : i32
        %dma_start3A_107 = arith.constant 0 : i32
        %dma_start3A_108 = tpu.memref_slice %arg12[%dma_start3A_106, %dma_start3A_107] : memref<10240x128xf32, #tpu.memory_space<vmem_shared>> -> memref<10240x128xf32, #tpu.memory_space<vmem_shared>>
        tpu.enqueue_indirect_dma source(%arg11 : memref<128x128xf32, #tpu.memory_space<vmem>>) target(%dma_start3A_108 : memref<10240x128xf32, #tpu.memory_space<vmem_shared>>) offsets(%dma_start3A_105 : memref<128xi32, #tpu.memory_space<vmem>>) semaphore(%run_scoped3A_102 : memref<!tpu.dma_semaphore, #tpu.memory_space<semaphore_mem>>) {add = true}
        %dma_wait3A_109 = arith.constant 0 : i32
        %dma_wait3A_110 = tpu.memref_slice %arg7[%add3A_72, %dma_wait3A_109] : memref<80x128xi32, #tpu.memory_space<vmem>> -> memref<1x128xi32, #tpu.memory_space<vmem>>
        %dma_wait3A_111 = tpu.memref_squeeze %dma_wait3A_110 : memref<1x128xi32, #tpu.memory_space<vmem>> -> memref<128xi32, #tpu.memory_space<vmem>>
        %dma_wait3A_112 = arith.constant 0 : i32
        %dma_wait3A_113 = arith.constant 0 : i32
        %dma_wait3A_114 = tpu.memref_slice %arg12[%dma_wait3A_112, %dma_wait3A_113] : memref<10240x128xf32, #tpu.memory_space<vmem_shared>> -> memref<10240x128xf32, #tpu.memory_space<vmem_shared>>
        tpu.wait_indirect_dma semaphore(%run_scoped3A_102 : memref<!tpu.dma_semaphore, #tpu.memory_space<semaphore_mem>>) src(%arg11 : memref<128x128xf32, #tpu.memory_space<vmem>>) dst(%dma_wait3A_114 : memref<10240x128xf32, #tpu.memory_space<vmem_shared>>)
        tpu.yield
      }) : () -> ()
      %scan3A_101 = arith.constant 0 : i32
      scf.yield %scan3A_101 : i32
    }
    %scan3A_25 = arith.constant 40 : i32
    %barrier3A_26 = arith.constant 0 : index
    tpu.barrier barrier_id(%barrier3A_26)
    %mul3A_27 = arith.constant 640 : i32
    %mul3A_28 = arith.muli %arg1, %mul3A_27 : i32
    %add3A_29 = arith.constant 0 : i32
    %add3A_30 = arith.addi %mul3A_28, %add3A_29 : i32
    %mul3A_31 = arith.constant 640 : i32
    %mul3A_32 = arith.muli %arg1, %mul3A_31 : i32
    %add3A_33 = arith.constant 0 : i32
    %add3A_34 = arith.addi %mul3A_32, %add3A_33 : i32
    "tpu.region"() ({
      %run_scoped3A_67 = tpu.sem_alloc : memref<!tpu.dma_semaphore, #tpu.memory_space<semaphore_mem>>
      %dma_start3A_68 = arith.constant 0 : i32
      %dma_start3A_69 = arith.constant 0 : i32
      %dma_start3A_70 = tpu.memref_slice %arg6[%arg0, %dma_start3A_68, %dma_start3A_69] : memref<2x10240x128xf32, #tpu.memory_space<hbm>> -> memref<1x10240x128xf32, #tpu.memory_space<hbm>>
      %dma_start3A_71 = tpu.memref_squeeze %dma_start3A_70 : memref<1x10240x128xf32, #tpu.memory_space<hbm>> -> memref<10240x128xf32, #tpu.memory_space<hbm>>
      %dma_start3A_72 = arith.constant 0 : i32
      %dma_start3A_73 = tpu.memref_slice %dma_start3A_71[%add3A_34, %dma_start3A_72] : memref<10240x128xf32, #tpu.memory_space<hbm>> -> memref<128x128xf32, #tpu.memory_space<hbm>>
      %dma_start3A_74 = arith.constant 0 : i32
      %dma_start3A_75 = tpu.memref_slice %arg12[%add3A_30, %dma_start3A_74] : memref<10240x128xf32, #tpu.memory_space<vmem_shared>> -> memref<128x128xf32, #tpu.memory_space<vmem_shared>>
      tpu.enqueue_dma source(%dma_start3A_75 : memref<128x128xf32, #tpu.memory_space<vmem_shared>>) target(%dma_start3A_73 : memref<128x128xf32, #tpu.memory_space<hbm>>) target_semaphore(%run_scoped3A_67 : memref<!tpu.dma_semaphore, #tpu.memory_space<semaphore_mem>>)
      %dma_wait3A = arith.constant 0 : i32
      %dma_wait3A_76 = arith.constant 0 : i32
      %dma_wait3A_77 = tpu.memref_slice %arg6[%arg0, %dma_wait3A, %dma_wait3A_76] : memref<2x10240x128xf32, #tpu.memory_space<hbm>> -> memref<1x10240x128xf32, #tpu.memory_space<hbm>>
      %dma_wait3A_78 = tpu.memref_squeeze %dma_wait3A_77 : memref<1x10240x128xf32, #tpu.memory_space<hbm>> -> memref<10240x128xf32, #tpu.memory_space<hbm>>
      %dma_wait3A_79 = arith.constant 0 : i32
      %dma_wait3A_80 = tpu.memref_slice %dma_wait3A_78[%add3A_34, %dma_wait3A_79] : memref<10240x128xf32, #tpu.memory_space<hbm>> -> memref<128x128xf32, #tpu.memory_space<hbm>>
      %dma_wait3A_81 = arith.constant 0 : i32
      %dma_wait3A_82 = tpu.memref_slice %arg12[%add3A_30, %dma_wait3A_81] : memref<10240x128xf32, #tpu.memory_space<vmem_shared>> -> memref<128x128xf32, #tpu.memory_space<vmem_shared>>
      tpu.wait_dma2 semaphore(%run_scoped3A_67 : memref<!tpu.dma_semaphore, #tpu.memory_space<semaphore_mem>>) src(%dma_wait3A_82 : memref<128x128xf32, #tpu.memory_space<vmem_shared>>) dst(%dma_wait3A_80 : memref<128x128xf32, #tpu.memory_space<hbm>>)
      tpu.yield
    }) : () -> ()
    %mul3A_35 = arith.constant 640 : i32
    %mul3A_36 = arith.muli %arg1, %mul3A_35 : i32
    %add3A_37 = arith.constant 128 : i32
    %add3A_38 = arith.addi %mul3A_36, %add3A_37 : i32
    %mul3A_39 = arith.constant 640 : i32
    %mul3A_40 = arith.muli %arg1, %mul3A_39 : i32
    %add3A_41 = arith.constant 128 : i32
    %add3A_42 = arith.addi %mul3A_40, %add3A_41 : i32
    "tpu.region"() ({
      %run_scoped3A_67 = tpu.sem_alloc : memref<!tpu.dma_semaphore, #tpu.memory_space<semaphore_mem>>
      %dma_start3A_68 = arith.constant 0 : i32
      %dma_start3A_69 = arith.constant 0 : i32
      %dma_start3A_70 = tpu.memref_slice %arg6[%arg0, %dma_start3A_68, %dma_start3A_69] : memref<2x10240x128xf32, #tpu.memory_space<hbm>> -> memref<1x10240x128xf32, #tpu.memory_space<hbm>>
      %dma_start3A_71 = tpu.memref_squeeze %dma_start3A_70 : memref<1x10240x128xf32, #tpu.memory_space<hbm>> -> memref<10240x128xf32, #tpu.memory_space<hbm>>
      %dma_start3A_72 = arith.constant 0 : i32
      %dma_start3A_73 = tpu.memref_slice %dma_start3A_71[%add3A_42, %dma_start3A_72] : memref<10240x128xf32, #tpu.memory_space<hbm>> -> memref<128x128xf32, #tpu.memory_space<hbm>>
      %dma_start3A_74 = arith.constant 0 : i32
      %dma_start3A_75 = tpu.memref_slice %arg12[%add3A_38, %dma_start3A_74] : memref<10240x128xf32, #tpu.memory_space<vmem_shared>> -> memref<128x128xf32, #tpu.memory_space<vmem_shared>>
      tpu.enqueue_dma source(%dma_start3A_75 : memref<128x128xf32, #tpu.memory_space<vmem_shared>>) target(%dma_start3A_73 : memref<128x128xf32, #tpu.memory_space<hbm>>) target_semaphore(%run_scoped3A_67 : memref<!tpu.dma_semaphore, #tpu.memory_space<semaphore_mem>>)
      %dma_wait3A = arith.constant 0 : i32
      %dma_wait3A_76 = arith.constant 0 : i32
      %dma_wait3A_77 = tpu.memref_slice %arg6[%arg0, %dma_wait3A, %dma_wait3A_76] : memref<2x10240x128xf32, #tpu.memory_space<hbm>> -> memref<1x10240x128xf32, #tpu.memory_space<hbm>>
      %dma_wait3A_78 = tpu.memref_squeeze %dma_wait3A_77 : memref<1x10240x128xf32, #tpu.memory_space<hbm>> -> memref<10240x128xf32, #tpu.memory_space<hbm>>
      %dma_wait3A_79 = arith.constant 0 : i32
      %dma_wait3A_80 = tpu.memref_slice %dma_wait3A_78[%add3A_42, %dma_wait3A_79] : memref<10240x128xf32, #tpu.memory_space<hbm>> -> memref<128x128xf32, #tpu.memory_space<hbm>>
      %dma_wait3A_81 = arith.constant 0 : i32
      %dma_wait3A_82 = tpu.memref_slice %arg12[%add3A_38, %dma_wait3A_81] : memref<10240x128xf32, #tpu.memory_space<vmem_shared>> -> memref<128x128xf32, #tpu.memory_space<vmem_shared>>
      tpu.wait_dma2 semaphore(%run_scoped3A_67 : memref<!tpu.dma_semaphore, #tpu.memory_space<semaphore_mem>>) src(%dma_wait3A_82 : memref<128x128xf32, #tpu.memory_space<vmem_shared>>) dst(%dma_wait3A_80 : memref<128x128xf32, #tpu.memory_space<hbm>>)
      tpu.yield
    }) : () -> ()
    %mul3A_43 = arith.constant 640 : i32
    %mul3A_44 = arith.muli %arg1, %mul3A_43 : i32
    %add3A_45 = arith.constant 256 : i32
    %add3A_46 = arith.addi %mul3A_44, %add3A_45 : i32
    %mul3A_47 = arith.constant 640 : i32
    %mul3A_48 = arith.muli %arg1, %mul3A_47 : i32
    %add3A_49 = arith.constant 256 : i32
    %add3A_50 = arith.addi %mul3A_48, %add3A_49 : i32
    "tpu.region"() ({
      %run_scoped3A_67 = tpu.sem_alloc : memref<!tpu.dma_semaphore, #tpu.memory_space<semaphore_mem>>
      %dma_start3A_68 = arith.constant 0 : i32
      %dma_start3A_69 = arith.constant 0 : i32
      %dma_start3A_70 = tpu.memref_slice %arg6[%arg0, %dma_start3A_68, %dma_start3A_69] : memref<2x10240x128xf32, #tpu.memory_space<hbm>> -> memref<1x10240x128xf32, #tpu.memory_space<hbm>>
      %dma_start3A_71 = tpu.memref_squeeze %dma_start3A_70 : memref<1x10240x128xf32, #tpu.memory_space<hbm>> -> memref<10240x128xf32, #tpu.memory_space<hbm>>
      %dma_start3A_72 = arith.constant 0 : i32
      %dma_start3A_73 = tpu.memref_slice %dma_start3A_71[%add3A_50, %dma_start3A_72] : memref<10240x128xf32, #tpu.memory_space<hbm>> -> memref<128x128xf32, #tpu.memory_space<hbm>>
      %dma_start3A_74 = arith.constant 0 : i32
      %dma_start3A_75 = tpu.memref_slice %arg12[%add3A_46, %dma_start3A_74] : memref<10240x128xf32, #tpu.memory_space<vmem_shared>> -> memref<128x128xf32, #tpu.memory_space<vmem_shared>>
      tpu.enqueue_dma source(%dma_start3A_75 : memref<128x128xf32, #tpu.memory_space<vmem_shared>>) target(%dma_start3A_73 : memref<128x128xf32, #tpu.memory_space<hbm>>) target_semaphore(%run_scoped3A_67 : memref<!tpu.dma_semaphore, #tpu.memory_space<semaphore_mem>>)
      %dma_wait3A = arith.constant 0 : i32
      %dma_wait3A_76 = arith.constant 0 : i32
      %dma_wait3A_77 = tpu.memref_slice %arg6[%arg0, %dma_wait3A, %dma_wait3A_76] : memref<2x10240x128xf32, #tpu.memory_space<hbm>> -> memref<1x10240x128xf32, #tpu.memory_space<hbm>>
      %dma_wait3A_78 = tpu.memref_squeeze %dma_wait3A_77 : memref<1x10240x128xf32, #tpu.memory_space<hbm>> -> memref<10240x128xf32, #tpu.memory_space<hbm>>
      %dma_wait3A_79 = arith.constant 0 : i32
      %dma_wait3A_80 = tpu.memref_slice %dma_wait3A_78[%add3A_50, %dma_wait3A_79] : memref<10240x128xf32, #tpu.memory_space<hbm>> -> memref<128x128xf32, #tpu.memory_space<hbm>>
      %dma_wait3A_81 = arith.constant 0 : i32
      %dma_wait3A_82 = tpu.memref_slice %arg12[%add3A_46, %dma_wait3A_81] : memref<10240x128xf32, #tpu.memory_space<vmem_shared>> -> memref<128x128xf32, #tpu.memory_space<vmem_shared>>
      tpu.wait_dma2 semaphore(%run_scoped3A_67 : memref<!tpu.dma_semaphore, #tpu.memory_space<semaphore_mem>>) src(%dma_wait3A_82 : memref<128x128xf32, #tpu.memory_space<vmem_shared>>) dst(%dma_wait3A_80 : memref<128x128xf32, #tpu.memory_space<hbm>>)
      tpu.yield
    }) : () -> ()
    %mul3A_51 = arith.constant 640 : i32
    %mul3A_52 = arith.muli %arg1, %mul3A_51 : i32
    %add3A_53 = arith.constant 384 : i32
    %add3A_54 = arith.addi %mul3A_52, %add3A_53 : i32
    %mul3A_55 = arith.constant 640 : i32
    %mul3A_56 = arith.muli %arg1, %mul3A_55 : i32
    %add3A_57 = arith.constant 384 : i32
    %add3A_58 = arith.addi %mul3A_56, %add3A_57 : i32
    "tpu.region"() ({
      %run_scoped3A_67 = tpu.sem_alloc : memref<!tpu.dma_semaphore, #tpu.memory_space<semaphore_mem>>
      %dma_start3A_68 = arith.constant 0 : i32
      %dma_start3A_69 = arith.constant 0 : i32
      %dma_start3A_70 = tpu.memref_slice %arg6[%arg0, %dma_start3A_68, %dma_start3A_69] : memref<2x10240x128xf32, #tpu.memory_space<hbm>> -> memref<1x10240x128xf32, #tpu.memory_space<hbm>>
      %dma_start3A_71 = tpu.memref_squeeze %dma_start3A_70 : memref<1x10240x128xf32, #tpu.memory_space<hbm>> -> memref<10240x128xf32, #tpu.memory_space<hbm>>
      %dma_start3A_72 = arith.constant 0 : i32
      %dma_start3A_73 = tpu.memref_slice %dma_start3A_71[%add3A_58, %dma_start3A_72] : memref<10240x128xf32, #tpu.memory_space<hbm>> -> memref<128x128xf32, #tpu.memory_space<hbm>>
      %dma_start3A_74 = arith.constant 0 : i32
      %dma_start3A_75 = tpu.memref_slice %arg12[%add3A_54, %dma_start3A_74] : memref<10240x128xf32, #tpu.memory_space<vmem_shared>> -> memref<128x128xf32, #tpu.memory_space<vmem_shared>>
      tpu.enqueue_dma source(%dma_start3A_75 : memref<128x128xf32, #tpu.memory_space<vmem_shared>>) target(%dma_start3A_73 : memref<128x128xf32, #tpu.memory_space<hbm>>) target_semaphore(%run_scoped3A_67 : memref<!tpu.dma_semaphore, #tpu.memory_space<semaphore_mem>>)
      %dma_wait3A = arith.constant 0 : i32
      %dma_wait3A_76 = arith.constant 0 : i32
      %dma_wait3A_77 = tpu.memref_slice %arg6[%arg0, %dma_wait3A, %dma_wait3A_76] : memref<2x10240x128xf32, #tpu.memory_space<hbm>> -> memref<1x10240x128xf32, #tpu.memory_space<hbm>>
      %dma_wait3A_78 = tpu.memref_squeeze %dma_wait3A_77 : memref<1x10240x128xf32, #tpu.memory_space<hbm>> -> memref<10240x128xf32, #tpu.memory_space<hbm>>
      %dma_wait3A_79 = arith.constant 0 : i32
      %dma_wait3A_80 = tpu.memref_slice %dma_wait3A_78[%add3A_58, %dma_wait3A_79] : memref<10240x128xf32, #tpu.memory_space<hbm>> -> memref<128x128xf32, #tpu.memory_space<hbm>>
      %dma_wait3A_81 = arith.constant 0 : i32
      %dma_wait3A_82 = tpu.memref_slice %arg12[%add3A_54, %dma_wait3A_81] : memref<10240x128xf32, #tpu.memory_space<vmem_shared>> -> memref<128x128xf32, #tpu.memory_space<vmem_shared>>
      tpu.wait_dma2 semaphore(%run_scoped3A_67 : memref<!tpu.dma_semaphore, #tpu.memory_space<semaphore_mem>>) src(%dma_wait3A_82 : memref<128x128xf32, #tpu.memory_space<vmem_shared>>) dst(%dma_wait3A_80 : memref<128x128xf32, #tpu.memory_space<hbm>>)
      tpu.yield
    }) : () -> ()
    %mul3A_59 = arith.constant 640 : i32
    %mul3A_60 = arith.muli %arg1, %mul3A_59 : i32
    %add3A_61 = arith.constant 512 : i32
    %add3A_62 = arith.addi %mul3A_60, %add3A_61 : i32
    %mul3A_63 = arith.constant 640 : i32
    %mul3A_64 = arith.muli %arg1, %mul3A_63 : i32
    %add3A_65 = arith.constant 512 : i32
    %add3A_66 = arith.addi %mul3A_64, %add3A_65 : i32
    "tpu.region"() ({
      %run_scoped3A_67 = tpu.sem_alloc : memref<!tpu.dma_semaphore, #tpu.memory_space<semaphore_mem>>
      %dma_start3A_68 = arith.constant 0 : i32
      %dma_start3A_69 = arith.constant 0 : i32
      %dma_start3A_70 = tpu.memref_slice %arg6[%arg0, %dma_start3A_68, %dma_start3A_69] : memref<2x10240x128xf32, #tpu.memory_space<hbm>> -> memref<1x10240x128xf32, #tpu.memory_space<hbm>>
      %dma_start3A_71 = tpu.memref_squeeze %dma_start3A_70 : memref<1x10240x128xf32, #tpu.memory_space<hbm>> -> memref<10240x128xf32, #tpu.memory_space<hbm>>
      %dma_start3A_72 = arith.constant 0 : i32
      %dma_start3A_73 = tpu.memref_slice %dma_start3A_71[%add3A_66, %dma_start3A_72] : memref<10240x128xf32, #tpu.memory_space<hbm>> -> memref<128x128xf32, #tpu.memory_space<hbm>>
      %dma_start3A_74 = arith.constant 0 : i32
      %dma_start3A_75 = tpu.memref_slice %arg12[%add3A_62, %dma_start3A_74] : memref<10240x128xf32, #tpu.memory_space<vmem_shared>> -> memref<128x128xf32, #tpu.memory_space<vmem_shared>>
      tpu.enqueue_dma source(%dma_start3A_75 : memref<128x128xf32, #tpu.memory_space<vmem_shared>>) target(%dma_start3A_73 : memref<128x128xf32, #tpu.memory_space<hbm>>) target_semaphore(%run_scoped3A_67 : memref<!tpu.dma_semaphore, #tpu.memory_space<semaphore_mem>>)
      %dma_wait3A = arith.constant 0 : i32
      %dma_wait3A_76 = arith.constant 0 : i32
      %dma_wait3A_77 = tpu.memref_slice %arg6[%arg0, %dma_wait3A, %dma_wait3A_76] : memref<2x10240x128xf32, #tpu.memory_space<hbm>> -> memref<1x10240x128xf32, #tpu.memory_space<hbm>>
      %dma_wait3A_78 = tpu.memref_squeeze %dma_wait3A_77 : memref<1x10240x128xf32, #tpu.memory_space<hbm>> -> memref<10240x128xf32, #tpu.memory_space<hbm>>
      %dma_wait3A_79 = arith.constant 0 : i32
      %dma_wait3A_80 = tpu.memref_slice %dma_wait3A_78[%add3A_66, %dma_wait3A_79] : memref<10240x128xf32, #tpu.memory_space<hbm>> -> memref<128x128xf32, #tpu.memory_space<hbm>>
      %dma_wait3A_81 = arith.constant 0 : i32
      %dma_wait3A_82 = tpu.memref_slice %arg12[%add3A_62, %dma_wait3A_81] : memref<10240x128xf32, #tpu.memory_space<vmem_shared>> -> memref<128x128xf32, #tpu.memory_space<vmem_shared>>
      tpu.wait_dma2 semaphore(%run_scoped3A_67 : memref<!tpu.dma_semaphore, #tpu.memory_space<semaphore_mem>>) src(%dma_wait3A_82 : memref<128x128xf32, #tpu.memory_space<vmem_shared>>) dst(%dma_wait3A_80 : memref<128x128xf32, #tpu.memory_space<hbm>>)
      tpu.yield
    }) : () -> ()
    return
  }
}

#map = affine_map<(d0, d1) -> (0, 0)>
#map1 = affine_map<(d0, d1) -> (0, 0, 0)>
module attributes {stable_mosaic.version = 14 : i64} {
  func.func @_sc_msg_body(%arg0: i32, %arg1: i32, %arg2: memref<10240x128xf32, #tpu.memory_space<hbm>>, %arg3: memref<32x80x128xi32, #tpu.memory_space<hbm>>, %arg4: memref<32x80x128xi32, #tpu.memory_space<hbm>>, %arg5: memref<640x128xf32, #tpu.memory_space<hbm>>, %arg6: memref<2x10240x128xf32, #tpu.memory_space<hbm>>, %arg7: memref<80x128xi32, #tpu.memory_space<vmem>>, %arg8: memref<128xi32, #tpu.memory_space<vmem>>, %arg9: memref<128xi32, #tpu.memory_space<vmem>>, %arg10: memref<128x128xf32, #tpu.memory_space<vmem>>, %arg11: memref<128x128xf32, #tpu.memory_space<vmem>>, %arg12: memref<10240x128xf32, #tpu.memory_space<vmem_shared>>, %arg13: memref<!tpu.dma_semaphore, #tpu.memory_space<semaphore_mem>>, %arg14: memref<!tpu.dma_semaphore, #tpu.memory_space<semaphore_mem>>, %arg15: memref<!tpu.dma_semaphore, #tpu.memory_space<semaphore_mem>>, %arg16: memref<!tpu.dma_semaphore, #tpu.memory_space<semaphore_mem>>, %arg17: memref<!tpu.dma_semaphore, #tpu.memory_space<semaphore_mem>>, %arg18: memref<!tpu.dma_semaphore, #tpu.memory_space<semaphore_mem>>) attributes {dimension_semantics = [#tpu.dimension_semantics<core_parallel>, #tpu.dimension_semantics<subcore_parallel>], iteration_bounds = array<i64: 2, 16>, scalar_prefetch = 0 : i64, scratch_operands = 12 : i64, tpu.core_type = #tpu.core_type<sc_vector_subcore>, window_params = [{transform_indices = #map}, {transform_indices = #map1}, {transform_indices = #map1}, {transform_indices = #map}, {transform_indices = #map1}]} {
    %mul3A = arith.constant 16 : i32
    %mul3A_0 = arith.muli %arg0, %mul3A : i32
    %add3A = arith.addi %mul3A_0, %arg1 : i32
    %mul3A_1 = arith.constant 640 : i32
    %mul3A_2 = arith.muli %arg1, %mul3A_1 : i32
    "tpu.region"() ({
      %run_scoped3A_67 = tpu.sem_alloc : memref<!tpu.dma_semaphore, #tpu.memory_space<semaphore_mem>>
      %dma_start3A_68 = arith.constant 0 : i32
      %dma_start3A_69 = tpu.memref_slice %arg12[%mul3A_2, %dma_start3A_68] : memref<10240x128xf32, #tpu.memory_space<vmem_shared>> -> memref<640x128xf32, #tpu.memory_space<vmem_shared>>
      tpu.enqueue_dma source(%arg5 : memref<640x128xf32, #tpu.memory_space<hbm>>) target(%dma_start3A_69 : memref<640x128xf32, #tpu.memory_space<vmem_shared>>) target_semaphore(%run_scoped3A_67 : memref<!tpu.dma_semaphore, #tpu.memory_space<semaphore_mem>>)
      %dma_wait3A = arith.constant 0 : i32
      %dma_wait3A_70 = tpu.memref_slice %arg12[%mul3A_2, %dma_wait3A] : memref<10240x128xf32, #tpu.memory_space<vmem_shared>> -> memref<640x128xf32, #tpu.memory_space<vmem_shared>>
      tpu.wait_dma2 semaphore(%run_scoped3A_67 : memref<!tpu.dma_semaphore, #tpu.memory_space<semaphore_mem>>) src(%arg5 : memref<640x128xf32, #tpu.memory_space<hbm>>) dst(%dma_wait3A_70 : memref<640x128xf32, #tpu.memory_space<vmem_shared>>)
      tpu.yield
    }) : () -> ()
    %barrier3A = arith.constant 0 : index
    tpu.barrier barrier_id(%barrier3A)
    "tpu.region"() ({
      %run_scoped3A_67 = tpu.sem_alloc : memref<!tpu.dma_semaphore, #tpu.memory_space<semaphore_mem>>
      %dma_start3A_68 = arith.constant 0 : i32
      %dma_start3A_69 = arith.constant 0 : i32
      %dma_start3A_70 = tpu.memref_slice %arg4[%add3A, %dma_start3A_68, %dma_start3A_69] : memref<32x80x128xi32, #tpu.memory_space<hbm>> -> memref<1x80x128xi32, #tpu.memory_space<hbm>>
      %dma_start3A_71 = tpu.memref_squeeze %dma_start3A_70 : memref<1x80x128xi32, #tpu.memory_space<hbm>> -> memref<80x128xi32, #tpu.memory_space<hbm>>
      %dma_start3A_72 = arith.constant 0 : i32
      %dma_start3A_73 = arith.constant 0 : i32
      %dma_start3A_74 = tpu.memref_slice %arg4[%add3A, %dma_start3A_72, %dma_start3A_73] : memref<32x80x128xi32, #tpu.memory_space<hbm>> -> memref<1x80x128xi32, #tpu.memory_space<hbm>>
      %dma_start3A_75 = tpu.memref_squeeze %dma_start3A_74 : memref<1x80x128xi32, #tpu.memory_space<hbm>> -> memref<80x128xi32, #tpu.memory_space<hbm>>
      tpu.enqueue_dma source(%dma_start3A_75 : memref<80x128xi32, #tpu.memory_space<hbm>>) target(%arg7 : memref<80x128xi32, #tpu.memory_space<vmem>>) target_semaphore(%run_scoped3A_67 : memref<!tpu.dma_semaphore, #tpu.memory_space<semaphore_mem>>)
      %dma_wait3A = arith.constant 0 : i32
      %dma_wait3A_76 = arith.constant 0 : i32
      %dma_wait3A_77 = tpu.memref_slice %arg4[%add3A, %dma_wait3A, %dma_wait3A_76] : memref<32x80x128xi32, #tpu.memory_space<hbm>> -> memref<1x80x128xi32, #tpu.memory_space<hbm>>
      %dma_wait3A_78 = tpu.memref_squeeze %dma_wait3A_77 : memref<1x80x128xi32, #tpu.memory_space<hbm>> -> memref<80x128xi32, #tpu.memory_space<hbm>>
      %dma_wait3A_79 = arith.constant 0 : i32
      %dma_wait3A_80 = arith.constant 0 : i32
      %dma_wait3A_81 = tpu.memref_slice %arg4[%add3A, %dma_wait3A_79, %dma_wait3A_80] : memref<32x80x128xi32, #tpu.memory_space<hbm>> -> memref<1x80x128xi32, #tpu.memory_space<hbm>>
      %dma_wait3A_82 = tpu.memref_squeeze %dma_wait3A_81 : memref<1x80x128xi32, #tpu.memory_space<hbm>> -> memref<80x128xi32, #tpu.memory_space<hbm>>
      tpu.wait_dma2 semaphore(%run_scoped3A_67 : memref<!tpu.dma_semaphore, #tpu.memory_space<semaphore_mem>>) src(%dma_wait3A_82 : memref<80x128xi32, #tpu.memory_space<hbm>>) dst(%arg7 : memref<80x128xi32, #tpu.memory_space<vmem>>)
      tpu.yield
    }) : () -> ()
    %run_scoped3A = arith.constant 0 : i32
    "tpu.region"() ({
      %run_scoped3A_67 = tpu.sem_alloc : memref<!tpu.dma_semaphore, #tpu.memory_space<semaphore_mem>>
      %dma_start3A_68 = arith.constant 0 : i32
      %dma_start3A_69 = arith.constant 0 : i32
      %dma_start3A_70 = tpu.memref_slice %arg3[%add3A, %dma_start3A_68, %dma_start3A_69] : memref<32x80x128xi32, #tpu.memory_space<hbm>> -> memref<1x80x128xi32, #tpu.memory_space<hbm>>
      %dma_start3A_71 = tpu.memref_squeeze %dma_start3A_70 : memref<1x80x128xi32, #tpu.memory_space<hbm>> -> memref<80x128xi32, #tpu.memory_space<hbm>>
      %dma_start3A_72 = arith.constant 0 : i32
      %dma_start3A_73 = tpu.memref_slice %dma_start3A_71[%run_scoped3A, %dma_start3A_72] : memref<80x128xi32, #tpu.memory_space<hbm>> -> memref<1x128xi32, #tpu.memory_space<hbm>>
      %dma_start3A_74 = tpu.memref_squeeze %dma_start3A_73 : memref<1x128xi32, #tpu.memory_space<hbm>> -> memref<128xi32, #tpu.memory_space<hbm>>
      %dma_start3A_75 = arith.constant 0 : i32
      %dma_start3A_76 = arith.constant 0 : i32
      %dma_start3A_77 = tpu.memref_slice %arg3[%add3A, %dma_start3A_75, %dma_start3A_76] : memref<32x80x128xi32, #tpu.memory_space<hbm>> -> memref<1x80x128xi32, #tpu.memory_space<hbm>>
      %dma_start3A_78 = tpu.memref_squeeze %dma_start3A_77 : memref<1x80x128xi32, #tpu.memory_space<hbm>> -> memref<80x128xi32, #tpu.memory_space<hbm>>
      %dma_start3A_79 = arith.constant 0 : i32
      %dma_start3A_80 = tpu.memref_slice %dma_start3A_78[%run_scoped3A, %dma_start3A_79] : memref<80x128xi32, #tpu.memory_space<hbm>> -> memref<1x128xi32, #tpu.memory_space<hbm>>
      %dma_start3A_81 = tpu.memref_squeeze %dma_start3A_80 : memref<1x128xi32, #tpu.memory_space<hbm>> -> memref<128xi32, #tpu.memory_space<hbm>>
      tpu.enqueue_dma source(%dma_start3A_81 : memref<128xi32, #tpu.memory_space<hbm>>) target(%arg8 : memref<128xi32, #tpu.memory_space<vmem>>) target_semaphore(%run_scoped3A_67 : memref<!tpu.dma_semaphore, #tpu.memory_space<semaphore_mem>>)
      %dma_wait3A = arith.constant 0 : i32
      %dma_wait3A_82 = arith.constant 0 : i32
      %dma_wait3A_83 = tpu.memref_slice %arg3[%add3A, %dma_wait3A, %dma_wait3A_82] : memref<32x80x128xi32, #tpu.memory_space<hbm>> -> memref<1x80x128xi32, #tpu.memory_space<hbm>>
      %dma_wait3A_84 = tpu.memref_squeeze %dma_wait3A_83 : memref<1x80x128xi32, #tpu.memory_space<hbm>> -> memref<80x128xi32, #tpu.memory_space<hbm>>
      %dma_wait3A_85 = arith.constant 0 : i32
      %dma_wait3A_86 = tpu.memref_slice %dma_wait3A_84[%run_scoped3A, %dma_wait3A_85] : memref<80x128xi32, #tpu.memory_space<hbm>> -> memref<1x128xi32, #tpu.memory_space<hbm>>
      %dma_wait3A_87 = tpu.memref_squeeze %dma_wait3A_86 : memref<1x128xi32, #tpu.memory_space<hbm>> -> memref<128xi32, #tpu.memory_space<hbm>>
      %dma_wait3A_88 = arith.constant 0 : i32
      %dma_wait3A_89 = arith.constant 0 : i32
      %dma_wait3A_90 = tpu.memref_slice %arg3[%add3A, %dma_wait3A_88, %dma_wait3A_89] : memref<32x80x128xi32, #tpu.memory_space<hbm>> -> memref<1x80x128xi32, #tpu.memory_space<hbm>>
      %dma_wait3A_91 = tpu.memref_squeeze %dma_wait3A_90 : memref<1x80x128xi32, #tpu.memory_space<hbm>> -> memref<80x128xi32, #tpu.memory_space<hbm>>
      %dma_wait3A_92 = arith.constant 0 : i32
      %dma_wait3A_93 = tpu.memref_slice %dma_wait3A_91[%run_scoped3A, %dma_wait3A_92] : memref<80x128xi32, #tpu.memory_space<hbm>> -> memref<1x128xi32, #tpu.memory_space<hbm>>
      %dma_wait3A_94 = tpu.memref_squeeze %dma_wait3A_93 : memref<1x128xi32, #tpu.memory_space<hbm>> -> memref<128xi32, #tpu.memory_space<hbm>>
      tpu.wait_dma2 semaphore(%run_scoped3A_67 : memref<!tpu.dma_semaphore, #tpu.memory_space<semaphore_mem>>) src(%dma_wait3A_94 : memref<128xi32, #tpu.memory_space<hbm>>) dst(%arg8 : memref<128xi32, #tpu.memory_space<vmem>>)
      tpu.yield
    }) : () -> ()
    %dma_start3A = arith.constant 0 : i32
    %dma_start3A_3 = arith.constant 0 : i32
    %dma_start3A_4 = tpu.memref_slice %arg2[%dma_start3A, %dma_start3A_3] : memref<10240x128xf32, #tpu.memory_space<hbm>> -> memref<10240x128xf32, #tpu.memory_space<hbm>>
    tpu.enqueue_indirect_dma source(%dma_start3A_4 : memref<10240x128xf32, #tpu.memory_space<hbm>>) target(%arg10 : memref<128x128xf32, #tpu.memory_space<vmem>>) offsets(%arg8 : memref<128xi32, #tpu.memory_space<vmem>>) semaphore(%arg13 : memref<!tpu.dma_semaphore, #tpu.memory_space<semaphore_mem>>)
    %dma_start3A_5 = arith.constant 1 : i32
    %dma_start3A_6 = arith.constant 0 : i32
    %dma_start3A_7 = arith.constant 0 : i32
    %dma_start3A_8 = tpu.memref_slice %arg3[%add3A, %dma_start3A_6, %dma_start3A_7] : memref<32x80x128xi32, #tpu.memory_space<hbm>> -> memref<1x80x128xi32, #tpu.memory_space<hbm>>
    %dma_start3A_9 = tpu.memref_squeeze %dma_start3A_8 : memref<1x80x128xi32, #tpu.memory_space<hbm>> -> memref<80x128xi32, #tpu.memory_space<hbm>>
    %dma_start3A_10 = arith.constant 0 : i32
    %dma_start3A_11 = tpu.memref_slice %dma_start3A_9[%dma_start3A_5, %dma_start3A_10] : memref<80x128xi32, #tpu.memory_space<hbm>> -> memref<1x128xi32, #tpu.memory_space<hbm>>
    %dma_start3A_12 = tpu.memref_squeeze %dma_start3A_11 : memref<1x128xi32, #tpu.memory_space<hbm>> -> memref<128xi32, #tpu.memory_space<hbm>>
    %dma_start3A_13 = arith.constant 0 : i32
    %dma_start3A_14 = arith.constant 0 : i32
    %dma_start3A_15 = tpu.memref_slice %arg3[%add3A, %dma_start3A_13, %dma_start3A_14] : memref<32x80x128xi32, #tpu.memory_space<hbm>> -> memref<1x80x128xi32, #tpu.memory_space<hbm>>
    %dma_start3A_16 = tpu.memref_squeeze %dma_start3A_15 : memref<1x80x128xi32, #tpu.memory_space<hbm>> -> memref<80x128xi32, #tpu.memory_space<hbm>>
    %dma_start3A_17 = arith.constant 0 : i32
    %dma_start3A_18 = tpu.memref_slice %dma_start3A_16[%dma_start3A_5, %dma_start3A_17] : memref<80x128xi32, #tpu.memory_space<hbm>> -> memref<1x128xi32, #tpu.memory_space<hbm>>
    %dma_start3A_19 = tpu.memref_squeeze %dma_start3A_18 : memref<1x128xi32, #tpu.memory_space<hbm>> -> memref<128xi32, #tpu.memory_space<hbm>>
    tpu.enqueue_dma source(%dma_start3A_19 : memref<128xi32, #tpu.memory_space<hbm>>) target(%arg9 : memref<128xi32, #tpu.memory_space<vmem>>) target_semaphore(%arg16 : memref<!tpu.dma_semaphore, #tpu.memory_space<semaphore_mem>>)
    %scan3A = arith.constant 0 : i32
    %scan3A_20 = arith.constant 0 : i32
    %scan3A_21 = arith.constant 40 : i32
    %scan3A_22 = arith.addi %scan3A_20, %scan3A_21 : i32
    %scan3A_23 = arith.constant 1 : i32
    %scan3A_24 = scf.for %scan3A_67 = %scan3A_20 to %scan3A_22 step %scan3A_23 iter_args(%scan3A_68 = %scan3A) -> (i32)  : i32 {
      %mul3A_69 = arith.constant 2 : i32
      %mul3A_70 = arith.muli %mul3A_69, %scan3A_67 : i32
      %add3A_71 = arith.constant 1 : i32
      %add3A_72 = arith.addi %mul3A_70, %add3A_71 : i32
      %lt3A = arith.constant 39 : i32
      %lt3A_73 = arith.cmpi slt, %scan3A_67, %lt3A : i32
      %dma_wait3A = arith.constant 0 : i32
      %dma_wait3A_74 = arith.constant 0 : i32
      %dma_wait3A_75 = tpu.memref_slice %arg2[%dma_wait3A, %dma_wait3A_74] : memref<10240x128xf32, #tpu.memory_space<hbm>> -> memref<10240x128xf32, #tpu.memory_space<hbm>>
      tpu.wait_indirect_dma semaphore(%arg13 : memref<!tpu.dma_semaphore, #tpu.memory_space<semaphore_mem>>) src(%dma_wait3A_75 : memref<10240x128xf32, #tpu.memory_space<hbm>>) dst(%arg10 : memref<128x128xf32, #tpu.memory_space<vmem>>)
      %dma_wait3A_76 = arith.constant 0 : i32
      %dma_wait3A_77 = arith.constant 0 : i32
      %dma_wait3A_78 = arith.constant 0 : i32
      %dma_wait3A_79 = tpu.memref_slice %arg3[%add3A, %dma_wait3A_77, %dma_wait3A_78] : memref<32x80x128xi32, #tpu.memory_space<hbm>> -> memref<1x80x128xi32, #tpu.memory_space<hbm>>
      %dma_wait3A_80 = tpu.memref_squeeze %dma_wait3A_79 : memref<1x80x128xi32, #tpu.memory_space<hbm>> -> memref<80x128xi32, #tpu.memory_space<hbm>>
      %dma_wait3A_81 = arith.constant 0 : i32
      %dma_wait3A_82 = tpu.memref_slice %dma_wait3A_80[%dma_wait3A_76, %dma_wait3A_81] : memref<80x128xi32, #tpu.memory_space<hbm>> -> memref<1x128xi32, #tpu.memory_space<hbm>>
      %dma_wait3A_83 = tpu.memref_squeeze %dma_wait3A_82 : memref<1x128xi32, #tpu.memory_space<hbm>> -> memref<128xi32, #tpu.memory_space<hbm>>
      %dma_wait3A_84 = arith.constant 0 : i32
      %dma_wait3A_85 = arith.constant 0 : i32
      %dma_wait3A_86 = tpu.memref_slice %arg3[%add3A, %dma_wait3A_84, %dma_wait3A_85] : memref<32x80x128xi32, #tpu.memory_space<hbm>> -> memref<1x80x128xi32, #tpu.memory_space<hbm>>
      %dma_wait3A_87 = tpu.memref_squeeze %dma_wait3A_86 : memref<1x80x128xi32, #tpu.memory_space<hbm>> -> memref<80x128xi32, #tpu.memory_space<hbm>>
      %dma_wait3A_88 = arith.constant 0 : i32
      %dma_wait3A_89 = tpu.memref_slice %dma_wait3A_87[%dma_wait3A_76, %dma_wait3A_88] : memref<80x128xi32, #tpu.memory_space<hbm>> -> memref<1x128xi32, #tpu.memory_space<hbm>>
      %dma_wait3A_90 = tpu.memref_squeeze %dma_wait3A_89 : memref<1x128xi32, #tpu.memory_space<hbm>> -> memref<128xi32, #tpu.memory_space<hbm>>
      tpu.wait_dma2 semaphore(%arg16 : memref<!tpu.dma_semaphore, #tpu.memory_space<semaphore_mem>>) src(%dma_wait3A_90 : memref<128xi32, #tpu.memory_space<hbm>>) dst(%arg9 : memref<128xi32, #tpu.memory_space<vmem>>)
      %dma_start3A_91 = arith.constant 0 : i32
      %dma_start3A_92 = arith.constant 0 : i32
      %dma_start3A_93 = tpu.memref_slice %arg2[%dma_start3A_91, %dma_start3A_92] : memref<10240x128xf32, #tpu.memory_space<hbm>> -> memref<10240x128xf32, #tpu.memory_space<hbm>>
      tpu.enqueue_indirect_dma source(%dma_start3A_93 : memref<10240x128xf32, #tpu.memory_space<hbm>>) target(%arg11 : memref<128x128xf32, #tpu.memory_space<vmem>>) offsets(%arg9 : memref<128xi32, #tpu.memory_space<vmem>>) semaphore(%arg14 : memref<!tpu.dma_semaphore, #tpu.memory_space<semaphore_mem>>)
      %convert_element_type3A = arith.extui %lt3A_73 : i1 to i32
      %cond3A = arith.constant 0 : i32
      %cond3A_94 = arith.cmpi ne, %convert_element_type3A, %cond3A : i32
      scf.if %cond3A_94 {
        %add3A_102 = arith.constant 2 : i32
        %add3A_103 = arith.addi %mul3A_70, %add3A_102 : i32
        %dma_start3A_104 = arith.constant 0 : i32
        %dma_start3A_105 = arith.constant 0 : i32
        %dma_start3A_106 = tpu.memref_slice %arg3[%add3A, %dma_start3A_104, %dma_start3A_105] : memref<32x80x128xi32, #tpu.memory_space<hbm>> -> memref<1x80x128xi32, #tpu.memory_space<hbm>>
        %dma_start3A_107 = tpu.memref_squeeze %dma_start3A_106 : memref<1x80x128xi32, #tpu.memory_space<hbm>> -> memref<80x128xi32, #tpu.memory_space<hbm>>
        %dma_start3A_108 = arith.constant 0 : i32
        %dma_start3A_109 = tpu.memref_slice %dma_start3A_107[%add3A_103, %dma_start3A_108] : memref<80x128xi32, #tpu.memory_space<hbm>> -> memref<1x128xi32, #tpu.memory_space<hbm>>
        %dma_start3A_110 = tpu.memref_squeeze %dma_start3A_109 : memref<1x128xi32, #tpu.memory_space<hbm>> -> memref<128xi32, #tpu.memory_space<hbm>>
        %dma_start3A_111 = arith.constant 0 : i32
        %dma_start3A_112 = arith.constant 0 : i32
        %dma_start3A_113 = tpu.memref_slice %arg3[%add3A, %dma_start3A_111, %dma_start3A_112] : memref<32x80x128xi32, #tpu.memory_space<hbm>> -> memref<1x80x128xi32, #tpu.memory_space<hbm>>
        %dma_start3A_114 = tpu.memref_squeeze %dma_start3A_113 : memref<1x80x128xi32, #tpu.memory_space<hbm>> -> memref<80x128xi32, #tpu.memory_space<hbm>>
        %dma_start3A_115 = arith.constant 0 : i32
        %dma_start3A_116 = tpu.memref_slice %dma_start3A_114[%add3A_103, %dma_start3A_115] : memref<80x128xi32, #tpu.memory_space<hbm>> -> memref<1x128xi32, #tpu.memory_space<hbm>>
        %dma_start3A_117 = tpu.memref_squeeze %dma_start3A_116 : memref<1x128xi32, #tpu.memory_space<hbm>> -> memref<128xi32, #tpu.memory_space<hbm>>
        tpu.enqueue_dma source(%dma_start3A_117 : memref<128xi32, #tpu.memory_space<hbm>>) target(%arg8 : memref<128xi32, #tpu.memory_space<vmem>>) target_semaphore(%arg15 : memref<!tpu.dma_semaphore, #tpu.memory_space<semaphore_mem>>)
      } else {
      }
      "tpu.region"() ({
        %run_scoped3A_102 = tpu.sem_alloc : memref<!tpu.dma_semaphore, #tpu.memory_space<semaphore_mem>>
        %dma_start3A_103 = arith.constant 0 : i32
        %dma_start3A_104 = tpu.memref_slice %arg7[%mul3A_70, %dma_start3A_103] : memref<80x128xi32, #tpu.memory_space<vmem>> -> memref<1x128xi32, #tpu.memory_space<vmem>>
        %dma_start3A_105 = tpu.memref_squeeze %dma_start3A_104 : memref<1x128xi32, #tpu.memory_space<vmem>> -> memref<128xi32, #tpu.memory_space<vmem>>
        %dma_start3A_106 = arith.constant 0 : i32
        %dma_start3A_107 = arith.constant 0 : i32
        %dma_start3A_108 = tpu.memref_slice %arg12[%dma_start3A_106, %dma_start3A_107] : memref<10240x128xf32, #tpu.memory_space<vmem_shared>> -> memref<10240x128xf32, #tpu.memory_space<vmem_shared>>
        tpu.enqueue_indirect_dma source(%arg10 : memref<128x128xf32, #tpu.memory_space<vmem>>) target(%dma_start3A_108 : memref<10240x128xf32, #tpu.memory_space<vmem_shared>>) offsets(%dma_start3A_105 : memref<128xi32, #tpu.memory_space<vmem>>) semaphore(%run_scoped3A_102 : memref<!tpu.dma_semaphore, #tpu.memory_space<semaphore_mem>>) {add = true}
        %dma_wait3A_109 = arith.constant 0 : i32
        %dma_wait3A_110 = tpu.memref_slice %arg7[%mul3A_70, %dma_wait3A_109] : memref<80x128xi32, #tpu.memory_space<vmem>> -> memref<1x128xi32, #tpu.memory_space<vmem>>
        %dma_wait3A_111 = tpu.memref_squeeze %dma_wait3A_110 : memref<1x128xi32, #tpu.memory_space<vmem>> -> memref<128xi32, #tpu.memory_space<vmem>>
        %dma_wait3A_112 = arith.constant 0 : i32
        %dma_wait3A_113 = arith.constant 0 : i32
        %dma_wait3A_114 = tpu.memref_slice %arg12[%dma_wait3A_112, %dma_wait3A_113] : memref<10240x128xf32, #tpu.memory_space<vmem_shared>> -> memref<10240x128xf32, #tpu.memory_space<vmem_shared>>
        tpu.wait_indirect_dma semaphore(%run_scoped3A_102 : memref<!tpu.dma_semaphore, #tpu.memory_space<semaphore_mem>>) src(%arg10 : memref<128x128xf32, #tpu.memory_space<vmem>>) dst(%dma_wait3A_114 : memref<10240x128xf32, #tpu.memory_space<vmem_shared>>)
        tpu.yield
      }) : () -> ()
      %dma_wait3A_95 = arith.constant 0 : i32
      %dma_wait3A_96 = arith.constant 0 : i32
      %dma_wait3A_97 = tpu.memref_slice %arg2[%dma_wait3A_95, %dma_wait3A_96] : memref<10240x128xf32, #tpu.memory_space<hbm>> -> memref<10240x128xf32, #tpu.memory_space<hbm>>
      tpu.wait_indirect_dma semaphore(%arg14 : memref<!tpu.dma_semaphore, #tpu.memory_space<semaphore_mem>>) src(%dma_wait3A_97 : memref<10240x128xf32, #tpu.memory_space<hbm>>) dst(%arg11 : memref<128x128xf32, #tpu.memory_space<vmem>>)
      %convert_element_type3A_98 = arith.extui %lt3A_73 : i1 to i32
      %cond3A_99 = arith.constant 0 : i32
      %cond3A_100 = arith.cmpi ne, %convert_element_type3A_98, %cond3A_99 : i32
      scf.if %cond3A_100 {
        %dma_wait3A_102 = arith.constant 0 : i32
        %dma_wait3A_103 = arith.constant 0 : i32
        %dma_wait3A_104 = arith.constant 0 : i32
        %dma_wait3A_105 = tpu.memref_slice %arg3[%add3A, %dma_wait3A_103, %dma_wait3A_104] : memref<32x80x128xi32, #tpu.memory_space<hbm>> -> memref<1x80x128xi32, #tpu.memory_space<hbm>>
        %dma_wait3A_106 = tpu.memref_squeeze %dma_wait3A_105 : memref<1x80x128xi32, #tpu.memory_space<hbm>> -> memref<80x128xi32, #tpu.memory_space<hbm>>
        %dma_wait3A_107 = arith.constant 0 : i32
        %dma_wait3A_108 = tpu.memref_slice %dma_wait3A_106[%dma_wait3A_102, %dma_wait3A_107] : memref<80x128xi32, #tpu.memory_space<hbm>> -> memref<1x128xi32, #tpu.memory_space<hbm>>
        %dma_wait3A_109 = tpu.memref_squeeze %dma_wait3A_108 : memref<1x128xi32, #tpu.memory_space<hbm>> -> memref<128xi32, #tpu.memory_space<hbm>>
        %dma_wait3A_110 = arith.constant 0 : i32
        %dma_wait3A_111 = arith.constant 0 : i32
        %dma_wait3A_112 = tpu.memref_slice %arg3[%add3A, %dma_wait3A_110, %dma_wait3A_111] : memref<32x80x128xi32, #tpu.memory_space<hbm>> -> memref<1x80x128xi32, #tpu.memory_space<hbm>>
        %dma_wait3A_113 = tpu.memref_squeeze %dma_wait3A_112 : memref<1x80x128xi32, #tpu.memory_space<hbm>> -> memref<80x128xi32, #tpu.memory_space<hbm>>
        %dma_wait3A_114 = arith.constant 0 : i32
        %dma_wait3A_115 = tpu.memref_slice %dma_wait3A_113[%dma_wait3A_102, %dma_wait3A_114] : memref<80x128xi32, #tpu.memory_space<hbm>> -> memref<1x128xi32, #tpu.memory_space<hbm>>
        %dma_wait3A_116 = tpu.memref_squeeze %dma_wait3A_115 : memref<1x128xi32, #tpu.memory_space<hbm>> -> memref<128xi32, #tpu.memory_space<hbm>>
        tpu.wait_dma2 semaphore(%arg15 : memref<!tpu.dma_semaphore, #tpu.memory_space<semaphore_mem>>) src(%dma_wait3A_116 : memref<128xi32, #tpu.memory_space<hbm>>) dst(%arg8 : memref<128xi32, #tpu.memory_space<vmem>>)
        %dma_start3A_117 = arith.constant 0 : i32
        %dma_start3A_118 = arith.constant 0 : i32
        %dma_start3A_119 = tpu.memref_slice %arg2[%dma_start3A_117, %dma_start3A_118] : memref<10240x128xf32, #tpu.memory_space<hbm>> -> memref<10240x128xf32, #tpu.memory_space<hbm>>
        tpu.enqueue_indirect_dma source(%dma_start3A_119 : memref<10240x128xf32, #tpu.memory_space<hbm>>) target(%arg10 : memref<128x128xf32, #tpu.memory_space<vmem>>) offsets(%arg8 : memref<128xi32, #tpu.memory_space<vmem>>) semaphore(%arg13 : memref<!tpu.dma_semaphore, #tpu.memory_space<semaphore_mem>>)
        %add3A_120 = arith.constant 2 : i32
        %add3A_121 = arith.addi %add3A_72, %add3A_120 : i32
        %dma_start3A_122 = arith.constant 0 : i32
        %dma_start3A_123 = arith.constant 0 : i32
        %dma_start3A_124 = tpu.memref_slice %arg3[%add3A, %dma_start3A_122, %dma_start3A_123] : memref<32x80x128xi32, #tpu.memory_space<hbm>> -> memref<1x80x128xi32, #tpu.memory_space<hbm>>
        %dma_start3A_125 = tpu.memref_squeeze %dma_start3A_124 : memref<1x80x128xi32, #tpu.memory_space<hbm>> -> memref<80x128xi32, #tpu.memory_space<hbm>>
        %dma_start3A_126 = arith.constant 0 : i32
        %dma_start3A_127 = tpu.memref_slice %dma_start3A_125[%add3A_121, %dma_start3A_126] : memref<80x128xi32, #tpu.memory_space<hbm>> -> memref<1x128xi32, #tpu.memory_space<hbm>>
        %dma_start3A_128 = tpu.memref_squeeze %dma_start3A_127 : memref<1x128xi32, #tpu.memory_space<hbm>> -> memref<128xi32, #tpu.memory_space<hbm>>
        %dma_start3A_129 = arith.constant 0 : i32
        %dma_start3A_130 = arith.constant 0 : i32
        %dma_start3A_131 = tpu.memref_slice %arg3[%add3A, %dma_start3A_129, %dma_start3A_130] : memref<32x80x128xi32, #tpu.memory_space<hbm>> -> memref<1x80x128xi32, #tpu.memory_space<hbm>>
        %dma_start3A_132 = tpu.memref_squeeze %dma_start3A_131 : memref<1x80x128xi32, #tpu.memory_space<hbm>> -> memref<80x128xi32, #tpu.memory_space<hbm>>
        %dma_start3A_133 = arith.constant 0 : i32
        %dma_start3A_134 = tpu.memref_slice %dma_start3A_132[%add3A_121, %dma_start3A_133] : memref<80x128xi32, #tpu.memory_space<hbm>> -> memref<1x128xi32, #tpu.memory_space<hbm>>
        %dma_start3A_135 = tpu.memref_squeeze %dma_start3A_134 : memref<1x128xi32, #tpu.memory_space<hbm>> -> memref<128xi32, #tpu.memory_space<hbm>>
        tpu.enqueue_dma source(%dma_start3A_135 : memref<128xi32, #tpu.memory_space<hbm>>) target(%arg9 : memref<128xi32, #tpu.memory_space<vmem>>) target_semaphore(%arg16 : memref<!tpu.dma_semaphore, #tpu.memory_space<semaphore_mem>>)
      } else {
      }
      "tpu.region"() ({
        %run_scoped3A_102 = tpu.sem_alloc : memref<!tpu.dma_semaphore, #tpu.memory_space<semaphore_mem>>
        %dma_start3A_103 = arith.constant 0 : i32
        %dma_start3A_104 = tpu.memref_slice %arg7[%add3A_72, %dma_start3A_103] : memref<80x128xi32, #tpu.memory_space<vmem>> -> memref<1x128xi32, #tpu.memory_space<vmem>>
        %dma_start3A_105 = tpu.memref_squeeze %dma_start3A_104 : memref<1x128xi32, #tpu.memory_space<vmem>> -> memref<128xi32, #tpu.memory_space<vmem>>
        %dma_start3A_106 = arith.constant 0 : i32
        %dma_start3A_107 = arith.constant 0 : i32
        %dma_start3A_108 = tpu.memref_slice %arg12[%dma_start3A_106, %dma_start3A_107] : memref<10240x128xf32, #tpu.memory_space<vmem_shared>> -> memref<10240x128xf32, #tpu.memory_space<vmem_shared>>
        tpu.enqueue_indirect_dma source(%arg11 : memref<128x128xf32, #tpu.memory_space<vmem>>) target(%dma_start3A_108 : memref<10240x128xf32, #tpu.memory_space<vmem_shared>>) offsets(%dma_start3A_105 : memref<128xi32, #tpu.memory_space<vmem>>) semaphore(%run_scoped3A_102 : memref<!tpu.dma_semaphore, #tpu.memory_space<semaphore_mem>>) {add = true}
        %dma_wait3A_109 = arith.constant 0 : i32
        %dma_wait3A_110 = tpu.memref_slice %arg7[%add3A_72, %dma_wait3A_109] : memref<80x128xi32, #tpu.memory_space<vmem>> -> memref<1x128xi32, #tpu.memory_space<vmem>>
        %dma_wait3A_111 = tpu.memref_squeeze %dma_wait3A_110 : memref<1x128xi32, #tpu.memory_space<vmem>> -> memref<128xi32, #tpu.memory_space<vmem>>
        %dma_wait3A_112 = arith.constant 0 : i32
        %dma_wait3A_113 = arith.constant 0 : i32
        %dma_wait3A_114 = tpu.memref_slice %arg12[%dma_wait3A_112, %dma_wait3A_113] : memref<10240x128xf32, #tpu.memory_space<vmem_shared>> -> memref<10240x128xf32, #tpu.memory_space<vmem_shared>>
        tpu.wait_indirect_dma semaphore(%run_scoped3A_102 : memref<!tpu.dma_semaphore, #tpu.memory_space<semaphore_mem>>) src(%arg11 : memref<128x128xf32, #tpu.memory_space<vmem>>) dst(%dma_wait3A_114 : memref<10240x128xf32, #tpu.memory_space<vmem_shared>>)
        tpu.yield
      }) : () -> ()
      %scan3A_101 = arith.constant 0 : i32
      scf.yield %scan3A_101 : i32
    }
    %scan3A_25 = arith.constant 40 : i32
    %barrier3A_26 = arith.constant 0 : index
    tpu.barrier barrier_id(%barrier3A_26)
    %mul3A_27 = arith.constant 640 : i32
    %mul3A_28 = arith.muli %arg1, %mul3A_27 : i32
    %add3A_29 = arith.constant 0 : i32
    %add3A_30 = arith.addi %mul3A_28, %add3A_29 : i32
    %mul3A_31 = arith.constant 640 : i32
    %mul3A_32 = arith.muli %arg1, %mul3A_31 : i32
    %add3A_33 = arith.constant 0 : i32
    %add3A_34 = arith.addi %mul3A_32, %add3A_33 : i32
    "tpu.region"() ({
      %run_scoped3A_67 = tpu.sem_alloc : memref<!tpu.dma_semaphore, #tpu.memory_space<semaphore_mem>>
      %dma_start3A_68 = arith.constant 0 : i32
      %dma_start3A_69 = arith.constant 0 : i32
      %dma_start3A_70 = tpu.memref_slice %arg6[%arg0, %dma_start3A_68, %dma_start3A_69] : memref<2x10240x128xf32, #tpu.memory_space<hbm>> -> memref<1x10240x128xf32, #tpu.memory_space<hbm>>
      %dma_start3A_71 = tpu.memref_squeeze %dma_start3A_70 : memref<1x10240x128xf32, #tpu.memory_space<hbm>> -> memref<10240x128xf32, #tpu.memory_space<hbm>>
      %dma_start3A_72 = arith.constant 0 : i32
      %dma_start3A_73 = tpu.memref_slice %dma_start3A_71[%add3A_34, %dma_start3A_72] : memref<10240x128xf32, #tpu.memory_space<hbm>> -> memref<128x128xf32, #tpu.memory_space<hbm>>
      %dma_start3A_74 = arith.constant 0 : i32
      %dma_start3A_75 = tpu.memref_slice %arg12[%add3A_30, %dma_start3A_74] : memref<10240x128xf32, #tpu.memory_space<vmem_shared>> -> memref<128x128xf32, #tpu.memory_space<vmem_shared>>
      tpu.enqueue_dma source(%dma_start3A_75 : memref<128x128xf32, #tpu.memory_space<vmem_shared>>) target(%dma_start3A_73 : memref<128x128xf32, #tpu.memory_space<hbm>>) target_semaphore(%run_scoped3A_67 : memref<!tpu.dma_semaphore, #tpu.memory_space<semaphore_mem>>)
      %dma_wait3A = arith.constant 0 : i32
      %dma_wait3A_76 = arith.constant 0 : i32
      %dma_wait3A_77 = tpu.memref_slice %arg6[%arg0, %dma_wait3A, %dma_wait3A_76] : memref<2x10240x128xf32, #tpu.memory_space<hbm>> -> memref<1x10240x128xf32, #tpu.memory_space<hbm>>
      %dma_wait3A_78 = tpu.memref_squeeze %dma_wait3A_77 : memref<1x10240x128xf32, #tpu.memory_space<hbm>> -> memref<10240x128xf32, #tpu.memory_space<hbm>>
      %dma_wait3A_79 = arith.constant 0 : i32
      %dma_wait3A_80 = tpu.memref_slice %dma_wait3A_78[%add3A_34, %dma_wait3A_79] : memref<10240x128xf32, #tpu.memory_space<hbm>> -> memref<128x128xf32, #tpu.memory_space<hbm>>
      %dma_wait3A_81 = arith.constant 0 : i32
      %dma_wait3A_82 = tpu.memref_slice %arg12[%add3A_30, %dma_wait3A_81] : memref<10240x128xf32, #tpu.memory_space<vmem_shared>> -> memref<128x128xf32, #tpu.memory_space<vmem_shared>>
      tpu.wait_dma2 semaphore(%run_scoped3A_67 : memref<!tpu.dma_semaphore, #tpu.memory_space<semaphore_mem>>) src(%dma_wait3A_82 : memref<128x128xf32, #tpu.memory_space<vmem_shared>>) dst(%dma_wait3A_80 : memref<128x128xf32, #tpu.memory_space<hbm>>)
      tpu.yield
    }) : () -> ()
    %mul3A_35 = arith.constant 640 : i32
    %mul3A_36 = arith.muli %arg1, %mul3A_35 : i32
    %add3A_37 = arith.constant 128 : i32
    %add3A_38 = arith.addi %mul3A_36, %add3A_37 : i32
    %mul3A_39 = arith.constant 640 : i32
    %mul3A_40 = arith.muli %arg1, %mul3A_39 : i32
    %add3A_41 = arith.constant 128 : i32
    %add3A_42 = arith.addi %mul3A_40, %add3A_41 : i32
    "tpu.region"() ({
      %run_scoped3A_67 = tpu.sem_alloc : memref<!tpu.dma_semaphore, #tpu.memory_space<semaphore_mem>>
      %dma_start3A_68 = arith.constant 0 : i32
      %dma_start3A_69 = arith.constant 0 : i32
      %dma_start3A_70 = tpu.memref_slice %arg6[%arg0, %dma_start3A_68, %dma_start3A_69] : memref<2x10240x128xf32, #tpu.memory_space<hbm>> -> memref<1x10240x128xf32, #tpu.memory_space<hbm>>
      %dma_start3A_71 = tpu.memref_squeeze %dma_start3A_70 : memref<1x10240x128xf32, #tpu.memory_space<hbm>> -> memref<10240x128xf32, #tpu.memory_space<hbm>>
      %dma_start3A_72 = arith.constant 0 : i32
      %dma_start3A_73 = tpu.memref_slice %dma_start3A_71[%add3A_42, %dma_start3A_72] : memref<10240x128xf32, #tpu.memory_space<hbm>> -> memref<128x128xf32, #tpu.memory_space<hbm>>
      %dma_start3A_74 = arith.constant 0 : i32
      %dma_start3A_75 = tpu.memref_slice %arg12[%add3A_38, %dma_start3A_74] : memref<10240x128xf32, #tpu.memory_space<vmem_shared>> -> memref<128x128xf32, #tpu.memory_space<vmem_shared>>
      tpu.enqueue_dma source(%dma_start3A_75 : memref<128x128xf32, #tpu.memory_space<vmem_shared>>) target(%dma_start3A_73 : memref<128x128xf32, #tpu.memory_space<hbm>>) target_semaphore(%run_scoped3A_67 : memref<!tpu.dma_semaphore, #tpu.memory_space<semaphore_mem>>)
      %dma_wait3A = arith.constant 0 : i32
      %dma_wait3A_76 = arith.constant 0 : i32
      %dma_wait3A_77 = tpu.memref_slice %arg6[%arg0, %dma_wait3A, %dma_wait3A_76] : memref<2x10240x128xf32, #tpu.memory_space<hbm>> -> memref<1x10240x128xf32, #tpu.memory_space<hbm>>
      %dma_wait3A_78 = tpu.memref_squeeze %dma_wait3A_77 : memref<1x10240x128xf32, #tpu.memory_space<hbm>> -> memref<10240x128xf32, #tpu.memory_space<hbm>>
      %dma_wait3A_79 = arith.constant 0 : i32
      %dma_wait3A_80 = tpu.memref_slice %dma_wait3A_78[%add3A_42, %dma_wait3A_79] : memref<10240x128xf32, #tpu.memory_space<hbm>> -> memref<128x128xf32, #tpu.memory_space<hbm>>
      %dma_wait3A_81 = arith.constant 0 : i32
      %dma_wait3A_82 = tpu.memref_slice %arg12[%add3A_38, %dma_wait3A_81] : memref<10240x128xf32, #tpu.memory_space<vmem_shared>> -> memref<128x128xf32, #tpu.memory_space<vmem_shared>>
      tpu.wait_dma2 semaphore(%run_scoped3A_67 : memref<!tpu.dma_semaphore, #tpu.memory_space<semaphore_mem>>) src(%dma_wait3A_82 : memref<128x128xf32, #tpu.memory_space<vmem_shared>>) dst(%dma_wait3A_80 : memref<128x128xf32, #tpu.memory_space<hbm>>)
      tpu.yield
    }) : () -> ()
    %mul3A_43 = arith.constant 640 : i32
    %mul3A_44 = arith.muli %arg1, %mul3A_43 : i32
    %add3A_45 = arith.constant 256 : i32
    %add3A_46 = arith.addi %mul3A_44, %add3A_45 : i32
    %mul3A_47 = arith.constant 640 : i32
    %mul3A_48 = arith.muli %arg1, %mul3A_47 : i32
    %add3A_49 = arith.constant 256 : i32
    %add3A_50 = arith.addi %mul3A_48, %add3A_49 : i32
    "tpu.region"() ({
      %run_scoped3A_67 = tpu.sem_alloc : memref<!tpu.dma_semaphore, #tpu.memory_space<semaphore_mem>>
      %dma_start3A_68 = arith.constant 0 : i32
      %dma_start3A_69 = arith.constant 0 : i32
      %dma_start3A_70 = tpu.memref_slice %arg6[%arg0, %dma_start3A_68, %dma_start3A_69] : memref<2x10240x128xf32, #tpu.memory_space<hbm>> -> memref<1x10240x128xf32, #tpu.memory_space<hbm>>
      %dma_start3A_71 = tpu.memref_squeeze %dma_start3A_70 : memref<1x10240x128xf32, #tpu.memory_space<hbm>> -> memref<10240x128xf32, #tpu.memory_space<hbm>>
      %dma_start3A_72 = arith.constant 0 : i32
      %dma_start3A_73 = tpu.memref_slice %dma_start3A_71[%add3A_50, %dma_start3A_72] : memref<10240x128xf32, #tpu.memory_space<hbm>> -> memref<128x128xf32, #tpu.memory_space<hbm>>
      %dma_start3A_74 = arith.constant 0 : i32
      %dma_start3A_75 = tpu.memref_slice %arg12[%add3A_46, %dma_start3A_74] : memref<10240x128xf32, #tpu.memory_space<vmem_shared>> -> memref<128x128xf32, #tpu.memory_space<vmem_shared>>
      tpu.enqueue_dma source(%dma_start3A_75 : memref<128x128xf32, #tpu.memory_space<vmem_shared>>) target(%dma_start3A_73 : memref<128x128xf32, #tpu.memory_space<hbm>>) target_semaphore(%run_scoped3A_67 : memref<!tpu.dma_semaphore, #tpu.memory_space<semaphore_mem>>)
      %dma_wait3A = arith.constant 0 : i32
      %dma_wait3A_76 = arith.constant 0 : i32
      %dma_wait3A_77 = tpu.memref_slice %arg6[%arg0, %dma_wait3A, %dma_wait3A_76] : memref<2x10240x128xf32, #tpu.memory_space<hbm>> -> memref<1x10240x128xf32, #tpu.memory_space<hbm>>
      %dma_wait3A_78 = tpu.memref_squeeze %dma_wait3A_77 : memref<1x10240x128xf32, #tpu.memory_space<hbm>> -> memref<10240x128xf32, #tpu.memory_space<hbm>>
      %dma_wait3A_79 = arith.constant 0 : i32
      %dma_wait3A_80 = tpu.memref_slice %dma_wait3A_78[%add3A_50, %dma_wait3A_79] : memref<10240x128xf32, #tpu.memory_space<hbm>> -> memref<128x128xf32, #tpu.memory_space<hbm>>
      %dma_wait3A_81 = arith.constant 0 : i32
      %dma_wait3A_82 = tpu.memref_slice %arg12[%add3A_46, %dma_wait3A_81] : memref<10240x128xf32, #tpu.memory_space<vmem_shared>> -> memref<128x128xf32, #tpu.memory_space<vmem_shared>>
      tpu.wait_dma2 semaphore(%run_scoped3A_67 : memref<!tpu.dma_semaphore, #tpu.memory_space<semaphore_mem>>) src(%dma_wait3A_82 : memref<128x128xf32, #tpu.memory_space<vmem_shared>>) dst(%dma_wait3A_80 : memref<128x128xf32, #tpu.memory_space<hbm>>)
      tpu.yield
    }) : () -> ()
    %mul3A_51 = arith.constant 640 : i32
    %mul3A_52 = arith.muli %arg1, %mul3A_51 : i32
    %add3A_53 = arith.constant 384 : i32
    %add3A_54 = arith.addi %mul3A_52, %add3A_53 : i32
    %mul3A_55 = arith.constant 640 : i32
    %mul3A_56 = arith.muli %arg1, %mul3A_55 : i32
    %add3A_57 = arith.constant 384 : i32
    %add3A_58 = arith.addi %mul3A_56, %add3A_57 : i32
    "tpu.region"() ({
      %run_scoped3A_67 = tpu.sem_alloc : memref<!tpu.dma_semaphore, #tpu.memory_space<semaphore_mem>>
      %dma_start3A_68 = arith.constant 0 : i32
      %dma_start3A_69 = arith.constant 0 : i32
      %dma_start3A_70 = tpu.memref_slice %arg6[%arg0, %dma_start3A_68, %dma_start3A_69] : memref<2x10240x128xf32, #tpu.memory_space<hbm>> -> memref<1x10240x128xf32, #tpu.memory_space<hbm>>
      %dma_start3A_71 = tpu.memref_squeeze %dma_start3A_70 : memref<1x10240x128xf32, #tpu.memory_space<hbm>> -> memref<10240x128xf32, #tpu.memory_space<hbm>>
      %dma_start3A_72 = arith.constant 0 : i32
      %dma_start3A_73 = tpu.memref_slice %dma_start3A_71[%add3A_58, %dma_start3A_72] : memref<10240x128xf32, #tpu.memory_space<hbm>> -> memref<128x128xf32, #tpu.memory_space<hbm>>
      %dma_start3A_74 = arith.constant 0 : i32
      %dma_start3A_75 = tpu.memref_slice %arg12[%add3A_54, %dma_start3A_74] : memref<10240x128xf32, #tpu.memory_space<vmem_shared>> -> memref<128x128xf32, #tpu.memory_space<vmem_shared>>
      tpu.enqueue_dma source(%dma_start3A_75 : memref<128x128xf32, #tpu.memory_space<vmem_shared>>) target(%dma_start3A_73 : memref<128x128xf32, #tpu.memory_space<hbm>>) target_semaphore(%run_scoped3A_67 : memref<!tpu.dma_semaphore, #tpu.memory_space<semaphore_mem>>)
      %dma_wait3A = arith.constant 0 : i32
      %dma_wait3A_76 = arith.constant 0 : i32
      %dma_wait3A_77 = tpu.memref_slice %arg6[%arg0, %dma_wait3A, %dma_wait3A_76] : memref<2x10240x128xf32, #tpu.memory_space<hbm>> -> memref<1x10240x128xf32, #tpu.memory_space<hbm>>
      %dma_wait3A_78 = tpu.memref_squeeze %dma_wait3A_77 : memref<1x10240x128xf32, #tpu.memory_space<hbm>> -> memref<10240x128xf32, #tpu.memory_space<hbm>>
      %dma_wait3A_79 = arith.constant 0 : i32
      %dma_wait3A_80 = tpu.memref_slice %dma_wait3A_78[%add3A_58, %dma_wait3A_79] : memref<10240x128xf32, #tpu.memory_space<hbm>> -> memref<128x128xf32, #tpu.memory_space<hbm>>
      %dma_wait3A_81 = arith.constant 0 : i32
      %dma_wait3A_82 = tpu.memref_slice %arg12[%add3A_54, %dma_wait3A_81] : memref<10240x128xf32, #tpu.memory_space<vmem_shared>> -> memref<128x128xf32, #tpu.memory_space<vmem_shared>>
      tpu.wait_dma2 semaphore(%run_scoped3A_67 : memref<!tpu.dma_semaphore, #tpu.memory_space<semaphore_mem>>) src(%dma_wait3A_82 : memref<128x128xf32, #tpu.memory_space<vmem_shared>>) dst(%dma_wait3A_80 : memref<128x128xf32, #tpu.memory_space<hbm>>)
      tpu.yield
    }) : () -> ()
    %mul3A_59 = arith.constant 640 : i32
    %mul3A_60 = arith.muli %arg1, %mul3A_59 : i32
    %add3A_61 = arith.constant 512 : i32
    %add3A_62 = arith.addi %mul3A_60, %add3A_61 : i32
    %mul3A_63 = arith.constant 640 : i32
    %mul3A_64 = arith.muli %arg1, %mul3A_63 : i32
    %add3A_65 = arith.constant 512 : i32
    %add3A_66 = arith.addi %mul3A_64, %add3A_65 : i32
    "tpu.region"() ({
      %run_scoped3A_67 = tpu.sem_alloc : memref<!tpu.dma_semaphore, #tpu.memory_space<semaphore_mem>>
      %dma_start3A_68 = arith.constant 0 : i32
      %dma_start3A_69 = arith.constant 0 : i32
      %dma_start3A_70 = tpu.memref_slice %arg6[%arg0, %dma_start3A_68, %dma_start3A_69] : memref<2x10240x128xf32, #tpu.memory_space<hbm>> -> memref<1x10240x128xf32, #tpu.memory_space<hbm>>
      %dma_start3A_71 = tpu.memref_squeeze %dma_start3A_70 : memref<1x10240x128xf32, #tpu.memory_space<hbm>> -> memref<10240x128xf32, #tpu.memory_space<hbm>>
      %dma_start3A_72 = arith.constant 0 : i32
      %dma_start3A_73 = tpu.memref_slice %dma_start3A_71[%add3A_66, %dma_start3A_72] : memref<10240x128xf32, #tpu.memory_space<hbm>> -> memref<128x128xf32, #tpu.memory_space<hbm>>
      %dma_start3A_74 = arith.constant 0 : i32
      %dma_start3A_75 = tpu.memref_slice %arg12[%add3A_62, %dma_start3A_74] : memref<10240x128xf32, #tpu.memory_space<vmem_shared>> -> memref<128x128xf32, #tpu.memory_space<vmem_shared>>
      tpu.enqueue_dma source(%dma_start3A_75 : memref<128x128xf32, #tpu.memory_space<vmem_shared>>) target(%dma_start3A_73 : memref<128x128xf32, #tpu.memory_space<hbm>>) target_semaphore(%run_scoped3A_67 : memref<!tpu.dma_semaphore, #tpu.memory_space<semaphore_mem>>)
      %dma_wait3A = arith.constant 0 : i32
      %dma_wait3A_76 = arith.constant 0 : i32
      %dma_wait3A_77 = tpu.memref_slice %arg6[%arg0, %dma_wait3A, %dma_wait3A_76] : memref<2x10240x128xf32, #tpu.memory_space<hbm>> -> memref<1x10240x128xf32, #tpu.memory_space<hbm>>
      %dma_wait3A_78 = tpu.memref_squeeze %dma_wait3A_77 : memref<1x10240x128xf32, #tpu.memory_space<hbm>> -> memref<10240x128xf32, #tpu.memory_space<hbm>>
      %dma_wait3A_79 = arith.constant 0 : i32
      %dma_wait3A_80 = tpu.memref_slice %dma_wait3A_78[%add3A_66, %dma_wait3A_79] : memref<10240x128xf32, #tpu.memory_space<hbm>> -> memref<128x128xf32, #tpu.memory_space<hbm>>
      %dma_wait3A_81 = arith.constant 0 : i32
      %dma_wait3A_82 = tpu.memref_slice %arg12[%add3A_62, %dma_wait3A_81] : memref<10240x128xf32, #tpu.memory_space<vmem_shared>> -> memref<128x128xf32, #tpu.memory_space<vmem_shared>>
      tpu.wait_dma2 semaphore(%run_scoped3A_67 : memref<!tpu.dma_semaphore, #tpu.memory_space<semaphore_mem>>) src(%dma_wait3A_82 : memref<128x128xf32, #tpu.memory_space<vmem_shared>>) dst(%dma_wait3A_80 : memref<128x128xf32, #tpu.memory_space<hbm>>)
      tpu.yield
    }) : () -> ()
    return
  }
}

#map = affine_map<(d0, d1) -> (0)>
#map1 = affine_map<(d0, d1) -> (0, 0)>
module attributes {stable_mosaic.version = 14 : i64} {
  func.func @_sc_pool_body(%arg0: i32, %arg1: i32, %arg2: memref<1310720xf32, #tpu.memory_space<hbm>>, %arg3: memref<10240xi32, #tpu.memory_space<hbm>>, %arg4: memref<32x8192xf32, #tpu.memory_space<hbm>>, %arg5: memref<32x8192xf32, #tpu.memory_space<hbm>>, %arg6: memref<32x1024xf32, #tpu.memory_space<hbm>>, %arg7: memref<40960xf32, #tpu.memory_space<vmem>>, %arg8: memref<336xi32, #tpu.memory_space<vmem>>, %arg9: memref<8320xf32, #tpu.memory_space<vmem>>, %arg10: memref<8320xf32, #tpu.memory_space<vmem>>, %arg11: memref<1040xf32, #tpu.memory_space<vmem>>) attributes {dimension_semantics = [#tpu.dimension_semantics<core_parallel>, #tpu.dimension_semantics<subcore_parallel>], iteration_bounds = array<i64: 2, 16>, scalar_prefetch = 0 : i64, scratch_operands = 5 : i64, tpu.core_type = #tpu.core_type<sc_vector_subcore>, window_params = [{transform_indices = #map}, {transform_indices = #map}, {transform_indices = #map1}, {transform_indices = #map1}, {transform_indices = #map1}]} {
    %mul3A = arith.constant 16 : i32
    %mul3A_0 = arith.muli %arg0, %mul3A : i32
    %add3A = arith.addi %mul3A_0, %arg1 : i32
    %broadcast_in_dim3A = arith.constant 0.000000e+00 : f32
    %broadcast_in_dim3A_1 = vector.broadcast %broadcast_in_dim3A : f32 to vector<16xf32>
    %broadcast_in_dim3A_2 = arith.constant 0xFF800000 : f32
    %broadcast_in_dim3A_3 = vector.broadcast %broadcast_in_dim3A_2 : f32 to vector<16xf32>
    %broadcast_in_dim3A_4 = arith.constant 1.000000e+00 : f32
    %broadcast_in_dim3A_5 = vector.broadcast %broadcast_in_dim3A_4 : f32 to vector<16xf32>
    %scan3A = arith.constant 0 : i32
    %scan3A_6 = arith.constant 0 : i32
    %scan3A_7 = arith.constant 520 : i32
    %scan3A_8 = arith.addi %scan3A_6, %scan3A_7 : i32
    %scan3A_9 = arith.constant 1 : i32
    %scan3A_10 = scf.for %scan3A_32 = %scan3A_6 to %scan3A_8 step %scan3A_9 iter_args(%scan3A_33 = %scan3A) -> (i32)  : i32 {
      %mul3A_34 = arith.constant 16 : i32
      %mul3A_35 = arith.muli %scan3A_32, %mul3A_34 : i32
      %swap3A = arith.index_cast %mul3A_35 : i32 to index
      %swap3A_36 = tpu.vector_load %arg9[%swap3A] {strides = array<i32>} : memref<8320xf32, #tpu.memory_space<vmem>>, vector<16xf32>,
      %swap3A_37 = vector.shape_cast %swap3A_36 : vector<16xf32> to vector<16xf32>
      %swap3A_38 = vector.shape_cast %broadcast_in_dim3A_3 : vector<16xf32> to vector<16xf32>
      tpu.vector_store %arg9[%swap3A], %swap3A_38 {strides = array<i32>} : memref<8320xf32, #tpu.memory_space<vmem>>, vector<16xf32>,
      %mul3A_39 = arith.constant 16 : i32
      %mul3A_40 = arith.muli %scan3A_32, %mul3A_39 : i32
      %swap3A_41 = arith.index_cast %mul3A_40 : i32 to index
      %swap3A_42 = tpu.vector_load %arg10[%swap3A_41] {strides = array<i32>} : memref<8320xf32, #tpu.memory_space<vmem>>, vector<16xf32>,
      %swap3A_43 = vector.shape_cast %swap3A_42 : vector<16xf32> to vector<16xf32>
      %swap3A_44 = vector.shape_cast %broadcast_in_dim3A_1 : vector<16xf32> to vector<16xf32>
      tpu.vector_store %arg10[%swap3A_41], %swap3A_44 {strides = array<i32>} : memref<8320xf32, #tpu.memory_space<vmem>>, vector<16xf32>,
      %scan3A_45 = arith.constant 0 : i32
      scf.yield %scan3A_45 : i32
    }
    %scan3A_11 = arith.constant 520 : i32
    %scan3A_12 = arith.constant 0 : i32
    %scan3A_13 = arith.constant 0 : i32
    %scan3A_14 = arith.constant 65 : i32
    %scan3A_15 = arith.addi %scan3A_13, %scan3A_14 : i32
    %scan3A_16 = arith.constant 1 : i32
    %scan3A_17 = scf.for %scan3A_32 = %scan3A_13 to %scan3A_15 step %scan3A_16 iter_args(%scan3A_33 = %scan3A_12) -> (i32)  : i32 {
      %mul3A_34 = arith.constant 16 : i32
      %mul3A_35 = arith.muli %scan3A_32, %mul3A_34 : i32
      %swap3A = arith.index_cast %mul3A_35 : i32 to index
      %swap3A_36 = tpu.vector_load %arg11[%swap3A] {strides = array<i32>} : memref<1040xf32, #tpu.memory_space<vmem>>, vector<16xf32>,
      %swap3A_37 = vector.shape_cast %swap3A_36 : vector<16xf32> to vector<16xf32>
      %swap3A_38 = vector.shape_cast %broadcast_in_dim3A_1 : vector<16xf32> to vector<16xf32>
      tpu.vector_store %arg11[%swap3A], %swap3A_38 {strides = array<i32>} : memref<1040xf32, #tpu.memory_space<vmem>>, vector<16xf32>,
      %scan3A_39 = arith.constant 0 : i32
      scf.yield %scan3A_39 : i32
    }
    %scan3A_18 = arith.constant 65 : i32
    %mul3A_19 = arith.constant 320 : i32
    %mul3A_20 = arith.muli %add3A, %mul3A_19 : i32
    %mul3A_21 = arith.constant 128 : i32
    %mul3A_22 = arith.muli %mul3A_20, %mul3A_21 : i32
    "tpu.region"() ({
      %run_scoped3A = tpu.sem_alloc : memref<!tpu.dma_semaphore, #tpu.memory_space<semaphore_mem>>
      %dma_start3A = tpu.memref_slice %arg2[%mul3A_22] : memref<1310720xf32, #tpu.memory_space<hbm>> -> memref<40960xf32, #tpu.memory_space<hbm>>
      %dma_start3A_32 = tpu.memref_slice %arg2[%mul3A_22] : memref<1310720xf32, #tpu.memory_space<hbm>> -> memref<40960xf32, #tpu.memory_space<hbm>>
      tpu.enqueue_dma source(%dma_start3A_32 : memref<40960xf32, #tpu.memory_space<hbm>>) target(%arg7 : memref<40960xf32, #tpu.memory_space<vmem>>) target_semaphore(%run_scoped3A : memref<!tpu.dma_semaphore, #tpu.memory_space<semaphore_mem>>)
      %dma_wait3A = tpu.memref_slice %arg2[%mul3A_22] : memref<1310720xf32, #tpu.memory_space<hbm>> -> memref<40960xf32, #tpu.memory_space<hbm>>
      %dma_wait3A_33 = tpu.memref_slice %arg2[%mul3A_22] : memref<1310720xf32, #tpu.memory_space<hbm>> -> memref<40960xf32, #tpu.memory_space<hbm>>
      tpu.wait_dma2 semaphore(%run_scoped3A : memref<!tpu.dma_semaphore, #tpu.memory_space<semaphore_mem>>) src(%dma_wait3A_33 : memref<40960xf32, #tpu.memory_space<hbm>>) dst(%arg7 : memref<40960xf32, #tpu.memory_space<vmem>>)
      tpu.yield
    }) : () -> ()
    %mul3A_23 = arith.constant 320 : i32
    %mul3A_24 = arith.muli %add3A, %mul3A_23 : i32
    "tpu.region"() ({
      %run_scoped3A = tpu.sem_alloc : memref<!tpu.dma_semaphore, #tpu.memory_space<semaphore_mem>>
      %dma_start3A = arith.constant 0 : i32
      %dma_start3A_32 = tpu.memref_slice %arg8[%dma_start3A] : memref<336xi32, #tpu.memory_space<vmem>> -> memref<320xi32, #tpu.memory_space<vmem>>
      %dma_start3A_33 = tpu.memref_slice %arg3[%mul3A_24] : memref<10240xi32, #tpu.memory_space<hbm>> -> memref<320xi32, #tpu.memory_space<hbm>>
      %dma_start3A_34 = arith.constant 0 : i32
      %dma_start3A_35 = tpu.memref_slice %arg8[%dma_start3A_34] : memref<336xi32, #tpu.memory_space<vmem>> -> memref<320xi32, #tpu.memory_space<vmem>>
      %dma_start3A_36 = tpu.memref_slice %arg3[%mul3A_24] : memref<10240xi32, #tpu.memory_space<hbm>> -> memref<320xi32, #tpu.memory_space<hbm>>
      tpu.enqueue_dma source(%dma_start3A_36 : memref<320xi32, #tpu.memory_space<hbm>>) target(%dma_start3A_35 : memref<320xi32, #tpu.memory_space<vmem>>) target_semaphore(%run_scoped3A : memref<!tpu.dma_semaphore, #tpu.memory_space<semaphore_mem>>)
      %dma_wait3A = arith.constant 0 : i32
      %dma_wait3A_37 = tpu.memref_slice %arg8[%dma_wait3A] : memref<336xi32, #tpu.memory_space<vmem>> -> memref<320xi32, #tpu.memory_space<vmem>>
      %dma_wait3A_38 = tpu.memref_slice %arg3[%mul3A_24] : memref<10240xi32, #tpu.memory_space<hbm>> -> memref<320xi32, #tpu.memory_space<hbm>>
      %dma_wait3A_39 = arith.constant 0 : i32
      %dma_wait3A_40 = tpu.memref_slice %arg8[%dma_wait3A_39] : memref<336xi32, #tpu.memory_space<vmem>> -> memref<320xi32, #tpu.memory_space<vmem>>
      %dma_wait3A_41 = tpu.memref_slice %arg3[%mul3A_24] : memref<10240xi32, #tpu.memory_space<hbm>> -> memref<320xi32, #tpu.memory_space<hbm>>
      tpu.wait_dma2 semaphore(%run_scoped3A : memref<!tpu.dma_semaphore, #tpu.memory_space<semaphore_mem>>) src(%dma_wait3A_41 : memref<320xi32, #tpu.memory_space<hbm>>) dst(%dma_wait3A_40 : memref<320xi32, #tpu.memory_space<vmem>>)
      tpu.yield
    }) : () -> ()
    %scan3A_25 = arith.constant 0 : i32
    %scan3A_26 = arith.constant 0 : i32
    %scan3A_27 = arith.constant 320 : i32
    %scan3A_28 = arith.addi %scan3A_26, %scan3A_27 : i32
    %scan3A_29 = arith.constant 1 : i32
    %scan3A_30 = scf.for %scan3A_32 = %scan3A_26 to %scan3A_28 step %scan3A_29 iter_args(%scan3A_33 = %scan3A_25) -> (i32)  : i32 {
      %get3A = arith.index_cast %scan3A_32 : i32 to index
      %get3A_34 = tpu.vector_load %arg8[%get3A] {strides = array<i32>} : memref<336xi32, #tpu.memory_space<vmem>>, vector<16xi32>,
      %get3A_35 = vector.shape_cast %get3A_34 : vector<16xi32> to vector<16xi32>
      %slice3A = vector.extract_strided_slice %get3A_35 {offsets = [0], sizes = [1], strides = [1]} : vector<16xi32> to vector<1xi32>
      %squeeze3A = vector.extract %slice3A[0] : i32 from vector<1xi32>
      %mul3A_36 = arith.constant 128 : i32
      %mul3A_37 = arith.muli %scan3A_32, %mul3A_36 : i32
      %mul3A_38 = arith.constant 128 : i32
      %mul3A_39 = arith.muli %squeeze3A, %mul3A_38 : i32
      %add3A_40 = arith.constant 0 : i32
      %add3A_41 = arith.addi %mul3A_37, %add3A_40 : i32
      %get3A_42 = arith.index_cast %add3A_41 : i32 to index
      %get3A_43 = tpu.vector_load %arg7[%get3A_42] {strides = array<i32>} : memref<40960xf32, #tpu.memory_space<vmem>>, vector<16xf32>,
      %get3A_44 = vector.shape_cast %get3A_43 : vector<16xf32> to vector<16xf32>
      %add3A_45 = arith.constant 0 : i32
      %add3A_46 = arith.addi %mul3A_39, %add3A_45 : i32
      %get3A_47 = arith.index_cast %add3A_46 : i32 to index
      %get3A_48 = tpu.vector_load %arg9[%get3A_47] {strides = array<i32>} : memref<8320xf32, #tpu.memory_space<vmem>>, vector<16xf32>,
      %get3A_49 = vector.shape_cast %get3A_48 : vector<16xf32> to vector<16xf32>
      %max3A = arith.maximumf %get3A_49, %get3A_44 : vector<16xf32>
      %add3A_50 = arith.constant 0 : i32
      %add3A_51 = arith.addi %mul3A_39, %add3A_50 : i32
      %swap3A = arith.index_cast %add3A_51 : i32 to index
      %swap3A_52 = tpu.vector_load %arg9[%swap3A] {strides = array<i32>} : memref<8320xf32, #tpu.memory_space<vmem>>, vector<16xf32>,
      %swap3A_53 = vector.shape_cast %swap3A_52 : vector<16xf32> to vector<16xf32>
      %swap3A_54 = vector.shape_cast %max3A : vector<16xf32> to vector<16xf32>
      tpu.vector_store %arg9[%swap3A], %swap3A_54 {strides = array<i32>} : memref<8320xf32, #tpu.memory_space<vmem>>, vector<16xf32>,
      %add3A_55 = arith.constant 0 : i32
      %add3A_56 = arith.addi %mul3A_39, %add3A_55 : i32
      %get3A_57 = arith.index_cast %add3A_56 : i32 to index
      %get3A_58 = tpu.vector_load %arg10[%get3A_57] {strides = array<i32>} : memref<8320xf32, #tpu.memory_space<vmem>>, vector<16xf32>,
      %get3A_59 = vector.shape_cast %get3A_58 : vector<16xf32> to vector<16xf32>
      %add3A_60 = arith.addf %get3A_59, %get3A_44 : vector<16xf32>
      %add3A_61 = arith.constant 0 : i32
      %add3A_62 = arith.addi %mul3A_39, %add3A_61 : i32
      %swap3A_63 = arith.index_cast %add3A_62 : i32 to index
      %swap3A_64 = tpu.vector_load %arg10[%swap3A_63] {strides = array<i32>} : memref<8320xf32, #tpu.memory_space<vmem>>, vector<16xf32>,
      %swap3A_65 = vector.shape_cast %swap3A_64 : vector<16xf32> to vector<16xf32>
      %swap3A_66 = vector.shape_cast %add3A_60 : vector<16xf32> to vector<16xf32>
      tpu.vector_store %arg10[%swap3A_63], %swap3A_66 {strides = array<i32>} : memref<8320xf32, #tpu.memory_space<vmem>>, vector<16xf32>,
      %add3A_67 = arith.constant 16 : i32
      %add3A_68 = arith.addi %mul3A_37, %add3A_67 : i32
      %get3A_69 = arith.index_cast %add3A_68 : i32 to index
      %get3A_70 = tpu.vector_load %arg7[%get3A_69] {strides = array<i32>} : memref<40960xf32, #tpu.memory_space<vmem>>, vector<16xf32>,
      %get3A_71 = vector.shape_cast %get3A_70 : vector<16xf32> to vector<16xf32>
      %add3A_72 = arith.constant 16 : i32
      %add3A_73 = arith.addi %mul3A_39, %add3A_72 : i32
      %get3A_74 = arith.index_cast %add3A_73 : i32 to index
      %get3A_75 = tpu.vector_load %arg9[%get3A_74] {strides = array<i32>} : memref<8320xf32, #tpu.memory_space<vmem>>, vector<16xf32>,
      %get3A_76 = vector.shape_cast %get3A_75 : vector<16xf32> to vector<16xf32>
      %max3A_77 = arith.maximumf %get3A_76, %get3A_71 : vector<16xf32>
      %add3A_78 = arith.constant 16 : i32
      %add3A_79 = arith.addi %mul3A_39, %add3A_78 : i32
      %swap3A_80 = arith.index_cast %add3A_79 : i32 to index
      %swap3A_81 = tpu.vector_load %arg9[%swap3A_80] {strides = array<i32>} : memref<8320xf32, #tpu.memory_space<vmem>>, vector<16xf32>,
      %swap3A_82 = vector.shape_cast %swap3A_81 : vector<16xf32> to vector<16xf32>
      %swap3A_83 = vector.shape_cast %max3A_77 : vector<16xf32> to vector<16xf32>
      tpu.vector_store %arg9[%swap3A_80], %swap3A_83 {strides = array<i32>} : memref<8320xf32, #tpu.memory_space<vmem>>, vector<16xf32>,
      %add3A_84 = arith.constant 16 : i32
      %add3A_85 = arith.addi %mul3A_39, %add3A_84 : i32
      %get3A_86 = arith.index_cast %add3A_85 : i32 to index
      %get3A_87 = tpu.vector_load %arg10[%get3A_86] {strides = array<i32>} : memref<8320xf32, #tpu.memory_space<vmem>>, vector<16xf32>,
      %get3A_88 = vector.shape_cast %get3A_87 : vector<16xf32> to vector<16xf32>
      %add3A_89 = arith.addf %get3A_88, %get3A_71 : vector<16xf32>
      %add3A_90 = arith.constant 16 : i32
      %add3A_91 = arith.addi %mul3A_39, %add3A_90 : i32
      %swap3A_92 = arith.index_cast %add3A_91 : i32 to index
      %swap3A_93 = tpu.vector_load %arg10[%swap3A_92] {strides = array<i32>} : memref<8320xf32, #tpu.memory_space<vmem>>, vector<16xf32>,
      %swap3A_94 = vector.shape_cast %swap3A_93 : vector<16xf32> to vector<16xf32>
      %swap3A_95 = vector.shape_cast %add3A_89 : vector<16xf32> to vector<16xf32>
      tpu.vector_store %arg10[%swap3A_92], %swap3A_95 {strides = array<i32>} : memref<8320xf32, #tpu.memory_space<vmem>>, vector<16xf32>,
      %add3A_96 = arith.constant 32 : i32
      %add3A_97 = arith.addi %mul3A_37, %add3A_96 : i32
      %get3A_98 = arith.index_cast %add3A_97 : i32 to index
      %get3A_99 = tpu.vector_load %arg7[%get3A_98] {strides = array<i32>} : memref<40960xf32, #tpu.memory_space<vmem>>, vector<16xf32>,
      %get3A_100 = vector.shape_cast %get3A_99 : vector<16xf32> to vector<16xf32>
      %add3A_101 = arith.constant 32 : i32
      %add3A_102 = arith.addi %mul3A_39, %add3A_101 : i32
      %get3A_103 = arith.index_cast %add3A_102 : i32 to index
      %get3A_104 = tpu.vector_load %arg9[%get3A_103] {strides = array<i32>} : memref<8320xf32, #tpu.memory_space<vmem>>, vector<16xf32>,
      %get3A_105 = vector.shape_cast %get3A_104 : vector<16xf32> to vector<16xf32>
      %max3A_106 = arith.maximumf %get3A_105, %get3A_100 : vector<16xf32>
      %add3A_107 = arith.constant 32 : i32
      %add3A_108 = arith.addi %mul3A_39, %add3A_107 : i32
      %swap3A_109 = arith.index_cast %add3A_108 : i32 to index
      %swap3A_110 = tpu.vector_load %arg9[%swap3A_109] {strides = array<i32>} : memref<8320xf32, #tpu.memory_space<vmem>>, vector<16xf32>,
      %swap3A_111 = vector.shape_cast %swap3A_110 : vector<16xf32> to vector<16xf32>
      %swap3A_112 = vector.shape_cast %max3A_106 : vector<16xf32> to vector<16xf32>
      tpu.vector_store %arg9[%swap3A_109], %swap3A_112 {strides = array<i32>} : memref<8320xf32, #tpu.memory_space<vmem>>, vector<16xf32>,
      %add3A_113 = arith.constant 32 : i32
      %add3A_114 = arith.addi %mul3A_39, %add3A_113 : i32
      %get3A_115 = arith.index_cast %add3A_114 : i32 to index
      %get3A_116 = tpu.vector_load %arg10[%get3A_115] {strides = array<i32>} : memref<8320xf32, #tpu.memory_space<vmem>>, vector<16xf32>,
      %get3A_117 = vector.shape_cast %get3A_116 : vector<16xf32> to vector<16xf32>
      %add3A_118 = arith.addf %get3A_117, %get3A_100 : vector<16xf32>
      %add3A_119 = arith.constant 32 : i32
      %add3A_120 = arith.addi %mul3A_39, %add3A_119 : i32
      %swap3A_121 = arith.index_cast %add3A_120 : i32 to index
      %swap3A_122 = tpu.vector_load %arg10[%swap3A_121] {strides = array<i32>} : memref<8320xf32, #tpu.memory_space<vmem>>, vector<16xf32>,
      %swap3A_123 = vector.shape_cast %swap3A_122 : vector<16xf32> to vector<16xf32>
      %swap3A_124 = vector.shape_cast %add3A_118 : vector<16xf32> to vector<16xf32>
      tpu.vector_store %arg10[%swap3A_121], %swap3A_124 {strides = array<i32>} : memref<8320xf32, #tpu.memory_space<vmem>>, vector<16xf32>,
      %add3A_125 = arith.constant 48 : i32
      %add3A_126 = arith.addi %mul3A_37, %add3A_125 : i32
      %get3A_127 = arith.index_cast %add3A_126 : i32 to index
      %get3A_128 = tpu.vector_load %arg7[%get3A_127] {strides = array<i32>} : memref<40960xf32, #tpu.memory_space<vmem>>, vector<16xf32>,
      %get3A_129 = vector.shape_cast %get3A_128 : vector<16xf32> to vector<16xf32>
      %add3A_130 = arith.constant 48 : i32
      %add3A_131 = arith.addi %mul3A_39, %add3A_130 : i32
      %get3A_132 = arith.index_cast %add3A_131 : i32 to index
      %get3A_133 = tpu.vector_load %arg9[%get3A_132] {strides = array<i32>} : memref<8320xf32, #tpu.memory_space<vmem>>, vector<16xf32>,
      %get3A_134 = vector.shape_cast %get3A_133 : vector<16xf32> to vector<16xf32>
      %max3A_135 = arith.maximumf %get3A_134, %get3A_129 : vector<16xf32>
      %add3A_136 = arith.constant 48 : i32
      %add3A_137 = arith.addi %mul3A_39, %add3A_136 : i32
      %swap3A_138 = arith.index_cast %add3A_137 : i32 to index
      %swap3A_139 = tpu.vector_load %arg9[%swap3A_138] {strides = array<i32>} : memref<8320xf32, #tpu.memory_space<vmem>>, vector<16xf32>,
      %swap3A_140 = vector.shape_cast %swap3A_139 : vector<16xf32> to vector<16xf32>
      %swap3A_141 = vector.shape_cast %max3A_135 : vector<16xf32> to vector<16xf32>
      tpu.vector_store %arg9[%swap3A_138], %swap3A_141 {strides = array<i32>} : memref<8320xf32, #tpu.memory_space<vmem>>, vector<16xf32>,
      %add3A_142 = arith.constant 48 : i32
      %add3A_143 = arith.addi %mul3A_39, %add3A_142 : i32
      %get3A_144 = arith.index_cast %add3A_143 : i32 to index
      %get3A_145 = tpu.vector_load %arg10[%get3A_144] {strides = array<i32>} : memref<8320xf32, #tpu.memory_space<vmem>>, vector<16xf32>,
      %get3A_146 = vector.shape_cast %get3A_145 : vector<16xf32> to vector<16xf32>
      %add3A_147 = arith.addf %get3A_146, %get3A_129 : vector<16xf32>
      %add3A_148 = arith.constant 48 : i32
      %add3A_149 = arith.addi %mul3A_39, %add3A_148 : i32
      %swap3A_150 = arith.index_cast %add3A_149 : i32 to index
      %swap3A_151 = tpu.vector_load %arg10[%swap3A_150] {strides = array<i32>} : memref<8320xf32, #tpu.memory_space<vmem>>, vector<16xf32>,
      %swap3A_152 = vector.shape_cast %swap3A_151 : vector<16xf32> to vector<16xf32>
      %swap3A_153 = vector.shape_cast %add3A_147 : vector<16xf32> to vector<16xf32>
      tpu.vector_store %arg10[%swap3A_150], %swap3A_153 {strides = array<i32>} : memref<8320xf32, #tpu.memory_space<vmem>>, vector<16xf32>,
      %add3A_154 = arith.constant 64 : i32
      %add3A_155 = arith.addi %mul3A_37, %add3A_154 : i32
      %get3A_156 = arith.index_cast %add3A_155 : i32 to index
      %get3A_157 = tpu.vector_load %arg7[%get3A_156] {strides = array<i32>} : memref<40960xf32, #tpu.memory_space<vmem>>, vector<16xf32>,
      %get3A_158 = vector.shape_cast %get3A_157 : vector<16xf32> to vector<16xf32>
      %add3A_159 = arith.constant 64 : i32
      %add3A_160 = arith.addi %mul3A_39, %add3A_159 : i32
      %get3A_161 = arith.index_cast %add3A_160 : i32 to index
      %get3A_162 = tpu.vector_load %arg9[%get3A_161] {strides = array<i32>} : memref<8320xf32, #tpu.memory_space<vmem>>, vector<16xf32>,
      %get3A_163 = vector.shape_cast %get3A_162 : vector<16xf32> to vector<16xf32>
      %max3A_164 = arith.maximumf %get3A_163, %get3A_158 : vector<16xf32>
      %add3A_165 = arith.constant 64 : i32
      %add3A_166 = arith.addi %mul3A_39, %add3A_165 : i32
      %swap3A_167 = arith.index_cast %add3A_166 : i32 to index
      %swap3A_168 = tpu.vector_load %arg9[%swap3A_167] {strides = array<i32>} : memref<8320xf32, #tpu.memory_space<vmem>>, vector<16xf32>,
      %swap3A_169 = vector.shape_cast %swap3A_168 : vector<16xf32> to vector<16xf32>
      %swap3A_170 = vector.shape_cast %max3A_164 : vector<16xf32> to vector<16xf32>
      tpu.vector_store %arg9[%swap3A_167], %swap3A_170 {strides = array<i32>} : memref<8320xf32, #tpu.memory_space<vmem>>, vector<16xf32>,
      %add3A_171 = arith.constant 64 : i32
      %add3A_172 = arith.addi %mul3A_39, %add3A_171 : i32
      %get3A_173 = arith.index_cast %add3A_172 : i32 to index
      %get3A_174 = tpu.vector_load %arg10[%get3A_173] {strides = array<i32>} : memref<8320xf32, #tpu.memory_space<vmem>>, vector<16xf32>,
      %get3A_175 = vector.shape_cast %get3A_174 : vector<16xf32> to vector<16xf32>
      %add3A_176 = arith.addf %get3A_175, %get3A_158 : vector<16xf32>
      %add3A_177 = arith.constant 64 : i32
      %add3A_178 = arith.addi %mul3A_39, %add3A_177 : i32
      %swap3A_179 = arith.index_cast %add3A_178 : i32 to index
      %swap3A_180 = tpu.vector_load %arg10[%swap3A_179] {strides = array<i32>} : memref<8320xf32, #tpu.memory_space<vmem>>, vector<16xf32>,
      %swap3A_181 = vector.shape_cast %swap3A_180 : vector<16xf32> to vector<16xf32>
      %swap3A_182 = vector.shape_cast %add3A_176 : vector<16xf32> to vector<16xf32>
      tpu.vector_store %arg10[%swap3A_179], %swap3A_182 {strides = array<i32>} : memref<8320xf32, #tpu.memory_space<vmem>>, vector<16xf32>,
      %add3A_183 = arith.constant 80 : i32
      %add3A_184 = arith.addi %mul3A_37, %add3A_183 : i32
      %get3A_185 = arith.index_cast %add3A_184 : i32 to index
      %get3A_186 = tpu.vector_load %arg7[%get3A_185] {strides = array<i32>} : memref<40960xf32, #tpu.memory_space<vmem>>, vector<16xf32>,
      %get3A_187 = vector.shape_cast %get3A_186 : vector<16xf32> to vector<16xf32>
      %add3A_188 = arith.constant 80 : i32
      %add3A_189 = arith.addi %mul3A_39, %add3A_188 : i32
      %get3A_190 = arith.index_cast %add3A_189 : i32 to index
      %get3A_191 = tpu.vector_load %arg9[%get3A_190] {strides = array<i32>} : memref<8320xf32, #tpu.memory_space<vmem>>, vector<16xf32>,
      %get3A_192 = vector.shape_cast %get3A_191 : vector<16xf32> to vector<16xf32>
      %max3A_193 = arith.maximumf %get3A_192, %get3A_187 : vector<16xf32>
      %add3A_194 = arith.constant 80 : i32
      %add3A_195 = arith.addi %mul3A_39, %add3A_194 : i32
      %swap3A_196 = arith.index_cast %add3A_195 : i32 to index
      %swap3A_197 = tpu.vector_load %arg9[%swap3A_196] {strides = array<i32>} : memref<8320xf32, #tpu.memory_space<vmem>>, vector<16xf32>,
      %swap3A_198 = vector.shape_cast %swap3A_197 : vector<16xf32> to vector<16xf32>
      %swap3A_199 = vector.shape_cast %max3A_193 : vector<16xf32> to vector<16xf32>
      tpu.vector_store %arg9[%swap3A_196], %swap3A_199 {strides = array<i32>} : memref<8320xf32, #tpu.memory_space<vmem>>, vector<16xf32>,
      %add3A_200 = arith.constant 80 : i32
      %add3A_201 = arith.addi %mul3A_39, %add3A_200 : i32
      %get3A_202 = arith.index_cast %add3A_201 : i32 to index
      %get3A_203 = tpu.vector_load %arg10[%get3A_202] {strides = array<i32>} : memref<8320xf32, #tpu.memory_space<vmem>>, vector<16xf32>,
      %get3A_204 = vector.shape_cast %get3A_203 : vector<16xf32> to vector<16xf32>
      %add3A_205 = arith.addf %get3A_204, %get3A_187 : vector<16xf32>
      %add3A_206 = arith.constant 80 : i32
      %add3A_207 = arith.addi %mul3A_39, %add3A_206 : i32
      %swap3A_208 = arith.index_cast %add3A_207 : i32 to index
      %swap3A_209 = tpu.vector_load %arg10[%swap3A_208] {strides = array<i32>} : memref<8320xf32, #tpu.memory_space<vmem>>, vector<16xf32>,
      %swap3A_210 = vector.shape_cast %swap3A_209 : vector<16xf32> to vector<16xf32>
      %swap3A_211 = vector.shape_cast %add3A_205 : vector<16xf32> to vector<16xf32>
      tpu.vector_store %arg10[%swap3A_208], %swap3A_211 {strides = array<i32>} : memref<8320xf32, #tpu.memory_space<vmem>>, vector<16xf32>,
      %add3A_212 = arith.constant 96 : i32
      %add3A_213 = arith.addi %mul3A_37, %add3A_212 : i32
      %get3A_214 = arith.index_cast %add3A_213 : i32 to index
      %get3A_215 = tpu.vector_load %arg7[%get3A_214] {strides = array<i32>} : memref<40960xf32, #tpu.memory_space<vmem>>, vector<16xf32>,
      %get3A_216 = vector.shape_cast %get3A_215 : vector<16xf32> to vector<16xf32>
      %add3A_217 = arith.constant 96 : i32
      %add3A_218 = arith.addi %mul3A_39, %add3A_217 : i32
      %get3A_219 = arith.index_cast %add3A_218 : i32 to index
      %get3A_220 = tpu.vector_load %arg9[%get3A_219] {strides = array<i32>} : memref<8320xf32, #tpu.memory_space<vmem>>, vector<16xf32>,
      %get3A_221 = vector.shape_cast %get3A_220 : vector<16xf32> to vector<16xf32>
      %max3A_222 = arith.maximumf %get3A_221, %get3A_216 : vector<16xf32>
      %add3A_223 = arith.constant 96 : i32
      %add3A_224 = arith.addi %mul3A_39, %add3A_223 : i32
      %swap3A_225 = arith.index_cast %add3A_224 : i32 to index
      %swap3A_226 = tpu.vector_load %arg9[%swap3A_225] {strides = array<i32>} : memref<8320xf32, #tpu.memory_space<vmem>>, vector<16xf32>,
      %swap3A_227 = vector.shape_cast %swap3A_226 : vector<16xf32> to vector<16xf32>
      %swap3A_228 = vector.shape_cast %max3A_222 : vector<16xf32> to vector<16xf32>
      tpu.vector_store %arg9[%swap3A_225], %swap3A_228 {strides = array<i32>} : memref<8320xf32, #tpu.memory_space<vmem>>, vector<16xf32>,
      %add3A_229 = arith.constant 96 : i32
      %add3A_230 = arith.addi %mul3A_39, %add3A_229 : i32
      %get3A_231 = arith.index_cast %add3A_230 : i32 to index
      %get3A_232 = tpu.vector_load %arg10[%get3A_231] {strides = array<i32>} : memref<8320xf32, #tpu.memory_space<vmem>>, vector<16xf32>,
      %get3A_233 = vector.shape_cast %get3A_232 : vector<16xf32> to vector<16xf32>
      %add3A_234 = arith.addf %get3A_233, %get3A_216 : vector<16xf32>
      %add3A_235 = arith.constant 96 : i32
      %add3A_236 = arith.addi %mul3A_39, %add3A_235 : i32
      %swap3A_237 = arith.index_cast %add3A_236 : i32 to index
      %swap3A_238 = tpu.vector_load %arg10[%swap3A_237] {strides = array<i32>} : memref<8320xf32, #tpu.memory_space<vmem>>, vector<16xf32>,
      %swap3A_239 = vector.shape_cast %swap3A_238 : vector<16xf32> to vector<16xf32>
      %swap3A_240 = vector.shape_cast %add3A_234 : vector<16xf32> to vector<16xf32>
      tpu.vector_store %arg10[%swap3A_237], %swap3A_240 {strides = array<i32>} : memref<8320xf32, #tpu.memory_space<vmem>>, vector<16xf32>,
      %add3A_241 = arith.constant 112 : i32
      %add3A_242 = arith.addi %mul3A_37, %add3A_241 : i32
      %get3A_243 = arith.index_cast %add3A_242 : i32 to index
      %get3A_244 = tpu.vector_load %arg7[%get3A_243] {strides = array<i32>} : memref<40960xf32, #tpu.memory_space<vmem>>, vector<16xf32>,
      %get3A_245 = vector.shape_cast %get3A_244 : vector<16xf32> to vector<16xf32>
      %add3A_246 = arith.constant 112 : i32
      %add3A_247 = arith.addi %mul3A_39, %add3A_246 : i32
      %get3A_248 = arith.index_cast %add3A_247 : i32 to index
      %get3A_249 = tpu.vector_load %arg9[%get3A_248] {strides = array<i32>} : memref<8320xf32, #tpu.memory_space<vmem>>, vector<16xf32>,
      %get3A_250 = vector.shape_cast %get3A_249 : vector<16xf32> to vector<16xf32>
      %max3A_251 = arith.maximumf %get3A_250, %get3A_245 : vector<16xf32>
      %add3A_252 = arith.constant 112 : i32
      %add3A_253 = arith.addi %mul3A_39, %add3A_252 : i32
      %swap3A_254 = arith.index_cast %add3A_253 : i32 to index
      %swap3A_255 = tpu.vector_load %arg9[%swap3A_254] {strides = array<i32>} : memref<8320xf32, #tpu.memory_space<vmem>>, vector<16xf32>,
      %swap3A_256 = vector.shape_cast %swap3A_255 : vector<16xf32> to vector<16xf32>
      %swap3A_257 = vector.shape_cast %max3A_251 : vector<16xf32> to vector<16xf32>
      tpu.vector_store %arg9[%swap3A_254], %swap3A_257 {strides = array<i32>} : memref<8320xf32, #tpu.memory_space<vmem>>, vector<16xf32>,
      %add3A_258 = arith.constant 112 : i32
      %add3A_259 = arith.addi %mul3A_39, %add3A_258 : i32
      %get3A_260 = arith.index_cast %add3A_259 : i32 to index
      %get3A_261 = tpu.vector_load %arg10[%get3A_260] {strides = array<i32>} : memref<8320xf32, #tpu.memory_space<vmem>>, vector<16xf32>,
      %get3A_262 = vector.shape_cast %get3A_261 : vector<16xf32> to vector<16xf32>
      %add3A_263 = arith.addf %get3A_262, %get3A_245 : vector<16xf32>
      %add3A_264 = arith.constant 112 : i32
      %add3A_265 = arith.addi %mul3A_39, %add3A_264 : i32
      %swap3A_266 = arith.index_cast %add3A_265 : i32 to index
      %swap3A_267 = tpu.vector_load %arg10[%swap3A_266] {strides = array<i32>} : memref<8320xf32, #tpu.memory_space<vmem>>, vector<16xf32>,
      %swap3A_268 = vector.shape_cast %swap3A_267 : vector<16xf32> to vector<16xf32>
      %swap3A_269 = vector.shape_cast %add3A_263 : vector<16xf32> to vector<16xf32>
      tpu.vector_store %arg10[%swap3A_266], %swap3A_269 {strides = array<i32>} : memref<8320xf32, #tpu.memory_space<vmem>>, vector<16xf32>,
      %mul3A_270 = arith.constant 16 : i32
      %mul3A_271 = arith.muli %squeeze3A, %mul3A_270 : i32
      %get3A_272 = arith.index_cast %mul3A_271 : i32 to index
      %get3A_273 = tpu.vector_load %arg11[%get3A_272] {strides = array<i32>} : memref<1040xf32, #tpu.memory_space<vmem>>, vector<16xf32>,
      %get3A_274 = vector.shape_cast %get3A_273 : vector<16xf32> to vector<16xf32>
      %add3A_275 = arith.addf %get3A_274, %broadcast_in_dim3A_5 : vector<16xf32>
      %swap3A_276 = arith.index_cast %mul3A_271 : i32 to index
      %swap3A_277 = tpu.vector_load %arg11[%swap3A_276] {strides = array<i32>} : memref<1040xf32, #tpu.memory_space<vmem>>, vector<16xf32>,
      %swap3A_278 = vector.shape_cast %swap3A_277 : vector<16xf32> to vector<16xf32>
      %swap3A_279 = vector.shape_cast %add3A_275 : vector<16xf32> to vector<16xf32>
      tpu.vector_store %arg11[%swap3A_276], %swap3A_279 {strides = array<i32>} : memref<1040xf32, #tpu.memory_space<vmem>>, vector<16xf32>,
      %scan3A_280 = arith.constant 0 : i32
      scf.yield %scan3A_280 : i32
    }
    %scan3A_31 = arith.constant 320 : i32
    %barrier3A = arith.constant 0 : index
    tpu.barrier barrier_id(%barrier3A)
    "tpu.region"() ({
      %run_scoped3A = tpu.sem_alloc : memref<!tpu.dma_semaphore, #tpu.memory_space<semaphore_mem>>
      %dma_start3A = arith.constant 0 : i32
      %dma_start3A_32 = tpu.memref_slice %arg9[%dma_start3A] : memref<8320xf32, #tpu.memory_space<vmem>> -> memref<8192xf32, #tpu.memory_space<vmem>>
      %dma_start3A_33 = arith.constant 0 : i32
      %dma_start3A_34 = tpu.memref_slice %arg4[%add3A, %dma_start3A_33] : memref<32x8192xf32, #tpu.memory_space<hbm>> -> memref<1x8192xf32, #tpu.memory_space<hbm>>
      %dma_start3A_35 = tpu.memref_squeeze %dma_start3A_34 : memref<1x8192xf32, #tpu.memory_space<hbm>> -> memref<8192xf32, #tpu.memory_space<hbm>>
      %dma_start3A_36 = arith.constant 0 : i32
      %dma_start3A_37 = tpu.memref_slice %arg4[%add3A, %dma_start3A_36] : memref<32x8192xf32, #tpu.memory_space<hbm>> -> memref<1x8192xf32, #tpu.memory_space<hbm>>
      %dma_start3A_38 = tpu.memref_squeeze %dma_start3A_37 : memref<1x8192xf32, #tpu.memory_space<hbm>> -> memref<8192xf32, #tpu.memory_space<hbm>>
      %dma_start3A_39 = arith.constant 0 : i32
      %dma_start3A_40 = tpu.memref_slice %arg9[%dma_start3A_39] : memref<8320xf32, #tpu.memory_space<vmem>> -> memref<8192xf32, #tpu.memory_space<vmem>>
      tpu.enqueue_dma source(%dma_start3A_40 : memref<8192xf32, #tpu.memory_space<vmem>>) target(%dma_start3A_38 : memref<8192xf32, #tpu.memory_space<hbm>>) target_semaphore(%run_scoped3A : memref<!tpu.dma_semaphore, #tpu.memory_space<semaphore_mem>>)
      %dma_wait3A = arith.constant 0 : i32
      %dma_wait3A_41 = tpu.memref_slice %arg9[%dma_wait3A] : memref<8320xf32, #tpu.memory_space<vmem>> -> memref<8192xf32, #tpu.memory_space<vmem>>
      %dma_wait3A_42 = arith.constant 0 : i32
      %dma_wait3A_43 = tpu.memref_slice %arg4[%add3A, %dma_wait3A_42] : memref<32x8192xf32, #tpu.memory_space<hbm>> -> memref<1x8192xf32, #tpu.memory_space<hbm>>
      %dma_wait3A_44 = tpu.memref_squeeze %dma_wait3A_43 : memref<1x8192xf32, #tpu.memory_space<hbm>> -> memref<8192xf32, #tpu.memory_space<hbm>>
      %dma_wait3A_45 = arith.constant 0 : i32
      %dma_wait3A_46 = tpu.memref_slice %arg4[%add3A, %dma_wait3A_45] : memref<32x8192xf32, #tpu.memory_space<hbm>> -> memref<1x8192xf32, #tpu.memory_space<hbm>>
      %dma_wait3A_47 = tpu.memref_squeeze %dma_wait3A_46 : memref<1x8192xf32, #tpu.memory_space<hbm>> -> memref<8192xf32, #tpu.memory_space<hbm>>
      %dma_wait3A_48 = arith.constant 0 : i32
      %dma_wait3A_49 = tpu.memref_slice %arg9[%dma_wait3A_48] : memref<8320xf32, #tpu.memory_space<vmem>> -> memref<8192xf32, #tpu.memory_space<vmem>>
      tpu.wait_dma2 semaphore(%run_scoped3A : memref<!tpu.dma_semaphore, #tpu.memory_space<semaphore_mem>>) src(%dma_wait3A_49 : memref<8192xf32, #tpu.memory_space<vmem>>) dst(%dma_wait3A_47 : memref<8192xf32, #tpu.memory_space<hbm>>)
      tpu.yield
    }) : () -> ()
    "tpu.region"() ({
      %run_scoped3A = tpu.sem_alloc : memref<!tpu.dma_semaphore, #tpu.memory_space<semaphore_mem>>
      %dma_start3A = arith.constant 0 : i32
      %dma_start3A_32 = tpu.memref_slice %arg10[%dma_start3A] : memref<8320xf32, #tpu.memory_space<vmem>> -> memref<8192xf32, #tpu.memory_space<vmem>>
      %dma_start3A_33 = arith.constant 0 : i32
      %dma_start3A_34 = tpu.memref_slice %arg5[%add3A, %dma_start3A_33] : memref<32x8192xf32, #tpu.memory_space<hbm>> -> memref<1x8192xf32, #tpu.memory_space<hbm>>
      %dma_start3A_35 = tpu.memref_squeeze %dma_start3A_34 : memref<1x8192xf32, #tpu.memory_space<hbm>> -> memref<8192xf32, #tpu.memory_space<hbm>>
      %dma_start3A_36 = arith.constant 0 : i32
      %dma_start3A_37 = tpu.memref_slice %arg5[%add3A, %dma_start3A_36] : memref<32x8192xf32, #tpu.memory_space<hbm>> -> memref<1x8192xf32, #tpu.memory_space<hbm>>
      %dma_start3A_38 = tpu.memref_squeeze %dma_start3A_37 : memref<1x8192xf32, #tpu.memory_space<hbm>> -> memref<8192xf32, #tpu.memory_space<hbm>>
      %dma_start3A_39 = arith.constant 0 : i32
      %dma_start3A_40 = tpu.memref_slice %arg10[%dma_start3A_39] : memref<8320xf32, #tpu.memory_space<vmem>> -> memref<8192xf32, #tpu.memory_space<vmem>>
      tpu.enqueue_dma source(%dma_start3A_40 : memref<8192xf32, #tpu.memory_space<vmem>>) target(%dma_start3A_38 : memref<8192xf32, #tpu.memory_space<hbm>>) target_semaphore(%run_scoped3A : memref<!tpu.dma_semaphore, #tpu.memory_space<semaphore_mem>>)
      %dma_wait3A = arith.constant 0 : i32
      %dma_wait3A_41 = tpu.memref_slice %arg10[%dma_wait3A] : memref<8320xf32, #tpu.memory_space<vmem>> -> memref<8192xf32, #tpu.memory_space<vmem>>
      %dma_wait3A_42 = arith.constant 0 : i32
      %dma_wait3A_43 = tpu.memref_slice %arg5[%add3A, %dma_wait3A_42] : memref<32x8192xf32, #tpu.memory_space<hbm>> -> memref<1x8192xf32, #tpu.memory_space<hbm>>
      %dma_wait3A_44 = tpu.memref_squeeze %dma_wait3A_43 : memref<1x8192xf32, #tpu.memory_space<hbm>> -> memref<8192xf32, #tpu.memory_space<hbm>>
      %dma_wait3A_45 = arith.constant 0 : i32
      %dma_wait3A_46 = tpu.memref_slice %arg5[%add3A, %dma_wait3A_45] : memref<32x8192xf32, #tpu.memory_space<hbm>> -> memref<1x8192xf32, #tpu.memory_space<hbm>>
      %dma_wait3A_47 = tpu.memref_squeeze %dma_wait3A_46 : memref<1x8192xf32, #tpu.memory_space<hbm>> -> memref<8192xf32, #tpu.memory_space<hbm>>
      %dma_wait3A_48 = arith.constant 0 : i32
      %dma_wait3A_49 = tpu.memref_slice %arg10[%dma_wait3A_48] : memref<8320xf32, #tpu.memory_space<vmem>> -> memref<8192xf32, #tpu.memory_space<vmem>>
      tpu.wait_dma2 semaphore(%run_scoped3A : memref<!tpu.dma_semaphore, #tpu.memory_space<semaphore_mem>>) src(%dma_wait3A_49 : memref<8192xf32, #tpu.memory_space<vmem>>) dst(%dma_wait3A_47 : memref<8192xf32, #tpu.memory_space<hbm>>)
      tpu.yield
    }) : () -> ()
    "tpu.region"() ({
      %run_scoped3A = tpu.sem_alloc : memref<!tpu.dma_semaphore, #tpu.memory_space<semaphore_mem>>
      %dma_start3A = arith.constant 0 : i32
      %dma_start3A_32 = tpu.memref_slice %arg11[%dma_start3A] : memref<1040xf32, #tpu.memory_space<vmem>> -> memref<1024xf32, #tpu.memory_space<vmem>>
      %dma_start3A_33 = arith.constant 0 : i32
      %dma_start3A_34 = tpu.memref_slice %arg6[%add3A, %dma_start3A_33] : memref<32x1024xf32, #tpu.memory_space<hbm>> -> memref<1x1024xf32, #tpu.memory_space<hbm>>
      %dma_start3A_35 = tpu.memref_squeeze %dma_start3A_34 : memref<1x1024xf32, #tpu.memory_space<hbm>> -> memref<1024xf32, #tpu.memory_space<hbm>>
      %dma_start3A_36 = arith.constant 0 : i32
      %dma_start3A_37 = tpu.memref_slice %arg6[%add3A, %dma_start3A_36] : memref<32x1024xf32, #tpu.memory_space<hbm>> -> memref<1x1024xf32, #tpu.memory_space<hbm>>
      %dma_start3A_38 = tpu.memref_squeeze %dma_start3A_37 : memref<1x1024xf32, #tpu.memory_space<hbm>> -> memref<1024xf32, #tpu.memory_space<hbm>>
      %dma_start3A_39 = arith.constant 0 : i32
      %dma_start3A_40 = tpu.memref_slice %arg11[%dma_start3A_39] : memref<1040xf32, #tpu.memory_space<vmem>> -> memref<1024xf32, #tpu.memory_space<vmem>>
      tpu.enqueue_dma source(%dma_start3A_40 : memref<1024xf32, #tpu.memory_space<vmem>>) target(%dma_start3A_38 : memref<1024xf32, #tpu.memory_space<hbm>>) target_semaphore(%run_scoped3A : memref<!tpu.dma_semaphore, #tpu.memory_space<semaphore_mem>>)
      %dma_wait3A = arith.constant 0 : i32
      %dma_wait3A_41 = tpu.memref_slice %arg11[%dma_wait3A] : memref<1040xf32, #tpu.memory_space<vmem>> -> memref<1024xf32, #tpu.memory_space<vmem>>
      %dma_wait3A_42 = arith.constant 0 : i32
      %dma_wait3A_43 = tpu.memref_slice %arg6[%add3A, %dma_wait3A_42] : memref<32x1024xf32, #tpu.memory_space<hbm>> -> memref<1x1024xf32, #tpu.memory_space<hbm>>
      %dma_wait3A_44 = tpu.memref_squeeze %dma_wait3A_43 : memref<1x1024xf32, #tpu.memory_space<hbm>> -> memref<1024xf32, #tpu.memory_space<hbm>>
      %dma_wait3A_45 = arith.constant 0 : i32
      %dma_wait3A_46 = tpu.memref_slice %arg6[%add3A, %dma_wait3A_45] : memref<32x1024xf32, #tpu.memory_space<hbm>> -> memref<1x1024xf32, #tpu.memory_space<hbm>>
      %dma_wait3A_47 = tpu.memref_squeeze %dma_wait3A_46 : memref<1x1024xf32, #tpu.memory_space<hbm>> -> memref<1024xf32, #tpu.memory_space<hbm>>
      %dma_wait3A_48 = arith.constant 0 : i32
      %dma_wait3A_49 = tpu.memref_slice %arg11[%dma_wait3A_48] : memref<1040xf32, #tpu.memory_space<vmem>> -> memref<1024xf32, #tpu.memory_space<vmem>>
      tpu.wait_dma2 semaphore(%run_scoped3A : memref<!tpu.dma_semaphore, #tpu.memory_space<semaphore_mem>>) src(%dma_wait3A_49 : memref<1024xf32, #tpu.memory_space<vmem>>) dst(%dma_wait3A_47 : memref<1024xf32, #tpu.memory_space<hbm>>)
      tpu.yield
    }) : () -> ()
    return
  }
}

module attributes {stable_mosaic.version = 14 : i64} {
  func.func @_tc_y0_body(%arg0: i32, %arg1: memref<512x128xf32, #tpu.memory_space<vmem>>, %arg2: memref<128x128xf32, #tpu.memory_space<vmem>>, %arg3: memref<2x512x16xf32, #tpu.memory_space<vmem>>, %arg4: memref<512x128xf32, #tpu.memory_space<vmem>>) attributes {dimension_semantics = [#tpu.dimension_semantics<arbitrary>], iteration_bounds = array<i64: 20>, scalar_prefetch = 0 : i64, scratch_operands = 0 : i64, tpu.core_type = #tpu.core_type<tc>, window_params = [{transform_indices = @transform_0, window_bounds = array<i64: 512, 128>}, {pipeline_mode = #tpu.pipeline_mode<synchronous>, transform_indices = @transform_1, window_bounds = array<i64: 128, 128>}, {transform_indices = @transform_2, window_bounds = array<i64: 2, 512, 16>}, {transform_indices = @transform_3, window_bounds = array<i64: 512, 128>}]} {
    %get3A = arith.constant 0 : index
    %get3A_0 = arith.constant 0 : index
    %get3A_1 = arith.constant 0 : index
    %get3A_2 = vector.load %arg3[%get3A, %get3A_0, %get3A_1] : memref<2x512x16xf32, #tpu.memory_space<vmem>>, vector<1x512x16xf32>
    %get3A_3 = vector.shape_cast %get3A_2 : vector<1x512x16xf32> to vector<512x16xf32>
    %get3A_4 = arith.constant 1 : index
    %get3A_5 = arith.constant 0 : index
    %get3A_6 = arith.constant 0 : index
    %get3A_7 = vector.load %arg3[%get3A_4, %get3A_5, %get3A_6] : memref<2x512x16xf32, #tpu.memory_space<vmem>>, vector<1x512x16xf32>
    %get3A_8 = vector.shape_cast %get3A_7 : vector<1x512x16xf32> to vector<512x16xf32>
    %add3A = arith.addf %get3A_3, %get3A_8 : vector<512x16xf32>
    %slice3A = vector.extract_strided_slice %add3A {offsets = [0, 0], sizes = [512, 1], strides = [1, 1]} : vector<512x16xf32> to vector<512x1xf32>
    %add3A_9 = arith.constant 1.000000e+00 : f32
    %add3A_10 = vector.broadcast %add3A_9 : f32 to vector<512x1xf32>
    %add3A_11 = arith.addf %slice3A, %add3A_10 : vector<512x1xf32>
    %rsqrt3A = math.rsqrt %add3A_11 : vector<512x1xf32>
    %get3A_12 = arith.constant 0 : index
    %get3A_13 = arith.constant 0 : index
    %get3A_14 = vector.load %arg1[%get3A_12, %get3A_13] : memref<512x128xf32, #tpu.memory_space<vmem>>, vector<512x128xf32>
    %get3A_15 = arith.constant 0 : index
    %get3A_16 = arith.constant 0 : index
    %get3A_17 = vector.load %arg2[%get3A_15, %get3A_16] : memref<128x128xf32, #tpu.memory_space<vmem>>, vector<128x128xf32>
    %dot_general3A = arith.constant dense<0.000000e+00> : vector<512x128xf32>
    %dot_general3A_18 = tpu.matmul %get3A_14, %get3A_17, %dot_general3A {dimension_numbers = #tpu.dot_dimension_numbers<[1], [0], [0], [1], [0, 0, 1, 1], [], []>, transpose_lhs_hint = false} : vector<512x128xf32>, vector<128x128xf32>, vector<512x128xf32> -> vector<512x128xf32>
    %mul3A = arith.constant 512 : i32
    %mul3A_19 = arith.muli %arg0, %mul3A : i32
    %iota3A = tpu.iota {dimensions = array<i32: 0>} : vector<512x1xi32>
    %add3A_20 = vector.broadcast %mul3A_19 : i32 to vector<512x1xi32>
    %add3A_21 = arith.addi %add3A_20, %iota3A : vector<512x1xi32>
    %lt3A = arith.constant 10000 : i32
    %lt3A_22 = vector.broadcast %lt3A : i32 to vector<512x1xi32>
    %lt3A_23 = arith.cmpi slt, %add3A_21, %lt3A_22 : vector<512x1xi32>
    %mul3A_24 = vector.broadcast %rsqrt3A : vector<512x1xf32> to vector<512x128xf32>
    %mul3A_25 = arith.mulf %dot_general3A_18, %mul3A_24 : vector<512x128xf32>
    %jit3A = arith.constant 0.000000e+00 : f32
    %broadcast_in_dim3A = vector.shape_cast %lt3A_23 : vector<512x1xi1> to vector<512x1xi1>
    %broadcast_in_dim3A_26 = vector.broadcast %broadcast_in_dim3A : vector<512x1xi1> to vector<512x128xi1>
    %broadcast_in_dim3A_27 = vector.broadcast %jit3A : f32 to vector<512x128xf32>
    %select_n3A = arith.select %broadcast_in_dim3A_26, %mul3A_25, %broadcast_in_dim3A_27 : vector<512x128xi1>, vector<512x128xf32>
    %swap3A = arith.constant 0 : index
    %swap3A_28 = arith.constant 0 : index
    %swap3A_29 = vector.load %arg4[%swap3A, %swap3A_28] : memref<512x128xf32, #tpu.memory_space<vmem>>, vector<512x128xf32>
    tpu.vector_store %arg4[%swap3A, %swap3A_28], %select_n3A {strides = array<i32>} : memref<512x128xf32, #tpu.memory_space<vmem>>, vector<512x128xf32>,
    return
  }
  func.func @transform_0(%arg0: i32) -> (i32, i32) {
    %c0_i32 = arith.constant 0 : i32
    %c0_i32_0 = arith.constant 0 : i32
    return %arg0, %c0_i32 : i32, i32
  }
  func.func @transform_1(%arg0: i32) -> (i32, i32) {
    %c0_i32 = arith.constant 0 : i32
    %c0_i32_0 = arith.constant 0 : i32
    %c0_i32_1 = arith.constant 0 : i32
    return %c0_i32, %c0_i32_0 : i32, i32
  }
  func.func @transform_2(%arg0: i32) -> (i32, i32, i32) {
    %c0_i32 = arith.constant 0 : i32
    %c0_i32_0 = arith.constant 0 : i32
    %c0_i32_1 = arith.constant 0 : i32
    return %c0_i32, %arg0, %c0_i32_0 : i32, i32, i32
  }
  func.func @transform_3(%arg0: i32) -> (i32, i32) {
    %c0_i32 = arith.constant 0 : i32
    %c0_i32_0 = arith.constant 0 : i32
    return %arg0, %c0_i32 : i32, i32
  }
}

module attributes {stable_mosaic.version = 14 : i64} {
  func.func @_tc_last_body(%arg0: i32, %arg1: memref<2x512x128xf32, #tpu.memory_space<vmem>>, %arg2: memref<512x128xf32, #tpu.memory_space<vmem>>, %arg3: memref<2x512x16xf32, #tpu.memory_space<vmem>>, %arg4: memref<1x128xf32, #tpu.memory_space<vmem>>, %arg5: memref<1x128xf32, #tpu.memory_space<vmem>>, %arg6: memref<1x128xf32, #tpu.memory_space<vmem>>, %arg7: memref<512x128xf32, #tpu.memory_space<vmem>>) attributes {dimension_semantics = [#tpu.dimension_semantics<arbitrary>], iteration_bounds = array<i64: 20>, scalar_prefetch = 0 : i64, scratch_operands = 0 : i64, tpu.core_type = #tpu.core_type<tc>, window_params = [{transform_indices = @transform_0, window_bounds = array<i64: 2, 512, 128>}, {transform_indices = @transform_1, window_bounds = array<i64: 512, 128>}, {transform_indices = @transform_2, window_bounds = array<i64: 2, 512, 16>}, {pipeline_mode = #tpu.pipeline_mode<synchronous>, transform_indices = @transform_3, window_bounds = array<i64: 1, 128>}, {pipeline_mode = #tpu.pipeline_mode<synchronous>, transform_indices = @transform_4, window_bounds = array<i64: 1, 128>}, {pipeline_mode = #tpu.pipeline_mode<synchronous>, transform_indices = @transform_5, window_bounds = array<i64: 1, 128>}, {transform_indices = @transform_6, window_bounds = array<i64: 512, 128>}]} {
    %get3A = arith.constant 0 : index
    %get3A_0 = arith.constant 0 : index
    %get3A_1 = arith.constant 0 : index
    %get3A_2 = vector.load %arg3[%get3A, %get3A_0, %get3A_1] : memref<2x512x16xf32, #tpu.memory_space<vmem>>, vector<1x512x16xf32>
    %get3A_3 = vector.shape_cast %get3A_2 : vector<1x512x16xf32> to vector<512x16xf32>
    %get3A_4 = arith.constant 1 : index
    %get3A_5 = arith.constant 0 : index
    %get3A_6 = arith.constant 0 : index
    %get3A_7 = vector.load %arg3[%get3A_4, %get3A_5, %get3A_6] : memref<2x512x16xf32, #tpu.memory_space<vmem>>, vector<1x512x16xf32>
    %get3A_8 = vector.shape_cast %get3A_7 : vector<1x512x16xf32> to vector<512x16xf32>
    %add3A = arith.addf %get3A_3, %get3A_8 : vector<512x16xf32>
    %slice3A = vector.extract_strided_slice %add3A {offsets = [0, 0], sizes = [512, 1], strides = [1, 1]} : vector<512x16xf32> to vector<512x1xf32>
    %add3A_9 = arith.constant 1.000000e+00 : f32
    %add3A_10 = vector.broadcast %add3A_9 : f32 to vector<512x1xf32>
    %add3A_11 = arith.addf %slice3A, %add3A_10 : vector<512x1xf32>
    %rsqrt3A = math.rsqrt %add3A_11 : vector<512x1xf32>
    %get3A_12 = arith.constant 0 : index
    %get3A_13 = arith.constant 0 : index
    %get3A_14 = arith.constant 0 : index
    %get3A_15 = vector.load %arg1[%get3A_12, %get3A_13, %get3A_14] : memref<2x512x128xf32, #tpu.memory_space<vmem>>, vector<1x512x128xf32>
    %get3A_16 = vector.shape_cast %get3A_15 : vector<1x512x128xf32> to vector<512x128xf32>
    %get3A_17 = arith.constant 1 : index
    %get3A_18 = arith.constant 0 : index
    %get3A_19 = arith.constant 0 : index
    %get3A_20 = vector.load %arg1[%get3A_17, %get3A_18, %get3A_19] : memref<2x512x128xf32, #tpu.memory_space<vmem>>, vector<1x512x128xf32>
    %get3A_21 = vector.shape_cast %get3A_20 : vector<1x512x128xf32> to vector<512x128xf32>
    %add3A_22 = arith.addf %get3A_16, %get3A_21 : vector<512x128xf32>
    %get3A_23 = arith.constant 0 : index
    %get3A_24 = arith.constant 0 : index
    %get3A_25 = vector.load %arg2[%get3A_23, %get3A_24] : memref<512x128xf32, #tpu.memory_space<vmem>>, vector<512x128xf32>
    %add3A_26 = arith.addf %add3A_22, %get3A_25 : vector<512x128xf32>
    %mul3A = vector.broadcast %rsqrt3A : vector<512x1xf32> to vector<512x128xf32>
    %mul3A_27 = arith.mulf %mul3A, %add3A_26 : vector<512x128xf32>
    %get3A_28 = arith.constant 0 : index
    %get3A_29 = arith.constant 0 : index
    %get3A_30 = vector.load %arg4[%get3A_28, %get3A_29] : memref<1x128xf32, #tpu.memory_space<vmem>>, vector<1x128xf32>
    %add3A_31 = vector.broadcast %get3A_30 : vector<1x128xf32> to vector<512x128xf32>
    %add3A_32 = arith.addf %mul3A_27, %add3A_31 : vector<512x128xf32>
    %reduce_sum3A = arith.constant dense<0.000000e+00> : vector<512xf32>
    %reduce_sum3A_33 = vector.multi_reduction <add>, %add3A_32, %reduce_sum3A [1] : vector<512x128xf32> to vector<512xf32>
    %broadcast_in_dim3A = vector.shape_cast %reduce_sum3A_33 : vector<512xf32> to vector<512x1xf32>
    %div3A = arith.constant 1.280000e+02 : f32
    %div3A_34 = vector.broadcast %div3A : f32 to vector<512x1xf32>
    %div3A_35 = arith.divf %broadcast_in_dim3A, %div3A_34 : vector<512x1xf32>
    %sub3A = vector.broadcast %div3A_35 : vector<512x1xf32> to vector<512x128xf32>
    %sub3A_36 = arith.subf %add3A_32, %sub3A : vector<512x128xf32>
    %integer_pow3A = arith.mulf %sub3A_36, %sub3A_36 : vector<512x128xf32>
    %reduce_sum3A_37 = arith.constant dense<0.000000e+00> : vector<512xf32>
    %reduce_sum3A_38 = vector.multi_reduction <add>, %integer_pow3A, %reduce_sum3A_37 [1] : vector<512x128xf32> to vector<512xf32>
    %broadcast_in_dim3A_39 = vector.shape_cast %reduce_sum3A_38 : vector<512xf32> to vector<512x1xf32>
    %div3A_40 = arith.constant 1.280000e+02 : f32
    %div3A_41 = vector.broadcast %div3A_40 : f32 to vector<512x1xf32>
    %div3A_42 = arith.divf %broadcast_in_dim3A_39, %div3A_41 : vector<512x1xf32>
    %sub3A_43 = vector.broadcast %div3A_35 : vector<512x1xf32> to vector<512x128xf32>
    %sub3A_44 = arith.subf %add3A_32, %sub3A_43 : vector<512x128xf32>
    %add3A_45 = arith.constant 9.99999974E-6 : f32
    %add3A_46 = vector.broadcast %add3A_45 : f32 to vector<512x1xf32>
    %add3A_47 = arith.addf %div3A_42, %add3A_46 : vector<512x1xf32>
    %rsqrt3A_48 = math.rsqrt %add3A_47 : vector<512x1xf32>
    %mul3A_49 = vector.broadcast %rsqrt3A_48 : vector<512x1xf32> to vector<512x128xf32>
    %mul3A_50 = arith.mulf %sub3A_44, %mul3A_49 : vector<512x128xf32>
    %get3A_51 = arith.constant 0 : index
    %get3A_52 = arith.constant 0 : index
    %get3A_53 = vector.load %arg5[%get3A_51, %get3A_52] : memref<1x128xf32, #tpu.memory_space<vmem>>, vector<1x128xf32>
    %mul3A_54 = vector.broadcast %get3A_53 : vector<1x128xf32> to vector<512x128xf32>
    %mul3A_55 = arith.mulf %mul3A_50, %mul3A_54 : vector<512x128xf32>
    %get3A_56 = arith.constant 0 : index
    %get3A_57 = arith.constant 0 : index
    %get3A_58 = vector.load %arg6[%get3A_56, %get3A_57] : memref<1x128xf32, #tpu.memory_space<vmem>>, vector<1x128xf32>
    %add3A_59 = vector.broadcast %get3A_58 : vector<1x128xf32> to vector<512x128xf32>
    %add3A_60 = arith.addf %mul3A_55, %add3A_59 : vector<512x128xf32>
    %gt3A = arith.constant 0.000000e+00 : f32
    %gt3A_61 = vector.broadcast %gt3A : f32 to vector<512x128xf32>
    %gt3A_62 = arith.cmpf ogt, %add3A_60, %gt3A_61 : vector<512x128xf32>
    %mul3A_63 = arith.constant 1.000000e-01 : f32
    %mul3A_64 = vector.broadcast %mul3A_63 : f32 to vector<512x128xf32>
    %mul3A_65 = arith.mulf %mul3A_64, %add3A_60 : vector<512x128xf32>
    %select_n3A = arith.select %gt3A_62, %add3A_60, %mul3A_65 : vector<512x128xi1>, vector<512x128xf32>
    %mul3A_66 = arith.constant 512 : i32
    %mul3A_67 = arith.muli %arg0, %mul3A_66 : i32
    %iota3A = tpu.iota {dimensions = array<i32: 0>} : vector<512x1xi32>
    %add3A_68 = vector.broadcast %mul3A_67 : i32 to vector<512x1xi32>
    %add3A_69 = arith.addi %add3A_68, %iota3A : vector<512x1xi32>
    %lt3A = arith.constant 10000 : i32
    %lt3A_70 = vector.broadcast %lt3A : i32 to vector<512x1xi32>
    %lt3A_71 = arith.cmpi slt, %add3A_69, %lt3A_70 : vector<512x1xi32>
    %jit3A = arith.constant 0.000000e+00 : f32
    %broadcast_in_dim3A_72 = vector.shape_cast %lt3A_71 : vector<512x1xi1> to vector<512x1xi1>
    %broadcast_in_dim3A_73 = vector.broadcast %broadcast_in_dim3A_72 : vector<512x1xi1> to vector<512x128xi1>
    %broadcast_in_dim3A_74 = vector.broadcast %jit3A : f32 to vector<512x128xf32>
    %select_n3A_75 = arith.select %broadcast_in_dim3A_73, %select_n3A, %broadcast_in_dim3A_74 : vector<512x128xi1>, vector<512x128xf32>
    %swap3A = arith.constant 0 : index
    %swap3A_76 = arith.constant 0 : index
    %swap3A_77 = vector.load %arg7[%swap3A, %swap3A_76] : memref<512x128xf32, #tpu.memory_space<vmem>>, vector<512x128xf32>
    tpu.vector_store %arg7[%swap3A, %swap3A_76], %select_n3A_75 {strides = array<i32>} : memref<512x128xf32, #tpu.memory_space<vmem>>, vector<512x128xf32>,
    return
  }
  func.func @transform_0(%arg0: i32) -> (i32, i32, i32) {
    %c0_i32 = arith.constant 0 : i32
    %c0_i32_0 = arith.constant 0 : i32
    %c0_i32_1 = arith.constant 0 : i32
    return %c0_i32, %arg0, %c0_i32_0 : i32, i32, i32
  }
  func.func @transform_1(%arg0: i32) -> (i32, i32) {
    %c0_i32 = arith.constant 0 : i32
    %c0_i32_0 = arith.constant 0 : i32
    return %arg0, %c0_i32 : i32, i32
  }
  func.func @transform_2(%arg0: i32) -> (i32, i32, i32) {
    %c0_i32 = arith.constant 0 : i32
    %c0_i32_0 = arith.constant 0 : i32
    %c0_i32_1 = arith.constant 0 : i32
    return %c0_i32, %arg0, %c0_i32_0 : i32, i32, i32
  }
  func.func @transform_3(%arg0: i32) -> (i32, i32) {
    %c0_i32 = arith.constant 0 : i32
    %c0_i32_0 = arith.constant 0 : i32
    %c0_i32_1 = arith.constant 0 : i32
    return %c0_i32, %c0_i32_0 : i32, i32
  }
  func.func @transform_4(%arg0: i32) -> (i32, i32) {
    %c0_i32 = arith.constant 0 : i32
    %c0_i32_0 = arith.constant 0 : i32
    %c0_i32_1 = arith.constant 0 : i32
    return %c0_i32, %c0_i32_0 : i32, i32
  }
  func.func @transform_5(%arg0: i32) -> (i32, i32) {
    %c0_i32 = arith.constant 0 : i32
    %c0_i32_0 = arith.constant 0 : i32
    %c0_i32_1 = arith.constant 0 : i32
    return %c0_i32, %c0_i32_0 : i32, i32
  }
  func.func @transform_6(%arg0: i32) -> (i32, i32) {
    %c0_i32 = arith.constant 0 : i32
    %c0_i32_0 = arith.constant 0 : i32
    return %arg0, %c0_i32 : i32, i32
  }
}

module attributes {stable_mosaic.version = 14 : i64} {
  func.func @_tc_mid_body(%arg0: i32, %arg1: memref<2x512x128xf32, #tpu.memory_space<vmem>>, %arg2: memref<512x128xf32, #tpu.memory_space<vmem>>, %arg3: memref<2x512x16xf32, #tpu.memory_space<vmem>>, %arg4: memref<1x128xf32, #tpu.memory_space<vmem>>, %arg5: memref<1x128xf32, #tpu.memory_space<vmem>>, %arg6: memref<1x128xf32, #tpu.memory_space<vmem>>, %arg7: memref<128x128xf32, #tpu.memory_space<vmem>>, %arg8: memref<512x128xf32, #tpu.memory_space<vmem>>) attributes {dimension_semantics = [#tpu.dimension_semantics<arbitrary>], iteration_bounds = array<i64: 20>, scalar_prefetch = 0 : i64, scratch_operands = 0 : i64, tpu.core_type = #tpu.core_type<tc>, window_params = [{transform_indices = @transform_0, window_bounds = array<i64: 2, 512, 128>}, {transform_indices = @transform_1, window_bounds = array<i64: 512, 128>}, {transform_indices = @transform_2, window_bounds = array<i64: 2, 512, 16>}, {pipeline_mode = #tpu.pipeline_mode<synchronous>, transform_indices = @transform_3, window_bounds = array<i64: 1, 128>}, {pipeline_mode = #tpu.pipeline_mode<synchronous>, transform_indices = @transform_4, window_bounds = array<i64: 1, 128>}, {pipeline_mode = #tpu.pipeline_mode<synchronous>, transform_indices = @transform_5, window_bounds = array<i64: 1, 128>}, {pipeline_mode = #tpu.pipeline_mode<synchronous>, transform_indices = @transform_6, window_bounds = array<i64: 128, 128>}, {transform_indices = @transform_7, window_bounds = array<i64: 512, 128>}]} {
    %get3A = arith.constant 0 : index
    %get3A_0 = arith.constant 0 : index
    %get3A_1 = arith.constant 0 : index
    %get3A_2 = vector.load %arg3[%get3A, %get3A_0, %get3A_1] : memref<2x512x16xf32, #tpu.memory_space<vmem>>, vector<1x512x16xf32>
    %get3A_3 = vector.shape_cast %get3A_2 : vector<1x512x16xf32> to vector<512x16xf32>
    %get3A_4 = arith.constant 1 : index
    %get3A_5 = arith.constant 0 : index
    %get3A_6 = arith.constant 0 : index
    %get3A_7 = vector.load %arg3[%get3A_4, %get3A_5, %get3A_6] : memref<2x512x16xf32, #tpu.memory_space<vmem>>, vector<1x512x16xf32>
    %get3A_8 = vector.shape_cast %get3A_7 : vector<1x512x16xf32> to vector<512x16xf32>
    %add3A = arith.addf %get3A_3, %get3A_8 : vector<512x16xf32>
    %slice3A = vector.extract_strided_slice %add3A {offsets = [0, 0], sizes = [512, 1], strides = [1, 1]} : vector<512x16xf32> to vector<512x1xf32>
    %add3A_9 = arith.constant 1.000000e+00 : f32
    %add3A_10 = vector.broadcast %add3A_9 : f32 to vector<512x1xf32>
    %add3A_11 = arith.addf %slice3A, %add3A_10 : vector<512x1xf32>
    %rsqrt3A = math.rsqrt %add3A_11 : vector<512x1xf32>
    %get3A_12 = arith.constant 0 : index
    %get3A_13 = arith.constant 0 : index
    %get3A_14 = arith.constant 0 : index
    %get3A_15 = vector.load %arg1[%get3A_12, %get3A_13, %get3A_14] : memref<2x512x128xf32, #tpu.memory_space<vmem>>, vector<1x512x128xf32>
    %get3A_16 = vector.shape_cast %get3A_15 : vector<1x512x128xf32> to vector<512x128xf32>
    %get3A_17 = arith.constant 1 : index
    %get3A_18 = arith.constant 0 : index
    %get3A_19 = arith.constant 0 : index
    %get3A_20 = vector.load %arg1[%get3A_17, %get3A_18, %get3A_19] : memref<2x512x128xf32, #tpu.memory_space<vmem>>, vector<1x512x128xf32>
    %get3A_21 = vector.shape_cast %get3A_20 : vector<1x512x128xf32> to vector<512x128xf32>
    %add3A_22 = arith.addf %get3A_16, %get3A_21 : vector<512x128xf32>
    %get3A_23 = arith.constant 0 : index
    %get3A_24 = arith.constant 0 : index
    %get3A_25 = vector.load %arg2[%get3A_23, %get3A_24] : memref<512x128xf32, #tpu.memory_space<vmem>>, vector<512x128xf32>
    %add3A_26 = arith.addf %add3A_22, %get3A_25 : vector<512x128xf32>
    %mul3A = vector.broadcast %rsqrt3A : vector<512x1xf32> to vector<512x128xf32>
    %mul3A_27 = arith.mulf %mul3A, %add3A_26 : vector<512x128xf32>
    %get3A_28 = arith.constant 0 : index
    %get3A_29 = arith.constant 0 : index
    %get3A_30 = vector.load %arg4[%get3A_28, %get3A_29] : memref<1x128xf32, #tpu.memory_space<vmem>>, vector<1x128xf32>
    %add3A_31 = vector.broadcast %get3A_30 : vector<1x128xf32> to vector<512x128xf32>
    %add3A_32 = arith.addf %mul3A_27, %add3A_31 : vector<512x128xf32>
    %reduce_sum3A = arith.constant dense<0.000000e+00> : vector<512xf32>
    %reduce_sum3A_33 = vector.multi_reduction <add>, %add3A_32, %reduce_sum3A [1] : vector<512x128xf32> to vector<512xf32>
    %broadcast_in_dim3A = vector.shape_cast %reduce_sum3A_33 : vector<512xf32> to vector<512x1xf32>
    %div3A = arith.constant 1.280000e+02 : f32
    %div3A_34 = vector.broadcast %div3A : f32 to vector<512x1xf32>
    %div3A_35 = arith.divf %broadcast_in_dim3A, %div3A_34 : vector<512x1xf32>
    %sub3A = vector.broadcast %div3A_35 : vector<512x1xf32> to vector<512x128xf32>
    %sub3A_36 = arith.subf %add3A_32, %sub3A : vector<512x128xf32>
    %integer_pow3A = arith.mulf %sub3A_36, %sub3A_36 : vector<512x128xf32>
    %reduce_sum3A_37 = arith.constant dense<0.000000e+00> : vector<512xf32>
    %reduce_sum3A_38 = vector.multi_reduction <add>, %integer_pow3A, %reduce_sum3A_37 [1] : vector<512x128xf32> to vector<512xf32>
    %broadcast_in_dim3A_39 = vector.shape_cast %reduce_sum3A_38 : vector<512xf32> to vector<512x1xf32>
    %div3A_40 = arith.constant 1.280000e+02 : f32
    %div3A_41 = vector.broadcast %div3A_40 : f32 to vector<512x1xf32>
    %div3A_42 = arith.divf %broadcast_in_dim3A_39, %div3A_41 : vector<512x1xf32>
    %sub3A_43 = vector.broadcast %div3A_35 : vector<512x1xf32> to vector<512x128xf32>
    %sub3A_44 = arith.subf %add3A_32, %sub3A_43 : vector<512x128xf32>
    %add3A_45 = arith.constant 9.99999974E-6 : f32
    %add3A_46 = vector.broadcast %add3A_45 : f32 to vector<512x1xf32>
    %add3A_47 = arith.addf %div3A_42, %add3A_46 : vector<512x1xf32>
    %rsqrt3A_48 = math.rsqrt %add3A_47 : vector<512x1xf32>
    %mul3A_49 = vector.broadcast %rsqrt3A_48 : vector<512x1xf32> to vector<512x128xf32>
    %mul3A_50 = arith.mulf %sub3A_44, %mul3A_49 : vector<512x128xf32>
    %get3A_51 = arith.constant 0 : index
    %get3A_52 = arith.constant 0 : index
    %get3A_53 = vector.load %arg5[%get3A_51, %get3A_52] : memref<1x128xf32, #tpu.memory_space<vmem>>, vector<1x128xf32>
    %mul3A_54 = vector.broadcast %get3A_53 : vector<1x128xf32> to vector<512x128xf32>
    %mul3A_55 = arith.mulf %mul3A_50, %mul3A_54 : vector<512x128xf32>
    %get3A_56 = arith.constant 0 : index
    %get3A_57 = arith.constant 0 : index
    %get3A_58 = vector.load %arg6[%get3A_56, %get3A_57] : memref<1x128xf32, #tpu.memory_space<vmem>>, vector<1x128xf32>
    %add3A_59 = vector.broadcast %get3A_58 : vector<1x128xf32> to vector<512x128xf32>
    %add3A_60 = arith.addf %mul3A_55, %add3A_59 : vector<512x128xf32>
    %gt3A = arith.constant 0.000000e+00 : f32
    %gt3A_61 = vector.broadcast %gt3A : f32 to vector<512x128xf32>
    %gt3A_62 = arith.cmpf ogt, %add3A_60, %gt3A_61 : vector<512x128xf32>
    %mul3A_63 = arith.constant 1.000000e-01 : f32
    %mul3A_64 = vector.broadcast %mul3A_63 : f32 to vector<512x128xf32>
    %mul3A_65 = arith.mulf %mul3A_64, %add3A_60 : vector<512x128xf32>
    %select_n3A = arith.select %gt3A_62, %add3A_60, %mul3A_65 : vector<512x128xi1>, vector<512x128xf32>
    %get3A_66 = arith.constant 0 : index
    %get3A_67 = arith.constant 0 : index
    %get3A_68 = vector.load %arg7[%get3A_66, %get3A_67] : memref<128x128xf32, #tpu.memory_space<vmem>>, vector<128x128xf32>
    %dot_general3A = arith.constant dense<0.000000e+00> : vector<512x128xf32>
    %dot_general3A_69 = tpu.matmul %select_n3A, %get3A_68, %dot_general3A {dimension_numbers = #tpu.dot_dimension_numbers<[1], [0], [0], [1], [0, 0, 1, 1], [], []>, transpose_lhs_hint = false} : vector<512x128xf32>, vector<128x128xf32>, vector<512x128xf32> -> vector<512x128xf32>
    %mul3A_70 = vector.broadcast %rsqrt3A : vector<512x1xf32> to vector<512x128xf32>
    %mul3A_71 = arith.mulf %dot_general3A_69, %mul3A_70 : vector<512x128xf32>
    %mul3A_72 = arith.constant 512 : i32
    %mul3A_73 = arith.muli %arg0, %mul3A_72 : i32
    %iota3A = tpu.iota {dimensions = array<i32: 0>} : vector<512x1xi32>
    %add3A_74 = vector.broadcast %mul3A_73 : i32 to vector<512x1xi32>
    %add3A_75 = arith.addi %add3A_74, %iota3A : vector<512x1xi32>
    %lt3A = arith.constant 10000 : i32
    %lt3A_76 = vector.broadcast %lt3A : i32 to vector<512x1xi32>
    %lt3A_77 = arith.cmpi slt, %add3A_75, %lt3A_76 : vector<512x1xi32>
    %jit3A = arith.constant 0.000000e+00 : f32
    %broadcast_in_dim3A_78 = vector.shape_cast %lt3A_77 : vector<512x1xi1> to vector<512x1xi1>
    %broadcast_in_dim3A_79 = vector.broadcast %broadcast_in_dim3A_78 : vector<512x1xi1> to vector<512x128xi1>
    %broadcast_in_dim3A_80 = vector.broadcast %jit3A : f32 to vector<512x128xf32>
    %select_n3A_81 = arith.select %broadcast_in_dim3A_79, %mul3A_71, %broadcast_in_dim3A_80 : vector<512x128xi1>, vector<512x128xf32>
    %swap3A = arith.constant 0 : index
    %swap3A_82 = arith.constant 0 : index
    %swap3A_83 = vector.load %arg8[%swap3A, %swap3A_82] : memref<512x128xf32, #tpu.memory_space<vmem>>, vector<512x128xf32>
    tpu.vector_store %arg8[%swap3A, %swap3A_82], %select_n3A_81 {strides = array<i32>} : memref<512x128xf32, #tpu.memory_space<vmem>>, vector<512x128xf32>,
    return
  }
  func.func @transform_0(%arg0: i32) -> (i32, i32, i32) {
    %c0_i32 = arith.constant 0 : i32
    %c0_i32_0 = arith.constant 0 : i32
    %c0_i32_1 = arith.constant 0 : i32
    return %c0_i32, %arg0, %c0_i32_0 : i32, i32, i32
  }
  func.func @transform_1(%arg0: i32) -> (i32, i32) {
    %c0_i32 = arith.constant 0 : i32
    %c0_i32_0 = arith.constant 0 : i32
    return %arg0, %c0_i32 : i32, i32
  }
  func.func @transform_2(%arg0: i32) -> (i32, i32, i32) {
    %c0_i32 = arith.constant 0 : i32
    %c0_i32_0 = arith.constant 0 : i32
    %c0_i32_1 = arith.constant 0 : i32
    return %c0_i32, %arg0, %c0_i32_0 : i32, i32, i32
  }
  func.func @transform_3(%arg0: i32) -> (i32, i32) {
    %c0_i32 = arith.constant 0 : i32
    %c0_i32_0 = arith.constant 0 : i32
    %c0_i32_1 = arith.constant 0 : i32
    return %c0_i32, %c0_i32_0 : i32, i32
  }
  func.func @transform_4(%arg0: i32) -> (i32, i32) {
    %c0_i32 = arith.constant 0 : i32
    %c0_i32_0 = arith.constant 0 : i32
    %c0_i32_1 = arith.constant 0 : i32
    return %c0_i32, %c0_i32_0 : i32, i32
  }
  func.func @transform_5(%arg0: i32) -> (i32, i32) {
    %c0_i32 = arith.constant 0 : i32
    %c0_i32_0 = arith.constant 0 : i32
    %c0_i32_1 = arith.constant 0 : i32
    return %c0_i32, %c0_i32_0 : i32, i32
  }
  func.func @transform_6(%arg0: i32) -> (i32, i32) {
    %c0_i32 = arith.constant 0 : i32
    %c0_i32_0 = arith.constant 0 : i32
    %c0_i32_1 = arith.constant 0 : i32
    return %c0_i32, %c0_i32_0 : i32, i32
  }
  func.func @transform_7(%arg0: i32) -> (i32, i32) {
    %c0_i32 = arith.constant 0 : i32
    %c0_i32_0 = arith.constant 0 : i32
    return %arg0, %c0_i32 : i32, i32
  }
}

module attributes {stable_mosaic.version = 14 : i64} {
  func.func @_tc_final_body(%arg0: i32, %arg1: memref<32x64x128xf32, #tpu.memory_space<vmem>>, %arg2: memref<32x64x128xf32, #tpu.memory_space<vmem>>, %arg3: memref<32x64x16xf32, #tpu.memory_space<vmem>>, %arg4: memref<128x128xf32, #tpu.memory_space<vmem>>, %arg5: memref<128x128xf32, #tpu.memory_space<vmem>>, %arg6: memref<1x128xf32, #tpu.memory_space<vmem>>, %arg7: memref<64x128xf32, #tpu.memory_space<vmem>>) attributes {dimension_semantics = [#tpu.dimension_semantics<arbitrary>], iteration_bounds = array<i64: 1>, scalar_prefetch = 0 : i64, scratch_operands = 0 : i64, tpu.core_type = #tpu.core_type<tc>, window_params = [{pipeline_mode = #tpu.pipeline_mode<synchronous>, transform_indices = @transform_0, window_bounds = array<i64: 32, 64, 128>}, {pipeline_mode = #tpu.pipeline_mode<synchronous>, transform_indices = @transform_1, window_bounds = array<i64: 32, 64, 128>}, {pipeline_mode = #tpu.pipeline_mode<synchronous>, transform_indices = @transform_2, window_bounds = array<i64: 32, 64, 16>}, {pipeline_mode = #tpu.pipeline_mode<synchronous>, transform_indices = @transform_3, window_bounds = array<i64: 128, 128>}, {pipeline_mode = #tpu.pipeline_mode<synchronous>, transform_indices = @transform_4, window_bounds = array<i64: 128, 128>}, {pipeline_mode = #tpu.pipeline_mode<synchronous>, transform_indices = @transform_5, window_bounds = array<i64: 1, 128>}, {pipeline_mode = #tpu.pipeline_mode<synchronous>, transform_indices = @transform_6, window_bounds = array<i64: 64, 128>}]} {
    %get3A = arith.constant 0 : index
    %get3A_0 = arith.constant 0 : index
    %get3A_1 = arith.constant 0 : index
    %get3A_2 = vector.load %arg1[%get3A, %get3A_0, %get3A_1] : memref<32x64x128xf32, #tpu.memory_space<vmem>>, vector<32x64x128xf32>
    %reduce_max3A = arith.constant dense<0xFF800000> : vector<64x128xf32>
    %reduce_max3A_3 = vector.multi_reduction <maximumf>, %get3A_2, %reduce_max3A [0] : vector<32x64x128xf32> to vector<64x128xf32>
    %get3A_4 = arith.constant 0 : index
    %get3A_5 = arith.constant 0 : index
    %get3A_6 = arith.constant 0 : index
    %get3A_7 = vector.load %arg2[%get3A_4, %get3A_5, %get3A_6] : memref<32x64x128xf32, #tpu.memory_space<vmem>>, vector<32x64x128xf32>
    %reduce_sum3A = arith.constant dense<0.000000e+00> : vector<64x128xf32>
    %reduce_sum3A_8 = vector.multi_reduction <add>, %get3A_7, %reduce_sum3A [0] : vector<32x64x128xf32> to vector<64x128xf32>
    %get3A_9 = arith.constant 0 : index
    %get3A_10 = arith.constant 0 : index
    %get3A_11 = arith.constant 0 : index
    %get3A_12 = vector.load %arg3[%get3A_9, %get3A_10, %get3A_11] : memref<32x64x16xf32, #tpu.memory_space<vmem>>, vector<32x64x16xf32>
    %reduce_sum3A_13 = arith.constant dense<0.000000e+00> : vector<64x16xf32>
    %reduce_sum3A_14 = vector.multi_reduction <add>, %get3A_12, %reduce_sum3A_13 [0] : vector<32x64x16xf32> to vector<64x16xf32>
    %slice3A = vector.extract_strided_slice %reduce_sum3A_14 {offsets = [0, 0], sizes = [64, 1], strides = [1, 1]} : vector<64x16xf32> to vector<64x1xf32>
    %max3A = arith.constant 1.000000e+00 : f32
    %max3A_15 = vector.broadcast %max3A : f32 to vector<64x1xf32>
    %max3A_16 = arith.maximumf %slice3A, %max3A_15 : vector<64x1xf32>
    %div3A = vector.broadcast %max3A_16 : vector<64x1xf32> to vector<64x128xf32>
    %div3A_17 = arith.divf %reduce_sum3A_8, %div3A : vector<64x128xf32>
    %get3A_18 = arith.constant 0 : index
    %get3A_19 = arith.constant 0 : index
    %get3A_20 = vector.load %arg4[%get3A_18, %get3A_19] : memref<128x128xf32, #tpu.memory_space<vmem>>, vector<128x128xf32>
    %dot_general3A = arith.constant dense<0.000000e+00> : vector<64x128xf32>
    %dot_general3A_21 = tpu.matmul %reduce_max3A_3, %get3A_20, %dot_general3A {dimension_numbers = #tpu.dot_dimension_numbers<[1], [0], [0], [1], [0, 0, 1, 1], [], []>, transpose_lhs_hint = false} : vector<64x128xf32>, vector<128x128xf32>, vector<64x128xf32> -> vector<64x128xf32>
    %get3A_22 = arith.constant 0 : index
    %get3A_23 = arith.constant 0 : index
    %get3A_24 = vector.load %arg5[%get3A_22, %get3A_23] : memref<128x128xf32, #tpu.memory_space<vmem>>, vector<128x128xf32>
    %dot_general3A_25 = arith.constant dense<0.000000e+00> : vector<64x128xf32>
    %dot_general3A_26 = tpu.matmul %div3A_17, %get3A_24, %dot_general3A_25 {dimension_numbers = #tpu.dot_dimension_numbers<[1], [0], [0], [1], [0, 0, 1, 1], [], []>, transpose_lhs_hint = false} : vector<64x128xf32>, vector<128x128xf32>, vector<64x128xf32> -> vector<64x128xf32>
    %add3A = arith.addf %dot_general3A_21, %dot_general3A_26 : vector<64x128xf32>
    %get3A_27 = arith.constant 0 : index
    %get3A_28 = arith.constant 0 : index
    %get3A_29 = vector.load %arg6[%get3A_27, %get3A_28] : memref<1x128xf32, #tpu.memory_space<vmem>>, vector<1x128xf32>
    %add3A_30 = vector.broadcast %get3A_29 : vector<1x128xf32> to vector<64x128xf32>
    %add3A_31 = arith.addf %add3A, %add3A_30 : vector<64x128xf32>
    %swap3A = arith.constant 0 : index
    %swap3A_32 = arith.constant 0 : index
    %swap3A_33 = vector.load %arg7[%swap3A, %swap3A_32] : memref<64x128xf32, #tpu.memory_space<vmem>>, vector<64x128xf32>
    tpu.vector_store %arg7[%swap3A, %swap3A_32], %add3A_31 {strides = array<i32>} : memref<64x128xf32, #tpu.memory_space<vmem>>, vector<64x128xf32>,
    return
  }
  func.func @transform_0(%arg0: i32) -> (i32, i32, i32) {
    %c0_i32 = arith.constant 0 : i32
    %c0_i32_0 = arith.constant 0 : i32
    %c0_i32_1 = arith.constant 0 : i32
    %c0_i32_2 = arith.constant 0 : i32
    return %c0_i32, %c0_i32_0, %c0_i32_1 : i32, i32, i32
  }
  func.func @transform_1(%arg0: i32) -> (i32, i32, i32) {
    %c0_i32 = arith.constant 0 : i32
    %c0_i32_0 = arith.constant 0 : i32
    %c0_i32_1 = arith.constant 0 : i32
    %c0_i32_2 = arith.constant 0 : i32
    return %c0_i32, %c0_i32_0, %c0_i32_1 : i32, i32, i32
  }
  func.func @transform_2(%arg0: i32) -> (i32, i32, i32) {
    %c0_i32 = arith.constant 0 : i32
    %c0_i32_0 = arith.constant 0 : i32
    %c0_i32_1 = arith.constant 0 : i32
    %c0_i32_2 = arith.constant 0 : i32
    return %c0_i32, %c0_i32_0, %c0_i32_1 : i32, i32, i32
  }
  func.func @transform_3(%arg0: i32) -> (i32, i32) {
    %c0_i32 = arith.constant 0 : i32
    %c0_i32_0 = arith.constant 0 : i32
    %c0_i32_1 = arith.constant 0 : i32
    return %c0_i32, %c0_i32_0 : i32, i32
  }
  func.func @transform_4(%arg0: i32) -> (i32, i32) {
    %c0_i32 = arith.constant 0 : i32
    %c0_i32_0 = arith.constant 0 : i32
    %c0_i32_1 = arith.constant 0 : i32
    return %c0_i32, %c0_i32_0 : i32, i32
  }
  func.func @transform_5(%arg0: i32) -> (i32, i32) {
    %c0_i32 = arith.constant 0 : i32
    %c0_i32_0 = arith.constant 0 : i32
    %c0_i32_1 = arith.constant 0 : i32
    return %c0_i32, %c0_i32_0 : i32, i32
  }
  func.func @transform_6(%arg0: i32) -> (i32, i32) {
    %c0_i32 = arith.constant 0 : i32
    %c0_i32_0 = arith.constant 0 : i32
    %c0_i32_1 = arith.constant 0 : i32
    return %c0_i32, %c0_i32_0 : i32, i32
  }
}

</mosaic_0001>

<sc_bundles>
// kernel: kernel.12.cloned.1.call-start
scs
__scs_entry_jumppad:
0x0: {  	(pc) =	sbr.rel $0x88, $3  }
0x1: {  	(tag) =	ssettag $0x0;
	lr =	simm.s32 $0x1  }
0x2: {  	[smem:$0x3F90] =	sst lr;
	_ =	strace $0xD0000000  }
0x3: {  	_ = 	snop  }
0x4: {  	_ = 	snop  }
0x5: {  	_ = 	snop  }
0x6: {  	_ = 	snop  }
0x7: {  	_ = 	snop  }
__scs_overlays_trampoline_lowered:
0x8: {  	[smem:$0x3F9F] =	sst s0  }
0x9: {  	[smem:$0x3FA0] =	sst s1  }
0xa: {  	[smem:$0x3FA1] =	sst s2  }
0xb: {  	[smem:$0x3FA2] =	sst s3  }
0xc: {  	[smem:$0x3FA3] =	sst s4  }
0xd: {  	[smem:$0x3FA4] =	sst s5  }
0xe: {  	[smem:$0x3FA5] =	sst s6  }
0xf: {  	[smem:$0x3FA6] =	sst s7  }
0x10: {  	[smem:$0x3FA7] =	sst s8  }
0x11: {  	[smem:$0x3FA8] =	sst s9;
	s0 =	simm.s32 @!p0 $0x0  }
0x12: {  	s1 =	sld [smem:$0x3F8E];
	s0 =	simm.s32 @p0 $0x1  }
0x13: {  	[smem:$0x3FA9] =	sst s0;
	s0 =	simm.s32 @!p1 $0x0  }
0x14: {  	s2 =	sld [smem:$0x3F8D];
	s0 =	simm.s32 @p1 $0x1  }
0x15: {  	[smem:$0x3FAA] =	sst s0;
	s0 =	simm.s32 @!p2 $0x0  }
0x16: {  	s3 =	sld [smem:$0x3FDB];
	s0 =	simm.s32 @p2 $0x1  }
0x17: {  	s4 =	simm.s32 $0x1BF5;
	[smem:$0x3FAC] =	sst s0  }
0x18: {  	s0 =	sld [smem:$0x3F8F];
	_ =	swait.ge [sflag:s4], $0x0  }
0x19: {  	s7 =	sld [smem:$0x3F90]  }
0x1a: {  	s8 =	sadd.s32 $0xFFFFE003, lr  }
0x1b: {  	s9 =	sadd.s32 $0xFFFFFEF7, lr;
	s5 =	simm.s32 $0xFFFFFFFF;
	p2 =	slt.u32 s8, $0xFFFFF086  }
0x1c: {  	p1 =	slt.u32 s9, $0xF7A;
	s5 =	simm.s32 @!p2 $0x0  }
0x1d: {  	s5 =	simm.s32 @p1 $0x1;
	p0 =	seq.s32 s7, s2  }
0x1e: {  	s7 =	smul.u32 @!p0 $0xF7A, s2;
	p2 =	seq.s32 @!p0 s5, $0x0  }
0x1f: {  	s9 =	smul.u32 $0xF7A, s1;
	s8 =	simm.s32 @!p0 $0x1BF5;
	p2 =	por !p2, p0  }
0x20: {  	[sflag:s8] =	ssyncset.s32 @!p0 $0xFFFFF086;
	s6 =	sadd.s32 @!p0 s3, s7;
	s7 =	simm.s32 @!p0 $0x108  }
0x21: {  	s3 =	sadd.s32 s3, s9;
	s6 =	sadd.s32 @!p0 $0x88, s6;
	s7 =	simm.s32 @p2 $0x1082  }
0x22: {  	[simem:s7], [sflag:s8] =	dma.local @!p0 [hbm:s6], $0xF7A  }
0x23: {  	s9 =	sor.u32 $0xD0000000, s2;
	s6 =	simm.s32 $0x108;
	_ =	swait.ge @!p0 [sflag:s8], $0x0  }
0x24: {  	s3 =	sadd.s32 $0x88, s3;
	s6 =	simm.s32 @!p1 $0x1082;
	[sflag:s4] =	ssyncset.s32 $0xFFFFF086  }
0x25: {  	[simem:s6], [sflag:s4] =	dma.local [hbm:s3], $0xF7A  }
0x26: {  	[smem:$0x3F90] =	sst s1;
	(tag) =	ssettag s2;
	_ =	strace s9  }
0x27: {  	s1 =	sld [smem:$0x3FA0]  }
0x28: {  	s2 =	sld [smem:$0x3FA1]  }
0x29: {  	s4 =	sld [smem:$0x3FA3]  }
0x2a: {  	p0 =	seq.s32 s5, $0x0;
	s5 =	sld [smem:$0x3FA4]  }
0x2b: {  	s6 =	sld [smem:$0x3FA5]  }
0x2c: {  	s7 =	sld [smem:$0x3FA6]  }
0x2d: {  	s3 =	simm.s32 $0x108;
	s8 =	sld [smem:$0x3FA7]  }
0x2e: {  	s3 =	simm.s32 @!p0 $0x1082;
	s9 =	sld [smem:$0x3FA8]  }
0x2f: {  	lr =	sadd.s32 s0, s3;
	s0 =	sld [smem:$0x3F9F]  }
0x30: {  	s3 =	sld [smem:$0x3FA2]  }
0x31: {  	[smem:$0x3FAB] =	sst s10  }
0x32: {  	s10 =	sld [smem:$0x3FA9];
	_ =	sdelay $0x3  }
0x33: {  	p0 =	seq.s32 s10, $0x1;
	s10 =	sld [smem:$0x3FAB];
	_ =	sdelay $0x3  }
0x34: {  	[smem:$0x3FAB] =	sst s10  }
0x35: {  	s10 =	sld [smem:$0x3FAA];
	_ =	sdelay $0x3  }
0x36: {  	p1 =	seq.s32 s10, $0x1;
	s10 =	sld [smem:$0x3FAB];
	_ =	sdelay $0x3  }
0x37: {  	[smem:$0x3FAB] =	sst s10  }
0x38: {  	s10 =	sld [smem:$0x3FAC]  }
0x39: {  	_ = 	snop;
	(pc) =	sbr.ind lr, $3  }
0x3a: {  	_ = 	snop  }
0x3b: {  	_ = 	snop  }
0x3c: {  	p2 =	seq.s32 s10, $0x1;
	s10 =	sld [smem:$0x3FAB]  }
0x3d: {  	_ =	shalt  }
0x3e: {  	_ =	shalt  }
0x3f: {  	_ =	shalt  }
0x40: {  	_ =	shalt  }
0x41: {  	_ =	shalt  }
0x42: {  	_ =	shalt  }
0x43: {  	_ =	shalt  }
0x44: {  	_ =	shalt  }
0x45: {  	_ =	shalt  }
0x46: {  	_ =	shalt  }
0x47: {  	_ =	shalt  }
0x48: {  	_ =	shalt  }
0x49: {  	_ =	shalt  }
0x4a: {  	_ =	shalt  }
0x4b: {  	_ =	shalt  }
0x4c: {  	_ =	shalt  }
0x4d: {  	_ =	shalt  }
0x4e: {  	_ =	shalt  }
0x4f: {  	_ =	shalt  }
0x50: {  	_ =	shalt  }
0x51: {  	_ =	shalt  }
0x52: {  	_ =	shalt  }
0x53: {  	_ =	shalt  }
0x54: {  	_ =	shalt  }
0x55: {  	_ =	shalt  }
0x56: {  	_ =	shalt  }
0x57: {  	_ =	shalt  }
0x58: {  	_ =	shalt  }
0x59: {  	_ =	shalt  }
0x5a: {  	_ =	shalt  }
0x5b: {  	_ =	shalt  }
0x5c: {  	_ =	shalt  }
0x5d: {  	_ =	shalt  }
0x5e: {  	_ =	shalt  }
0x5f: {  	_ =	shalt  }
0x60: {  	_ =	shalt  }
0x61: {  	_ =	shalt  }
0x62: {  	_ =	shalt  }
0x63: {  	_ =	shalt  }
0x64: {  	_ =	shalt  }
0x65: {  	_ =	shalt  }
0x66: {  	_ =	shalt  }
0x67: {  	_ =	shalt  }
0x68: {  	_ =	shalt  }
0x69: {  	_ =	shalt  }
0x6a: {  	_ =	shalt  }
0x6b: {  	_ =	shalt  }
0x6c: {  	_ =	shalt  }
0x6d: {  	_ =	shalt  }
0x6e: {  	_ =	shalt  }
0x6f: {  	_ =	shalt  }
0x70: {  	_ =	shalt  }
0x71: {  	_ =	shalt  }
0x72: {  	_ =	shalt  }
0x73: {  	_ =	shalt  }
0x74: {  	_ =	shalt  }
0x75: {  	_ =	shalt  }
0x76: {  	_ =	shalt  }
0x77: {  	_ =	shalt  }
0x78: {  	_ =	shalt  }
0x79: {  	_ =	shalt  }
0x7a: {  	_ =	shalt  }
0x7b: {  	_ =	shalt  }
0x7c: {  	_ =	shalt  }
0x7d: {  	_ =	shalt  }
0x7e: {  	_ =	shalt  }
0x7f: {  	_ =	shalt  }
0x80: {  	_ =	shalt  }
0x81: {  	_ =	shalt  }
0x82: {  	_ =	shalt  }
0x83: {  	_ =	shalt  }
0x84: {  	_ =	shalt  }
0x85: {  	_ =	shalt  }
0x86: {  	_ =	shalt  }
0x87: {  	_ =	shalt  }
.Lfunc_end0:
.L_simem_size_0:
called_computation_lowered:
.L_overlay_start_0:
0x88: {  	s2 =	sld [smem:$0x3FD9]  }
0x89: {  	s3 =	sld [smem:$0x3FFE];
	_ =	sdelay $0x1  }
0x8a: {  	s1 =	srdreg.scid  }
0x8b: {  	s0 =	sand.u32 $0x1, s1  }
0x8c: {  	s16 =	sshll.u32 s0, $0xA;
	s2 =	sadd.s32 s3, s2  }
0x8d: {  	s2 =	sadd.s32 s2, s16  }
0x8e: {  	[smem:$0x3FB7] =	sst s2  }
0x8f: {  	_ = 	snop  }
0x90: {  	(tm) =	ssettm $0x1  }
0x91: {  	s17 =	sld [smem:$0x3FFB];
	_ =	sdelay $0x3  }
0x92: {  	_ =	strace s17  }
0x93: {  	s2 =	sld [smem:$0x3FFC];
	_ =	sdelay $0x3  }
0x94: {  	_ =	strace s2  }
0x95: {  	s2 =	sld [smem:$0x3FFD];
	_ =	sdelay $0x3  }
0x96: {  	_ =	strace s2  }
0x97: {  	_ =	strace $0x8FFFFFFF  }
0x98: {  	s18 =	sld [smem:$0x3FDB];
	_ =	sdelay $0x1  }
0x99: {  	s19 =	simm.s32 $_scs_section_size  }
0x9a: {  	s4 =	simm.s32 $_size__tile_overlayer_lowered;
	s5 =	simm.s32 $_tile_overlayer_lowered  }
0x9b: {  	s22 =	simm.s32 $0x1BFF;
	s21 =	sshll.u32 s5, $0x1;
	s2 =	sadd.s32 s19, s18  }
0x9c: {  	s6 =	simm.s32 $0x0;
	s20 =	sshll.u32 s4, $0x1;
	s4 =	sadd.s32 s21, s2  }
0x9d: {  	[timem:s6], [sflag:s22] =	dma.local [hbm:s4], s20  }
0x9e: {  	_ =	swait.ge [sflag:s22], s20  }
0x9f: {  	s3 =	ssub.s32 $0x0, s20;
	[sflag:s22] =	ssyncset.done $0x0  }
0xa0: {  	[sflag:s22] =	ssyncadd.s32 s3;
	_ =	sdelay $0x1  }
0xa1: {  	s23 =	simm.s32 $0x1B8B  }
0xa2: {  	_ =	swait.ge [sflag:s23], $0x1  }
0xa3: {  	[sflag:s23] =	ssyncset.done $0x0  }
0xa4: {  	s25 =	simm.s32 $0x1B8E;
	s24 =	sld [smem:$0x3FFE];
	[sflag:s23] =	ssyncadd.s32 $0xFFFFFFFF  }
0xa5: {  	s26 =	simm.s32 $execute0_lowered;
	[smem:$0x3FD2] =	sst s25  }
0xa6: {  	s4 =	sshll.u32 s26, $0x1;
	_ =	strace $0x80000046;
	[dreg:$0x1] =	wrdreg $0xFFFFFFFF  }
0xa7: {  	s28 =	simm.s32 $_size_execute0_lowered;
	s2 =	sadd.s32 s2, s4;
	[dreg:$0x0] =	wrdreg $0x0  }
0xa8: {  	s4 =	sshll.u32 s28, $0x1;
	[dreg:$0x2] =	wrdreg s2  }
0xa9: {  	[dreg:$0x3] =	wrdreg s4  }
0xaa: {  	[dreg:$0x4] =	wrdreg $0xC0  }
0xab: {  	_ =	task [dreg:s6], $0x5FFFF  }
0xac: {  	[dreg:$0x1] =	wrdreg $0xFFFFFFFF  }
0xad: {  	[dreg:$0x0] =	wrdreg $0x60  }
0xae: {  	[dreg:$0x2] =	wrdreg s24  }
0xaf: {  	[dreg:$0x3] =	wrdreg $0x68000  }
0xb0: {  	[dreg:$0x4] =	wrdreg $0x9  }
0xb1: {  	_ =	task.clear_ibuf [dreg:s6], $0x5FFFF;
	_ =	strace $0x90000046  }
0xb2: {  	s29 =	simm.s32 $0x9;
	_ =	strace $0x80000048  }
0xb3: {  	_ =	swait.ge [sflag:s29], $0x1  }
0xb4: {  	[sflag:s29] =	ssyncadd.s32 $0xFFFFFFFF  }
0xb5: {  	_ =	strace $0x90000048  }
0xb6: {  	_ =	sfence  }
0xb7: {  	s30 =	sld [smem:$0x0];
	_ =	sdelay $0x2  }
0xb8: {  	s31 =	sshll.u32 s1, $0xD;
	s1 =	sshrl.u32 s1, $0x2  }
0xb9: {  	s3 =	sand.u32 $0x4000, s31;
	s1 =	sadd.s32 s1, s30  }
0xba: {  	s0 =	sor.u32 s3, s0;
	s1 =	sshll.u32 s1, $0x11  }
0xbb: {  	s0 =	sor.u32 s1, s0  }
0xbc: {  	s0 =	sadd.s32 $0x8F2B, s0  }
0xbd: {  	[sflag:s0] =	ssyncadd.remote.s32 $0x1  }
0xbe: {  	_ =	sfence.sel $0xFFFF  }
0xbf: {  	[dreg:$0x0] =	wrdreg $0xFFFFFFFF;
	(pc) =	sbr.abs _section_cstart, $3  }
0xc0: {  	[dreg:$0x1] =	wrdreg $0xFFFFFFFF  }
0xc1: {  	_ =	task.clear_ibuf [dreg:s6], $0x2FFFF;
	_ =	strace $0x9FFFFFFF  }
0xc2: {  	(tm) =	ssettm $0x7FFFFFFF  }
0xc3: {  	_ =	shalt  }
tec
execute0_lowered:
.L_overlay_start_1:
0x0: {  	(tag) =	ssettag $0x1  }
0x1: {  	s0 =	srdreg.scid;
	s6 =	rddreg [dreg:$0x0]  }
0x2: {  	s2 =	rddreg [dreg:$0x1];
	s1 =	stileid.u32  }
0x3: {  	s3 =	simm.s32 $0x0;
	s7 =	sand.u32 $0x1, s0;
	s0 =	rddreg [dreg:$0x2]  }
0x4: {  	[smem:$0x7FF] =	sst s3;
	s10 =	smul.u32 $0x50000, s1  }
0x5: {  	s5 =	sadd.s32 $0x1C200, s6;
	s11 =	smul.u32 $0x280, s1;
	s24 =	sshll.u32 s1, $0x6  }
0x6: {  	s14 =	smul.u32 $0x2800, s1;
	s4 =	sshll.u32 s7, $0x4;
	_ =	strace $0x80000047  }
0x7: {  	s9 =	smul.u32 $0x28000, s7;
	s7 =	ssub.s32 $0x2, s7;
	s4 =	sor.u32 s1, s4  }
0x8: {  	s22 =	sshrl.u32 s7, $0x1;
	s23 =	sshrl.u32 s10, $0x2;
	s13 =	sadd.s32 $0x80, s11  }
0x9: {  	s26 =	sadd.s32 $0x100, s11;
	s29 =	sadd.s32 $0x180, s11;
	s11 =	sadd.s32 $0x200, s11  }
0xa: {  	s4 =	smul.u32 $0x500, s4;
	s9 =	sadd.s32 s9, s6;
	s12 =	ssub.s32 s7, s22  }
0xb: {  	s10 =	sadd.s32 s23, s2;
	s25 =	sshll.u32 s13, $0x7;
	s16 =	sshll.u32 s13, $0x4  }
0xc: {  	s28 =	sshll.u32 s26, $0x7;
	s30 =	sshll.u32 s29, $0x7;
	s18 =	sshll.u32 s26, $0x4  }
0xd: {  	s31 =	sshll.u32 s11, $0x7;
	s21 =	sshll.u32 s29, $0x4;
	s23 =	sshll.u32 s11, $0x4  }
0xe: {  	s11 =	simm.s32 $0x2800;
	s20 =	sadd.s32 $0x1CA00, s9;
	s15 =	sadd.s32 s25, s2  }
0xf: {  	s17 =	sadd.s32 s28, s2;
	s19 =	sadd.s32 s30, s2;
	s22 =	sadd.s32 s31, s2  }
0x10: {  	s9 =	sshrl.u32 s10, $0x3;
	s10 =	simm.s32 $0x1;
	s8 =	sadd.s32 s4, s6  }
0x11: {  	s4 =	sadd.s32 $0x19A00, s6;
	s6 =	sor.u32 $0x1C01, s24;
	s13 =	sadd.s32 s14, s20  }
0x12: {  	s14 =	sadd.s32 s16, s20;
	s15 =	sshrl.u32 s15, $0x3;
	s16 =	sadd.s32 s18, s20  }
0x13: {  	s17 =	sshrl.u32 s17, $0x3;
	s18 =	sadd.s32 s21, s20;
	s19 =	sshrl.u32 s19, $0x3  }
0x14: {  	s20 =	sadd.s32 s23, s20;
	s21 =	sshrl.u32 s22, $0x3;
	s22 =	simm.s32 $0x0  }
0x15: {  	s7 =	sadd.s32 $0xFA00, s8;
	s8 =	smax.u32 s12, $0x1;
	s12 =	simm.s32 $0x80  }
.LBB2_1:
0x16: {  	[spmem:s9], [sflag:s6] =	dma.local [hbm:s4], $0x2800  }
0x17: {  	_ =	swait.ge [sflag:s10], $0x2800  }
0x18: {  	[sflag:s10] =	ssyncset.done $0x0  }
0x19: {  	[sflag:s10] =	ssyncadd.s32 $0xFFFFD800  }
0x1a: {  	[tilespmem:s11], [sflag:$0x1] =	stream.linear.gather [hbm4b:s5+s3], $0x4000, $0x38;
	[tilespmem:$0x9000] =	vst v63  }
0x1b: {  	_ =	swait.ge [sflag:s10], $0x4000  }
0x1c: {  	[sflag:s10] =	ssyncset.done $0x0  }
0x1d: {  	[sflag:s10] =	ssyncadd.s32 $0xFFFFC000  }
0x1e: {  	[bflag:$0x0] =	sbarrier.arrive $0xFFFF  }
0x1f: {  	[tilespmem:s3], [sflag:$0x1] =	stream.linear.gather [hbm4b:s7+s3], $0x2800, $0x38;
	[tilespmem:$0x9000] =	vst v63  }
0x20: {  	_ =	swait.ge [sflag:s10], $0x2800  }
0x21: {  	[sflag:s10] =	ssyncset.done $0x0  }
0x22: {  	s23 =	simm.s32 $0x0;
	[sflag:s10] =	ssyncadd.s32 $0xFFFFD800  }
0x23: {  	[spmem:s2] =	stream.indirect.scatter.add.f32 [tilespmem:s11], [sflag:$0x1], $0x10, s23, s12, $0xb8;
	[tilespmem:$0x9000] =	vst v63  }
0x24: {  	_ =	swait.ge [sflag:s10], $0x800  }
0x25: {  	s23 =	simm.s32 $0x200;
	[sflag:s10] =	ssyncset.done $0x0  }
.LBB2_2:
0x26: {  	s24 =	sshra.s32 s23, $0x2;
	[sflag:s10] =	ssyncadd.s32 $0xFFFFF800;
	p0 =	sne.s32 s23, $0x9E00  }
0x27: {  	[spmem:s2] =	stream.indirect.scatter.add.f32 [tilespmem:s11], [sflag:$0x1], $0x10, s24, s12, $0xb8;
	[tilespmem:$0x9000] =	vst v63  }
.Ltmp0:
0x28: {  	_ = 	snop;
	(pc) =	sbr.rel @p0 .LBB2_2-.Ltmp0, $4  }
0x29: {  	_ = 	snop  }
0x2a: {  	s23 =	sadd.s32 $0x200, s23  }
0x2b: {  	_ =	swait.ge [sflag:s10], $0x800  }
0x2c: {  	[sflag:s10] =	ssyncset.done $0x0  }
0x2d: {  	[sflag:s10] =	ssyncadd.s32 $0xFFFFF800  }
0x2e: {  	[bflag:$0x0] =	sbarrier.arrive $0xFFFF  }
0x2f: {  	[hbm:s13], [sflag:s6] =	dma.local [spmem:s9], $0x800  }
0x30: {  	_ =	swait.ge [sflag:s10], $0x800  }
0x31: {  	[sflag:s10] =	ssyncset.done $0x0  }
0x32: {  	[sflag:s10] =	ssyncadd.s32 $0xFFFFF800  }
0x33: {  	[hbm:s14], [sflag:s6] =	dma.local [spmem:s15], $0x800  }
0x34: {  	_ =	swait.ge [sflag:s10], $0x800  }
0x35: {  	[sflag:s10] =	ssyncset.done $0x0  }
0x36: {  	[sflag:s10] =	ssyncadd.s32 $0xFFFFF800  }
0x37: {  	[hbm:s16], [sflag:s6] =	dma.local [spmem:s17], $0x800  }
0x38: {  	_ =	swait.ge [sflag:s10], $0x800  }
0x39: {  	[sflag:s10] =	ssyncset.done $0x0  }
0x3a: {  	[sflag:s10] =	ssyncadd.s32 $0xFFFFF800  }
0x3b: {  	[hbm:s18], [sflag:s6] =	dma.local [spmem:s19], $0x800  }
0x3c: {  	s22 =	sadd.s32 $0x1, s22;
	_ =	swait.ge [sflag:s10], $0x800  }
0x3d: {  	p0 =	sne.s32 s22, s8;
	[sflag:s10] =	ssyncset.done $0x0  }
.Ltmp1:
0x3e: {  	[sflag:s10] =	ssyncadd.s32 $0xFFFFF800;
	(pc) =	sbr.rel @p0 .LBB2_1-.Ltmp1, $4  }
0x3f: {  	[hbm:s20], [sflag:s6] =	dma.local [spmem:s21], $0x800  }
0x40: {  	_ =	swait.ge [sflag:s10], $0x800  }
0x41: {  	[sflag:s10] =	ssyncset.done $0x0  }
0x42: {  	[sflag:s10] =	ssyncadd.s32 $0xFFFFF800  }
0x43: {  	_ =	sfence.sel $0x180000  }
0x44: {  	[bflag:$0x0] =	sbarrier.arrive $0xFFFF  }
0x45: {  	p0 =	sne.s32 s1, $0x0;
	_ =	strace $0x90000047  }
0x46: {  	s0 =	sadd.s32 @!p0 $0x100000, s0;
	[bflag:$0x2] =	sbarrier.arrive $0xFFFF  }
0x47: {  	[sflag:s0] =	ssyncadd.tile.s32 @!p0 $0x1;
	_ =	shalt  }
.Lfunc_end2:
_tile_overlayer_lowered:
.L_overlay_start_2:
0x48: {  	(tag) =	ssettag $0x2  }
0x49: {  	s0 =	rddreg [dreg:$0x0];
	s2 =	stileid.u32  }
0x4a: {  	s1 =	rddreg [dreg:$0x1];
	p0 =	sne.s32 s2, $0x0  }
0x4b: {  	s3 =	rddreg [dreg:$0x2];
	[bflag:$0x3] =	sbarrier.arrive $0xFFFF;
	s2 =	simm.s32 @!p0 $0x1C01  }
0x4c: {  	[timem:s3], [sflag:s2] =	dma.local @!p0 [hbm:s0], s1  }
0x4d: {  	s0 =	simm.s32 @!p0 $0x1  }
0x4e: {  	_ =	swait.ge @!p0 [sflag:s0], s1  }
0x4f: {  	s1 =	ssub.s32 @!p0 $0x0, s1;
	[sflag:s0] =	ssyncset.done @!p0 $0x0  }
0x50: {  	[sflag:s0] =	ssyncadd.s32 @!p0 s1  }
0x51: {  	[bflag:$0x3] =	sbarrier.arrive $0xFFFF  }
0x52: {  	_ =	shalt  }

// kernel: kernel.15.cloned.1.call-start
scs
__scs_entry_jumppad:
0x0: {  	(pc) =	sbr.rel $0x88, $3  }
0x1: {  	(tag) =	ssettag $0x0;
	lr =	simm.s32 $0x1  }
0x2: {  	[smem:$0x3F90] =	sst lr;
	_ =	strace $0xD0000000  }
0x3: {  	_ = 	snop  }
0x4: {  	_ = 	snop  }
0x5: {  	_ = 	snop  }
0x6: {  	_ = 	snop  }
0x7: {  	_ = 	snop  }
__scs_overlays_trampoline_lowered:
0x8: {  	[smem:$0x3F9F] =	sst s0  }
0x9: {  	[smem:$0x3FA0] =	sst s1  }
0xa: {  	[smem:$0x3FA1] =	sst s2  }
0xb: {  	[smem:$0x3FA2] =	sst s3  }
0xc: {  	[smem:$0x3FA3] =	sst s4  }
0xd: {  	[smem:$0x3FA4] =	sst s5  }
0xe: {  	[smem:$0x3FA5] =	sst s6  }
0xf: {  	[smem:$0x3FA6] =	sst s7  }
0x10: {  	[smem:$0x3FA7] =	sst s8  }
0x11: {  	[smem:$0x3FA8] =	sst s9;
	s0 =	simm.s32 @!p0 $0x0  }
0x12: {  	s1 =	sld [smem:$0x3F8E];
	s0 =	simm.s32 @p0 $0x1  }
0x13: {  	[smem:$0x3FA9] =	sst s0;
	s0 =	simm.s32 @!p1 $0x0  }
0x14: {  	s2 =	sld [smem:$0x3F8D];
	s0 =	simm.s32 @p1 $0x1  }
0x15: {  	[smem:$0x3FAA] =	sst s0;
	s0 =	simm.s32 @!p2 $0x0  }
0x16: {  	s3 =	sld [smem:$0x3FDB];
	s0 =	simm.s32 @p2 $0x1  }
0x17: {  	s4 =	simm.s32 $0x1BF5;
	[smem:$0x3FAC] =	sst s0  }
0x18: {  	s0 =	sld [smem:$0x3F8F];
	_ =	swait.ge [sflag:s4], $0x0  }
0x19: {  	s7 =	sld [smem:$0x3F90]  }
0x1a: {  	s8 =	sadd.s32 $0xFFFFE003, lr  }
0x1b: {  	s9 =	sadd.s32 $0xFFFFFEF7, lr;
	s5 =	simm.s32 $0xFFFFFFFF;
	p2 =	slt.u32 s8, $0xFFFFF086  }
0x1c: {  	p1 =	slt.u32 s9, $0xF7A;
	s5 =	simm.s32 @!p2 $0x0  }
0x1d: {  	s5 =	simm.s32 @p1 $0x1;
	p0 =	seq.s32 s7, s2  }
0x1e: {  	s7 =	smul.u32 @!p0 $0xF7A, s2;
	p2 =	seq.s32 @!p0 s5, $0x0  }
0x1f: {  	s9 =	smul.u32 $0xF7A, s1;
	s8 =	simm.s32 @!p0 $0x1BF5;
	p2 =	por !p2, p0  }
0x20: {  	[sflag:s8] =	ssyncset.s32 @!p0 $0xFFFFF086;
	s6 =	sadd.s32 @!p0 s3, s7;
	s7 =	simm.s32 @!p0 $0x108  }
0x21: {  	s3 =	sadd.s32 s3, s9;
	s6 =	sadd.s32 @!p0 $0x88, s6;
	s7 =	simm.s32 @p2 $0x1082  }
0x22: {  	[simem:s7], [sflag:s8] =	dma.local @!p0 [hbm:s6], $0xF7A  }
0x23: {  	s9 =	sor.u32 $0xD0000000, s2;
	s6 =	simm.s32 $0x108;
	_ =	swait.ge @!p0 [sflag:s8], $0x0  }
0x24: {  	s3 =	sadd.s32 $0x88, s3;
	s6 =	simm.s32 @!p1 $0x1082;
	[sflag:s4] =	ssyncset.s32 $0xFFFFF086  }
0x25: {  	[simem:s6], [sflag:s4] =	dma.local [hbm:s3], $0xF7A  }
0x26: {  	[smem:$0x3F90] =	sst s1;
	(tag) =	ssettag s2;
	_ =	strace s9  }
0x27: {  	s1 =	sld [smem:$0x3FA0]  }
0x28: {  	s2 =	sld [smem:$0x3FA1]  }
0x29: {  	s4 =	sld [smem:$0x3FA3]  }
0x2a: {  	p0 =	seq.s32 s5, $0x0;
	s5 =	sld [smem:$0x3FA4]  }
0x2b: {  	s6 =	sld [smem:$0x3FA5]  }
0x2c: {  	s7 =	sld [smem:$0x3FA6]  }
0x2d: {  	s3 =	simm.s32 $0x108;
	s8 =	sld [smem:$0x3FA7]  }
0x2e: {  	s3 =	simm.s32 @!p0 $0x1082;
	s9 =	sld [smem:$0x3FA8]  }
0x2f: {  	lr =	sadd.s32 s0, s3;
	s0 =	sld [smem:$0x3F9F]  }
0x30: {  	s3 =	sld [smem:$0x3FA2]  }
0x31: {  	[smem:$0x3FAB] =	sst s10  }
0x32: {  	s10 =	sld [smem:$0x3FA9];
	_ =	sdelay $0x3  }
0x33: {  	p0 =	seq.s32 s10, $0x1;
	s10 =	sld [smem:$0x3FAB];
	_ =	sdelay $0x3  }
0x34: {  	[smem:$0x3FAB] =	sst s10  }
0x35: {  	s10 =	sld [smem:$0x3FAA];
	_ =	sdelay $0x3  }
0x36: {  	p1 =	seq.s32 s10, $0x1;
	s10 =	sld [smem:$0x3FAB];
	_ =	sdelay $0x3  }
0x37: {  	[smem:$0x3FAB] =	sst s10  }
0x38: {  	s10 =	sld [smem:$0x3FAC]  }
0x39: {  	_ = 	snop;
	(pc) =	sbr.ind lr, $3  }
0x3a: {  	_ = 	snop  }
0x3b: {  	_ = 	snop  }
0x3c: {  	p2 =	seq.s32 s10, $0x1;
	s10 =	sld [smem:$0x3FAB]  }
0x3d: {  	_ =	shalt  }
0x3e: {  	_ =	shalt  }
0x3f: {  	_ =	shalt  }
0x40: {  	_ =	shalt  }
0x41: {  	_ =	shalt  }
0x42: {  	_ =	shalt  }
0x43: {  	_ =	shalt  }
0x44: {  	_ =	shalt  }
0x45: {  	_ =	shalt  }
0x46: {  	_ =	shalt  }
0x47: {  	_ =	shalt  }
0x48: {  	_ =	shalt  }
0x49: {  	_ =	shalt  }
0x4a: {  	_ =	shalt  }
0x4b: {  	_ =	shalt  }
0x4c: {  	_ =	shalt  }
0x4d: {  	_ =	shalt  }
0x4e: {  	_ =	shalt  }
0x4f: {  	_ =	shalt  }
0x50: {  	_ =	shalt  }
0x51: {  	_ =	shalt  }
0x52: {  	_ =	shalt  }
0x53: {  	_ =	shalt  }
0x54: {  	_ =	shalt  }
0x55: {  	_ =	shalt  }
0x56: {  	_ =	shalt  }
0x57: {  	_ =	shalt  }
0x58: {  	_ =	shalt  }
0x59: {  	_ =	shalt  }
0x5a: {  	_ =	shalt  }
0x5b: {  	_ =	shalt  }
0x5c: {  	_ =	shalt  }
0x5d: {  	_ =	shalt  }
0x5e: {  	_ =	shalt  }
0x5f: {  	_ =	shalt  }
0x60: {  	_ =	shalt  }
0x61: {  	_ =	shalt  }
0x62: {  	_ =	shalt  }
0x63: {  	_ =	shalt  }
0x64: {  	_ =	shalt  }
0x65: {  	_ =	shalt  }
0x66: {  	_ =	shalt  }
0x67: {  	_ =	shalt  }
0x68: {  	_ =	shalt  }
0x69: {  	_ =	shalt  }
0x6a: {  	_ =	shalt  }
0x6b: {  	_ =	shalt  }
0x6c: {  	_ =	shalt  }
0x6d: {  	_ =	shalt  }
0x6e: {  	_ =	shalt  }
0x6f: {  	_ =	shalt  }
0x70: {  	_ =	shalt  }
0x71: {  	_ =	shalt  }
0x72: {  	_ =	shalt  }
0x73: {  	_ =	shalt  }
0x74: {  	_ =	shalt  }
0x75: {  	_ =	shalt  }
0x76: {  	_ =	shalt  }
0x77: {  	_ =	shalt  }
0x78: {  	_ =	shalt  }
0x79: {  	_ =	shalt  }
0x7a: {  	_ =	shalt  }
0x7b: {  	_ =	shalt  }
0x7c: {  	_ =	shalt  }
0x7d: {  	_ =	shalt  }
0x7e: {  	_ =	shalt  }
0x7f: {  	_ =	shalt  }
0x80: {  	_ =	shalt  }
0x81: {  	_ =	shalt  }
0x82: {  	_ =	shalt  }
0x83: {  	_ =	shalt  }
0x84: {  	_ =	shalt  }
0x85: {  	_ =	shalt  }
0x86: {  	_ =	shalt  }
0x87: {  	_ =	shalt  }
.Lfunc_end0:
.L_simem_size_0:
called_computation.1_lowered:
.L_overlay_start_0:
0x88: {  	s2 =	sld [smem:$0x3FD9]  }
0x89: {  	s3 =	sld [smem:$0x3FFE];
	_ =	sdelay $0x1  }
0x8a: {  	s1 =	srdreg.scid  }
0x8b: {  	s0 =	sand.u32 $0x1, s1  }
0x8c: {  	s16 =	sshll.u32 s0, $0xA;
	s2 =	sadd.s32 s3, s2  }
0x8d: {  	s2 =	sadd.s32 s2, s16  }
0x8e: {  	[smem:$0x3FB7] =	sst s2  }
0x8f: {  	_ = 	snop  }
0x90: {  	(tm) =	ssettm $0x1  }
0x91: {  	s17 =	sld [smem:$0x3FFB];
	_ =	sdelay $0x3  }
0x92: {  	_ =	strace s17  }
0x93: {  	s2 =	sld [smem:$0x3FFC];
	_ =	sdelay $0x3  }
0x94: {  	_ =	strace s2  }
0x95: {  	s2 =	sld [smem:$0x3FFD];
	_ =	sdelay $0x3  }
0x96: {  	_ =	strace s2  }
0x97: {  	_ =	strace $0x8FFFFFFF  }
0x98: {  	s18 =	sld [smem:$0x3FDB];
	_ =	sdelay $0x1  }
0x99: {  	s19 =	simm.s32 $_scs_section_size  }
0x9a: {  	s4 =	simm.s32 $_size__tile_overlayer_lowered;
	s5 =	simm.s32 $_tile_overlayer_lowered  }
0x9b: {  	s22 =	simm.s32 $0x1BFF;
	s21 =	sshll.u32 s5, $0x1;
	s2 =	sadd.s32 s19, s18  }
0x9c: {  	s6 =	simm.s32 $0x0;
	s20 =	sshll.u32 s4, $0x1;
	s4 =	sadd.s32 s21, s2  }
0x9d: {  	[timem:s6], [sflag:s22] =	dma.local [hbm:s4], s20  }
0x9e: {  	_ =	swait.ge [sflag:s22], s20  }
0x9f: {  	s3 =	ssub.s32 $0x0, s20;
	[sflag:s22] =	ssyncset.done $0x0  }
0xa0: {  	[sflag:s22] =	ssyncadd.s32 s3;
	_ =	sdelay $0x1  }
0xa1: {  	s23 =	simm.s32 $0x1B8B  }
0xa2: {  	_ =	swait.ge [sflag:s23], $0x1  }
0xa3: {  	[sflag:s23] =	ssyncset.done $0x0  }
0xa4: {  	s25 =	simm.s32 $0x1B8E;
	s24 =	sld [smem:$0x3FFE];
	[sflag:s23] =	ssyncadd.s32 $0xFFFFFFFF  }
0xa5: {  	s26 =	simm.s32 $execute0_lowered;
	[smem:$0x3FD2] =	sst s25  }
0xa6: {  	s4 =	sshll.u32 s26, $0x1;
	_ =	strace $0x80000049;
	[dreg:$0x1] =	wrdreg $0xFFFFFFFF  }
0xa7: {  	s28 =	simm.s32 $_size_execute0_lowered;
	s2 =	sadd.s32 s2, s4;
	[dreg:$0x0] =	wrdreg $0x0  }
0xa8: {  	s4 =	sshll.u32 s28, $0x1;
	[dreg:$0x2] =	wrdreg s2  }
0xa9: {  	[dreg:$0x3] =	wrdreg s4  }
0xaa: {  	[dreg:$0x4] =	wrdreg $0xC0  }
0xab: {  	_ =	task [dreg:s6], $0x5FFFF  }
0xac: {  	[dreg:$0x1] =	wrdreg $0xFFFFFFFF  }
0xad: {  	[dreg:$0x0] =	wrdreg $0x60  }
0xae: {  	[dreg:$0x2] =	wrdreg s24  }
0xaf: {  	[dreg:$0x3] =	wrdreg $0xA9000  }
0xb0: {  	[dreg:$0x4] =	wrdreg $0x9  }
0xb1: {  	_ =	task.clear_ibuf [dreg:s6], $0x5FFFF;
	_ =	strace $0x90000049  }
0xb2: {  	s29 =	simm.s32 $0x9;
	_ =	strace $0x8000004B  }
0xb3: {  	_ =	swait.ge [sflag:s29], $0x1  }
0xb4: {  	[sflag:s29] =	ssyncadd.s32 $0xFFFFFFFF  }
0xb5: {  	_ =	strace $0x9000004B  }
0xb6: {  	_ =	sfence  }
0xb7: {  	s30 =	sld [smem:$0x0];
	_ =	sdelay $0x2  }
0xb8: {  	s31 =	sshll.u32 s1, $0xD;
	s1 =	sshrl.u32 s1, $0x2  }
0xb9: {  	s3 =	sand.u32 $0x4000, s31;
	s1 =	sadd.s32 s1, s30  }
0xba: {  	s0 =	sor.u32 s3, s0;
	s1 =	sshll.u32 s1, $0x11  }
0xbb: {  	s0 =	sor.u32 s1, s0  }
0xbc: {  	s0 =	sadd.s32 $0x8F2B, s0  }
0xbd: {  	[sflag:s0] =	ssyncadd.remote.s32 $0x1  }
0xbe: {  	_ =	sfence.sel $0xFFFF  }
0xbf: {  	[dreg:$0x0] =	wrdreg $0xFFFFFFFF;
	(pc) =	sbr.abs _section_cstart, $3  }
0xc0: {  	[dreg:$0x1] =	wrdreg $0xFFFFFFFF  }
0xc1: {  	_ =	task.clear_ibuf [dreg:s6], $0x2FFFF;
	_ =	strace $0x9FFFFFFF  }
0xc2: {  	(tm) =	ssettm $0x7FFFFFFF  }
0xc3: {  	_ =	shalt  }
tec
execute0_lowered:
.L_overlay_start_1:
0x0: {  	(tag) =	ssettag $0x1  }
0x1: {  	s1 =	rddreg [dreg:$0x0]  }
0x2: {  	s0 =	srdreg.scid;
	s2 =	rddreg [dreg:$0x1]  }
0x3: {  	s13 =	stileid.u32;
	s3 =	simm.s32 $0x0;
	s14 =	simm.s32 $0x2900  }
0x4: {  	s15 =	simm.s32 $0x2880;
	s28 =	simm.s32 $0x6900;
	s29 =	simm.s32 $0x2  }
0x5: {  	s30 =	simm.s32 $0x3;
	s0 =	sand.u32 $0x1, s0;
	s7 =	smul.u32 $0x50000, s13  }
0x6: {  	[smem:$0x7FF] =	sst s3;
	s17 =	sadd.s32 $0x19A00, s1;
	s9 =	smul.u32 $0x280, s13  }
0x7: {  	s19 =	sshll.u32 s13, $0x6;
	s16 =	smul.u32 $0x2800, s13;
	s4 =	sshll.u32 s0, $0x4  }
0x8: {  	_ =	strace $0x8000004A;
	s6 =	smul.u32 $0x28000, s0;
	s0 =	ssub.s32 $0x2, s0  }
0x9: {  	[dreg:$0x3] =	wrdreg s17;
	s4 =	sor.u32 s13, s4;
	s18 =	sshrl.u32 s0, $0x1  }
0xa: {  	s7 =	sshrl.u32 s7, $0x2;
	s11 =	sadd.s32 $0x80, s9;
	s21 =	sadd.s32 $0x100, s9  }
0xb: {  	s25 =	sadd.s32 $0x180, s9;
	s9 =	sadd.s32 $0x200, s9;
	s13 =	simm.s32 $0x80  }
0xc: {  	s5 =	smul.u32 $0x500, s4;
	s4 =	sadd.s32 $0x6CA00, s1;
	s0 =	ssub.s32 s0, s18  }
0xd: {  	s10 =	sadd.s32 s7, s2;
	s12 =	sshll.u32 s11, $0x7;
	s17 =	sshll.u32 s11, $0x4  }
0xe: {  	s24 =	sshll.u32 s21, $0x7;
	s26 =	sshll.u32 s25, $0x7;
	s18 =	sshll.u32 s21, $0x4  }
0xf: {  	s31 =	sshll.u32 s9, $0x7;
	s11 =	simm.s32 $0x5;
	s21 =	simm.s32 $0x1  }
0x10: {  	s22 =	sadd.s32 s12, s2;
	s23 =	sadd.s32 s24, s2;
	s24 =	sadd.s32 s26, s2  }
0x11: {  	s10 =	sshrl.u32 s10, $0x3;
	s12 =	simm.s32 $0x2800;
	s26 =	simm.s32 $0x4  }
0x12: {  	s8 =	sadd.s32 s5, s1;
	s1 =	sadd.s32 s6, s1;
	s6 =	sor.u32 $0x1C05, s19  }
0x13: {  	s19 =	sshll.u32 s25, $0x4;
	s25 =	sadd.s32 s31, s2;
	s22 =	sshrl.u32 s22, $0x3  }
0x14: {  	s23 =	sshrl.u32 s23, $0x3;
	s24 =	sshrl.u32 s24, $0x3;
	s20 =	sadd.s32 $0xFA00, s8  }
0x15: {  	s8 =	sadd.s32 $0x5A00, s8;
	s1 =	sadd.s32 $0x94A00, s1;
	s25 =	sshrl.u32 s25, $0x3  }
0x16: {  	[dreg:$0x4] =	wrdreg s20;
	s20 =	sshll.u32 s9, $0x4;
	s9 =	smax.u32 s0, $0x1  }
0x17: {  	s16 =	sadd.s32 s16, s1;
	s17 =	sadd.s32 s17, s1;
	s18 =	sadd.s32 s18, s1  }
0x18: {  	s19 =	sadd.s32 s19, s1;
	s20 =	sadd.s32 s20, s1;
	s1 =	simm.s32 $0x0  }
.LBB2_1:
0x19: {  	s0 =	rddreg [dreg:$0x3]  }
0x1a: {  	[spmem:s10], [sflag:s6] =	dma.local [hbm:s0], $0x2800  }
0x1b: {  	_ =	swait.ge [sflag:s11], $0x2800  }
0x1c: {  	[sflag:s11] =	ssyncset.done $0x0  }
0x1d: {  	[sflag:s11] =	ssyncadd.s32 $0xFFFFD800  }
0x1e: {  	[bflag:$0x0] =	sbarrier.arrive $0xFFFF  }
0x1f: {  	s7 =	rddreg [dreg:$0x4]  }
0x20: {  	[tilespmem:s3], [sflag:$0x5] =	stream.linear.gather [hbm4b:s7+s3], $0x2800, $0x38;
	[tilespmem:$0x1E900] =	vst v63  }
0x21: {  	_ =	swait.ge [sflag:s11], $0x2800  }
0x22: {  	[sflag:s11] =	ssyncset.done $0x0  }
0x23: {  	[sflag:s11] =	ssyncadd.s32 $0xFFFFD800  }
0x24: {  	[tilespmem:s12], [sflag:$0x5] =	stream.linear.gather [hbm4b:s8+s3], $0x80, $0x38;
	[tilespmem:$0x1E900] =	vst v63  }
0x25: {  	_ =	swait.ge [sflag:s11], $0x80  }
0x26: {  	[sflag:s11] =	ssyncset.done $0x0  }
0x27: {  	[sflag:s11] =	ssyncadd.s32 $0xFFFFFF80  }
0x28: {  	[tilespmem:s14], [sflag:$0x1] =	stream.indirect.gather [hbm4b:s4+s13], $0x80, s12, s13, $0xb8;
	[tilespmem:$0x1E900] =	vst v63  }
0x29: {  	s5 =	sadd.s32 $0x10, s8  }
0x2a: {  	[tilespmem:s15], [sflag:$0x4] =	stream.linear.gather [hbm4b:s5+s3], $0x80, $0x38;
	[tilespmem:$0x1E900] =	vst v63  }
0x2b: {  	_ =	swait.ge [sflag:s21], $0x4000  }
0x2c: {  	[sflag:s21] =	ssyncset.done $0x0  }
0x2d: {  	[sflag:s21] =	ssyncadd.s32 $0xFFFFC000  }
0x2e: {  	_ =	swait.ge [sflag:s26], $0x80  }
0x2f: {  	[sflag:s26] =	ssyncset.done $0x0  }
0x30: {  	[sflag:s26] =	ssyncadd.s32 $0xFFFFFF80  }
0x31: {  	[tilespmem:s28], [sflag:$0x2] =	stream.indirect.gather [hbm4b:s4+s13], $0x80, s15, s13, $0xb8;
	[tilespmem:$0x1E900] =	vst v63  }
0x32: {  	s31 =	sadd.s32 $0x20, s8  }
0x33: {  	[tilespmem:s12], [sflag:$0x3] =	stream.linear.gather [hbm4b:s31+s3], $0x80, $0x38;
	[tilespmem:$0x1E900] =	vst v63  }
0x34: {  	s7 =	simm.s32 $0x0  }
0x35: {  	[spmem:s2] =	stream.indirect.scatter.add.f32 [tilespmem:s14], [sflag:$0x5], $0x80, s7, s13, $0xb8;
	[tilespmem:$0x1E900] =	vst v63  }
0x36: {  	_ =	swait.ge [sflag:s11], $0x4000  }
0x37: {  	[sflag:s11] =	ssyncset.done $0x0  }
0x38: {  	[sflag:s11] =	ssyncadd.s32 $0xFFFFC000  }
0x39: {  	_ =	swait.ge [sflag:s29], $0x4000  }
0x3a: {  	[sflag:s29] =	ssyncset.done $0x0  }
0x3b: {  	[sflag:s29] =	ssyncadd.s32 $0xFFFFC000  }
0x3c: {  	_ =	swait.ge [sflag:s30], $0x80  }
0x3d: {  	[sflag:s30] =	ssyncset.done $0x0  }
0x3e: {  	[sflag:s30] =	ssyncadd.s32 $0xFFFFFF80  }
0x3f: {  	[tilespmem:s14], [sflag:$0x1] =	stream.indirect.gather [hbm4b:s4+s13], $0x80, s12, s13, $0xb8;
	[tilespmem:$0x1E900] =	vst v63  }
0x40: {  	s5 =	sadd.s32 $0x10, s31  }
0x41: {  	[tilespmem:s15], [sflag:$0x4] =	stream.linear.gather [hbm4b:s5+s3], $0x80, $0x38;
	[tilespmem:$0x1E900] =	vst v63  }
0x42: {  	s7 =	simm.s32 $0x80  }
0x43: {  	[spmem:s2] =	stream.indirect.scatter.add.f32 [tilespmem:s28], [sflag:$0x5], $0x80, s7, s13, $0xb8;
	[tilespmem:$0x1E900] =	vst v63  }
0x44: {  	_ =	swait.ge [sflag:s11], $0x4000  }
0x45: {  	s0 =	simm.s32 $0x400;
	[sflag:s11] =	ssyncset.done $0x0  }
.LBB2_2:
0x46: {  	p0 =	sne.s32 s0, $0x9800;
	[sflag:s11] =	ssyncadd.s32 $0xFFFFC000;
	s31 =	sadd.s32 $0x20, s31  }
0x47: {  	s5 =	smov.u32 s0;
	s0 =	sadd.s32 $0x400, s0  }
0x48: {  	_ =	swait.ge [sflag:s21], $0x4000  }
0x49: {  	[sflag:s21] =	ssyncset.done $0x0  }
0x4a: {  	[sflag:s21] =	ssyncadd.s32 $0xFFFFC000  }
0x4b: {  	_ =	swait.ge [sflag:s26], $0x80  }
0x4c: {  	[sflag:s26] =	ssyncset.done $0x0  }
0x4d: {  	[sflag:s26] =	ssyncadd.s32 $0xFFFFFF80  }
0x4e: {  	[tilespmem:s28], [sflag:$0x2] =	stream.indirect.gather [hbm4b:s4+s13], $0x80, s15, s13, $0xb8;
	[tilespmem:$0x1E900] =	vst v63  }
0x4f: {  	_ = 	snop  }
0x50: {  	[tilespmem:s12], [sflag:$0x3] =	stream.linear.gather [hbm4b:s31+s3], $0x80, $0x38;
	[tilespmem:$0x1E900] =	vst v63  }
0x51: {  	s5 =	sshra.s32 s5, $0x2  }
0x52: {  	[spmem:s2] =	stream.indirect.scatter.add.f32 [tilespmem:s14], [sflag:$0x5], $0x80, s5, s13, $0xb8;
	[tilespmem:$0x1E900] =	vst v63  }
0x53: {  	_ =	swait.ge [sflag:s11], $0x4000  }
0x54: {  	[sflag:s11] =	ssyncset.done $0x0  }
0x55: {  	[sflag:s11] =	ssyncadd.s32 $0xFFFFC000  }
0x56: {  	_ =	swait.ge [sflag:s29], $0x4000  }
0x57: {  	[sflag:s29] =	ssyncset.done $0x0  }
0x58: {  	[sflag:s29] =	ssyncadd.s32 $0xFFFFC000  }
0x59: {  	_ =	swait.ge [sflag:s30], $0x80  }
0x5a: {  	[sflag:s30] =	ssyncset.done $0x0  }
0x5b: {  	[sflag:s30] =	ssyncadd.s32 $0xFFFFFF80  }
0x5c: {  	[tilespmem:s14], [sflag:$0x1] =	stream.indirect.gather [hbm4b:s4+s13], $0x80, s12, s13, $0xb8;
	[tilespmem:$0x1E900] =	vst v63  }
0x5d: {  	s7 =	sadd.s32 $0x10, s31  }
0x5e: {  	[tilespmem:s15], [sflag:$0x4] =	stream.linear.gather [hbm4b:s7+s3], $0x80, $0x38;
	[tilespmem:$0x1E900] =	vst v63  }
.Ltmp0:
0x5f: {  	_ = 	snop;
	(pc) =	sbr.rel @p0 .LBB2_2-.Ltmp0, $4  }
0x60: {  	s5 =	sadd.s32 $0x80, s5  }
0x61: {  	[spmem:s2] =	stream.indirect.scatter.add.f32 [tilespmem:s28], [sflag:$0x5], $0x80, s5, s13, $0xb8;
	[tilespmem:$0x1E900] =	vst v63  }
0x62: {  	_ =	swait.ge [sflag:s11], $0x4000  }
0x63: {  	[sflag:s11] =	ssyncset.done $0x0  }
0x64: {  	[sflag:s11] =	ssyncadd.s32 $0xFFFFC000  }
0x65: {  	_ =	swait.ge [sflag:s21], $0x4000  }
0x66: {  	[sflag:s21] =	ssyncset.done $0x0  }
0x67: {  	[sflag:s21] =	ssyncadd.s32 $0xFFFFC000  }
0x68: {  	_ =	swait.ge [sflag:s26], $0x80  }
0x69: {  	[sflag:s26] =	ssyncset.done $0x0  }
0x6a: {  	[sflag:s26] =	ssyncadd.s32 $0xFFFFFF80  }
0x6b: {  	[tilespmem:s28], [sflag:$0x2] =	stream.indirect.gather [hbm4b:s4+s13], $0x80, s15, s13, $0xb8;
	[tilespmem:$0x1E900] =	vst v63  }
0x6c: {  	s0 =	simm.s32 $0x2700  }
0x6d: {  	[spmem:s2] =	stream.indirect.scatter.add.f32 [tilespmem:s14], [sflag:$0x5], $0x80, s0, s13, $0xb8;
	[tilespmem:$0x1E900] =	vst v63  }
0x6e: {  	_ =	swait.ge [sflag:s11], $0x4000  }
0x6f: {  	[sflag:s11] =	ssyncset.done $0x0  }
0x70: {  	[sflag:s11] =	ssyncadd.s32 $0xFFFFC000  }
0x71: {  	_ =	swait.ge [sflag:s29], $0x4000  }
0x72: {  	[sflag:s29] =	ssyncset.done $0x0  }
0x73: {  	s31 =	simm.s32 $0x2780;
	[sflag:s29] =	ssyncadd.s32 $0xFFFFC000  }
0x74: {  	[spmem:s2] =	stream.indirect.scatter.add.f32 [tilespmem:s28], [sflag:$0x5], $0x80, s31, s13, $0xb8;
	[tilespmem:$0x1E900] =	vst v63  }
0x75: {  	_ =	swait.ge [sflag:s11], $0x4000  }
0x76: {  	[sflag:s11] =	ssyncset.done $0x0  }
0x77: {  	[sflag:s11] =	ssyncadd.s32 $0xFFFFC000  }
0x78: {  	[bflag:$0x0] =	sbarrier.arrive $0xFFFF  }
0x79: {  	[hbm:s16], [sflag:s6] =	dma.local [spmem:s10], $0x800  }
0x7a: {  	_ =	swait.ge [sflag:s11], $0x800  }
0x7b: {  	[sflag:s11] =	ssyncset.done $0x0  }
0x7c: {  	[sflag:s11] =	ssyncadd.s32 $0xFFFFF800  }
0x7d: {  	[hbm:s17], [sflag:s6] =	dma.local [spmem:s22], $0x800  }
0x7e: {  	_ =	swait.ge [sflag:s11], $0x800  }
0x7f: {  	[sflag:s11] =	ssyncset.done $0x0  }
0x80: {  	[sflag:s11] =	ssyncadd.s32 $0xFFFFF800  }
0x81: {  	[hbm:s18], [sflag:s6] =	dma.local [spmem:s23], $0x800  }
0x82: {  	_ =	swait.ge [sflag:s11], $0x800  }
0x83: {  	[sflag:s11] =	ssyncset.done $0x0  }
0x84: {  	[sflag:s11] =	ssyncadd.s32 $0xFFFFF800  }
0x85: {  	[hbm:s19], [sflag:s6] =	dma.local [spmem:s24], $0x800  }
0x86: {  	s1 =	sadd.s32 $0x1, s1;
	_ =	swait.ge [sflag:s11], $0x800  }
0x87: {  	p0 =	sne.s32 s1, s9;
	[sflag:s11] =	ssyncset.done $0x0  }
.Ltmp1:
0x88: {  	[sflag:s11] =	ssyncadd.s32 $0xFFFFF800;
	(pc) =	sbr.rel @p0 .LBB2_1-.Ltmp1, $4  }
0x89: {  	[hbm:s20], [sflag:s6] =	dma.local [spmem:s25], $0x800  }
0x8a: {  	_ =	swait.ge [sflag:s11], $0x800  }
0x8b: {  	[sflag:s11] =	ssyncset.done $0x0  }
0x8c: {  	[sflag:s11] =	ssyncadd.s32 $0xFFFFF800  }
0x8d: {  	_ =	sfence.sel $0x180000  }
0x8e: {  	[bflag:$0x0] =	sbarrier.arrive $0xFFFF  }
0x8f: {  	_ =	strace $0x9000004A  }
0x90: {  	s0 =	stileid.u32;
	[bflag:$0x2] =	sbarrier.arrive $0xFFFF  }
0x91: {  	p0 =	sne.s32 s0, $0x0;
	s0 =	rddreg [dreg:$0x2]  }
0x92: {  	s0 =	sadd.s32 @!p0 $0x100000, s0  }
0x93: {  	[sflag:s0] =	ssyncadd.tile.s32 @!p0 $0x1;
	_ =	shalt  }
.Lfunc_end2:
_tile_overlayer_lowered:
.L_overlay_start_2:
0x94: {  	(tag) =	ssettag $0x2  }
0x95: {  	s0 =	rddreg [dreg:$0x0];
	s2 =	stileid.u32  }
0x96: {  	s1 =	rddreg [dreg:$0x1];
	p0 =	sne.s32 s2, $0x0  }
0x97: {  	s3 =	rddreg [dreg:$0x2];
	[bflag:$0x3] =	sbarrier.arrive $0xFFFF;
	s2 =	simm.s32 @!p0 $0x1C05  }
0x98: {  	[timem:s3], [sflag:s2] =	dma.local @!p0 [hbm:s0], s1  }
0x99: {  	s0 =	simm.s32 @!p0 $0x5  }
0x9a: {  	_ =	swait.ge @!p0 [sflag:s0], s1  }
0x9b: {  	s1 =	ssub.s32 @!p0 $0x0, s1;
	[sflag:s0] =	ssyncset.done @!p0 $0x0  }
0x9c: {  	[sflag:s0] =	ssyncadd.s32 @!p0 s1  }
0x9d: {  	[bflag:$0x3] =	sbarrier.arrive $0xFFFF  }
0x9e: {  	_ =	shalt  }

// kernel: kernel.18.cloned.1.call-start
scs
__scs_entry_jumppad:
0x0: {  	(pc) =	sbr.rel $0x88, $3  }
0x1: {  	(tag) =	ssettag $0x0;
	lr =	simm.s32 $0x1  }
0x2: {  	[smem:$0x3F90] =	sst lr;
	_ =	strace $0xD0000000  }
0x3: {  	_ = 	snop  }
0x4: {  	_ = 	snop  }
0x5: {  	_ = 	snop  }
0x6: {  	_ = 	snop  }
0x7: {  	_ = 	snop  }
__scs_overlays_trampoline_lowered:
0x8: {  	[smem:$0x3F9F] =	sst s0  }
0x9: {  	[smem:$0x3FA0] =	sst s1  }
0xa: {  	[smem:$0x3FA1] =	sst s2  }
0xb: {  	[smem:$0x3FA2] =	sst s3  }
0xc: {  	[smem:$0x3FA3] =	sst s4  }
0xd: {  	[smem:$0x3FA4] =	sst s5  }
0xe: {  	[smem:$0x3FA5] =	sst s6  }
0xf: {  	[smem:$0x3FA6] =	sst s7  }
0x10: {  	[smem:$0x3FA7] =	sst s8  }
0x11: {  	[smem:$0x3FA8] =	sst s9;
	s0 =	simm.s32 @!p0 $0x0  }
0x12: {  	s1 =	sld [smem:$0x3F8E];
	s0 =	simm.s32 @p0 $0x1  }
0x13: {  	[smem:$0x3FA9] =	sst s0;
	s0 =	simm.s32 @!p1 $0x0  }
0x14: {  	s2 =	sld [smem:$0x3F8D];
	s0 =	simm.s32 @p1 $0x1  }
0x15: {  	[smem:$0x3FAA] =	sst s0;
	s0 =	simm.s32 @!p2 $0x0  }
0x16: {  	s3 =	sld [smem:$0x3FDB];
	s0 =	simm.s32 @p2 $0x1  }
0x17: {  	s4 =	simm.s32 $0x1BF5;
	[smem:$0x3FAC] =	sst s0  }
0x18: {  	s0 =	sld [smem:$0x3F8F];
	_ =	swait.ge [sflag:s4], $0x0  }
0x19: {  	s7 =	sld [smem:$0x3F90]  }
0x1a: {  	s8 =	sadd.s32 $0xFFFFE003, lr  }
0x1b: {  	s9 =	sadd.s32 $0xFFFFFEF7, lr;
	s5 =	simm.s32 $0xFFFFFFFF;
	p2 =	slt.u32 s8, $0xFFFFF086  }
0x1c: {  	p1 =	slt.u32 s9, $0xF7A;
	s5 =	simm.s32 @!p2 $0x0  }
0x1d: {  	s5 =	simm.s32 @p1 $0x1;
	p0 =	seq.s32 s7, s2  }
0x1e: {  	s7 =	smul.u32 @!p0 $0xF7A, s2;
	p2 =	seq.s32 @!p0 s5, $0x0  }
0x1f: {  	s9 =	smul.u32 $0xF7A, s1;
	s8 =	simm.s32 @!p0 $0x1BF5;
	p2 =	por !p2, p0  }
0x20: {  	[sflag:s8] =	ssyncset.s32 @!p0 $0xFFFFF086;
	s6 =	sadd.s32 @!p0 s3, s7;
	s7 =	simm.s32 @!p0 $0x108  }
0x21: {  	s3 =	sadd.s32 s3, s9;
	s6 =	sadd.s32 @!p0 $0x88, s6;
	s7 =	simm.s32 @p2 $0x1082  }
0x22: {  	[simem:s7], [sflag:s8] =	dma.local @!p0 [hbm:s6], $0xF7A  }
0x23: {  	s9 =	sor.u32 $0xD0000000, s2;
	s6 =	simm.s32 $0x108;
	_ =	swait.ge @!p0 [sflag:s8], $0x0  }
0x24: {  	s3 =	sadd.s32 $0x88, s3;
	s6 =	simm.s32 @!p1 $0x1082;
	[sflag:s4] =	ssyncset.s32 $0xFFFFF086  }
0x25: {  	[simem:s6], [sflag:s4] =	dma.local [hbm:s3], $0xF7A  }
0x26: {  	[smem:$0x3F90] =	sst s1;
	(tag) =	ssettag s2;
	_ =	strace s9  }
0x27: {  	s1 =	sld [smem:$0x3FA0]  }
0x28: {  	s2 =	sld [smem:$0x3FA1]  }
0x29: {  	s4 =	sld [smem:$0x3FA3]  }
0x2a: {  	p0 =	seq.s32 s5, $0x0;
	s5 =	sld [smem:$0x3FA4]  }
0x2b: {  	s6 =	sld [smem:$0x3FA5]  }
0x2c: {  	s7 =	sld [smem:$0x3FA6]  }
0x2d: {  	s3 =	simm.s32 $0x108;
	s8 =	sld [smem:$0x3FA7]  }
0x2e: {  	s3 =	simm.s32 @!p0 $0x1082;
	s9 =	sld [smem:$0x3FA8]  }
0x2f: {  	lr =	sadd.s32 s0, s3;
	s0 =	sld [smem:$0x3F9F]  }
0x30: {  	s3 =	sld [smem:$0x3FA2]  }
0x31: {  	[smem:$0x3FAB] =	sst s10  }
0x32: {  	s10 =	sld [smem:$0x3FA9];
	_ =	sdelay $0x3  }
0x33: {  	p0 =	seq.s32 s10, $0x1;
	s10 =	sld [smem:$0x3FAB];
	_ =	sdelay $0x3  }
0x34: {  	[smem:$0x3FAB] =	sst s10  }
0x35: {  	s10 =	sld [smem:$0x3FAA];
	_ =	sdelay $0x3  }
0x36: {  	p1 =	seq.s32 s10, $0x1;
	s10 =	sld [smem:$0x3FAB];
	_ =	sdelay $0x3  }
0x37: {  	[smem:$0x3FAB] =	sst s10  }
0x38: {  	s10 =	sld [smem:$0x3FAC]  }
0x39: {  	_ = 	snop;
	(pc) =	sbr.ind lr, $3  }
0x3a: {  	_ = 	snop  }
0x3b: {  	_ = 	snop  }
0x3c: {  	p2 =	seq.s32 s10, $0x1;
	s10 =	sld [smem:$0x3FAB]  }
0x3d: {  	_ =	shalt  }
0x3e: {  	_ =	shalt  }
0x3f: {  	_ =	shalt  }
0x40: {  	_ =	shalt  }
0x41: {  	_ =	shalt  }
0x42: {  	_ =	shalt  }
0x43: {  	_ =	shalt  }
0x44: {  	_ =	shalt  }
0x45: {  	_ =	shalt  }
0x46: {  	_ =	shalt  }
0x47: {  	_ =	shalt  }
0x48: {  	_ =	shalt  }
0x49: {  	_ =	shalt  }
0x4a: {  	_ =	shalt  }
0x4b: {  	_ =	shalt  }
0x4c: {  	_ =	shalt  }
0x4d: {  	_ =	shalt  }
0x4e: {  	_ =	shalt  }
0x4f: {  	_ =	shalt  }
0x50: {  	_ =	shalt  }
0x51: {  	_ =	shalt  }
0x52: {  	_ =	shalt  }
0x53: {  	_ =	shalt  }
0x54: {  	_ =	shalt  }
0x55: {  	_ =	shalt  }
0x56: {  	_ =	shalt  }
0x57: {  	_ =	shalt  }
0x58: {  	_ =	shalt  }
0x59: {  	_ =	shalt  }
0x5a: {  	_ =	shalt  }
0x5b: {  	_ =	shalt  }
0x5c: {  	_ =	shalt  }
0x5d: {  	_ =	shalt  }
0x5e: {  	_ =	shalt  }
0x5f: {  	_ =	shalt  }
0x60: {  	_ =	shalt  }
0x61: {  	_ =	shalt  }
0x62: {  	_ =	shalt  }
0x63: {  	_ =	shalt  }
0x64: {  	_ =	shalt  }
0x65: {  	_ =	shalt  }
0x66: {  	_ =	shalt  }
0x67: {  	_ =	shalt  }
0x68: {  	_ =	shalt  }
0x69: {  	_ =	shalt  }
0x6a: {  	_ =	shalt  }
0x6b: {  	_ =	shalt  }
0x6c: {  	_ =	shalt  }
0x6d: {  	_ =	shalt  }
0x6e: {  	_ =	shalt  }
0x6f: {  	_ =	shalt  }
0x70: {  	_ =	shalt  }
0x71: {  	_ =	shalt  }
0x72: {  	_ =	shalt  }
0x73: {  	_ =	shalt  }
0x74: {  	_ =	shalt  }
0x75: {  	_ =	shalt  }
0x76: {  	_ =	shalt  }
0x77: {  	_ =	shalt  }
0x78: {  	_ =	shalt  }
0x79: {  	_ =	shalt  }
0x7a: {  	_ =	shalt  }
0x7b: {  	_ =	shalt  }
0x7c: {  	_ =	shalt  }
0x7d: {  	_ =	shalt  }
0x7e: {  	_ =	shalt  }
0x7f: {  	_ =	shalt  }
0x80: {  	_ =	shalt  }
0x81: {  	_ =	shalt  }
0x82: {  	_ =	shalt  }
0x83: {  	_ =	shalt  }
0x84: {  	_ =	shalt  }
0x85: {  	_ =	shalt  }
0x86: {  	_ =	shalt  }
0x87: {  	_ =	shalt  }
.Lfunc_end0:
.L_simem_size_0:
called_computation.2_lowered:
.L_overlay_start_0:
0x88: {  	s2 =	sld [smem:$0x3FD9]  }
0x89: {  	s3 =	sld [smem:$0x3FFE];
	_ =	sdelay $0x1  }
0x8a: {  	s1 =	srdreg.scid  }
0x8b: {  	s0 =	sand.u32 $0x1, s1  }
0x8c: {  	s16 =	sshll.u32 s0, $0xA;
	s2 =	sadd.s32 s3, s2  }
0x8d: {  	s2 =	sadd.s32 s2, s16  }
0x8e: {  	[smem:$0x3FB7] =	sst s2  }
0x8f: {  	_ = 	snop  }
0x90: {  	(tm) =	ssettm $0x1  }
0x91: {  	s17 =	sld [smem:$0x3FFB];
	_ =	sdelay $0x3  }
0x92: {  	_ =	strace s17  }
0x93: {  	s2 =	sld [smem:$0x3FFC];
	_ =	sdelay $0x3  }
0x94: {  	_ =	strace s2  }
0x95: {  	s2 =	sld [smem:$0x3FFD];
	_ =	sdelay $0x3  }
0x96: {  	_ =	strace s2  }
0x97: {  	_ =	strace $0x8FFFFFFF  }
0x98: {  	s18 =	sld [smem:$0x3FDB];
	_ =	sdelay $0x1  }
0x99: {  	s19 =	simm.s32 $_scs_section_size  }
0x9a: {  	s4 =	simm.s32 $_size__tile_overlayer_lowered;
	s5 =	simm.s32 $_tile_overlayer_lowered  }
0x9b: {  	s22 =	simm.s32 $0x1BFF;
	s21 =	sshll.u32 s5, $0x1;
	s2 =	sadd.s32 s19, s18  }
0x9c: {  	s6 =	simm.s32 $0x0;
	s20 =	sshll.u32 s4, $0x1;
	s4 =	sadd.s32 s21, s2  }
0x9d: {  	[timem:s6], [sflag:s22] =	dma.local [hbm:s4], s20  }
0x9e: {  	_ =	swait.ge [sflag:s22], s20  }
0x9f: {  	s3 =	ssub.s32 $0x0, s20;
	[sflag:s22] =	ssyncset.done $0x0  }
0xa0: {  	[sflag:s22] =	ssyncadd.s32 s3;
	_ =	sdelay $0x1  }
0xa1: {  	s23 =	simm.s32 $0x1B8B  }
0xa2: {  	_ =	swait.ge [sflag:s23], $0x1  }
0xa3: {  	[sflag:s23] =	ssyncset.done $0x0  }
0xa4: {  	s25 =	simm.s32 $0x1B8E;
	s24 =	sld [smem:$0x3FFE];
	[sflag:s23] =	ssyncadd.s32 $0xFFFFFFFF  }
0xa5: {  	s26 =	simm.s32 $execute0_lowered;
	[smem:$0x3FD2] =	sst s25  }
0xa6: {  	s4 =	sshll.u32 s26, $0x1;
	_ =	strace $0x8000004C;
	[dreg:$0x1] =	wrdreg $0xFFFFFFFF  }
0xa7: {  	s28 =	simm.s32 $_size_execute0_lowered;
	s2 =	sadd.s32 s2, s4;
	[dreg:$0x0] =	wrdreg $0x0  }
0xa8: {  	s4 =	sshll.u32 s28, $0x1;
	[dreg:$0x2] =	wrdreg s2  }
0xa9: {  	[dreg:$0x3] =	wrdreg s4  }
0xaa: {  	[dreg:$0x4] =	wrdreg $0xC0  }
0xab: {  	_ =	task [dreg:s6], $0x5FFFF  }
0xac: {  	[dreg:$0x1] =	wrdreg $0xFFFFFFFF  }
0xad: {  	[dreg:$0x0] =	wrdreg $0x60  }
0xae: {  	[dreg:$0x2] =	wrdreg s24  }
0xaf: {  	[dreg:$0x3] =	wrdreg $0xA9000  }
0xb0: {  	[dreg:$0x4] =	wrdreg $0x9  }
0xb1: {  	_ =	task.clear_ibuf [dreg:s6], $0x5FFFF;
	_ =	strace $0x9000004C  }
0xb2: {  	s29 =	simm.s32 $0x9;
	_ =	strace $0x8000004E  }
0xb3: {  	_ =	swait.ge [sflag:s29], $0x1  }
0xb4: {  	[sflag:s29] =	ssyncadd.s32 $0xFFFFFFFF  }
0xb5: {  	_ =	strace $0x9000004E  }
0xb6: {  	_ =	sfence  }
0xb7: {  	s30 =	sld [smem:$0x0];
	_ =	sdelay $0x2  }
0xb8: {  	s31 =	sshll.u32 s1, $0xD;
	s1 =	sshrl.u32 s1, $0x2  }
0xb9: {  	s3 =	sand.u32 $0x4000, s31;
	s1 =	sadd.s32 s1, s30  }
0xba: {  	s0 =	sor.u32 s3, s0;
	s1 =	sshll.u32 s1, $0x11  }
0xbb: {  	s0 =	sor.u32 s1, s0  }
0xbc: {  	s0 =	sadd.s32 $0x8F2B, s0  }
0xbd: {  	[sflag:s0] =	ssyncadd.remote.s32 $0x1  }
0xbe: {  	_ =	sfence.sel $0xFFFF  }
0xbf: {  	[dreg:$0x0] =	wrdreg $0xFFFFFFFF;
	(pc) =	sbr.abs _section_cstart, $3  }
0xc0: {  	[dreg:$0x1] =	wrdreg $0xFFFFFFFF  }
0xc1: {  	_ =	task.clear_ibuf [dreg:s6], $0x2FFFF;
	_ =	strace $0x9FFFFFFF  }
0xc2: {  	(tm) =	ssettm $0x7FFFFFFF  }
0xc3: {  	_ =	shalt  }
tec
execute0_lowered:
.L_overlay_start_1:
0x0: {  	(tag) =	ssettag $0x1  }
0x1: {  	s1 =	rddreg [dreg:$0x0]  }
0x2: {  	s0 =	srdreg.scid;
	s2 =	rddreg [dreg:$0x1]  }
0x3: {  	s13 =	stileid.u32;
	s3 =	simm.s32 $0x0;
	s14 =	simm.s32 $0x2900  }
0x4: {  	s15 =	simm.s32 $0x2880;
	s28 =	simm.s32 $0x6900;
	s29 =	simm.s32 $0x2  }
0x5: {  	s30 =	simm.s32 $0x3;
	s0 =	sand.u32 $0x1, s0;
	s7 =	smul.u32 $0x50000, s13  }
0x6: {  	[smem:$0x7FF] =	sst s3;
	s17 =	sadd.s32 $0x19A00, s1;
	s9 =	smul.u32 $0x280, s13  }
0x7: {  	s19 =	sshll.u32 s13, $0x6;
	s16 =	smul.u32 $0x2800, s13;
	s4 =	sshll.u32 s0, $0x4  }
0x8: {  	_ =	strace $0x8000004D;
	s6 =	smul.u32 $0x28000, s0;
	s0 =	ssub.s32 $0x2, s0  }
0x9: {  	[dreg:$0x3] =	wrdreg s17;
	s4 =	sor.u32 s13, s4;
	s18 =	sshrl.u32 s0, $0x1  }
0xa: {  	s7 =	sshrl.u32 s7, $0x2;
	s11 =	sadd.s32 $0x80, s9;
	s21 =	sadd.s32 $0x100, s9  }
0xb: {  	s25 =	sadd.s32 $0x180, s9;
	s9 =	sadd.s32 $0x200, s9;
	s13 =	simm.s32 $0x80  }
0xc: {  	s5 =	smul.u32 $0x500, s4;
	s4 =	sadd.s32 $0x6CA00, s1;
	s0 =	ssub.s32 s0, s18  }
0xd: {  	s10 =	sadd.s32 s7, s2;
	s12 =	sshll.u32 s11, $0x7;
	s17 =	sshll.u32 s11, $0x4  }
0xe: {  	s24 =	sshll.u32 s21, $0x7;
	s26 =	sshll.u32 s25, $0x7;
	s18 =	sshll.u32 s21, $0x4  }
0xf: {  	s31 =	sshll.u32 s9, $0x7;
	s11 =	simm.s32 $0x5;
	s21 =	simm.s32 $0x1  }
0x10: {  	s22 =	sadd.s32 s12, s2;
	s23 =	sadd.s32 s24, s2;
	s24 =	sadd.s32 s26, s2  }
0x11: {  	s10 =	sshrl.u32 s10, $0x3;
	s12 =	simm.s32 $0x2800;
	s26 =	simm.s32 $0x4  }
0x12: {  	s8 =	sadd.s32 s5, s1;
	s1 =	sadd.s32 s6, s1;
	s6 =	sor.u32 $0x1C05, s19  }
0x13: {  	s19 =	sshll.u32 s25, $0x4;
	s25 =	sadd.s32 s31, s2;
	s22 =	sshrl.u32 s22, $0x3  }
0x14: {  	s23 =	sshrl.u32 s23, $0x3;
	s24 =	sshrl.u32 s24, $0x3;
	s20 =	sadd.s32 $0xFA00, s8  }
0x15: {  	s8 =	sadd.s32 $0x5A00, s8;
	s1 =	sadd.s32 $0x94A00, s1;
	s25 =	sshrl.u32 s25, $0x3  }
0x16: {  	[dreg:$0x4] =	wrdreg s20;
	s20 =	sshll.u32 s9, $0x4;
	s9 =	smax.u32 s0, $0x1  }
0x17: {  	s16 =	sadd.s32 s16, s1;
	s17 =	sadd.s32 s17, s1;
	s18 =	sadd.s32 s18, s1  }
0x18: {  	s19 =	sadd.s32 s19, s1;
	s20 =	sadd.s32 s20, s1;
	s1 =	simm.s32 $0x0  }
.LBB2_1:
0x19: {  	s0 =	rddreg [dreg:$0x3]  }
0x1a: {  	[spmem:s10], [sflag:s6] =	dma.local [hbm:s0], $0x2800  }
0x1b: {  	_ =	swait.ge [sflag:s11], $0x2800  }
0x1c: {  	[sflag:s11] =	ssyncset.done $0x0  }
0x1d: {  	[sflag:s11] =	ssyncadd.s32 $0xFFFFD800  }
0x1e: {  	[bflag:$0x0] =	sbarrier.arrive $0xFFFF  }
0x1f: {  	s7 =	rddreg [dreg:$0x4]  }
0x20: {  	[tilespmem:s3], [sflag:$0x5] =	stream.linear.gather [hbm4b:s7+s3], $0x2800, $0x38;
	[tilespmem:$0x1E900] =	vst v63  }
0x21: {  	_ =	swait.ge [sflag:s11], $0x2800  }
0x22: {  	[sflag:s11] =	ssyncset.done $0x0  }
0x23: {  	[sflag:s11] =	ssyncadd.s32 $0xFFFFD800  }
0x24: {  	[tilespmem:s12], [sflag:$0x5] =	stream.linear.gather [hbm4b:s8+s3], $0x80, $0x38;
	[tilespmem:$0x1E900] =	vst v63  }
0x25: {  	_ =	swait.ge [sflag:s11], $0x80  }
0x26: {  	[sflag:s11] =	ssyncset.done $0x0  }
0x27: {  	[sflag:s11] =	ssyncadd.s32 $0xFFFFFF80  }
0x28: {  	[tilespmem:s14], [sflag:$0x1] =	stream.indirect.gather [hbm4b:s4+s13], $0x80, s12, s13, $0xb8;
	[tilespmem:$0x1E900] =	vst v63  }
0x29: {  	s5 =	sadd.s32 $0x10, s8  }
0x2a: {  	[tilespmem:s15], [sflag:$0x4] =	stream.linear.gather [hbm4b:s5+s3], $0x80, $0x38;
	[tilespmem:$0x1E900] =	vst v63  }
0x2b: {  	_ =	swait.ge [sflag:s21], $0x4000  }
0x2c: {  	[sflag:s21] =	ssyncset.done $0x0  }
0x2d: {  	[sflag:s21] =	ssyncadd.s32 $0xFFFFC000  }
0x2e: {  	_ =	swait.ge [sflag:s26], $0x80  }
0x2f: {  	[sflag:s26] =	ssyncset.done $0x0  }
0x30: {  	[sflag:s26] =	ssyncadd.s32 $0xFFFFFF80  }
0x31: {  	[tilespmem:s28], [sflag:$0x2] =	stream.indirect.gather [hbm4b:s4+s13], $0x80, s15, s13, $0xb8;
	[tilespmem:$0x1E900] =	vst v63  }
0x32: {  	s31 =	sadd.s32 $0x20, s8  }
0x33: {  	[tilespmem:s12], [sflag:$0x3] =	stream.linear.gather [hbm4b:s31+s3], $0x80, $0x38;
	[tilespmem:$0x1E900] =	vst v63  }
0x34: {  	s7 =	simm.s32 $0x0  }
0x35: {  	[spmem:s2] =	stream.indirect.scatter.add.f32 [tilespmem:s14], [sflag:$0x5], $0x80, s7, s13, $0xb8;
	[tilespmem:$0x1E900] =	vst v63  }
0x36: {  	_ =	swait.ge [sflag:s11], $0x4000  }
0x37: {  	[sflag:s11] =	ssyncset.done $0x0  }
0x38: {  	[sflag:s11] =	ssyncadd.s32 $0xFFFFC000  }
0x39: {  	_ =	swait.ge [sflag:s29], $0x4000  }
0x3a: {  	[sflag:s29] =	ssyncset.done $0x0  }
0x3b: {  	[sflag:s29] =	ssyncadd.s32 $0xFFFFC000  }
0x3c: {  	_ =	swait.ge [sflag:s30], $0x80  }
0x3d: {  	[sflag:s30] =	ssyncset.done $0x0  }
0x3e: {  	[sflag:s30] =	ssyncadd.s32 $0xFFFFFF80  }
0x3f: {  	[tilespmem:s14], [sflag:$0x1] =	stream.indirect.gather [hbm4b:s4+s13], $0x80, s12, s13, $0xb8;
	[tilespmem:$0x1E900] =	vst v63  }
0x40: {  	s5 =	sadd.s32 $0x10, s31  }
0x41: {  	[tilespmem:s15], [sflag:$0x4] =	stream.linear.gather [hbm4b:s5+s3], $0x80, $0x38;
	[tilespmem:$0x1E900] =	vst v63  }
0x42: {  	s7 =	simm.s32 $0x80  }
0x43: {  	[spmem:s2] =	stream.indirect.scatter.add.f32 [tilespmem:s28], [sflag:$0x5], $0x80, s7, s13, $0xb8;
	[tilespmem:$0x1E900] =	vst v63  }
0x44: {  	_ =	swait.ge [sflag:s11], $0x4000  }
0x45: {  	s0 =	simm.s32 $0x400;
	[sflag:s11] =	ssyncset.done $0x0  }
.LBB2_2:
0x46: {  	p0 =	sne.s32 s0, $0x9800;
	[sflag:s11] =	ssyncadd.s32 $0xFFFFC000;
	s31 =	sadd.s32 $0x20, s31  }
0x47: {  	s5 =	smov.u32 s0;
	s0 =	sadd.s32 $0x400, s0  }
0x48: {  	_ =	swait.ge [sflag:s21], $0x4000  }
0x49: {  	[sflag:s21] =	ssyncset.done $0x0  }
0x4a: {  	[sflag:s21] =	ssyncadd.s32 $0xFFFFC000  }
0x4b: {  	_ =	swait.ge [sflag:s26], $0x80  }
0x4c: {  	[sflag:s26] =	ssyncset.done $0x0  }
0x4d: {  	[sflag:s26] =	ssyncadd.s32 $0xFFFFFF80  }
0x4e: {  	[tilespmem:s28], [sflag:$0x2] =	stream.indirect.gather [hbm4b:s4+s13], $0x80, s15, s13, $0xb8;
	[tilespmem:$0x1E900] =	vst v63  }
0x4f: {  	_ = 	snop  }
0x50: {  	[tilespmem:s12], [sflag:$0x3] =	stream.linear.gather [hbm4b:s31+s3], $0x80, $0x38;
	[tilespmem:$0x1E900] =	vst v63  }
0x51: {  	s5 =	sshra.s32 s5, $0x2  }
0x52: {  	[spmem:s2] =	stream.indirect.scatter.add.f32 [tilespmem:s14], [sflag:$0x5], $0x80, s5, s13, $0xb8;
	[tilespmem:$0x1E900] =	vst v63  }
0x53: {  	_ =	swait.ge [sflag:s11], $0x4000  }
0x54: {  	[sflag:s11] =	ssyncset.done $0x0  }
0x55: {  	[sflag:s11] =	ssyncadd.s32 $0xFFFFC000  }
0x56: {  	_ =	swait.ge [sflag:s29], $0x4000  }
0x57: {  	[sflag:s29] =	ssyncset.done $0x0  }
0x58: {  	[sflag:s29] =	ssyncadd.s32 $0xFFFFC000  }
0x59: {  	_ =	swait.ge [sflag:s30], $0x80  }
0x5a: {  	[sflag:s30] =	ssyncset.done $0x0  }
0x5b: {  	[sflag:s30] =	ssyncadd.s32 $0xFFFFFF80  }
0x5c: {  	[tilespmem:s14], [sflag:$0x1] =	stream.indirect.gather [hbm4b:s4+s13], $0x80, s12, s13, $0xb8;
	[tilespmem:$0x1E900] =	vst v63  }
0x5d: {  	s7 =	sadd.s32 $0x10, s31  }
0x5e: {  	[tilespmem:s15], [sflag:$0x4] =	stream.linear.gather [hbm4b:s7+s3], $0x80, $0x38;
	[tilespmem:$0x1E900] =	vst v63  }
.Ltmp0:
0x5f: {  	_ = 	snop;
	(pc) =	sbr.rel @p0 .LBB2_2-.Ltmp0, $4  }
0x60: {  	s5 =	sadd.s32 $0x80, s5  }
0x61: {  	[spmem:s2] =	stream.indirect.scatter.add.f32 [tilespmem:s28], [sflag:$0x5], $0x80, s5, s13, $0xb8;
	[tilespmem:$0x1E900] =	vst v63  }
0x62: {  	_ =	swait.ge [sflag:s11], $0x4000  }
0x63: {  	[sflag:s11] =	ssyncset.done $0x0  }
0x64: {  	[sflag:s11] =	ssyncadd.s32 $0xFFFFC000  }
0x65: {  	_ =	swait.ge [sflag:s21], $0x4000  }
0x66: {  	[sflag:s21] =	ssyncset.done $0x0  }
0x67: {  	[sflag:s21] =	ssyncadd.s32 $0xFFFFC000  }
0x68: {  	_ =	swait.ge [sflag:s26], $0x80  }
0x69: {  	[sflag:s26] =	ssyncset.done $0x0  }
0x6a: {  	[sflag:s26] =	ssyncadd.s32 $0xFFFFFF80  }
0x6b: {  	[tilespmem:s28], [sflag:$0x2] =	stream.indirect.gather [hbm4b:s4+s13], $0x80, s15, s13, $0xb8;
	[tilespmem:$0x1E900] =	vst v63  }
0x6c: {  	s0 =	simm.s32 $0x2700  }
0x6d: {  	[spmem:s2] =	stream.indirect.scatter.add.f32 [tilespmem:s14], [sflag:$0x5], $0x80, s0, s13, $0xb8;
	[tilespmem:$0x1E900] =	vst v63  }
0x6e: {  	_ =	swait.ge [sflag:s11], $0x4000  }
0x6f: {  	[sflag:s11] =	ssyncset.done $0x0  }
0x70: {  	[sflag:s11] =	ssyncadd.s32 $0xFFFFC000  }
0x71: {  	_ =	swait.ge [sflag:s29], $0x4000  }
0x72: {  	[sflag:s29] =	ssyncset.done $0x0  }
0x73: {  	s31 =	simm.s32 $0x2780;
	[sflag:s29] =	ssyncadd.s32 $0xFFFFC000  }
0x74: {  	[spmem:s2] =	stream.indirect.scatter.add.f32 [tilespmem:s28], [sflag:$0x5], $0x80, s31, s13, $0xb8;
	[tilespmem:$0x1E900] =	vst v63  }
0x75: {  	_ =	swait.ge [sflag:s11], $0x4000  }
0x76: {  	[sflag:s11] =	ssyncset.done $0x0  }
0x77: {  	[sflag:s11] =	ssyncadd.s32 $0xFFFFC000  }
0x78: {  	[bflag:$0x0] =	sbarrier.arrive $0xFFFF  }
0x79: {  	[hbm:s16], [sflag:s6] =	dma.local [spmem:s10], $0x800  }
0x7a: {  	_ =	swait.ge [sflag:s11], $0x800  }
0x7b: {  	[sflag:s11] =	ssyncset.done $0x0  }
0x7c: {  	[sflag:s11] =	ssyncadd.s32 $0xFFFFF800  }
0x7d: {  	[hbm:s17], [sflag:s6] =	dma.local [spmem:s22], $0x800  }
0x7e: {  	_ =	swait.ge [sflag:s11], $0x800  }
0x7f: {  	[sflag:s11] =	ssyncset.done $0x0  }
0x80: {  	[sflag:s11] =	ssyncadd.s32 $0xFFFFF800  }
0x81: {  	[hbm:s18], [sflag:s6] =	dma.local [spmem:s23], $0x800  }
0x82: {  	_ =	swait.ge [sflag:s11], $0x800  }
0x83: {  	[sflag:s11] =	ssyncset.done $0x0  }
0x84: {  	[sflag:s11] =	ssyncadd.s32 $0xFFFFF800  }
0x85: {  	[hbm:s19], [sflag:s6] =	dma.local [spmem:s24], $0x800  }
0x86: {  	s1 =	sadd.s32 $0x1, s1;
	_ =	swait.ge [sflag:s11], $0x800  }
0x87: {  	p0 =	sne.s32 s1, s9;
	[sflag:s11] =	ssyncset.done $0x0  }
.Ltmp1:
0x88: {  	[sflag:s11] =	ssyncadd.s32 $0xFFFFF800;
	(pc) =	sbr.rel @p0 .LBB2_1-.Ltmp1, $4  }
0x89: {  	[hbm:s20], [sflag:s6] =	dma.local [spmem:s25], $0x800  }
0x8a: {  	_ =	swait.ge [sflag:s11], $0x800  }
0x8b: {  	[sflag:s11] =	ssyncset.done $0x0  }
0x8c: {  	[sflag:s11] =	ssyncadd.s32 $0xFFFFF800  }
0x8d: {  	_ =	sfence.sel $0x180000  }
0x8e: {  	[bflag:$0x0] =	sbarrier.arrive $0xFFFF  }
0x8f: {  	_ =	strace $0x9000004D  }
0x90: {  	s0 =	stileid.u32;
	[bflag:$0x2] =	sbarrier.arrive $0xFFFF  }
0x91: {  	p0 =	sne.s32 s0, $0x0;
	s0 =	rddreg [dreg:$0x2]  }
0x92: {  	s0 =	sadd.s32 @!p0 $0x100000, s0  }
0x93: {  	[sflag:s0] =	ssyncadd.tile.s32 @!p0 $0x1;
	_ =	shalt  }
.Lfunc_end2:
_tile_overlayer_lowered:
.L_overlay_start_2:
0x94: {  	(tag) =	ssettag $0x2  }
0x95: {  	s0 =	rddreg [dreg:$0x0];
	s2 =	stileid.u32  }
0x96: {  	s1 =	rddreg [dreg:$0x1];
	p0 =	sne.s32 s2, $0x0  }
0x97: {  	s3 =	rddreg [dreg:$0x2];
	[bflag:$0x3] =	sbarrier.arrive $0xFFFF;
	s2 =	simm.s32 @!p0 $0x1C05  }
0x98: {  	[timem:s3], [sflag:s2] =	dma.local @!p0 [hbm:s0], s1  }
0x99: {  	s0 =	simm.s32 @!p0 $0x5  }
0x9a: {  	_ =	swait.ge @!p0 [sflag:s0], s1  }
0x9b: {  	s1 =	ssub.s32 @!p0 $0x0, s1;
	[sflag:s0] =	ssyncset.done @!p0 $0x0  }
0x9c: {  	[sflag:s0] =	ssyncadd.s32 @!p0 s1  }
0x9d: {  	[bflag:$0x3] =	sbarrier.arrive $0xFFFF  }
0x9e: {  	_ =	shalt  }

// kernel: kernel.21.cloned.1.call-start
scs
__scs_entry_jumppad:
0x0: {  	(pc) =	sbr.rel $0x88, $3  }
0x1: {  	(tag) =	ssettag $0x0;
	lr =	simm.s32 $0x1  }
0x2: {  	[smem:$0x3F90] =	sst lr;
	_ =	strace $0xD0000000  }
0x3: {  	_ = 	snop  }
0x4: {  	_ = 	snop  }
0x5: {  	_ = 	snop  }
0x6: {  	_ = 	snop  }
0x7: {  	_ = 	snop  }
__scs_overlays_trampoline_lowered:
0x8: {  	[smem:$0x3F9F] =	sst s0  }
0x9: {  	[smem:$0x3FA0] =	sst s1  }
0xa: {  	[smem:$0x3FA1] =	sst s2  }
0xb: {  	[smem:$0x3FA2] =	sst s3  }
0xc: {  	[smem:$0x3FA3] =	sst s4  }
0xd: {  	[smem:$0x3FA4] =	sst s5  }
0xe: {  	[smem:$0x3FA5] =	sst s6  }
0xf: {  	[smem:$0x3FA6] =	sst s7  }
0x10: {  	[smem:$0x3FA7] =	sst s8  }
0x11: {  	[smem:$0x3FA8] =	sst s9;
	s0 =	simm.s32 @!p0 $0x0  }
0x12: {  	s1 =	sld [smem:$0x3F8E];
	s0 =	simm.s32 @p0 $0x1  }
0x13: {  	[smem:$0x3FA9] =	sst s0;
	s0 =	simm.s32 @!p1 $0x0  }
0x14: {  	s2 =	sld [smem:$0x3F8D];
	s0 =	simm.s32 @p1 $0x1  }
0x15: {  	[smem:$0x3FAA] =	sst s0;
	s0 =	simm.s32 @!p2 $0x0  }
0x16: {  	s3 =	sld [smem:$0x3FDB];
	s0 =	simm.s32 @p2 $0x1  }
0x17: {  	s4 =	simm.s32 $0x1BF5;
	[smem:$0x3FAC] =	sst s0  }
0x18: {  	s0 =	sld [smem:$0x3F8F];
	_ =	swait.ge [sflag:s4], $0x0  }
0x19: {  	s7 =	sld [smem:$0x3F90]  }
0x1a: {  	s8 =	sadd.s32 $0xFFFFE003, lr  }
0x1b: {  	s9 =	sadd.s32 $0xFFFFFEF7, lr;
	s5 =	simm.s32 $0xFFFFFFFF;
	p2 =	slt.u32 s8, $0xFFFFF086  }
0x1c: {  	p1 =	slt.u32 s9, $0xF7A;
	s5 =	simm.s32 @!p2 $0x0  }
0x1d: {  	s5 =	simm.s32 @p1 $0x1;
	p0 =	seq.s32 s7, s2  }
0x1e: {  	s7 =	smul.u32 @!p0 $0xF7A, s2;
	p2 =	seq.s32 @!p0 s5, $0x0  }
0x1f: {  	s9 =	smul.u32 $0xF7A, s1;
	s8 =	simm.s32 @!p0 $0x1BF5;
	p2 =	por !p2, p0  }
0x20: {  	[sflag:s8] =	ssyncset.s32 @!p0 $0xFFFFF086;
	s6 =	sadd.s32 @!p0 s3, s7;
	s7 =	simm.s32 @!p0 $0x108  }
0x21: {  	s3 =	sadd.s32 s3, s9;
	s6 =	sadd.s32 @!p0 $0x88, s6;
	s7 =	simm.s32 @p2 $0x1082  }
0x22: {  	[simem:s7], [sflag:s8] =	dma.local @!p0 [hbm:s6], $0xF7A  }
0x23: {  	s9 =	sor.u32 $0xD0000000, s2;
	s6 =	simm.s32 $0x108;
	_ =	swait.ge @!p0 [sflag:s8], $0x0  }
0x24: {  	s3 =	sadd.s32 $0x88, s3;
	s6 =	simm.s32 @!p1 $0x1082;
	[sflag:s4] =	ssyncset.s32 $0xFFFFF086  }
0x25: {  	[simem:s6], [sflag:s4] =	dma.local [hbm:s3], $0xF7A  }
0x26: {  	[smem:$0x3F90] =	sst s1;
	(tag) =	ssettag s2;
	_ =	strace s9  }
0x27: {  	s1 =	sld [smem:$0x3FA0]  }
0x28: {  	s2 =	sld [smem:$0x3FA1]  }
0x29: {  	s4 =	sld [smem:$0x3FA3]  }
0x2a: {  	p0 =	seq.s32 s5, $0x0;
	s5 =	sld [smem:$0x3FA4]  }
0x2b: {  	s6 =	sld [smem:$0x3FA5]  }
0x2c: {  	s7 =	sld [smem:$0x3FA6]  }
0x2d: {  	s3 =	simm.s32 $0x108;
	s8 =	sld [smem:$0x3FA7]  }
0x2e: {  	s3 =	simm.s32 @!p0 $0x1082;
	s9 =	sld [smem:$0x3FA8]  }
0x2f: {  	lr =	sadd.s32 s0, s3;
	s0 =	sld [smem:$0x3F9F]  }
0x30: {  	s3 =	sld [smem:$0x3FA2]  }
0x31: {  	[smem:$0x3FAB] =	sst s10  }
0x32: {  	s10 =	sld [smem:$0x3FA9];
	_ =	sdelay $0x3  }
0x33: {  	p0 =	seq.s32 s10, $0x1;
	s10 =	sld [smem:$0x3FAB];
	_ =	sdelay $0x3  }
0x34: {  	[smem:$0x3FAB] =	sst s10  }
0x35: {  	s10 =	sld [smem:$0x3FAA];
	_ =	sdelay $0x3  }
0x36: {  	p1 =	seq.s32 s10, $0x1;
	s10 =	sld [smem:$0x3FAB];
	_ =	sdelay $0x3  }
0x37: {  	[smem:$0x3FAB] =	sst s10  }
0x38: {  	s10 =	sld [smem:$0x3FAC]  }
0x39: {  	_ = 	snop;
	(pc) =	sbr.ind lr, $3  }
0x3a: {  	_ = 	snop  }
0x3b: {  	_ = 	snop  }
0x3c: {  	p2 =	seq.s32 s10, $0x1;
	s10 =	sld [smem:$0x3FAB]  }
0x3d: {  	_ =	shalt  }
0x3e: {  	_ =	shalt  }
0x3f: {  	_ =	shalt  }
0x40: {  	_ =	shalt  }
0x41: {  	_ =	shalt  }
0x42: {  	_ =	shalt  }
0x43: {  	_ =	shalt  }
0x44: {  	_ =	shalt  }
0x45: {  	_ =	shalt  }
0x46: {  	_ =	shalt  }
0x47: {  	_ =	shalt  }
0x48: {  	_ =	shalt  }
0x49: {  	_ =	shalt  }
0x4a: {  	_ =	shalt  }
0x4b: {  	_ =	shalt  }
0x4c: {  	_ =	shalt  }
0x4d: {  	_ =	shalt  }
0x4e: {  	_ =	shalt  }
0x4f: {  	_ =	shalt  }
0x50: {  	_ =	shalt  }
0x51: {  	_ =	shalt  }
0x52: {  	_ =	shalt  }
0x53: {  	_ =	shalt  }
0x54: {  	_ =	shalt  }
0x55: {  	_ =	shalt  }
0x56: {  	_ =	shalt  }
0x57: {  	_ =	shalt  }
0x58: {  	_ =	shalt  }
0x59: {  	_ =	shalt  }
0x5a: {  	_ =	shalt  }
0x5b: {  	_ =	shalt  }
0x5c: {  	_ =	shalt  }
0x5d: {  	_ =	shalt  }
0x5e: {  	_ =	shalt  }
0x5f: {  	_ =	shalt  }
0x60: {  	_ =	shalt  }
0x61: {  	_ =	shalt  }
0x62: {  	_ =	shalt  }
0x63: {  	_ =	shalt  }
0x64: {  	_ =	shalt  }
0x65: {  	_ =	shalt  }
0x66: {  	_ =	shalt  }
0x67: {  	_ =	shalt  }
0x68: {  	_ =	shalt  }
0x69: {  	_ =	shalt  }
0x6a: {  	_ =	shalt  }
0x6b: {  	_ =	shalt  }
0x6c: {  	_ =	shalt  }
0x6d: {  	_ =	shalt  }
0x6e: {  	_ =	shalt  }
0x6f: {  	_ =	shalt  }
0x70: {  	_ =	shalt  }
0x71: {  	_ =	shalt  }
0x72: {  	_ =	shalt  }
0x73: {  	_ =	shalt  }
0x74: {  	_ =	shalt  }
0x75: {  	_ =	shalt  }
0x76: {  	_ =	shalt  }
0x77: {  	_ =	shalt  }
0x78: {  	_ =	shalt  }
0x79: {  	_ =	shalt  }
0x7a: {  	_ =	shalt  }
0x7b: {  	_ =	shalt  }
0x7c: {  	_ =	shalt  }
0x7d: {  	_ =	shalt  }
0x7e: {  	_ =	shalt  }
0x7f: {  	_ =	shalt  }
0x80: {  	_ =	shalt  }
0x81: {  	_ =	shalt  }
0x82: {  	_ =	shalt  }
0x83: {  	_ =	shalt  }
0x84: {  	_ =	shalt  }
0x85: {  	_ =	shalt  }
0x86: {  	_ =	shalt  }
0x87: {  	_ =	shalt  }
.Lfunc_end0:
.L_simem_size_0:
called_computation.3_lowered:
.L_overlay_start_0:
0x88: {  	s2 =	sld [smem:$0x3FD9]  }
0x89: {  	s3 =	sld [smem:$0x3FFE];
	_ =	sdelay $0x1  }
0x8a: {  	s1 =	srdreg.scid  }
0x8b: {  	s0 =	sand.u32 $0x1, s1  }
0x8c: {  	s16 =	sshll.u32 s0, $0xA;
	s2 =	sadd.s32 s3, s2  }
0x8d: {  	s2 =	sadd.s32 s2, s16  }
0x8e: {  	[smem:$0x3FB7] =	sst s2  }
0x8f: {  	_ = 	snop  }
0x90: {  	(tm) =	ssettm $0x1  }
0x91: {  	s17 =	sld [smem:$0x3FFB];
	_ =	sdelay $0x3  }
0x92: {  	_ =	strace s17  }
0x93: {  	s2 =	sld [smem:$0x3FFC];
	_ =	sdelay $0x3  }
0x94: {  	_ =	strace s2  }
0x95: {  	s2 =	sld [smem:$0x3FFD];
	_ =	sdelay $0x3  }
0x96: {  	_ =	strace s2  }
0x97: {  	_ =	strace $0x8FFFFFFF  }
0x98: {  	s18 =	sld [smem:$0x3FDB];
	_ =	sdelay $0x1  }
0x99: {  	s19 =	simm.s32 $_scs_section_size  }
0x9a: {  	s4 =	simm.s32 $_size__tile_overlayer_lowered;
	s5 =	simm.s32 $_tile_overlayer_lowered  }
0x9b: {  	s22 =	simm.s32 $0x1BFF;
	s21 =	sshll.u32 s5, $0x1;
	s2 =	sadd.s32 s19, s18  }
0x9c: {  	s6 =	simm.s32 $0x0;
	s20 =	sshll.u32 s4, $0x1;
	s4 =	sadd.s32 s21, s2  }
0x9d: {  	[timem:s6], [sflag:s22] =	dma.local [hbm:s4], s20  }
0x9e: {  	_ =	swait.ge [sflag:s22], s20  }
0x9f: {  	s3 =	ssub.s32 $0x0, s20;
	[sflag:s22] =	ssyncset.done $0x0  }
0xa0: {  	[sflag:s22] =	ssyncadd.s32 s3;
	_ =	sdelay $0x1  }
0xa1: {  	s23 =	simm.s32 $0x1B8B  }
0xa2: {  	_ =	swait.ge [sflag:s23], $0x1  }
0xa3: {  	[sflag:s23] =	ssyncset.done $0x0  }
0xa4: {  	s25 =	simm.s32 $0x1B8E;
	s24 =	sld [smem:$0x3FFE];
	[sflag:s23] =	ssyncadd.s32 $0xFFFFFFFF  }
0xa5: {  	s26 =	simm.s32 $execute0_lowered;
	[smem:$0x3FD2] =	sst s25  }
0xa6: {  	s4 =	sshll.u32 s26, $0x1;
	_ =	strace $0x8000004F;
	[dreg:$0x1] =	wrdreg $0xFFFFFFFF  }
0xa7: {  	s28 =	simm.s32 $_size_execute0_lowered;
	s2 =	sadd.s32 s2, s4;
	[dreg:$0x0] =	wrdreg $0x0  }
0xa8: {  	s4 =	sshll.u32 s28, $0x1;
	[dreg:$0x2] =	wrdreg s2  }
0xa9: {  	[dreg:$0x3] =	wrdreg s4  }
0xaa: {  	[dreg:$0x4] =	wrdreg $0xC0  }
0xab: {  	_ =	task [dreg:s6], $0x5FFFF  }
0xac: {  	[dreg:$0x1] =	wrdreg $0xFFFFFFFF  }
0xad: {  	[dreg:$0x0] =	wrdreg $0x60  }
0xae: {  	[dreg:$0x2] =	wrdreg s24  }
0xaf: {  	[dreg:$0x3] =	wrdreg $0xA9000  }
0xb0: {  	[dreg:$0x4] =	wrdreg $0x9  }
0xb1: {  	_ =	task.clear_ibuf [dreg:s6], $0x5FFFF;
	_ =	strace $0x9000004F  }
0xb2: {  	s29 =	simm.s32 $0x9;
	_ =	strace $0x80000051  }
0xb3: {  	_ =	swait.ge [sflag:s29], $0x1  }
0xb4: {  	[sflag:s29] =	ssyncadd.s32 $0xFFFFFFFF  }
0xb5: {  	_ =	strace $0x90000051  }
0xb6: {  	_ =	sfence  }
0xb7: {  	s30 =	sld [smem:$0x0];
	_ =	sdelay $0x2  }
0xb8: {  	s31 =	sshll.u32 s1, $0xD;
	s1 =	sshrl.u32 s1, $0x2  }
0xb9: {  	s3 =	sand.u32 $0x4000, s31;
	s1 =	sadd.s32 s1, s30  }
0xba: {  	s0 =	sor.u32 s3, s0;
	s1 =	sshll.u32 s1, $0x11  }
0xbb: {  	s0 =	sor.u32 s1, s0  }
0xbc: {  	s0 =	sadd.s32 $0x8F2B, s0  }
0xbd: {  	[sflag:s0] =	ssyncadd.remote.s32 $0x1  }
0xbe: {  	_ =	sfence.sel $0xFFFF  }
0xbf: {  	[dreg:$0x0] =	wrdreg $0xFFFFFFFF;
	(pc) =	sbr.abs _section_cstart, $3  }
0xc0: {  	[dreg:$0x1] =	wrdreg $0xFFFFFFFF  }
0xc1: {  	_ =	task.clear_ibuf [dreg:s6], $0x2FFFF;
	_ =	strace $0x9FFFFFFF  }
0xc2: {  	(tm) =	ssettm $0x7FFFFFFF  }
0xc3: {  	_ =	shalt  }
tec
execute0_lowered:
.L_overlay_start_1:
0x0: {  	(tag) =	ssettag $0x1  }
0x1: {  	s1 =	rddreg [dreg:$0x0]  }
0x2: {  	s0 =	srdreg.scid;
	s2 =	rddreg [dreg:$0x1]  }
0x3: {  	s13 =	stileid.u32;
	s3 =	simm.s32 $0x0;
	s14 =	simm.s32 $0x2900  }
0x4: {  	s15 =	simm.s32 $0x2880;
	s28 =	simm.s32 $0x6900;
	s29 =	simm.s32 $0x2  }
0x5: {  	s30 =	simm.s32 $0x3;
	s0 =	sand.u32 $0x1, s0;
	s7 =	smul.u32 $0x50000, s13  }
0x6: {  	[smem:$0x7FF] =	sst s3;
	s17 =	sadd.s32 $0x19A00, s1;
	s9 =	smul.u32 $0x280, s13  }
0x7: {  	s19 =	sshll.u32 s13, $0x6;
	s16 =	smul.u32 $0x2800, s13;
	s4 =	sshll.u32 s0, $0x4  }
0x8: {  	_ =	strace $0x80000050;
	s6 =	smul.u32 $0x28000, s0;
	s0 =	ssub.s32 $0x2, s0  }
0x9: {  	[dreg:$0x3] =	wrdreg s17;
	s4 =	sor.u32 s13, s4;
	s18 =	sshrl.u32 s0, $0x1  }
0xa: {  	s7 =	sshrl.u32 s7, $0x2;
	s11 =	sadd.s32 $0x80, s9;
	s21 =	sadd.s32 $0x100, s9  }
0xb: {  	s25 =	sadd.s32 $0x180, s9;
	s9 =	sadd.s32 $0x200, s9;
	s13 =	simm.s32 $0x80  }
0xc: {  	s5 =	smul.u32 $0x500, s4;
	s4 =	sadd.s32 $0x6CA00, s1;
	s0 =	ssub.s32 s0, s18  }
0xd: {  	s10 =	sadd.s32 s7, s2;
	s12 =	sshll.u32 s11, $0x7;
	s17 =	sshll.u32 s11, $0x4  }
0xe: {  	s24 =	sshll.u32 s21, $0x7;
	s26 =	sshll.u32 s25, $0x7;
	s18 =	sshll.u32 s21, $0x4  }
0xf: {  	s31 =	sshll.u32 s9, $0x7;
	s11 =	simm.s32 $0x5;
	s21 =	simm.s32 $0x1  }
0x10: {  	s22 =	sadd.s32 s12, s2;
	s23 =	sadd.s32 s24, s2;
	s24 =	sadd.s32 s26, s2  }
0x11: {  	s10 =	sshrl.u32 s10, $0x3;
	s12 =	simm.s32 $0x2800;
	s26 =	simm.s32 $0x4  }
0x12: {  	s8 =	sadd.s32 s5, s1;
	s1 =	sadd.s32 s6, s1;
	s6 =	sor.u32 $0x1C05, s19  }
0x13: {  	s19 =	sshll.u32 s25, $0x4;
	s25 =	sadd.s32 s31, s2;
	s22 =	sshrl.u32 s22, $0x3  }
0x14: {  	s23 =	sshrl.u32 s23, $0x3;
	s24 =	sshrl.u32 s24, $0x3;
	s20 =	sadd.s32 $0xFA00, s8  }
0x15: {  	s8 =	sadd.s32 $0x5A00, s8;
	s1 =	sadd.s32 $0x94A00, s1;
	s25 =	sshrl.u32 s25, $0x3  }
0x16: {  	[dreg:$0x4] =	wrdreg s20;
	s20 =	sshll.u32 s9, $0x4;
	s9 =	smax.u32 s0, $0x1  }
0x17: {  	s16 =	sadd.s32 s16, s1;
	s17 =	sadd.s32 s17, s1;
	s18 =	sadd.s32 s18, s1  }
0x18: {  	s19 =	sadd.s32 s19, s1;
	s20 =	sadd.s32 s20, s1;
	s1 =	simm.s32 $0x0  }
.LBB2_1:
0x19: {  	s0 =	rddreg [dreg:$0x3]  }
0x1a: {  	[spmem:s10], [sflag:s6] =	dma.local [hbm:s0], $0x2800  }
0x1b: {  	_ =	swait.ge [sflag:s11], $0x2800  }
0x1c: {  	[sflag:s11] =	ssyncset.done $0x0  }
0x1d: {  	[sflag:s11] =	ssyncadd.s32 $0xFFFFD800  }
0x1e: {  	[bflag:$0x0] =	sbarrier.arrive $0xFFFF  }
0x1f: {  	s7 =	rddreg [dreg:$0x4]  }
0x20: {  	[tilespmem:s3], [sflag:$0x5] =	stream.linear.gather [hbm4b:s7+s3], $0x2800, $0x38;
	[tilespmem:$0x1E900] =	vst v63  }
0x21: {  	_ =	swait.ge [sflag:s11], $0x2800  }
0x22: {  	[sflag:s11] =	ssyncset.done $0x0  }
0x23: {  	[sflag:s11] =	ssyncadd.s32 $0xFFFFD800  }
0x24: {  	[tilespmem:s12], [sflag:$0x5] =	stream.linear.gather [hbm4b:s8+s3], $0x80, $0x38;
	[tilespmem:$0x1E900] =	vst v63  }
0x25: {  	_ =	swait.ge [sflag:s11], $0x80  }
0x26: {  	[sflag:s11] =	ssyncset.done $0x0  }
0x27: {  	[sflag:s11] =	ssyncadd.s32 $0xFFFFFF80  }
0x28: {  	[tilespmem:s14], [sflag:$0x1] =	stream.indirect.gather [hbm4b:s4+s13], $0x80, s12, s13, $0xb8;
	[tilespmem:$0x1E900] =	vst v63  }
0x29: {  	s5 =	sadd.s32 $0x10, s8  }
0x2a: {  	[tilespmem:s15], [sflag:$0x4] =	stream.linear.gather [hbm4b:s5+s3], $0x80, $0x38;
	[tilespmem:$0x1E900] =	vst v63  }
0x2b: {  	_ =	swait.ge [sflag:s21], $0x4000  }
0x2c: {  	[sflag:s21] =	ssyncset.done $0x0  }
0x2d: {  	[sflag:s21] =	ssyncadd.s32 $0xFFFFC000  }
0x2e: {  	_ =	swait.ge [sflag:s26], $0x80  }
0x2f: {  	[sflag:s26] =	ssyncset.done $0x0  }
0x30: {  	[sflag:s26] =	ssyncadd.s32 $0xFFFFFF80  }
0x31: {  	[tilespmem:s28], [sflag:$0x2] =	stream.indirect.gather [hbm4b:s4+s13], $0x80, s15, s13, $0xb8;
	[tilespmem:$0x1E900] =	vst v63  }
0x32: {  	s31 =	sadd.s32 $0x20, s8  }
0x33: {  	[tilespmem:s12], [sflag:$0x3] =	stream.linear.gather [hbm4b:s31+s3], $0x80, $0x38;
	[tilespmem:$0x1E900] =	vst v63  }
0x34: {  	s7 =	simm.s32 $0x0  }
0x35: {  	[spmem:s2] =	stream.indirect.scatter.add.f32 [tilespmem:s14], [sflag:$0x5], $0x80, s7, s13, $0xb8;
	[tilespmem:$0x1E900] =	vst v63  }
0x36: {  	_ =	swait.ge [sflag:s11], $0x4000  }
0x37: {  	[sflag:s11] =	ssyncset.done $0x0  }
0x38: {  	[sflag:s11] =	ssyncadd.s32 $0xFFFFC000  }
0x39: {  	_ =	swait.ge [sflag:s29], $0x4000  }
0x3a: {  	[sflag:s29] =	ssyncset.done $0x0  }
0x3b: {  	[sflag:s29] =	ssyncadd.s32 $0xFFFFC000  }
0x3c: {  	_ =	swait.ge [sflag:s30], $0x80  }
0x3d: {  	[sflag:s30] =	ssyncset.done $0x0  }
0x3e: {  	[sflag:s30] =	ssyncadd.s32 $0xFFFFFF80  }
0x3f: {  	[tilespmem:s14], [sflag:$0x1] =	stream.indirect.gather [hbm4b:s4+s13], $0x80, s12, s13, $0xb8;
	[tilespmem:$0x1E900] =	vst v63  }
0x40: {  	s5 =	sadd.s32 $0x10, s31  }
0x41: {  	[tilespmem:s15], [sflag:$0x4] =	stream.linear.gather [hbm4b:s5+s3], $0x80, $0x38;
	[tilespmem:$0x1E900] =	vst v63  }
0x42: {  	s7 =	simm.s32 $0x80  }
0x43: {  	[spmem:s2] =	stream.indirect.scatter.add.f32 [tilespmem:s28], [sflag:$0x5], $0x80, s7, s13, $0xb8;
	[tilespmem:$0x1E900] =	vst v63  }
0x44: {  	_ =	swait.ge [sflag:s11], $0x4000  }
0x45: {  	s0 =	simm.s32 $0x400;
	[sflag:s11] =	ssyncset.done $0x0  }
.LBB2_2:
0x46: {  	p0 =	sne.s32 s0, $0x9800;
	[sflag:s11] =	ssyncadd.s32 $0xFFFFC000;
	s31 =	sadd.s32 $0x20, s31  }
0x47: {  	s5 =	smov.u32 s0;
	s0 =	sadd.s32 $0x400, s0  }
0x48: {  	_ =	swait.ge [sflag:s21], $0x4000  }
0x49: {  	[sflag:s21] =	ssyncset.done $0x0  }
0x4a: {  	[sflag:s21] =	ssyncadd.s32 $0xFFFFC000  }
0x4b: {  	_ =	swait.ge [sflag:s26], $0x80  }
0x4c: {  	[sflag:s26] =	ssyncset.done $0x0  }
0x4d: {  	[sflag:s26] =	ssyncadd.s32 $0xFFFFFF80  }
0x4e: {  	[tilespmem:s28], [sflag:$0x2] =	stream.indirect.gather [hbm4b:s4+s13], $0x80, s15, s13, $0xb8;
	[tilespmem:$0x1E900] =	vst v63  }
0x4f: {  	_ = 	snop  }
0x50: {  	[tilespmem:s12], [sflag:$0x3] =	stream.linear.gather [hbm4b:s31+s3], $0x80, $0x38;
	[tilespmem:$0x1E900] =	vst v63  }
0x51: {  	s5 =	sshra.s32 s5, $0x2  }
0x52: {  	[spmem:s2] =	stream.indirect.scatter.add.f32 [tilespmem:s14], [sflag:$0x5], $0x80, s5, s13, $0xb8;
	[tilespmem:$0x1E900] =	vst v63  }
0x53: {  	_ =	swait.ge [sflag:s11], $0x4000  }
0x54: {  	[sflag:s11] =	ssyncset.done $0x0  }
0x55: {  	[sflag:s11] =	ssyncadd.s32 $0xFFFFC000  }
0x56: {  	_ =	swait.ge [sflag:s29], $0x4000  }
0x57: {  	[sflag:s29] =	ssyncset.done $0x0  }
0x58: {  	[sflag:s29] =	ssyncadd.s32 $0xFFFFC000  }
0x59: {  	_ =	swait.ge [sflag:s30], $0x80  }
0x5a: {  	[sflag:s30] =	ssyncset.done $0x0  }
0x5b: {  	[sflag:s30] =	ssyncadd.s32 $0xFFFFFF80  }
0x5c: {  	[tilespmem:s14], [sflag:$0x1] =	stream.indirect.gather [hbm4b:s4+s13], $0x80, s12, s13, $0xb8;
	[tilespmem:$0x1E900] =	vst v63  }
0x5d: {  	s7 =	sadd.s32 $0x10, s31  }
0x5e: {  	[tilespmem:s15], [sflag:$0x4] =	stream.linear.gather [hbm4b:s7+s3], $0x80, $0x38;
	[tilespmem:$0x1E900] =	vst v63  }
.Ltmp0:
0x5f: {  	_ = 	snop;
	(pc) =	sbr.rel @p0 .LBB2_2-.Ltmp0, $4  }
0x60: {  	s5 =	sadd.s32 $0x80, s5  }
0x61: {  	[spmem:s2] =	stream.indirect.scatter.add.f32 [tilespmem:s28], [sflag:$0x5], $0x80, s5, s13, $0xb8;
	[tilespmem:$0x1E900] =	vst v63  }
0x62: {  	_ =	swait.ge [sflag:s11], $0x4000  }
0x63: {  	[sflag:s11] =	ssyncset.done $0x0  }
0x64: {  	[sflag:s11] =	ssyncadd.s32 $0xFFFFC000  }
0x65: {  	_ =	swait.ge [sflag:s21], $0x4000  }
0x66: {  	[sflag:s21] =	ssyncset.done $0x0  }
0x67: {  	[sflag:s21] =	ssyncadd.s32 $0xFFFFC000  }
0x68: {  	_ =	swait.ge [sflag:s26], $0x80  }
0x69: {  	[sflag:s26] =	ssyncset.done $0x0  }
0x6a: {  	[sflag:s26] =	ssyncadd.s32 $0xFFFFFF80  }
0x6b: {  	[tilespmem:s28], [sflag:$0x2] =	stream.indirect.gather [hbm4b:s4+s13], $0x80, s15, s13, $0xb8;
	[tilespmem:$0x1E900] =	vst v63  }
0x6c: {  	s0 =	simm.s32 $0x2700  }
0x6d: {  	[spmem:s2] =	stream.indirect.scatter.add.f32 [tilespmem:s14], [sflag:$0x5], $0x80, s0, s13, $0xb8;
	[tilespmem:$0x1E900] =	vst v63  }
0x6e: {  	_ =	swait.ge [sflag:s11], $0x4000  }
0x6f: {  	[sflag:s11] =	ssyncset.done $0x0  }
0x70: {  	[sflag:s11] =	ssyncadd.s32 $0xFFFFC000  }
0x71: {  	_ =	swait.ge [sflag:s29], $0x4000  }
0x72: {  	[sflag:s29] =	ssyncset.done $0x0  }
0x73: {  	s31 =	simm.s32 $0x2780;
	[sflag:s29] =	ssyncadd.s32 $0xFFFFC000  }
0x74: {  	[spmem:s2] =	stream.indirect.scatter.add.f32 [tilespmem:s28], [sflag:$0x5], $0x80, s31, s13, $0xb8;
	[tilespmem:$0x1E900] =	vst v63  }
0x75: {  	_ =	swait.ge [sflag:s11], $0x4000  }
0x76: {  	[sflag:s11] =	ssyncset.done $0x0  }
0x77: {  	[sflag:s11] =	ssyncadd.s32 $0xFFFFC000  }
0x78: {  	[bflag:$0x0] =	sbarrier.arrive $0xFFFF  }
0x79: {  	[hbm:s16], [sflag:s6] =	dma.local [spmem:s10], $0x800  }
0x7a: {  	_ =	swait.ge [sflag:s11], $0x800  }
0x7b: {  	[sflag:s11] =	ssyncset.done $0x0  }
0x7c: {  	[sflag:s11] =	ssyncadd.s32 $0xFFFFF800  }
0x7d: {  	[hbm:s17], [sflag:s6] =	dma.local [spmem:s22], $0x800  }
0x7e: {  	_ =	swait.ge [sflag:s11], $0x800  }
0x7f: {  	[sflag:s11] =	ssyncset.done $0x0  }
0x80: {  	[sflag:s11] =	ssyncadd.s32 $0xFFFFF800  }
0x81: {  	[hbm:s18], [sflag:s6] =	dma.local [spmem:s23], $0x800  }
0x82: {  	_ =	swait.ge [sflag:s11], $0x800  }
0x83: {  	[sflag:s11] =	ssyncset.done $0x0  }
0x84: {  	[sflag:s11] =	ssyncadd.s32 $0xFFFFF800  }
0x85: {  	[hbm:s19], [sflag:s6] =	dma.local [spmem:s24], $0x800  }
0x86: {  	s1 =	sadd.s32 $0x1, s1;
	_ =	swait.ge [sflag:s11], $0x800  }
0x87: {  	p0 =	sne.s32 s1, s9;
	[sflag:s11] =	ssyncset.done $0x0  }
.Ltmp1:
0x88: {  	[sflag:s11] =	ssyncadd.s32 $0xFFFFF800;
	(pc) =	sbr.rel @p0 .LBB2_1-.Ltmp1, $4  }
0x89: {  	[hbm:s20], [sflag:s6] =	dma.local [spmem:s25], $0x800  }
0x8a: {  	_ =	swait.ge [sflag:s11], $0x800  }
0x8b: {  	[sflag:s11] =	ssyncset.done $0x0  }
0x8c: {  	[sflag:s11] =	ssyncadd.s32 $0xFFFFF800  }
0x8d: {  	_ =	sfence.sel $0x180000  }
0x8e: {  	[bflag:$0x0] =	sbarrier.arrive $0xFFFF  }
0x8f: {  	_ =	strace $0x90000050  }
0x90: {  	s0 =	stileid.u32;
	[bflag:$0x2] =	sbarrier.arrive $0xFFFF  }
0x91: {  	p0 =	sne.s32 s0, $0x0;
	s0 =	rddreg [dreg:$0x2]  }
0x92: {  	s0 =	sadd.s32 @!p0 $0x100000, s0  }
0x93: {  	[sflag:s0] =	ssyncadd.tile.s32 @!p0 $0x1;
	_ =	shalt  }
.Lfunc_end2:
_tile_overlayer_lowered:
.L_overlay_start_2:
0x94: {  	(tag) =	ssettag $0x2  }
0x95: {  	s0 =	rddreg [dreg:$0x0];
	s2 =	stileid.u32  }
0x96: {  	s1 =	rddreg [dreg:$0x1];
	p0 =	sne.s32 s2, $0x0  }
0x97: {  	s3 =	rddreg [dreg:$0x2];
	[bflag:$0x3] =	sbarrier.arrive $0xFFFF;
	s2 =	simm.s32 @!p0 $0x1C05  }
0x98: {  	[timem:s3], [sflag:s2] =	dma.local @!p0 [hbm:s0], s1  }
0x99: {  	s0 =	simm.s32 @!p0 $0x5  }
0x9a: {  	_ =	swait.ge @!p0 [sflag:s0], s1  }
0x9b: {  	s1 =	ssub.s32 @!p0 $0x0, s1;
	[sflag:s0] =	ssyncset.done @!p0 $0x0  }
0x9c: {  	[sflag:s0] =	ssyncadd.s32 @!p0 s1  }
0x9d: {  	[bflag:$0x3] =	sbarrier.arrive $0xFFFF  }
0x9e: {  	_ =	shalt  }

// kernel: kernel.24.cloned.1.call-start
scs
__scs_entry_jumppad:
0x0: {  	(pc) =	sbr.rel $0x88, $3  }
0x1: {  	(tag) =	ssettag $0x0;
	lr =	simm.s32 $0x1  }
0x2: {  	[smem:$0x3F90] =	sst lr;
	_ =	strace $0xD0000000  }
0x3: {  	_ = 	snop  }
0x4: {  	_ = 	snop  }
0x5: {  	_ = 	snop  }
0x6: {  	_ = 	snop  }
0x7: {  	_ = 	snop  }
__scs_overlays_trampoline_lowered:
0x8: {  	[smem:$0x3F9F] =	sst s0  }
0x9: {  	[smem:$0x3FA0] =	sst s1  }
0xa: {  	[smem:$0x3FA1] =	sst s2  }
0xb: {  	[smem:$0x3FA2] =	sst s3  }
0xc: {  	[smem:$0x3FA3] =	sst s4  }
0xd: {  	[smem:$0x3FA4] =	sst s5  }
0xe: {  	[smem:$0x3FA5] =	sst s6  }
0xf: {  	[smem:$0x3FA6] =	sst s7  }
0x10: {  	[smem:$0x3FA7] =	sst s8  }
0x11: {  	[smem:$0x3FA8] =	sst s9;
	s0 =	simm.s32 @!p0 $0x0  }
0x12: {  	s1 =	sld [smem:$0x3F8E];
	s0 =	simm.s32 @p0 $0x1  }
0x13: {  	[smem:$0x3FA9] =	sst s0;
	s0 =	simm.s32 @!p1 $0x0  }
0x14: {  	s2 =	sld [smem:$0x3F8D];
	s0 =	simm.s32 @p1 $0x1  }
0x15: {  	[smem:$0x3FAA] =	sst s0;
	s0 =	simm.s32 @!p2 $0x0  }
0x16: {  	s3 =	sld [smem:$0x3FDB];
	s0 =	simm.s32 @p2 $0x1  }
0x17: {  	s4 =	simm.s32 $0x1BF5;
	[smem:$0x3FAC] =	sst s0  }
0x18: {  	s0 =	sld [smem:$0x3F8F];
	_ =	swait.ge [sflag:s4], $0x0  }
0x19: {  	s7 =	sld [smem:$0x3F90]  }
0x1a: {  	s8 =	sadd.s32 $0xFFFFE003, lr  }
0x1b: {  	s9 =	sadd.s32 $0xFFFFFEF7, lr;
	s5 =	simm.s32 $0xFFFFFFFF;
	p2 =	slt.u32 s8, $0xFFFFF086  }
0x1c: {  	p1 =	slt.u32 s9, $0xF7A;
	s5 =	simm.s32 @!p2 $0x0  }
0x1d: {  	s5 =	simm.s32 @p1 $0x1;
	p0 =	seq.s32 s7, s2  }
0x1e: {  	s7 =	smul.u32 @!p0 $0xF7A, s2;
	p2 =	seq.s32 @!p0 s5, $0x0  }
0x1f: {  	s9 =	smul.u32 $0xF7A, s1;
	s8 =	simm.s32 @!p0 $0x1BF5;
	p2 =	por !p2, p0  }
0x20: {  	[sflag:s8] =	ssyncset.s32 @!p0 $0xFFFFF086;
	s6 =	sadd.s32 @!p0 s3, s7;
	s7 =	simm.s32 @!p0 $0x108  }
0x21: {  	s3 =	sadd.s32 s3, s9;
	s6 =	sadd.s32 @!p0 $0x88, s6;
	s7 =	simm.s32 @p2 $0x1082  }
0x22: {  	[simem:s7], [sflag:s8] =	dma.local @!p0 [hbm:s6], $0xF7A  }
0x23: {  	s9 =	sor.u32 $0xD0000000, s2;
	s6 =	simm.s32 $0x108;
	_ =	swait.ge @!p0 [sflag:s8], $0x0  }
0x24: {  	s3 =	sadd.s32 $0x88, s3;
	s6 =	simm.s32 @!p1 $0x1082;
	[sflag:s4] =	ssyncset.s32 $0xFFFFF086  }
0x25: {  	[simem:s6], [sflag:s4] =	dma.local [hbm:s3], $0xF7A  }
0x26: {  	[smem:$0x3F90] =	sst s1;
	(tag) =	ssettag s2;
	_ =	strace s9  }
0x27: {  	s1 =	sld [smem:$0x3FA0]  }
0x28: {  	s2 =	sld [smem:$0x3FA1]  }
0x29: {  	s4 =	sld [smem:$0x3FA3]  }
0x2a: {  	p0 =	seq.s32 s5, $0x0;
	s5 =	sld [smem:$0x3FA4]  }
0x2b: {  	s6 =	sld [smem:$0x3FA5]  }
0x2c: {  	s7 =	sld [smem:$0x3FA6]  }
0x2d: {  	s3 =	simm.s32 $0x108;
	s8 =	sld [smem:$0x3FA7]  }
0x2e: {  	s3 =	simm.s32 @!p0 $0x1082;
	s9 =	sld [smem:$0x3FA8]  }
0x2f: {  	lr =	sadd.s32 s0, s3;
	s0 =	sld [smem:$0x3F9F]  }
0x30: {  	s3 =	sld [smem:$0x3FA2]  }
0x31: {  	[smem:$0x3FAB] =	sst s10  }
0x32: {  	s10 =	sld [smem:$0x3FA9];
	_ =	sdelay $0x3  }
0x33: {  	p0 =	seq.s32 s10, $0x1;
	s10 =	sld [smem:$0x3FAB];
	_ =	sdelay $0x3  }
0x34: {  	[smem:$0x3FAB] =	sst s10  }
0x35: {  	s10 =	sld [smem:$0x3FAA];
	_ =	sdelay $0x3  }
0x36: {  	p1 =	seq.s32 s10, $0x1;
	s10 =	sld [smem:$0x3FAB];
	_ =	sdelay $0x3  }
0x37: {  	[smem:$0x3FAB] =	sst s10  }
0x38: {  	s10 =	sld [smem:$0x3FAC]  }
0x39: {  	_ = 	snop;
	(pc) =	sbr.ind lr, $3  }
0x3a: {  	_ = 	snop  }
0x3b: {  	_ = 	snop  }
0x3c: {  	p2 =	seq.s32 s10, $0x1;
	s10 =	sld [smem:$0x3FAB]  }
0x3d: {  	_ =	shalt  }
0x3e: {  	_ =	shalt  }
0x3f: {  	_ =	shalt  }
0x40: {  	_ =	shalt  }
0x41: {  	_ =	shalt  }
0x42: {  	_ =	shalt  }
0x43: {  	_ =	shalt  }
0x44: {  	_ =	shalt  }
0x45: {  	_ =	shalt  }
0x46: {  	_ =	shalt  }
0x47: {  	_ =	shalt  }
0x48: {  	_ =	shalt  }
0x49: {  	_ =	shalt  }
0x4a: {  	_ =	shalt  }
0x4b: {  	_ =	shalt  }
0x4c: {  	_ =	shalt  }
0x4d: {  	_ =	shalt  }
0x4e: {  	_ =	shalt  }
0x4f: {  	_ =	shalt  }
0x50: {  	_ =	shalt  }
0x51: {  	_ =	shalt  }
0x52: {  	_ =	shalt  }
0x53: {  	_ =	shalt  }
0x54: {  	_ =	shalt  }
0x55: {  	_ =	shalt  }
0x56: {  	_ =	shalt  }
0x57: {  	_ =	shalt  }
0x58: {  	_ =	shalt  }
0x59: {  	_ =	shalt  }
0x5a: {  	_ =	shalt  }
0x5b: {  	_ =	shalt  }
0x5c: {  	_ =	shalt  }
0x5d: {  	_ =	shalt  }
0x5e: {  	_ =	shalt  }
0x5f: {  	_ =	shalt  }
0x60: {  	_ =	shalt  }
0x61: {  	_ =	shalt  }
0x62: {  	_ =	shalt  }
0x63: {  	_ =	shalt  }
0x64: {  	_ =	shalt  }
0x65: {  	_ =	shalt  }
0x66: {  	_ =	shalt  }
0x67: {  	_ =	shalt  }
0x68: {  	_ =	shalt  }
0x69: {  	_ =	shalt  }
0x6a: {  	_ =	shalt  }
0x6b: {  	_ =	shalt  }
0x6c: {  	_ =	shalt  }
0x6d: {  	_ =	shalt  }
0x6e: {  	_ =	shalt  }
0x6f: {  	_ =	shalt  }
0x70: {  	_ =	shalt  }
0x71: {  	_ =	shalt  }
0x72: {  	_ =	shalt  }
0x73: {  	_ =	shalt  }
0x74: {  	_ =	shalt  }
0x75: {  	_ =	shalt  }
0x76: {  	_ =	shalt  }
0x77: {  	_ =	shalt  }
0x78: {  	_ =	shalt  }
0x79: {  	_ =	shalt  }
0x7a: {  	_ =	shalt  }
0x7b: {  	_ =	shalt  }
0x7c: {  	_ =	shalt  }
0x7d: {  	_ =	shalt  }
0x7e: {  	_ =	shalt  }
0x7f: {  	_ =	shalt  }
0x80: {  	_ =	shalt  }
0x81: {  	_ =	shalt  }
0x82: {  	_ =	shalt  }
0x83: {  	_ =	shalt  }
0x84: {  	_ =	shalt  }
0x85: {  	_ =	shalt  }
0x86: {  	_ =	shalt  }
0x87: {  	_ =	shalt  }
.Lfunc_end0:
.L_simem_size_0:
called_computation.4_lowered:
.L_overlay_start_0:
0x88: {  	s2 =	sld [smem:$0x3FD9]  }
0x89: {  	s3 =	sld [smem:$0x3FFE];
	_ =	sdelay $0x1  }
0x8a: {  	s1 =	srdreg.scid  }
0x8b: {  	s0 =	sand.u32 $0x1, s1  }
0x8c: {  	s16 =	sshll.u32 s0, $0xA;
	s2 =	sadd.s32 s3, s2  }
0x8d: {  	s2 =	sadd.s32 s2, s16  }
0x8e: {  	[smem:$0x3FB7] =	sst s2  }
0x8f: {  	_ = 	snop  }
0x90: {  	(tm) =	ssettm $0x1  }
0x91: {  	s17 =	sld [smem:$0x3FFB];
	_ =	sdelay $0x3  }
0x92: {  	_ =	strace s17  }
0x93: {  	s2 =	sld [smem:$0x3FFC];
	_ =	sdelay $0x3  }
0x94: {  	_ =	strace s2  }
0x95: {  	s2 =	sld [smem:$0x3FFD];
	_ =	sdelay $0x3  }
0x96: {  	_ =	strace s2  }
0x97: {  	_ =	strace $0x8FFFFFFF  }
0x98: {  	s18 =	sld [smem:$0x3FDB];
	_ =	sdelay $0x1  }
0x99: {  	s19 =	simm.s32 $_scs_section_size  }
0x9a: {  	s4 =	simm.s32 $_size__tile_overlayer_lowered;
	s5 =	simm.s32 $_tile_overlayer_lowered  }
0x9b: {  	s22 =	simm.s32 $0x1BFF;
	s21 =	sshll.u32 s5, $0x1;
	s2 =	sadd.s32 s19, s18  }
0x9c: {  	s6 =	simm.s32 $0x0;
	s20 =	sshll.u32 s4, $0x1;
	s4 =	sadd.s32 s21, s2  }
0x9d: {  	[timem:s6], [sflag:s22] =	dma.local [hbm:s4], s20  }
0x9e: {  	_ =	swait.ge [sflag:s22], s20  }
0x9f: {  	s3 =	ssub.s32 $0x0, s20;
	[sflag:s22] =	ssyncset.done $0x0  }
0xa0: {  	[sflag:s22] =	ssyncadd.s32 s3;
	_ =	sdelay $0x1  }
0xa1: {  	s23 =	simm.s32 $0x1B8B  }
0xa2: {  	_ =	swait.ge [sflag:s23], $0x1  }
0xa3: {  	[sflag:s23] =	ssyncset.done $0x0  }
0xa4: {  	s25 =	simm.s32 $0x1B8E;
	s24 =	sld [smem:$0x3FFE];
	[sflag:s23] =	ssyncadd.s32 $0xFFFFFFFF  }
0xa5: {  	s26 =	simm.s32 $execute0_lowered;
	[smem:$0x3FD2] =	sst s25  }
0xa6: {  	s4 =	sshll.u32 s26, $0x1;
	_ =	strace $0x80000052;
	[dreg:$0x1] =	wrdreg $0xFFFFFFFF  }
0xa7: {  	s28 =	simm.s32 $_size_execute0_lowered;
	s2 =	sadd.s32 s2, s4;
	[dreg:$0x0] =	wrdreg $0x0  }
0xa8: {  	s4 =	sshll.u32 s28, $0x1;
	[dreg:$0x2] =	wrdreg s2  }
0xa9: {  	[dreg:$0x3] =	wrdreg s4  }
0xaa: {  	[dreg:$0x4] =	wrdreg $0xC0  }
0xab: {  	_ =	task [dreg:s6], $0x5FFFF  }
0xac: {  	[dreg:$0x1] =	wrdreg $0xFFFFFFFF  }
0xad: {  	[dreg:$0x0] =	wrdreg $0x60  }
0xae: {  	[dreg:$0x2] =	wrdreg s24  }
0xaf: {  	[dreg:$0x3] =	wrdreg $0x9  }
0xb0: {  	_ =	task.clear_ibuf [dreg:s6], $0x4FFFF;
	_ =	strace $0x90000052  }
0xb1: {  	s29 =	simm.s32 $0x9;
	_ =	strace $0x80000054  }
0xb2: {  	_ =	swait.ge [sflag:s29], $0x1  }
0xb3: {  	[sflag:s29] =	ssyncadd.s32 $0xFFFFFFFF  }
0xb4: {  	_ =	strace $0x90000054  }
0xb5: {  	_ =	sfence  }
0xb6: {  	s30 =	sld [smem:$0x0];
	_ =	sdelay $0x2  }
0xb7: {  	s31 =	sshll.u32 s1, $0xD;
	s1 =	sshrl.u32 s1, $0x2  }
0xb8: {  	s3 =	sand.u32 $0x4000, s31;
	s1 =	sadd.s32 s1, s30  }
0xb9: {  	s0 =	sor.u32 s3, s0;
	s1 =	sshll.u32 s1, $0x11  }
0xba: {  	s0 =	sor.u32 s1, s0  }
0xbb: {  	s0 =	sadd.s32 $0x8F2B, s0  }
0xbc: {  	[sflag:s0] =	ssyncadd.remote.s32 $0x1  }
0xbd: {  	_ =	sfence.sel $0xFFFF  }
0xbe: {  	[dreg:$0x0] =	wrdreg $0xFFFFFFFF;
	(pc) =	sbr.abs _section_cstart, $3  }
0xbf: {  	[dreg:$0x1] =	wrdreg $0xFFFFFFFF  }
0xc0: {  	_ =	task.clear_ibuf [dreg:s6], $0x2FFFF;
	_ =	strace $0x9FFFFFFF  }
0xc1: {  	(tm) =	ssettm $0x7FFFFFFF  }
tec
execute0_lowered:
.L_overlay_start_1:
0x0: {  	(tag) =	ssettag $0x1  }
0x1: {  	s3 =	rddreg [dreg:$0x0];
	s1 =	srdreg.scid  }
0x2: {  	s0 =	rddreg [dreg:$0x1];
	s2 =	simm.s32 $0x0;
	s11 =	simm.s32 $0x80  }
0x3: {  	s12 =	simm.s32 $0x400;
	s13 =	simm.s32 $0xA180;
	s4 =	sand.u32 $0x1, s1  }
0x4: {  	s14 =	simm.s32 $0xC200;
	s1 =	stileid.u32;
	s5 =	sshll.u32 s4, $0x4  }
0x5: {  	s15 =	simm.s32 $0xE280;
	[smem:$0x7FF] =	sst s2;
	s5 =	sor.u32 s1, s5  }
0x6: {  	_ =	strace $0x80000053;
	s8 =	sshll.u32 s1, $0x7;
	s6 =	smul.u32 $0x1400, s5  }
0x7: {  	s4 =	ssub.s32 $0x2, s4;
	s7 =	smul.u32 $0x28, s5;
	s5 =	sshrl.u32 s5, $0x3  }
0x8: {  	s8 =	sand.u32 $0x380, s8;
	s9 =	sshll.u32 s5, $0x10;
	s5 =	sshll.u32 s5, $0xD  }
0x9: {  	s31 =	sshrl.u32 s4, $0x1;
	s9 =	sor.u32 s8, s9;
	s5 =	sor.u32 s8, s5  }
0xa: {  	s6 =	sadd.s32 s6, s3;
	s9 =	sshrl.u32 s9, $0x3;
	s5 =	sshrl.u32 s5, $0x3  }
0xb: {  	s7 =	sadd.s32 s7, s3;
	s30 =	sadd.s32 s9, s3;
	s10 =	sadd.s32 s5, s3  }
0xc: {  	s9 =	ssub.s32 s4, s31;
	s3 =	sadd.s32 $0x1C800, s6;
	s4 =	sadd.s32 $0x1C200, s7  }
0xd: {  	s5 =	sadd.s32 $0x6A00, s30;
	s6 =	sadd.s32 $0xEA00, s30;
	s7 =	sadd.s32 $0x5A00, s10  }
0xe: {  	v0 =	vimm.f32 $-Inf;
	v1 =	vimm.f32 $0.0e+00;
	s8 =	smax.u32 s9, $0x1;
	s9 =	simm.s32 $0x1;
	s10 =	simm.s32 $0xA000  }
.LBB2_1:
0xf: {  	s16 =	simm.s32 $0x0  }
.LBB2_2:
0x10: {  	p0 =	sne.s32 s16, $0x81C0  }
.Ltmp0:
0x11: {  	_ = 	snop;
	(pc) =	sbr.rel @p0 .LBB2_2-.Ltmp0, $4  }
0x12: {  	_ = 	snop  }
0x13: {  	s17 =	sshra.s32 s16, $0x2  }
0x14: {  	[tilespmem:s17+$0xA180] =	vst v0  }
0x15: {  	s16 =	sadd.s32 $0x40, s16;
	[tilespmem:s17+$0xC200] =	vst v1  }
0x16: {  	s16 =	simm.s32 $0x40;
	s17 =	simm.s32 $0x0  }
.LBB2_4:
0x17: {  	p0 =	sne.s32 s16, $0x1000;
	[tilespmem:s17+$0xE280] =	vst v1;
	s17 =	smov.u32 s16;
	s16 =	sadd.s32 $0x40, s16  }
.Ltmp1:
0x18: {  	(pc) =	sbr.rel @p0 .LBB2_4-.Ltmp1, $2  }
0x19: {  	_ =	sdelay $0x2  }
0x1a: {  	s17 =	sshra.s32 s17, $0x2  }
0x1b: {  	[tilespmem:s17+$0xE280] =	vst v1;
	s16 =	simm.s32 $0x0  }
0x1c: {  	[tilespmem:s16], [sflag:$0x1] =	stream.linear.gather [hbm4b:s3+s16], $0xA000, $0x38;
	[tilespmem:$0xE700] =	vst v63  }
0x1d: {  	_ =	swait.ge [sflag:s9], $0xA000  }
0x1e: {  	[sflag:s9] =	ssyncset.done $0x0  }
0x1f: {  	[sflag:s9] =	ssyncadd.s32 $0xFFFF6000  }
0x20: {  	[tilespmem:s10], [sflag:$0x1] =	stream.linear.gather [hbm4b:s4+s16], $0x140, $0x38;
	[tilespmem:$0xE700] =	vst v63  }
0x21: {  	_ =	swait.ge [sflag:s9], $0x140  }
0x22: {  	[sflag:s9] =	ssyncset.done $0x0  }
0x23: {  	s30 =	simm.s32 $0x0;
	[sflag:s9] =	ssyncadd.s32 $0xFFFFFEC0  }
0x24: {  	v2 =	vld [tilespmem:s30+$0xA000];
	_ =	sdelay $0x4  }
0x25: {  	(v2sf) =	vpush v2, $0x0;
	_ =	sdelay $0xe  }
0x26: {  	s16 =	simm.s32 $0x40;
	s31 =	spop (v2sf)  }
0x27: {  	v2 =	vld [tilespmem:s16+$0xFFFFFFC0];
	s18 =	sshll.u32 s31, $0x7  }
0x28: {  	v3 =	vld [tilespmem:s18+$0xC200]  }
0x29: {  	v4 =	vld [tilespmem:s18+$0xA180];
	_ =	sdelay $0x4  }
0x2a: {  	v3 =	vadd.f32 v3, v2;
	v2 =	vmax.f32 v4, v2  }
0x2b: {  	[tilespmem:s18+$0xA180] =	vst v2;
	v2 =	vld [tilespmem:s18+$0xC210]  }
0x2c: {  	[tilespmem:s18+$0xC200] =	vst v3;
	v3 =	vld [tilespmem:s18+$0xA190]  }
0x2d: {  	v57 =	vld [tilespmem:s16+$0xFFFFFFD0];
	_ =	sdelay $0x4  }
0x2e: {  	v3 =	vmax.f32 v3, v57;
	v2 =	vadd.f32 v2, v57  }
0x2f: {  	[tilespmem:s18+$0xA190] =	vst v3;
	v3 =	vld [tilespmem:s18+$0xA1A0]  }
0x30: {  	[tilespmem:s18+$0xC210] =	vst v2;
	v2 =	vld [tilespmem:s18+$0xC220]  }
0x31: {  	v58 =	vld [tilespmem:s16+$0xFFFFFFE0];
	_ =	sdelay $0x4  }
0x32: {  	v3 =	vmax.f32 v3, v58;
	v2 =	vadd.f32 v2, v58  }
0x33: {  	[tilespmem:s18+$0xA1A0] =	vst v3;
	v3 =	vld [tilespmem:s18+$0xA1B0]  }
0x34: {  	[tilespmem:s18+$0xC220] =	vst v2;
	v2 =	vld [tilespmem:s18+$0xC230]  }
0x35: {  	v59 =	vld [tilespmem:s16+$0xFFFFFFF0];
	_ =	sdelay $0x4  }
0x36: {  	v3 =	vmax.f32 v3, v59;
	v2 =	vadd.f32 v2, v59  }
0x37: {  	[tilespmem:s18+$0xA1B0] =	vst v3;
	v3 =	vld [tilespmem:s18+$0xA1C0]  }
0x38: {  	[tilespmem:s18+$0xC230] =	vst v2;
	v2 =	vld [tilespmem:s18+$0xC240]  }
0x39: {  	v60 =	vld [tilespmem:s16+$0x0];
	_ =	sdelay $0x4  }
0x3a: {  	v3 =	vmax.f32 v3, v60;
	v2 =	vadd.f32 v2, v60  }
0x3b: {  	[tilespmem:s18+$0xA1C0] =	vst v3;
	v3 =	vld [tilespmem:s18+$0xA1D0]  }
0x3c: {  	[tilespmem:s18+$0xC240] =	vst v2;
	v2 =	vld [tilespmem:s18+$0xC250]  }
0x3d: {  	v61 =	vld [tilespmem:s16+$0x10];
	_ =	sdelay $0x4  }
0x3e: {  	v3 =	vmax.f32 v3, v61;
	v2 =	vadd.f32 v2, v61  }
0x3f: {  	[tilespmem:s18+$0xA1D0] =	vst v3;
	v3 =	vld [tilespmem:s18+$0xA1E0]  }
0x40: {  	[tilespmem:s18+$0xC250] =	vst v2;
	v2 =	vld [tilespmem:s18+$0xC260]  }
0x41: {  	v62 =	vld [tilespmem:s16+$0x20];
	_ =	sdelay $0x4  }
0x42: {  	v3 =	vmax.f32 v3, v62;
	v2 =	vadd.f32 v2, v62  }
0x43: {  	[tilespmem:s18+$0xA1E0] =	vst v3;
	v3 =	vld [tilespmem:s18+$0xA1F0]  }
0x44: {  	[tilespmem:s18+$0xC260] =	vst v2;
	v2 =	vld [tilespmem:s18+$0xC270]  }
0x45: {  	v63 =	vld [tilespmem:s16+$0x30];
	_ =	sdelay $0x4  }
0x46: {  	v3 =	vmax.f32 v3, v63;
	v2 =	vadd.f32 v2, v63  }
0x47: {  	s17 =	sshll.u32 s31, $0x6;
	[tilespmem:s18+$0xA1F0] =	vst v3  }
0x48: {  	s19 =	sshra.s32 s17, $0x2;
	[tilespmem:s18+$0xC270] =	vst v2  }
0x49: {  	v2 =	vld [tilespmem:s19+$0xE280];
	_ =	sdelay $0x4  }
0x4a: {  	s17 =	simm.s32 $0x4;
	v2 =	vadd.f32 $1.000000000e+00, v2  }
.LBB2_6:
0x4b: {  	p0 =	sne.s32 s17, $0x4FC  }
0x4c: {  	s16 =	sadd.s32 $0x80, s16;
	s18 =	smov.u32 s17;
	s17 =	sadd.s32 $0x4, s17  }
0x4d: {  	s18 =	sshra.s32 s18, $0x2;
	[tilespmem:s19+$0xE280] =	vst v2  }
0x4e: {  	v2 =	vld [tilespmem:s18+$0xA000];
	_ =	sdelay $0x4  }
0x4f: {  	(v2sf) =	vpush v2, $0x0;
	_ =	sdelay $0xe  }
0x50: {  	s19 =	spop (v2sf)  }
0x51: {  	v2 =	vld [tilespmem:s16+$0xFFFFFFC0];
	s18 =	sshll.u32 s19, $0x7;
	s19 =	sshll.u32 s19, $0x6  }
0x52: {  	v3 =	vld [tilespmem:s18+$0xC200]  }
0x53: {  	v4 =	vld [tilespmem:s18+$0xA180];
	_ =	sdelay $0x3  }
0x54: {  	v3 =	vadd.f32 v3, v2  }
0x55: {  	v2 =	vmax.f32 v4, v2  }
0x56: {  	[tilespmem:s18+$0xC200] =	vst v3;
	v3 =	vld [tilespmem:s18+$0xA190]  }
0x57: {  	[tilespmem:s18+$0xA180] =	vst v2;
	v2 =	vld [tilespmem:s18+$0xC210]  }
0x58: {  	v4 =	vld [tilespmem:s16+$0xFFFFFFD0];
	_ =	sdelay $0x4  }
0x59: {  	v3 =	vmax.f32 v3, v4;
	v2 =	vadd.f32 v2, v4  }
0x5a: {  	[tilespmem:s18+$0xA190] =	vst v3;
	v3 =	vld [tilespmem:s18+$0xA1A0]  }
0x5b: {  	[tilespmem:s18+$0xC210] =	vst v2;
	v2 =	vld [tilespmem:s18+$0xC220]  }
0x5c: {  	v4 =	vld [tilespmem:s16+$0xFFFFFFE0];
	_ =	sdelay $0x4  }
0x5d: {  	v3 =	vmax.f32 v3, v4;
	v2 =	vadd.f32 v2, v4  }
0x5e: {  	[tilespmem:s18+$0xA1A0] =	vst v3;
	v3 =	vld [tilespmem:s18+$0xA1B0]  }
0x5f: {  	[tilespmem:s18+$0xC220] =	vst v2;
	v2 =	vld [tilespmem:s18+$0xC230]  }
0x60: {  	v4 =	vld [tilespmem:s16+$0xFFFFFFF0];
	_ =	sdelay $0x4  }
0x61: {  	v3 =	vmax.f32 v3, v4;
	v2 =	vadd.f32 v2, v4  }
0x62: {  	[tilespmem:s18+$0xA1B0] =	vst v3;
	v3 =	vld [tilespmem:s18+$0xA1C0]  }
0x63: {  	[tilespmem:s18+$0xC230] =	vst v2;
	v2 =	vld [tilespmem:s18+$0xC240]  }
0x64: {  	v4 =	vld [tilespmem:s16+$0x0];
	_ =	sdelay $0x4  }
0x65: {  	v3 =	vmax.f32 v3, v4;
	v2 =	vadd.f32 v2, v4  }
0x66: {  	[tilespmem:s18+$0xA1C0] =	vst v3;
	v3 =	vld [tilespmem:s18+$0xA1D0]  }
0x67: {  	[tilespmem:s18+$0xC240] =	vst v2;
	v2 =	vld [tilespmem:s18+$0xC250]  }
0x68: {  	v4 =	vld [tilespmem:s16+$0x10];
	_ =	sdelay $0x4  }
0x69: {  	v3 =	vmax.f32 v3, v4;
	v2 =	vadd.f32 v2, v4  }
0x6a: {  	[tilespmem:s18+$0xA1D0] =	vst v3;
	v3 =	vld [tilespmem:s18+$0xA1E0]  }
0x6b: {  	[tilespmem:s18+$0xC250] =	vst v2;
	v2 =	vld [tilespmem:s18+$0xC260]  }
0x6c: {  	v4 =	vld [tilespmem:s16+$0x20];
	_ =	sdelay $0x4  }
0x6d: {  	v3 =	vmax.f32 v3, v4;
	v2 =	vadd.f32 v2, v4  }
0x6e: {  	[tilespmem:s18+$0xA1E0] =	vst v3;
	v3 =	vld [tilespmem:s18+$0xA1F0]  }
0x6f: {  	[tilespmem:s18+$0xC260] =	vst v2;
	v2 =	vld [tilespmem:s18+$0xC270]  }
0x70: {  	v4 =	vld [tilespmem:s16+$0x30];
	_ =	sdelay $0x4  }
0x71: {  	v3 =	vmax.f32 v3, v4;
	v2 =	vadd.f32 v2, v4  }
0x72: {  	s19 =	sshra.s32 s19, $0x2;
	[tilespmem:s18+$0xA1F0] =	vst v3  }
0x73: {  	[tilespmem:s18+$0xC270] =	vst v2  }
0x74: {  	v2 =	vld [tilespmem:s19+$0xE280]  }
.Ltmp2:
0x75: {  	(pc) =	sbr.rel @p0 .LBB2_6-.Ltmp2, $2  }
0x76: {  	_ =	sdelay $0x2  }
0x77: {  	v2 =	vadd.f32 $1.000000000e+00, v2  }
0x78: {  	_ = 	snop  }
0x79: {  	[tilespmem:s19+$0xE280] =	vst v2  }
0x7a: {  	[bflag:$0x0] =	sbarrier.arrive $0xFFFF  }
0x7b: {  	[hbm4b:s5+s11] =	stream.strided.scatter [tilespmem:s13], [sflag:$0x1], $0x2000, s12, s11, $0x38;
	[tilespmem:$0xE700] =	vst v63  }
0x7c: {  	_ =	swait.ge [sflag:s9], $0x2000  }
0x7d: {  	[sflag:s9] =	ssyncset.done $0x0  }
0x7e: {  	[sflag:s9] =	ssyncadd.s32 $0xFFFFE000  }
0x7f: {  	[hbm4b:s6+s11] =	stream.strided.scatter [tilespmem:s14], [sflag:$0x1], $0x2000, s12, s11, $0x38;
	[tilespmem:$0xE700] =	vst v63  }
0x80: {  	s2 =	sadd.s32 $0x1, s2;
	_ =	swait.ge [sflag:s9], $0x2000  }
0x81: {  	p0 =	sne.s32 s2, s8;
	[sflag:s9] =	ssyncset.done $0x0  }
.Ltmp3:
0x82: {  	[sflag:s9] =	ssyncadd.s32 $0xFFFFE000;
	(pc) =	sbr.rel @p0 .LBB2_1-.Ltmp3, $4  }
0x83: {  	[hbm4b:s7+s11] =	stream.strided.scatter [tilespmem:s15], [sflag:$0x1], $0x400, s12, s11, $0x38;
	[tilespmem:$0xE700] =	vst v63  }
0x84: {  	_ =	swait.ge [sflag:s9], $0x400  }
0x85: {  	[sflag:s9] =	ssyncset.done $0x0  }
0x86: {  	[sflag:s9] =	ssyncadd.s32 $0xFFFFFC00  }
0x87: {  	_ =	sfence.sel $0x180000  }
0x88: {  	[bflag:$0x0] =	sbarrier.arrive $0xFFFF  }
0x89: {  	p0 =	sne.s32 s1, $0x0;
	_ =	strace $0x90000053  }
0x8a: {  	s0 =	sadd.s32 @!p0 $0x100000, s0;
	[bflag:$0x2] =	sbarrier.arrive $0xFFFF  }
0x8b: {  	[sflag:s0] =	ssyncadd.tile.s32 @!p0 $0x1;
	_ =	shalt  }
.Lfunc_end2:
_tile_overlayer_lowered:
.L_overlay_start_2:
0x8c: {  	(tag) =	ssettag $0x2  }
0x8d: {  	s0 =	rddreg [dreg:$0x0];
	s2 =	stileid.u32  }
0x8e: {  	s1 =	rddreg [dreg:$0x1];
	p0 =	sne.s32 s2, $0x0  }
0x8f: {  	s3 =	rddreg [dreg:$0x2];
	[bflag:$0x3] =	sbarrier.arrive $0xFFFF;
	s2 =	simm.s32 @!p0 $0x1C01  }
0x90: {  	[timem:s3], [sflag:s2] =	dma.local @!p0 [hbm:s0], s1  }
0x91: {  	s0 =	simm.s32 @!p0 $0x1  }
0x92: {  	_ =	swait.ge @!p0 [sflag:s0], s1  }
0x93: {  	s1 =	ssub.s32 @!p0 $0x0, s1;
	[sflag:s0] =	ssyncset.done @!p0 $0x0  }
0x94: {  	[sflag:s0] =	ssyncadd.s32 @!p0 s1  }
0x95: {  	[bflag:$0x3] =	sbarrier.arrive $0xFFFF  }
0x96: {  	_ =	shalt  }

</sc_bundles>
